<compile_context>
chip_gen: v7x
topology: tpu7x:2x2x1
jax: 0.10.2.dev20260603
libtpu: 0.0.44.dev20260713+nightly
codegen_flags: <defaults>
</compile_context>

<pallas_src>
import functools

import jax
import jax.numpy as jnp
from jax import lax
from jax.experimental import pallas as pl
from jax.experimental.pallas import tpu as pltpu
from jax.experimental.pallas import tpu_sc as plsc

N = 10000
D = 256
H = 256
C = 64
NP = 10240
NC = 2
NS = 16
NW = NC * NS
L = 16
CH = 64
ESL = 170000
P = ((ESL + NW * CH - 1) // (NW * CH)) * CH
NCH = P // CH
EP = P * NW
TROWS = NP // NS
SROWS = NP // CH
P2 = EP // NS
NCH2 = P2 // CH
BR = 512
GRID = NP // BR

_P32 = jax.lax.Precision.HIGHEST



def _tc_gat_prep(x_p, W, a_s, a_d):
    def body(x_ref, w_ref, as_ref, ad_ref, hsp_ref, hs_ref, hd_ref):
        h = jnp.dot(x_ref[...], w_ref[...], preferred_element_type=jnp.float32,
                    precision=_P32)
        hsp_ref[0] = h[:, :128]
        hsp_ref[1] = h[:, 128:]
        hs_ref[...] = jnp.sum(h * as_ref[...], axis=1, keepdims=True)
        hd_ref[...] = jnp.sum(h * ad_ref[...], axis=1, keepdims=True)

    return pl.pallas_call(
        body,
        grid=(GRID,),
        in_specs=[
            pl.BlockSpec((BR, D), lambda i: (i, 0)),
            pl.BlockSpec((D, H), lambda i: (0, 0)),
            pl.BlockSpec((1, H), lambda i: (0, 0)),
            pl.BlockSpec((1, H), lambda i: (0, 0)),
        ],
        out_specs=[
            pl.BlockSpec((2, BR, 128), lambda i: (0, i, 0)),
            pl.BlockSpec((BR, 1), lambda i: (i, 0)),
            pl.BlockSpec((BR, 1), lambda i: (i, 0)),
        ],
        out_shape=[
            jax.ShapeDtypeStruct((2, NP, 128), jnp.float32),
            jax.ShapeDtypeStruct((NP, 1), jnp.float32),
            jax.ShapeDtypeStruct((NP, 1), jnp.float32),
        ],
    )(x_p, W, a_s, a_d)


def _tc_gcn_prep(agg1, s1, deg, Wg, b1):
    def body(agg_ref, s_ref, deg_ref, wg_ref, b1_ref, hgs_ref, dinv_ref):
        s = s_ref[...] + 1e-16
        h1 = jnp.concatenate([agg_ref[0], agg_ref[1]], axis=1) / s + b1_ref[...]
        dinv = lax.rsqrt(jnp.maximum(deg_ref[...], 1.0))
        hg = jnp.dot(h1, wg_ref[...], preferred_element_type=jnp.float32,
                     precision=_P32) * dinv
        hgs_ref[0] = hg[:, :128]
        hgs_ref[1] = hg[:, 128:]
        dinv_ref[...] = dinv

    return pl.pallas_call(
        body,
        grid=(GRID,),
        in_specs=[
            pl.BlockSpec((2, BR, 128), lambda i: (0, i, 0)),
            pl.BlockSpec((BR, 1), lambda i: (i, 0)),
            pl.BlockSpec((BR, 1), lambda i: (i, 0)),
            pl.BlockSpec((H, H), lambda i: (0, 0)),
            pl.BlockSpec((1, H), lambda i: (0, 0)),
        ],
        out_specs=[
            pl.BlockSpec((2, BR, 128), lambda i: (0, i, 0)),
            pl.BlockSpec((BR, 1), lambda i: (i, 0)),
        ],
        out_shape=[
            jax.ShapeDtypeStruct((2, NP, 128), jnp.float32),
            jax.ShapeDtypeStruct((NP, 1), jnp.float32),
        ],
    )(agg1, s1, deg, Wg, b1)


def _tc_gat2_prep(agg2, dinv, bg, W2, a_s, a_d):
    def body(agg_ref, dinv_ref, bg_ref, w2_ref, as_ref, ad_ref,
             hsp_ref, hs_ref, hd_ref):
        h2 = (jnp.concatenate([agg_ref[0], agg_ref[1]], axis=1) * dinv_ref[...]
              + bg_ref[...])
        h3 = jnp.dot(h2, w2_ref[...], preferred_element_type=jnp.float32,
                     precision=_P32)
        hsp_ref[0] = h3[:, :128]
        hsp_ref[1] = h3[:, 128:]
        hs_ref[...] = jnp.sum(h3 * as_ref[...], axis=1, keepdims=True)
        hd_ref[...] = jnp.sum(h3 * ad_ref[...], axis=1, keepdims=True)

    return pl.pallas_call(
        body,
        grid=(GRID,),
        in_specs=[
            pl.BlockSpec((2, BR, 128), lambda i: (0, i, 0)),
            pl.BlockSpec((BR, 1), lambda i: (i, 0)),
            pl.BlockSpec((1, H), lambda i: (0, 0)),
            pl.BlockSpec((H, H), lambda i: (0, 0)),
            pl.BlockSpec((1, H), lambda i: (0, 0)),
            pl.BlockSpec((1, H), lambda i: (0, 0)),
        ],
        out_specs=[
            pl.BlockSpec((2, BR, 128), lambda i: (0, i, 0)),
            pl.BlockSpec((BR, 1), lambda i: (i, 0)),
            pl.BlockSpec((BR, 1), lambda i: (i, 0)),
        ],
        out_shape=[
            jax.ShapeDtypeStruct((2, NP, 128), jnp.float32),
            jax.ShapeDtypeStruct((NP, 1), jnp.float32),
            jax.ShapeDtypeStruct((NP, 1), jnp.float32),
        ],
    )(agg2, dinv, bg, W2, a_s, a_d)


def _tc_final(agg3, s2, b2, Wl, bl):
    def body(agg_ref, s_ref, b2_ref, wl_ref, bl_ref, out_ref):
        s = s_ref[...] + 1e-16
        h4 = jnp.concatenate([agg_ref[0], agg_ref[1]], axis=1) / s + b2_ref[...]
        h4 = jnp.maximum(h4, 0.0)
        out_ref[...] = jnp.dot(h4, wl_ref[...], preferred_element_type=jnp.float32,
                               precision=_P32) + bl_ref[...]

    return pl.pallas_call(
        body,
        grid=(GRID,),
        in_specs=[
            pl.BlockSpec((2, BR, 128), lambda i: (0, i, 0)),
            pl.BlockSpec((BR, 1), lambda i: (i, 0)),
            pl.BlockSpec((1, H), lambda i: (0, 0)),
            pl.BlockSpec((H, C), lambda i: (0, 0)),
            pl.BlockSpec((1, C), lambda i: (0, 0)),
        ],
        out_specs=pl.BlockSpec((BR, C), lambda i: (i, 0)),
        out_shape=jax.ShapeDtypeStruct((NP, C), jnp.float32),
    )(agg3, s2, b2, Wl, bl)



_MESH = plsc.VectorSubcoreMesh(core_axis_name="c", subcore_axis_name="s")
_SC_PARAMS = pltpu.CompilerParams(needs_layout_passes=False)


@functools.partial(
    pl.kernel,
    mesh=_MESH,
    compiler_params=_SC_PARAMS,
    out_type=(
        jax.ShapeDtypeStruct((EP,), jnp.float32),
        jax.ShapeDtypeStruct((NC, SROWS, 128), jnp.float32),
    ),
    scratch_types=[
        pltpu.VMEM((NP,), jnp.float32),
        pltpu.VMEM((NP,), jnp.float32),
        pltpu.VMEM((P,), jnp.int32),
        pltpu.VMEM((P,), jnp.int32),
        pltpu.VMEM((P,), jnp.float32),
        pltpu.VMEM((CH, 128), jnp.float32),
        pltpu.VMEM((1, CH), jnp.int32),
        pltpu.VMEM_SHARED((SROWS, 128), jnp.float32),
        pltpu.SemaphoreType.DMA,
    ],
)
def _sc_edge_w(hs, hd, src1d, dst1d, w_out, sd_out,
               hs_v, hd_v, src_v, dst_v, w_v, onehot, idxq, sacc, sem):
    c = lax.axis_index("c")
    s = lax.axis_index("s")
    wid = s * NC + c

    pltpu.sync_copy(hs, hs_v)
    pltpu.sync_copy(hd, hd_v)
    pltpu.sync_copy(src1d.at[pl.ds(wid * P, P)], src_v)
    pltpu.sync_copy(dst1d.at[pl.ds(wid * P, P)], dst_v)

    zeros = jnp.zeros((L,), jnp.float32)
    ones = jnp.ones((L,), jnp.float32)
    lane = lax.iota(jnp.int32, L)

    def zero_rows(e, _):
        for g in range(128 // L):
            onehot[e, pl.ds(g * L, L)] = zeros
        return 0
    lax.fori_loop(0, CH, zero_rows, 0)

    @pl.when(s < SROWS // L)
    def _():
        pltpu.sync_copy(onehot.at[pl.ds(0, L)], sacc.at[pl.ds(s * L, L)])
    plsc.subcore_barrier()

    def chunk(j, _):
        for k in range(CH // L):
            s16 = src_v[pl.ds(j * CH + k * L, L)]
            d16 = dst_v[pl.ds(j * CH + k * L, L)]
            e = plsc.load_gather(hs_v, [s16]) + plsc.load_gather(hd_v, [d16])
            e = jnp.where(e < 0.0, e * 0.2, e)
            w16 = jnp.exp(e)
            w_v[pl.ds(j * CH + k * L, L)] = w16
            r16 = jnp.full((L,), k * L, jnp.int32) + lane
            cm = (d16 & 63) * 2
            plsc.store_scatter(onehot, [r16, cm], w16)
            plsc.store_scatter(onehot, [r16, cm + 1], ones)
            idxq[0, pl.ds(k * L, L)] = lax.shift_right_logical(d16, 6)
        pltpu.sync_copy(onehot, sacc.at[idxq.at[0]], add=True)
        for k in range(CH // L):
            d16 = dst_v[pl.ds(j * CH + k * L, L)]
            r16 = jnp.full((L,), k * L, jnp.int32) + lane
            cm = (d16 & 63) * 2
            plsc.store_scatter(onehot, [r16, cm], zeros)
            plsc.store_scatter(onehot, [r16, cm + 1], zeros)
        return 0
    lax.fori_loop(0, NCH, chunk, 0)

    pltpu.sync_copy(w_v, w_out.at[pl.ds(wid * P, P)])
    plsc.subcore_barrier()

    @pl.when(s < SROWS // L)
    def _():
        pltpu.sync_copy(sacc.at[pl.ds(s * L, L)],
                        sd_out.at[c].at[pl.ds(s * L, L)])


@functools.partial(
    pl.kernel,
    mesh=_MESH,
    compiler_params=_SC_PARAMS,
    out_type=jax.ShapeDtypeStruct((2, NP, 128), jnp.float32),
    scratch_types=[
        pltpu.VMEM((1, CH), jnp.int32),
        pltpu.VMEM((1, CH), jnp.int32),
        pltpu.VMEM((1, CH), jnp.float32),
        pltpu.VMEM((CH, 128), jnp.float32),
        pltpu.VMEM_SHARED((NP, 128), jnp.float32),
        pltpu.SemaphoreType.DMA,
    ],
)
def _sc_row_agg(table, w, srcg, dstg, agg, idxg, idxs, wq, rows_v, acc, sem):
    c = lax.axis_index("c")
    s = lax.axis_index("s")

    zeros = jnp.zeros((L,), jnp.float32)

    def zero_rows(e, _):
        for g in range(128 // L):
            rows_v[e, pl.ds(g * L, L)] = zeros
        return 0
    lax.fori_loop(0, CH, zero_rows, 0)

    def zero_acc(k, _):
        pltpu.sync_copy(rows_v, acc.at[pl.ds(s * TROWS + k * CH, CH)])
        return 0
    lax.fori_loop(0, TROWS // CH, zero_acc, 0)
    plsc.subcore_barrier()

    off = jnp.full((L,), c * NP, jnp.int32)

    def chunk(j, _):
        pltpu.sync_copy(srcg.at[s].at[pl.ds(j, 1)], idxg)
        pltpu.sync_copy(dstg.at[s].at[pl.ds(j, 1)], idxs)
        pltpu.sync_copy(w.at[s].at[pl.ds(j, 1)], wq)
        for k in range(CH // L):
            idxg[0, pl.ds(k * L, L)] = idxg[0, pl.ds(k * L, L)] + off
        pltpu.async_copy(table.at[idxg.at[0]], rows_v, sem).wait()

        def scale(e, _):
            w16 = plsc.load_gather(wq, [jnp.zeros((L,), jnp.int32),
                                        jnp.full((L,), e, jnp.int32)])
            for g in range(128 // L):
                rows_v[e, pl.ds(g * L, L)] = rows_v[e, pl.ds(g * L, L)] * w16
            return 0
        lax.fori_loop(0, CH, scale, 0)

        pltpu.sync_copy(rows_v, acc.at[idxs.at[0]], add=True)
        return 0
    lax.fori_loop(0, NCH2, chunk, 0)
    plsc.subcore_barrier()

    pltpu.sync_copy(acc.at[pl.ds(s * TROWS, TROWS)],
                    agg.at[c].at[pl.ds(s * TROWS, TROWS)])



def kernel(x, edge_index, W1, a_src1, a_dst1, b1, Wg, bg, W2, a_src2, a_dst2,
           b2, Wl, bl):
    i32 = jnp.int32
    src = jnp.concatenate([edge_index[0].astype(i32), jnp.arange(N, dtype=i32)])
    dst = jnp.concatenate([edge_index[1].astype(i32), jnp.arange(N, dtype=i32)])
    pad = jnp.full((EP - ESL,), N, i32)
    src1d = jnp.concatenate([src, pad])
    dst1d = jnp.concatenate([dst, pad])
    srcr = src1d.reshape(NS, NCH2, CH)
    dstr = dst1d.reshape(NS, NCH2, CH)

    x_p = jnp.concatenate([x, jnp.zeros((NP - N, D), jnp.float32)], axis=0)
    w_ones = jnp.ones((NS, NCH2, CH), jnp.float32)

    a_s1 = a_src1.reshape(1, H)
    a_d1 = a_dst1.reshape(1, H)
    a_s2 = a_src2.reshape(1, H)
    a_d2 = a_dst2.reshape(1, H)
    b1r = b1.reshape(1, H)
    bgr = bg.reshape(1, H)
    b2r = b2.reshape(1, H)
    blr = bl.reshape(1, C)

    def unpack_sd(sd):
        ssum = sd[0] + sd[1]
        s1 = ssum[:, 0::2].reshape(NP, 1)
        deg = ssum[:, 1::2].reshape(NP, 1)
        return s1, deg

    hsp, hs, hd = _tc_gat_prep(x_p, W1, a_s1, a_d1)
    w1, sd1 = _sc_edge_w(hs.reshape(NP), hd.reshape(NP), src1d, dst1d)
    agg1 = _sc_row_agg(hsp.reshape(2 * NP, 128), w1.reshape(NS, NCH2, CH),
                       srcr, dstr)
    s1, deg = unpack_sd(sd1)

    hgsp, dinv = _tc_gcn_prep(agg1, s1, deg, Wg, b1r)
    agg2 = _sc_row_agg(hgsp.reshape(2 * NP, 128), w_ones, srcr, dstr)

    h3sp, hs2, hd2 = _tc_gat2_prep(agg2, dinv, bgr, W2, a_s2, a_d2)
    w2, sd2 = _sc_edge_w(hs2.reshape(NP), hd2.reshape(NP), src1d, dst1d)
    agg3 = _sc_row_agg(h3sp.reshape(2 * NP, 128), w2.reshape(NS, NCH2, CH),
                       srcr, dstr)
    s2, _ = unpack_sd(sd2)

    out = _tc_final(agg3, s2, b2r, Wl, blr)
    return out[:N]

# --- scband reference (transcript-rebuilt; emitter-appended) ---
"""Pipeline reference for scband-fused-gnn-1005022347911 (READ-ONLY COPY).

The authoritative reference and input builder live on the scoring server;
editing this copy changes nothing except your own understanding.
"""

import jax, jax.numpy as jnp
import numpy as np

N = 10000
E = 160000
D = 256
H = 256
C = 64


def setup_inputs(seed: int = 0) -> dict:
    key = jax.random.key(seed)
    ks = jax.random.split(key, 16)
    sc = lambda d: 1.0 / np.sqrt(d)
    inp = {}
    inp['x'] = jax.random.normal(ks[0], (N, D), dtype=jnp.float32)
    inp['edge_index'] = jax.random.randint(ks[1], (2, E), 0, N).astype(jnp.int64)
    # GATConv 1 (input_dim -> hidden_dim)
    inp['W1'] = jax.random.normal(ks[2], (D, H), dtype=jnp.float32) * sc(D)
    inp['a_src1'] = jax.random.normal(ks[3], (H,), dtype=jnp.float32) * sc(H)
    inp['a_dst1'] = jax.random.normal(ks[4], (H,), dtype=jnp.float32) * sc(H)
    inp['b1'] = jnp.zeros((H,), dtype=jnp.float32)
    # GCNConv (hidden -> hidden)
    inp['Wg'] = jax.random.normal(ks[5], (H, H), dtype=jnp.float32) * sc(H)
    inp['bg'] = jnp.zeros((H,), dtype=jnp.float32)
    # GATConv 2 (hidden -> hidden)
    inp['W2'] = jax.random.normal(ks[6], (H, H), dtype=jnp.float32) * sc(H)
    inp['a_src2'] = jax.random.normal(ks[7], (H,), dtype=jnp.float32) * sc(H)
    inp['a_dst2'] = jax.random.normal(ks[8], (H,), dtype=jnp.float32) * sc(H)
    inp['b2'] = jnp.zeros((H,), dtype=jnp.float32)
    # Final linear (hidden -> num_classes)
    inp['Wl'] = jax.random.normal(ks[9], (H, C), dtype=jnp.float32) * sc(H)
    inp['bl'] = jnp.zeros((C,), dtype=jnp.float32)
    return inp


def _add_self_loops(edge_index, n):
    loop = jnp.arange(n, dtype=edge_index.dtype)
    src = jnp.concatenate([edge_index[0], loop])
    dst = jnp.concatenate([edge_index[1], loop])
    return src, dst


def _gat_layer(x, src, dst, W, a_s, a_d, b, n):
    # PyG-style single-head GATConv with self-loops already added.
    h = x @ W
    e = jnp.take(h @ a_s, src) + jnp.take(h @ a_d, dst)
    e = jax.nn.leaky_relu(e, 0.2)
    m = jax.lax.stop_gradient(jax.ops.segment_max(e, dst, num_segments=n))
    ex = jnp.exp(e - jnp.take(m, dst))
    s = jax.ops.segment_sum(ex, dst, num_segments=n)
    alpha = ex / (jnp.take(s, dst) + 1e-16)
    out = jax.ops.segment_sum(jnp.take(h, src, axis=0) * alpha[:, None], dst, num_segments=n)
    return out + b


def _gcn_layer(x, src, dst, W, b, n):
    # GCNConv with symmetric normalization over graph with self-loops.
    ones = jnp.ones(src.shape[0], dtype=x.dtype)
    deg = jax.ops.segment_sum(ones, dst, num_segments=n)
    dinv = 1.0 / jnp.sqrt(jnp.maximum(deg, 1.0))
    norm = jnp.take(dinv, src) * jnp.take(dinv, dst)
    h = x @ W
    out = jax.ops.segment_sum(jnp.take(h, src, axis=0) * norm[:, None], dst, num_segments=n)
    return out + b


def reference(x, edge_index, W1, a_src1, a_dst1, b1, Wg, bg, W2, a_src2, a_dst2, b2, Wl, bl):
    n = x.shape[0]
    src, dst = _add_self_loops(edge_index, n)
    h = _gat_layer(x, src, dst, W1, a_src1, a_dst1, b1, n)
    h = _gcn_layer(h, src, dst, Wg, bg, n)
    h = _gat_layer(h, src, dst, W2, a_src2, a_dst2, b2, n)
    h = jax.nn.relu(h)
    return h @ Wl + bl

if __name__ == "__main__":
    import jax
    _d = setup_inputs()
    print(jax.jit(kernel)(*tuple(_d.values())))

</pallas_src>

<mosaic_0001>
#map = affine_map<(d0, d1) -> (0, 0)>
#map1 = affine_map<(d0, d1) -> (0, 0, 0)>
module attributes {stable_mosaic.version = 14 : i64} {
  func.func @_sc_row_agg(%arg0: i32, %arg1: i32, %arg2: memref<20480x128xf32, #tpu.memory_space<hbm>>, %arg3: memref<16x168x64xf32, #tpu.memory_space<hbm>>, %arg4: memref<16x168x64xi32, #tpu.memory_space<hbm>>, %arg5: memref<16x168x64xi32, #tpu.memory_space<hbm>>, %arg6: memref<2x10240x128xf32, #tpu.memory_space<hbm>>, %arg7: memref<1x64xi32, #tpu.memory_space<vmem>>, %arg8: memref<1x64xi32, #tpu.memory_space<vmem>>, %arg9: memref<1x64xf32, #tpu.memory_space<vmem>>, %arg10: memref<64x128xf32, #tpu.memory_space<vmem>>, %arg11: memref<10240x128xf32, #tpu.memory_space<vmem_shared>>, %arg12: memref<!tpu.dma_semaphore, #tpu.memory_space<semaphore_mem>>) attributes {dimension_semantics = [#tpu.dimension_semantics<core_parallel>, #tpu.dimension_semantics<subcore_parallel>], iteration_bounds = array<i64: 2, 16>, scalar_prefetch = 0 : i64, scratch_operands = 6 : i64, tpu.core_type = #tpu.core_type<sc_vector_subcore>, window_params = [{transform_indices = #map}, {transform_indices = #map1}, {transform_indices = #map1}, {transform_indices = #map1}, {transform_indices = #map1}]} {
    %broadcast_in_dim3A = arith.constant 0.000000e+00 : f32
    %broadcast_in_dim3A_0 = vector.broadcast %broadcast_in_dim3A : f32 to vector<16xf32>
    %scan3A = arith.constant 0 : i32
    %scan3A_1 = arith.constant 0 : i32
    %scan3A_2 = arith.constant 64 : i32
    %scan3A_3 = arith.addi %scan3A_1, %scan3A_2 : i32
    %scan3A_4 = arith.constant 1 : i32
    %scan3A_5 = scf.for %scan3A_28 = %scan3A_1 to %scan3A_3 step %scan3A_4 iter_args(%scan3A_29 = %scan3A) -> (i32)  : i32 {
      %swap3A = arith.index_cast %scan3A_28 : i32 to index
      %swap3A_30 = arith.constant 0 : index
      %swap3A_31 = tpu.vector_load %arg10[%swap3A, %swap3A_30] {strides = array<i32>} : memref<64x128xf32, #tpu.memory_space<vmem>>, vector<16xf32>,
      tpu.vector_store %arg10[%swap3A, %swap3A_30], %broadcast_in_dim3A_0 {strides = array<i32>} : memref<64x128xf32, #tpu.memory_space<vmem>>, vector<16xf32>,
      %swap3A_32 = arith.index_cast %scan3A_28 : i32 to index
      %swap3A_33 = arith.constant 16 : index
      %swap3A_34 = tpu.vector_load %arg10[%swap3A_32, %swap3A_33] {strides = array<i32>} : memref<64x128xf32, #tpu.memory_space<vmem>>, vector<16xf32>,
      tpu.vector_store %arg10[%swap3A_32, %swap3A_33], %broadcast_in_dim3A_0 {strides = array<i32>} : memref<64x128xf32, #tpu.memory_space<vmem>>, vector<16xf32>,
      %swap3A_35 = arith.index_cast %scan3A_28 : i32 to index
      %swap3A_36 = arith.constant 32 : index
      %swap3A_37 = tpu.vector_load %arg10[%swap3A_35, %swap3A_36] {strides = array<i32>} : memref<64x128xf32, #tpu.memory_space<vmem>>, vector<16xf32>,
      tpu.vector_store %arg10[%swap3A_35, %swap3A_36], %broadcast_in_dim3A_0 {strides = array<i32>} : memref<64x128xf32, #tpu.memory_space<vmem>>, vector<16xf32>,
      %swap3A_38 = arith.index_cast %scan3A_28 : i32 to index
      %swap3A_39 = arith.constant 48 : index
      %swap3A_40 = tpu.vector_load %arg10[%swap3A_38, %swap3A_39] {strides = array<i32>} : memref<64x128xf32, #tpu.memory_space<vmem>>, vector<16xf32>,
      tpu.vector_store %arg10[%swap3A_38, %swap3A_39], %broadcast_in_dim3A_0 {strides = array<i32>} : memref<64x128xf32, #tpu.memory_space<vmem>>, vector<16xf32>,
      %swap3A_41 = arith.index_cast %scan3A_28 : i32 to index
      %swap3A_42 = arith.constant 64 : index
      %swap3A_43 = tpu.vector_load %arg10[%swap3A_41, %swap3A_42] {strides = array<i32>} : memref<64x128xf32, #tpu.memory_space<vmem>>, vector<16xf32>,
      tpu.vector_store %arg10[%swap3A_41, %swap3A_42], %broadcast_in_dim3A_0 {strides = array<i32>} : memref<64x128xf32, #tpu.memory_space<vmem>>, vector<16xf32>,
      %swap3A_44 = arith.index_cast %scan3A_28 : i32 to index
      %swap3A_45 = arith.constant 80 : index
      %swap3A_46 = tpu.vector_load %arg10[%swap3A_44, %swap3A_45] {strides = array<i32>} : memref<64x128xf32, #tpu.memory_space<vmem>>, vector<16xf32>,
      tpu.vector_store %arg10[%swap3A_44, %swap3A_45], %broadcast_in_dim3A_0 {strides = array<i32>} : memref<64x128xf32, #tpu.memory_space<vmem>>, vector<16xf32>,
      %swap3A_47 = arith.index_cast %scan3A_28 : i32 to index
      %swap3A_48 = arith.constant 96 : index
      %swap3A_49 = tpu.vector_load %arg10[%swap3A_47, %swap3A_48] {strides = array<i32>} : memref<64x128xf32, #tpu.memory_space<vmem>>, vector<16xf32>,
      tpu.vector_store %arg10[%swap3A_47, %swap3A_48], %broadcast_in_dim3A_0 {strides = array<i32>} : memref<64x128xf32, #tpu.memory_space<vmem>>, vector<16xf32>,
      %swap3A_50 = arith.index_cast %scan3A_28 : i32 to index
      %swap3A_51 = arith.constant 112 : index
      %swap3A_52 = tpu.vector_load %arg10[%swap3A_50, %swap3A_51] {strides = array<i32>} : memref<64x128xf32, #tpu.memory_space<vmem>>, vector<16xf32>,
      tpu.vector_store %arg10[%swap3A_50, %swap3A_51], %broadcast_in_dim3A_0 {strides = array<i32>} : memref<64x128xf32, #tpu.memory_space<vmem>>, vector<16xf32>,
      %scan3A_53 = arith.constant 0 : i32
      scf.yield %scan3A_53 : i32
    }
    %scan3A_6 = arith.constant 64 : i32
    %scan3A_7 = arith.constant 0 : i32
    %scan3A_8 = arith.constant 0 : i32
    %scan3A_9 = arith.constant 10 : i32
    %scan3A_10 = arith.addi %scan3A_8, %scan3A_9 : i32
    %scan3A_11 = arith.constant 1 : i32
    %scan3A_12 = scf.for %scan3A_28 = %scan3A_8 to %scan3A_10 step %scan3A_11 iter_args(%scan3A_29 = %scan3A_7) -> (i32)  : i32 {
      %mul3A_30 = arith.constant 640 : i32
      %mul3A_31 = arith.muli %arg1, %mul3A_30 : i32
      %mul3A_32 = arith.constant 64 : i32
      %mul3A_33 = arith.muli %scan3A_28, %mul3A_32 : i32
      %add3A = arith.addi %mul3A_31, %mul3A_33 : i32
      "tpu.region"() ({
        %run_scoped3A = tpu.sem_alloc : memref<!tpu.dma_semaphore, #tpu.memory_space<semaphore_mem>>
        %dma_start3A = arith.constant 0 : i32
        %dma_start3A_35 = tpu.memref_slice %arg11[%add3A, %dma_start3A] : memref<10240x128xf32, #tpu.memory_space<vmem_shared>> -> memref<64x128xf32, #tpu.memory_space<vmem_shared>>
        %dma_start3A_36 = arith.constant 0 : i32
        %dma_start3A_37 = tpu.memref_slice %arg11[%add3A, %dma_start3A_36] : memref<10240x128xf32, #tpu.memory_space<vmem_shared>> -> memref<64x128xf32, #tpu.memory_space<vmem_shared>>
        tpu.enqueue_dma source(%arg10 : memref<64x128xf32, #tpu.memory_space<vmem>>) target(%dma_start3A_37 : memref<64x128xf32, #tpu.memory_space<vmem_shared>>) target_semaphore(%run_scoped3A : memref<!tpu.dma_semaphore, #tpu.memory_space<semaphore_mem>>)
        %dma_wait3A = arith.constant 0 : i32
        %dma_wait3A_38 = tpu.memref_slice %arg11[%add3A, %dma_wait3A] : memref<10240x128xf32, #tpu.memory_space<vmem_shared>> -> memref<64x128xf32, #tpu.memory_space<vmem_shared>>
        %dma_wait3A_39 = arith.constant 0 : i32
        %dma_wait3A_40 = tpu.memref_slice %arg11[%add3A, %dma_wait3A_39] : memref<10240x128xf32, #tpu.memory_space<vmem_shared>> -> memref<64x128xf32, #tpu.memory_space<vmem_shared>>
        tpu.wait_dma2 semaphore(%run_scoped3A : memref<!tpu.dma_semaphore, #tpu.memory_space<semaphore_mem>>) src(%arg10 : memref<64x128xf32, #tpu.memory_space<vmem>>) dst(%dma_wait3A_40 : memref<64x128xf32, #tpu.memory_space<vmem_shared>>)
        tpu.yield
      }) : () -> ()
      %scan3A_34 = arith.constant 0 : i32
      scf.yield %scan3A_34 : i32
    }
    %scan3A_13 = arith.constant 10 : i32
    %barrier3A = arith.constant 0 : index
    tpu.barrier barrier_id(%barrier3A)
    %mul3A = arith.constant 10240 : i32
    %mul3A_14 = arith.muli %arg0, %mul3A : i32
    %broadcast_in_dim3A_15 = vector.broadcast %mul3A_14 : i32 to vector<16xi32>
    %scan3A_16 = arith.constant 0 : i32
    %scan3A_17 = arith.constant 0 : i32
    %scan3A_18 = arith.constant 168 : i32
    %scan3A_19 = arith.addi %scan3A_17, %scan3A_18 : i32
    %scan3A_20 = arith.constant 1 : i32
    %scan3A_21 = scf.for %scan3A_28 = %scan3A_17 to %scan3A_19 step %scan3A_20 iter_args(%scan3A_29 = %scan3A_16) -> (i32)  : i32 {
      "tpu.region"() ({
        %run_scoped3A_83 = tpu.sem_alloc : memref<!tpu.dma_semaphore, #tpu.memory_space<semaphore_mem>>
        %dma_start3A_84 = arith.constant 0 : i32
        %dma_start3A_85 = arith.constant 0 : i32
        %dma_start3A_86 = tpu.memref_slice %arg4[%arg1, %dma_start3A_84, %dma_start3A_85] : memref<16x168x64xi32, #tpu.memory_space<hbm>> -> memref<1x168x64xi32, #tpu.memory_space<hbm>>
        %dma_start3A_87 = tpu.memref_squeeze %dma_start3A_86 : memref<1x168x64xi32, #tpu.memory_space<hbm>> -> memref<168x64xi32, #tpu.memory_space<hbm>>
        %dma_start3A_88 = arith.constant 0 : i32
        %dma_start3A_89 = tpu.memref_slice %dma_start3A_87[%scan3A_28, %dma_start3A_88] : memref<168x64xi32, #tpu.memory_space<hbm>> -> memref<1x64xi32, #tpu.memory_space<hbm>>
        %dma_start3A_90 = arith.constant 0 : i32
        %dma_start3A_91 = arith.constant 0 : i32
        %dma_start3A_92 = tpu.memref_slice %arg4[%arg1, %dma_start3A_90, %dma_start3A_91] : memref<16x168x64xi32, #tpu.memory_space<hbm>> -> memref<1x168x64xi32, #tpu.memory_space<hbm>>
        %dma_start3A_93 = tpu.memref_squeeze %dma_start3A_92 : memref<1x168x64xi32, #tpu.memory_space<hbm>> -> memref<168x64xi32, #tpu.memory_space<hbm>>
        %dma_start3A_94 = arith.constant 0 : i32
        %dma_start3A_95 = tpu.memref_slice %dma_start3A_93[%scan3A_28, %dma_start3A_94] : memref<168x64xi32, #tpu.memory_space<hbm>> -> memref<1x64xi32, #tpu.memory_space<hbm>>
        tpu.enqueue_dma source(%dma_start3A_95 : memref<1x64xi32, #tpu.memory_space<hbm>>) target(%arg7 : memref<1x64xi32, #tpu.memory_space<vmem>>) target_semaphore(%run_scoped3A_83 : memref<!tpu.dma_semaphore, #tpu.memory_space<semaphore_mem>>)
        %dma_wait3A_96 = arith.constant 0 : i32
        %dma_wait3A_97 = arith.constant 0 : i32
        %dma_wait3A_98 = tpu.memref_slice %arg4[%arg1, %dma_wait3A_96, %dma_wait3A_97] : memref<16x168x64xi32, #tpu.memory_space<hbm>> -> memref<1x168x64xi32, #tpu.memory_space<hbm>>
        %dma_wait3A_99 = tpu.memref_squeeze %dma_wait3A_98 : memref<1x168x64xi32, #tpu.memory_space<hbm>> -> memref<168x64xi32, #tpu.memory_space<hbm>>
        %dma_wait3A_100 = arith.constant 0 : i32
        %dma_wait3A_101 = tpu.memref_slice %dma_wait3A_99[%scan3A_28, %dma_wait3A_100] : memref<168x64xi32, #tpu.memory_space<hbm>> -> memref<1x64xi32, #tpu.memory_space<hbm>>
        %dma_wait3A_102 = arith.constant 0 : i32
        %dma_wait3A_103 = arith.constant 0 : i32
        %dma_wait3A_104 = tpu.memref_slice %arg4[%arg1, %dma_wait3A_102, %dma_wait3A_103] : memref<16x168x64xi32, #tpu.memory_space<hbm>> -> memref<1x168x64xi32, #tpu.memory_space<hbm>>
        %dma_wait3A_105 = tpu.memref_squeeze %dma_wait3A_104 : memref<1x168x64xi32, #tpu.memory_space<hbm>> -> memref<168x64xi32, #tpu.memory_space<hbm>>
        %dma_wait3A_106 = arith.constant 0 : i32
        %dma_wait3A_107 = tpu.memref_slice %dma_wait3A_105[%scan3A_28, %dma_wait3A_106] : memref<168x64xi32, #tpu.memory_space<hbm>> -> memref<1x64xi32, #tpu.memory_space<hbm>>
        tpu.wait_dma2 semaphore(%run_scoped3A_83 : memref<!tpu.dma_semaphore, #tpu.memory_space<semaphore_mem>>) src(%dma_wait3A_107 : memref<1x64xi32, #tpu.memory_space<hbm>>) dst(%arg7 : memref<1x64xi32, #tpu.memory_space<vmem>>)
        tpu.yield
      }) : () -> ()
      "tpu.region"() ({
        %run_scoped3A_83 = tpu.sem_alloc : memref<!tpu.dma_semaphore, #tpu.memory_space<semaphore_mem>>
        %dma_start3A_84 = arith.constant 0 : i32
        %dma_start3A_85 = arith.constant 0 : i32
        %dma_start3A_86 = tpu.memref_slice %arg5[%arg1, %dma_start3A_84, %dma_start3A_85] : memref<16x168x64xi32, #tpu.memory_space<hbm>> -> memref<1x168x64xi32, #tpu.memory_space<hbm>>
        %dma_start3A_87 = tpu.memref_squeeze %dma_start3A_86 : memref<1x168x64xi32, #tpu.memory_space<hbm>> -> memref<168x64xi32, #tpu.memory_space<hbm>>
        %dma_start3A_88 = arith.constant 0 : i32
        %dma_start3A_89 = tpu.memref_slice %dma_start3A_87[%scan3A_28, %dma_start3A_88] : memref<168x64xi32, #tpu.memory_space<hbm>> -> memref<1x64xi32, #tpu.memory_space<hbm>>
        %dma_start3A_90 = arith.constant 0 : i32
        %dma_start3A_91 = arith.constant 0 : i32
        %dma_start3A_92 = tpu.memref_slice %arg5[%arg1, %dma_start3A_90, %dma_start3A_91] : memref<16x168x64xi32, #tpu.memory_space<hbm>> -> memref<1x168x64xi32, #tpu.memory_space<hbm>>
        %dma_start3A_93 = tpu.memref_squeeze %dma_start3A_92 : memref<1x168x64xi32, #tpu.memory_space<hbm>> -> memref<168x64xi32, #tpu.memory_space<hbm>>
        %dma_start3A_94 = arith.constant 0 : i32
        %dma_start3A_95 = tpu.memref_slice %dma_start3A_93[%scan3A_28, %dma_start3A_94] : memref<168x64xi32, #tpu.memory_space<hbm>> -> memref<1x64xi32, #tpu.memory_space<hbm>>
        tpu.enqueue_dma source(%dma_start3A_95 : memref<1x64xi32, #tpu.memory_space<hbm>>) target(%arg8 : memref<1x64xi32, #tpu.memory_space<vmem>>) target_semaphore(%run_scoped3A_83 : memref<!tpu.dma_semaphore, #tpu.memory_space<semaphore_mem>>)
        %dma_wait3A_96 = arith.constant 0 : i32
        %dma_wait3A_97 = arith.constant 0 : i32
        %dma_wait3A_98 = tpu.memref_slice %arg5[%arg1, %dma_wait3A_96, %dma_wait3A_97] : memref<16x168x64xi32, #tpu.memory_space<hbm>> -> memref<1x168x64xi32, #tpu.memory_space<hbm>>
        %dma_wait3A_99 = tpu.memref_squeeze %dma_wait3A_98 : memref<1x168x64xi32, #tpu.memory_space<hbm>> -> memref<168x64xi32, #tpu.memory_space<hbm>>
        %dma_wait3A_100 = arith.constant 0 : i32
        %dma_wait3A_101 = tpu.memref_slice %dma_wait3A_99[%scan3A_28, %dma_wait3A_100] : memref<168x64xi32, #tpu.memory_space<hbm>> -> memref<1x64xi32, #tpu.memory_space<hbm>>
        %dma_wait3A_102 = arith.constant 0 : i32
        %dma_wait3A_103 = arith.constant 0 : i32
        %dma_wait3A_104 = tpu.memref_slice %arg5[%arg1, %dma_wait3A_102, %dma_wait3A_103] : memref<16x168x64xi32, #tpu.memory_space<hbm>> -> memref<1x168x64xi32, #tpu.memory_space<hbm>>
        %dma_wait3A_105 = tpu.memref_squeeze %dma_wait3A_104 : memref<1x168x64xi32, #tpu.memory_space<hbm>> -> memref<168x64xi32, #tpu.memory_space<hbm>>
        %dma_wait3A_106 = arith.constant 0 : i32
        %dma_wait3A_107 = tpu.memref_slice %dma_wait3A_105[%scan3A_28, %dma_wait3A_106] : memref<168x64xi32, #tpu.memory_space<hbm>> -> memref<1x64xi32, #tpu.memory_space<hbm>>
        tpu.wait_dma2 semaphore(%run_scoped3A_83 : memref<!tpu.dma_semaphore, #tpu.memory_space<semaphore_mem>>) src(%dma_wait3A_107 : memref<1x64xi32, #tpu.memory_space<hbm>>) dst(%arg8 : memref<1x64xi32, #tpu.memory_space<vmem>>)
        tpu.yield
      }) : () -> ()
      "tpu.region"() ({
        %run_scoped3A_83 = tpu.sem_alloc : memref<!tpu.dma_semaphore, #tpu.memory_space<semaphore_mem>>
        %dma_start3A_84 = arith.constant 0 : i32
        %dma_start3A_85 = arith.constant 0 : i32
        %dma_start3A_86 = tpu.memref_slice %arg3[%arg1, %dma_start3A_84, %dma_start3A_85] : memref<16x168x64xf32, #tpu.memory_space<hbm>> -> memref<1x168x64xf32, #tpu.memory_space<hbm>>
        %dma_start3A_87 = tpu.memref_squeeze %dma_start3A_86 : memref<1x168x64xf32, #tpu.memory_space<hbm>> -> memref<168x64xf32, #tpu.memory_space<hbm>>
        %dma_start3A_88 = arith.constant 0 : i32
        %dma_start3A_89 = tpu.memref_slice %dma_start3A_87[%scan3A_28, %dma_start3A_88] : memref<168x64xf32, #tpu.memory_space<hbm>> -> memref<1x64xf32, #tpu.memory_space<hbm>>
        %dma_start3A_90 = arith.constant 0 : i32
        %dma_start3A_91 = arith.constant 0 : i32
        %dma_start3A_92 = tpu.memref_slice %arg3[%arg1, %dma_start3A_90, %dma_start3A_91] : memref<16x168x64xf32, #tpu.memory_space<hbm>> -> memref<1x168x64xf32, #tpu.memory_space<hbm>>
        %dma_start3A_93 = tpu.memref_squeeze %dma_start3A_92 : memref<1x168x64xf32, #tpu.memory_space<hbm>> -> memref<168x64xf32, #tpu.memory_space<hbm>>
        %dma_start3A_94 = arith.constant 0 : i32
        %dma_start3A_95 = tpu.memref_slice %dma_start3A_93[%scan3A_28, %dma_start3A_94] : memref<168x64xf32, #tpu.memory_space<hbm>> -> memref<1x64xf32, #tpu.memory_space<hbm>>
        tpu.enqueue_dma source(%dma_start3A_95 : memref<1x64xf32, #tpu.memory_space<hbm>>) target(%arg9 : memref<1x64xf32, #tpu.memory_space<vmem>>) target_semaphore(%run_scoped3A_83 : memref<!tpu.dma_semaphore, #tpu.memory_space<semaphore_mem>>)
        %dma_wait3A_96 = arith.constant 0 : i32
        %dma_wait3A_97 = arith.constant 0 : i32
        %dma_wait3A_98 = tpu.memref_slice %arg3[%arg1, %dma_wait3A_96, %dma_wait3A_97] : memref<16x168x64xf32, #tpu.memory_space<hbm>> -> memref<1x168x64xf32, #tpu.memory_space<hbm>>
        %dma_wait3A_99 = tpu.memref_squeeze %dma_wait3A_98 : memref<1x168x64xf32, #tpu.memory_space<hbm>> -> memref<168x64xf32, #tpu.memory_space<hbm>>
        %dma_wait3A_100 = arith.constant 0 : i32
        %dma_wait3A_101 = tpu.memref_slice %dma_wait3A_99[%scan3A_28, %dma_wait3A_100] : memref<168x64xf32, #tpu.memory_space<hbm>> -> memref<1x64xf32, #tpu.memory_space<hbm>>
        %dma_wait3A_102 = arith.constant 0 : i32
        %dma_wait3A_103 = arith.constant 0 : i32
        %dma_wait3A_104 = tpu.memref_slice %arg3[%arg1, %dma_wait3A_102, %dma_wait3A_103] : memref<16x168x64xf32, #tpu.memory_space<hbm>> -> memref<1x168x64xf32, #tpu.memory_space<hbm>>
        %dma_wait3A_105 = tpu.memref_squeeze %dma_wait3A_104 : memref<1x168x64xf32, #tpu.memory_space<hbm>> -> memref<168x64xf32, #tpu.memory_space<hbm>>
        %dma_wait3A_106 = arith.constant 0 : i32
        %dma_wait3A_107 = tpu.memref_slice %dma_wait3A_105[%scan3A_28, %dma_wait3A_106] : memref<168x64xf32, #tpu.memory_space<hbm>> -> memref<1x64xf32, #tpu.memory_space<hbm>>
        tpu.wait_dma2 semaphore(%run_scoped3A_83 : memref<!tpu.dma_semaphore, #tpu.memory_space<semaphore_mem>>) src(%dma_wait3A_107 : memref<1x64xf32, #tpu.memory_space<hbm>>) dst(%arg9 : memref<1x64xf32, #tpu.memory_space<vmem>>)
        tpu.yield
      }) : () -> ()
      %get3A = arith.constant 0 : i32
      %get3A_30 = arith.index_cast %get3A : i32 to index
      %get3A_31 = arith.constant 0 : index
      %get3A_32 = tpu.vector_load %arg7[%get3A_30, %get3A_31] {strides = array<i32>} : memref<1x64xi32, #tpu.memory_space<vmem>>, vector<16xi32>,
      %add3A = arith.addi %get3A_32, %broadcast_in_dim3A_15 : vector<16xi32>
      %swap3A = arith.constant 0 : i32
      %swap3A_33 = arith.index_cast %swap3A : i32 to index
      %swap3A_34 = arith.constant 0 : index
      %swap3A_35 = tpu.vector_load %arg7[%swap3A_33, %swap3A_34] {strides = array<i32>} : memref<1x64xi32, #tpu.memory_space<vmem>>, vector<16xi32>,
      tpu.vector_store %arg7[%swap3A_33, %swap3A_34], %add3A {strides = array<i32>} : memref<1x64xi32, #tpu.memory_space<vmem>>, vector<16xi32>,
      %get3A_36 = arith.constant 0 : i32
      %get3A_37 = arith.index_cast %get3A_36 : i32 to index
      %get3A_38 = arith.constant 16 : index
      %get3A_39 = tpu.vector_load %arg7[%get3A_37, %get3A_38] {strides = array<i32>} : memref<1x64xi32, #tpu.memory_space<vmem>>, vector<16xi32>,
      %add3A_40 = arith.addi %get3A_39, %broadcast_in_dim3A_15 : vector<16xi32>
      %swap3A_41 = arith.constant 0 : i32
      %swap3A_42 = arith.index_cast %swap3A_41 : i32 to index
      %swap3A_43 = arith.constant 16 : index
      %swap3A_44 = tpu.vector_load %arg7[%swap3A_42, %swap3A_43] {strides = array<i32>} : memref<1x64xi32, #tpu.memory_space<vmem>>, vector<16xi32>,
      tpu.vector_store %arg7[%swap3A_42, %swap3A_43], %add3A_40 {strides = array<i32>} : memref<1x64xi32, #tpu.memory_space<vmem>>, vector<16xi32>,
      %get3A_45 = arith.constant 0 : i32
      %get3A_46 = arith.index_cast %get3A_45 : i32 to index
      %get3A_47 = arith.constant 32 : index
      %get3A_48 = tpu.vector_load %arg7[%get3A_46, %get3A_47] {strides = array<i32>} : memref<1x64xi32, #tpu.memory_space<vmem>>, vector<16xi32>,
      %add3A_49 = arith.addi %get3A_48, %broadcast_in_dim3A_15 : vector<16xi32>
      %swap3A_50 = arith.constant 0 : i32
      %swap3A_51 = arith.index_cast %swap3A_50 : i32 to index
      %swap3A_52 = arith.constant 32 : index
      %swap3A_53 = tpu.vector_load %arg7[%swap3A_51, %swap3A_52] {strides = array<i32>} : memref<1x64xi32, #tpu.memory_space<vmem>>, vector<16xi32>,
      tpu.vector_store %arg7[%swap3A_51, %swap3A_52], %add3A_49 {strides = array<i32>} : memref<1x64xi32, #tpu.memory_space<vmem>>, vector<16xi32>,
      %get3A_54 = arith.constant 0 : i32
      %get3A_55 = arith.index_cast %get3A_54 : i32 to index
      %get3A_56 = arith.constant 48 : index
      %get3A_57 = tpu.vector_load %arg7[%get3A_55, %get3A_56] {strides = array<i32>} : memref<1x64xi32, #tpu.memory_space<vmem>>, vector<16xi32>,
      %add3A_58 = arith.addi %get3A_57, %broadcast_in_dim3A_15 : vector<16xi32>
      %swap3A_59 = arith.constant 0 : i32
      %swap3A_60 = arith.index_cast %swap3A_59 : i32 to index
      %swap3A_61 = arith.constant 48 : index
      %swap3A_62 = tpu.vector_load %arg7[%swap3A_60, %swap3A_61] {strides = array<i32>} : memref<1x64xi32, #tpu.memory_space<vmem>>, vector<16xi32>,
      tpu.vector_store %arg7[%swap3A_60, %swap3A_61], %add3A_58 {strides = array<i32>} : memref<1x64xi32, #tpu.memory_space<vmem>>, vector<16xi32>,
      %dma_start3A = arith.constant 0 : i32
      %dma_start3A_63 = arith.constant 0 : i32
      %dma_start3A_64 = tpu.memref_slice %arg7[%dma_start3A, %dma_start3A_63] : memref<1x64xi32, #tpu.memory_space<vmem>> -> memref<1x64xi32, #tpu.memory_space<vmem>>
      %dma_start3A_65 = tpu.memref_squeeze %dma_start3A_64 : memref<1x64xi32, #tpu.memory_space<vmem>> -> memref<64xi32, #tpu.memory_space<vmem>>
      %dma_start3A_66 = arith.constant 0 : i32
      %dma_start3A_67 = arith.constant 0 : i32
      %dma_start3A_68 = tpu.memref_slice %arg2[%dma_start3A_66, %dma_start3A_67] : memref<20480x128xf32, #tpu.memory_space<hbm>> -> memref<20480x128xf32, #tpu.memory_space<hbm>>
      tpu.enqueue_indirect_dma source(%dma_start3A_68 : memref<20480x128xf32, #tpu.memory_space<hbm>>) target(%arg10 : memref<64x128xf32, #tpu.memory_space<vmem>>) offsets(%dma_start3A_65 : memref<64xi32, #tpu.memory_space<vmem>>) semaphore(%arg12 : memref<!tpu.dma_semaphore, #tpu.memory_space<semaphore_mem>>)
      %dma_wait3A = arith.constant 0 : i32
      %dma_wait3A_69 = arith.constant 0 : i32
      %dma_wait3A_70 = tpu.memref_slice %arg7[%dma_wait3A, %dma_wait3A_69] : memref<1x64xi32, #tpu.memory_space<vmem>> -> memref<1x64xi32, #tpu.memory_space<vmem>>
      %dma_wait3A_71 = tpu.memref_squeeze %dma_wait3A_70 : memref<1x64xi32, #tpu.memory_space<vmem>> -> memref<64xi32, #tpu.memory_space<vmem>>
      %dma_wait3A_72 = arith.constant 0 : i32
      %dma_wait3A_73 = arith.constant 0 : i32
      %dma_wait3A_74 = tpu.memref_slice %arg2[%dma_wait3A_72, %dma_wait3A_73] : memref<20480x128xf32, #tpu.memory_space<hbm>> -> memref<20480x128xf32, #tpu.memory_space<hbm>>
      tpu.wait_indirect_dma semaphore(%arg12 : memref<!tpu.dma_semaphore, #tpu.memory_space<semaphore_mem>>) src(%dma_wait3A_74 : memref<20480x128xf32, #tpu.memory_space<hbm>>) dst(%arg10 : memref<64x128xf32, #tpu.memory_space<vmem>>)
      %scan3A_75 = arith.constant 0 : i32
      %scan3A_76 = arith.constant 0 : i32
      %scan3A_77 = arith.constant 64 : i32
      %scan3A_78 = arith.addi %scan3A_76, %scan3A_77 : i32
      %scan3A_79 = arith.constant 1 : i32
      %scan3A_80 = scf.for %scan3A_83 = %scan3A_76 to %scan3A_78 step %scan3A_79 iter_args(%scan3A_84 = %scan3A_75) -> (i32)  : i32 {
        %broadcast_in_dim3A_85 = arith.constant 0 : i32
        %broadcast_in_dim3A_86 = vector.broadcast %broadcast_in_dim3A_85 : i32 to vector<16xi32>
        %broadcast_in_dim3A_87 = vector.broadcast %scan3A_83 : i32 to vector<16xi32>
        %gather3A = tpu.vector_load_idx %arg9[%broadcast_in_dim3A_86, %broadcast_in_dim3A_87] : memref<1x64xf32, #tpu.memory_space<vmem>>[vector<16xi32>, vector<16xi32>], vector<16xf32>,
        %get3A_88 = arith.index_cast %scan3A_83 : i32 to index
        %get3A_89 = arith.constant 0 : index
        %get3A_90 = tpu.vector_load %arg10[%get3A_88, %get3A_89] {strides = array<i32>} : memref<64x128xf32, #tpu.memory_space<vmem>>, vector<16xf32>,
        %mul3A_91 = arith.mulf %get3A_90, %gather3A : vector<16xf32>
        %swap3A_92 = arith.index_cast %scan3A_83 : i32 to index
        %swap3A_93 = arith.constant 0 : index
        %swap3A_94 = tpu.vector_load %arg10[%swap3A_92, %swap3A_93] {strides = array<i32>} : memref<64x128xf32, #tpu.memory_space<vmem>>, vector<16xf32>,
        tpu.vector_store %arg10[%swap3A_92, %swap3A_93], %mul3A_91 {strides = array<i32>} : memref<64x128xf32, #tpu.memory_space<vmem>>, vector<16xf32>,
        %get3A_95 = arith.index_cast %scan3A_83 : i32 to index
        %get3A_96 = arith.constant 16 : index
        %get3A_97 = tpu.vector_load %arg10[%get3A_95, %get3A_96] {strides = array<i32>} : memref<64x128xf32, #tpu.memory_space<vmem>>, vector<16xf32>,
        %mul3A_98 = arith.mulf %get3A_97, %gather3A : vector<16xf32>
        %swap3A_99 = arith.index_cast %scan3A_83 : i32 to index
        %swap3A_100 = arith.constant 16 : index
        %swap3A_101 = tpu.vector_load %arg10[%swap3A_99, %swap3A_100] {strides = array<i32>} : memref<64x128xf32, #tpu.memory_space<vmem>>, vector<16xf32>,
        tpu.vector_store %arg10[%swap3A_99, %swap3A_100], %mul3A_98 {strides = array<i32>} : memref<64x128xf32, #tpu.memory_space<vmem>>, vector<16xf32>,
        %get3A_102 = arith.index_cast %scan3A_83 : i32 to index
        %get3A_103 = arith.constant 32 : index
        %get3A_104 = tpu.vector_load %arg10[%get3A_102, %get3A_103] {strides = array<i32>} : memref<64x128xf32, #tpu.memory_space<vmem>>, vector<16xf32>,
        %mul3A_105 = arith.mulf %get3A_104, %gather3A : vector<16xf32>
        %swap3A_106 = arith.index_cast %scan3A_83 : i32 to index
        %swap3A_107 = arith.constant 32 : index
        %swap3A_108 = tpu.vector_load %arg10[%swap3A_106, %swap3A_107] {strides = array<i32>} : memref<64x128xf32, #tpu.memory_space<vmem>>, vector<16xf32>,
        tpu.vector_store %arg10[%swap3A_106, %swap3A_107], %mul3A_105 {strides = array<i32>} : memref<64x128xf32, #tpu.memory_space<vmem>>, vector<16xf32>,
        %get3A_109 = arith.index_cast %scan3A_83 : i32 to index
        %get3A_110 = arith.constant 48 : index
        %get3A_111 = tpu.vector_load %arg10[%get3A_109, %get3A_110] {strides = array<i32>} : memref<64x128xf32, #tpu.memory_space<vmem>>, vector<16xf32>,
        %mul3A_112 = arith.mulf %get3A_111, %gather3A : vector<16xf32>
        %swap3A_113 = arith.index_cast %scan3A_83 : i32 to index
        %swap3A_114 = arith.constant 48 : index
        %swap3A_115 = tpu.vector_load %arg10[%swap3A_113, %swap3A_114] {strides = array<i32>} : memref<64x128xf32, #tpu.memory_space<vmem>>, vector<16xf32>,
        tpu.vector_store %arg10[%swap3A_113, %swap3A_114], %mul3A_112 {strides = array<i32>} : memref<64x128xf32, #tpu.memory_space<vmem>>, vector<16xf32>,
        %get3A_116 = arith.index_cast %scan3A_83 : i32 to index
        %get3A_117 = arith.constant 64 : index
        %get3A_118 = tpu.vector_load %arg10[%get3A_116, %get3A_117] {strides = array<i32>} : memref<64x128xf32, #tpu.memory_space<vmem>>, vector<16xf32>,
        %mul3A_119 = arith.mulf %get3A_118, %gather3A : vector<16xf32>
        %swap3A_120 = arith.index_cast %scan3A_83 : i32 to index
        %swap3A_121 = arith.constant 64 : index
        %swap3A_122 = tpu.vector_load %arg10[%swap3A_120, %swap3A_121] {strides = array<i32>} : memref<64x128xf32, #tpu.memory_space<vmem>>, vector<16xf32>,
        tpu.vector_store %arg10[%swap3A_120, %swap3A_121], %mul3A_119 {strides = array<i32>} : memref<64x128xf32, #tpu.memory_space<vmem>>, vector<16xf32>,
        %get3A_123 = arith.index_cast %scan3A_83 : i32 to index
        %get3A_124 = arith.constant 80 : index
        %get3A_125 = tpu.vector_load %arg10[%get3A_123, %get3A_124] {strides = array<i32>} : memref<64x128xf32, #tpu.memory_space<vmem>>, vector<16xf32>,
        %mul3A_126 = arith.mulf %get3A_125, %gather3A : vector<16xf32>
        %swap3A_127 = arith.index_cast %scan3A_83 : i32 to index
        %swap3A_128 = arith.constant 80 : index
        %swap3A_129 = tpu.vector_load %arg10[%swap3A_127, %swap3A_128] {strides = array<i32>} : memref<64x128xf32, #tpu.memory_space<vmem>>, vector<16xf32>,
        tpu.vector_store %arg10[%swap3A_127, %swap3A_128], %mul3A_126 {strides = array<i32>} : memref<64x128xf32, #tpu.memory_space<vmem>>, vector<16xf32>,
        %get3A_130 = arith.index_cast %scan3A_83 : i32 to index
        %get3A_131 = arith.constant 96 : index
        %get3A_132 = tpu.vector_load %arg10[%get3A_130, %get3A_131] {strides = array<i32>} : memref<64x128xf32, #tpu.memory_space<vmem>>, vector<16xf32>,
        %mul3A_133 = arith.mulf %get3A_132, %gather3A : vector<16xf32>
        %swap3A_134 = arith.index_cast %scan3A_83 : i32 to index
        %swap3A_135 = arith.constant 96 : index
        %swap3A_136 = tpu.vector_load %arg10[%swap3A_134, %swap3A_135] {strides = array<i32>} : memref<64x128xf32, #tpu.memory_space<vmem>>, vector<16xf32>,
        tpu.vector_store %arg10[%swap3A_134, %swap3A_135], %mul3A_133 {strides = array<i32>} : memref<64x128xf32, #tpu.memory_space<vmem>>, vector<16xf32>,
        %get3A_137 = arith.index_cast %scan3A_83 : i32 to index
        %get3A_138 = arith.constant 112 : index
        %get3A_139 = tpu.vector_load %arg10[%get3A_137, %get3A_138] {strides = array<i32>} : memref<64x128xf32, #tpu.memory_space<vmem>>, vector<16xf32>,
        %mul3A_140 = arith.mulf %get3A_139, %gather3A : vector<16xf32>
        %swap3A_141 = arith.index_cast %scan3A_83 : i32 to index
        %swap3A_142 = arith.constant 112 : index
        %swap3A_143 = tpu.vector_load %arg10[%swap3A_141, %swap3A_142] {strides = array<i32>} : memref<64x128xf32, #tpu.memory_space<vmem>>, vector<16xf32>,
        tpu.vector_store %arg10[%swap3A_141, %swap3A_142], %mul3A_140 {strides = array<i32>} : memref<64x128xf32, #tpu.memory_space<vmem>>, vector<16xf32>,
        %scan3A_144 = arith.constant 0 : i32
        scf.yield %scan3A_144 : i32
      }
      %scan3A_81 = arith.constant 64 : i32
      %run_scoped3A = arith.constant 0 : i32
      "tpu.region"() ({
        %run_scoped3A_83 = tpu.sem_alloc : memref<!tpu.dma_semaphore, #tpu.memory_space<semaphore_mem>>
        %dma_start3A_84 = arith.constant 0 : i32
        %dma_start3A_85 = tpu.memref_slice %arg8[%run_scoped3A, %dma_start3A_84] : memref<1x64xi32, #tpu.memory_space<vmem>> -> memref<1x64xi32, #tpu.memory_space<vmem>>
        %dma_start3A_86 = tpu.memref_squeeze %dma_start3A_85 : memref<1x64xi32, #tpu.memory_space<vmem>> -> memref<64xi32, #tpu.memory_space<vmem>>
        %dma_start3A_87 = arith.constant 0 : i32
        %dma_start3A_88 = arith.constant 0 : i32
        %dma_start3A_89 = tpu.memref_slice %arg11[%dma_start3A_87, %dma_start3A_88] : memref<10240x128xf32, #tpu.memory_space<vmem_shared>> -> memref<10240x128xf32, #tpu.memory_space<vmem_shared>>
        tpu.enqueue_indirect_dma source(%arg10 : memref<64x128xf32, #tpu.memory_space<vmem>>) target(%dma_start3A_89 : memref<10240x128xf32, #tpu.memory_space<vmem_shared>>) offsets(%dma_start3A_86 : memref<64xi32, #tpu.memory_space<vmem>>) semaphore(%run_scoped3A_83 : memref<!tpu.dma_semaphore, #tpu.memory_space<semaphore_mem>>) {add = true}
        %dma_wait3A_90 = arith.constant 0 : i32
        %dma_wait3A_91 = tpu.memref_slice %arg8[%run_scoped3A, %dma_wait3A_90] : memref<1x64xi32, #tpu.memory_space<vmem>> -> memref<1x64xi32, #tpu.memory_space<vmem>>
        %dma_wait3A_92 = tpu.memref_squeeze %dma_wait3A_91 : memref<1x64xi32, #tpu.memory_space<vmem>> -> memref<64xi32, #tpu.memory_space<vmem>>
        %dma_wait3A_93 = arith.constant 0 : i32
        %dma_wait3A_94 = arith.constant 0 : i32
        %dma_wait3A_95 = tpu.memref_slice %arg11[%dma_wait3A_93, %dma_wait3A_94] : memref<10240x128xf32, #tpu.memory_space<vmem_shared>> -> memref<10240x128xf32, #tpu.memory_space<vmem_shared>>
        tpu.wait_indirect_dma semaphore(%run_scoped3A_83 : memref<!tpu.dma_semaphore, #tpu.memory_space<semaphore_mem>>) src(%arg10 : memref<64x128xf32, #tpu.memory_space<vmem>>) dst(%dma_wait3A_95 : memref<10240x128xf32, #tpu.memory_space<vmem_shared>>)
        tpu.yield
      }) : () -> ()
      %scan3A_82 = arith.constant 0 : i32
      scf.yield %scan3A_82 : i32
    }
    %scan3A_22 = arith.constant 168 : i32
    %barrier3A_23 = arith.constant 0 : index
    tpu.barrier barrier_id(%barrier3A_23)
    %mul3A_24 = arith.constant 640 : i32
    %mul3A_25 = arith.muli %arg1, %mul3A_24 : i32
    %mul3A_26 = arith.constant 640 : i32
    %mul3A_27 = arith.muli %arg1, %mul3A_26 : i32
    "tpu.region"() ({
      %run_scoped3A = tpu.sem_alloc : memref<!tpu.dma_semaphore, #tpu.memory_space<semaphore_mem>>
      %dma_start3A = arith.constant 0 : i32
      %dma_start3A_28 = arith.constant 0 : i32
      %dma_start3A_29 = tpu.memref_slice %arg6[%arg0, %dma_start3A, %dma_start3A_28] : memref<2x10240x128xf32, #tpu.memory_space<hbm>> -> memref<1x10240x128xf32, #tpu.memory_space<hbm>>
      %dma_start3A_30 = tpu.memref_squeeze %dma_start3A_29 : memref<1x10240x128xf32, #tpu.memory_space<hbm>> -> memref<10240x128xf32, #tpu.memory_space<hbm>>
      %dma_start3A_31 = arith.constant 0 : i32
      %dma_start3A_32 = tpu.memref_slice %dma_start3A_30[%mul3A_27, %dma_start3A_31] : memref<10240x128xf32, #tpu.memory_space<hbm>> -> memref<640x128xf32, #tpu.memory_space<hbm>>
      %dma_start3A_33 = arith.constant 0 : i32
      %dma_start3A_34 = tpu.memref_slice %arg11[%mul3A_25, %dma_start3A_33] : memref<10240x128xf32, #tpu.memory_space<vmem_shared>> -> memref<640x128xf32, #tpu.memory_space<vmem_shared>>
      tpu.enqueue_dma source(%dma_start3A_34 : memref<640x128xf32, #tpu.memory_space<vmem_shared>>) target(%dma_start3A_32 : memref<640x128xf32, #tpu.memory_space<hbm>>) target_semaphore(%run_scoped3A : memref<!tpu.dma_semaphore, #tpu.memory_space<semaphore_mem>>)
      %dma_wait3A = arith.constant 0 : i32
      %dma_wait3A_35 = arith.constant 0 : i32
      %dma_wait3A_36 = tpu.memref_slice %arg6[%arg0, %dma_wait3A, %dma_wait3A_35] : memref<2x10240x128xf32, #tpu.memory_space<hbm>> -> memref<1x10240x128xf32, #tpu.memory_space<hbm>>
      %dma_wait3A_37 = tpu.memref_squeeze %dma_wait3A_36 : memref<1x10240x128xf32, #tpu.memory_space<hbm>> -> memref<10240x128xf32, #tpu.memory_space<hbm>>
      %dma_wait3A_38 = arith.constant 0 : i32
      %dma_wait3A_39 = tpu.memref_slice %dma_wait3A_37[%mul3A_27, %dma_wait3A_38] : memref<10240x128xf32, #tpu.memory_space<hbm>> -> memref<640x128xf32, #tpu.memory_space<hbm>>
      %dma_wait3A_40 = arith.constant 0 : i32
      %dma_wait3A_41 = tpu.memref_slice %arg11[%mul3A_25, %dma_wait3A_40] : memref<10240x128xf32, #tpu.memory_space<vmem_shared>> -> memref<640x128xf32, #tpu.memory_space<vmem_shared>>
      tpu.wait_dma2 semaphore(%run_scoped3A : memref<!tpu.dma_semaphore, #tpu.memory_space<semaphore_mem>>) src(%dma_wait3A_41 : memref<640x128xf32, #tpu.memory_space<vmem_shared>>) dst(%dma_wait3A_39 : memref<640x128xf32, #tpu.memory_space<hbm>>)
      tpu.yield
    }) : () -> ()
    return
  }
}

#map = affine_map<(d0, d1) -> (0)>
#map1 = affine_map<(d0, d1) -> (0, 0, 0)>
module attributes {stable_mosaic.version = 14 : i64} {
  func.func @_sc_edge_w(%arg0: i32, %arg1: i32, %arg2: memref<10240xf32, #tpu.memory_space<hbm>>, %arg3: memref<10240xf32, #tpu.memory_space<hbm>>, %arg4: memref<172032xi32, #tpu.memory_space<hbm>>, %arg5: memref<172032xi32, #tpu.memory_space<hbm>>, %arg6: memref<172032xf32, #tpu.memory_space<hbm>>, %arg7: memref<2x160x128xf32, #tpu.memory_space<hbm>>, %arg8: memref<10240xf32, #tpu.memory_space<vmem>>, %arg9: memref<10240xf32, #tpu.memory_space<vmem>>, %arg10: memref<5376xi32, #tpu.memory_space<vmem>>, %arg11: memref<5376xi32, #tpu.memory_space<vmem>>, %arg12: memref<5376xf32, #tpu.memory_space<vmem>>, %arg13: memref<64x128xf32, #tpu.memory_space<vmem>>, %arg14: memref<1x64xi32, #tpu.memory_space<vmem>>, %arg15: memref<160x128xf32, #tpu.memory_space<vmem_shared>>, %arg16: memref<!tpu.dma_semaphore, #tpu.memory_space<semaphore_mem>>) attributes {dimension_semantics = [#tpu.dimension_semantics<core_parallel>, #tpu.dimension_semantics<subcore_parallel>], iteration_bounds = array<i64: 2, 16>, scalar_prefetch = 0 : i64, scratch_operands = 9 : i64, tpu.core_type = #tpu.core_type<sc_vector_subcore>, window_params = [{transform_indices = #map}, {transform_indices = #map}, {transform_indices = #map}, {transform_indices = #map}, {transform_indices = #map}, {transform_indices = #map1}]} {
    %mul3A = arith.constant 2 : i32
    %mul3A_0 = arith.muli %arg1, %mul3A : i32
    %add3A = arith.addi %mul3A_0, %arg0 : i32
    "tpu.region"() ({
      %run_scoped3A = tpu.sem_alloc : memref<!tpu.dma_semaphore, #tpu.memory_space<semaphore_mem>>
      tpu.enqueue_dma source(%arg2 : memref<10240xf32, #tpu.memory_space<hbm>>) target(%arg8 : memref<10240xf32, #tpu.memory_space<vmem>>) target_semaphore(%run_scoped3A : memref<!tpu.dma_semaphore, #tpu.memory_space<semaphore_mem>>)
      tpu.wait_dma2 semaphore(%run_scoped3A : memref<!tpu.dma_semaphore, #tpu.memory_space<semaphore_mem>>) src(%arg2 : memref<10240xf32, #tpu.memory_space<hbm>>) dst(%arg8 : memref<10240xf32, #tpu.memory_space<vmem>>)
      tpu.yield
    }) : () -> ()
    "tpu.region"() ({
      %run_scoped3A = tpu.sem_alloc : memref<!tpu.dma_semaphore, #tpu.memory_space<semaphore_mem>>
      tpu.enqueue_dma source(%arg3 : memref<10240xf32, #tpu.memory_space<hbm>>) target(%arg9 : memref<10240xf32, #tpu.memory_space<vmem>>) target_semaphore(%run_scoped3A : memref<!tpu.dma_semaphore, #tpu.memory_space<semaphore_mem>>)
      tpu.wait_dma2 semaphore(%run_scoped3A : memref<!tpu.dma_semaphore, #tpu.memory_space<semaphore_mem>>) src(%arg3 : memref<10240xf32, #tpu.memory_space<hbm>>) dst(%arg9 : memref<10240xf32, #tpu.memory_space<vmem>>)
      tpu.yield
    }) : () -> ()
    %mul3A_1 = arith.constant 5376 : i32
    %mul3A_2 = arith.muli %add3A, %mul3A_1 : i32
    "tpu.region"() ({
      %run_scoped3A = tpu.sem_alloc : memref<!tpu.dma_semaphore, #tpu.memory_space<semaphore_mem>>
      %dma_start3A = tpu.memref_slice %arg4[%mul3A_2] : memref<172032xi32, #tpu.memory_space<hbm>> -> memref<5376xi32, #tpu.memory_space<hbm>>
      %dma_start3A_31 = tpu.memref_slice %arg4[%mul3A_2] : memref<172032xi32, #tpu.memory_space<hbm>> -> memref<5376xi32, #tpu.memory_space<hbm>>
      tpu.enqueue_dma source(%dma_start3A_31 : memref<5376xi32, #tpu.memory_space<hbm>>) target(%arg10 : memref<5376xi32, #tpu.memory_space<vmem>>) target_semaphore(%run_scoped3A : memref<!tpu.dma_semaphore, #tpu.memory_space<semaphore_mem>>)
      %dma_wait3A = tpu.memref_slice %arg4[%mul3A_2] : memref<172032xi32, #tpu.memory_space<hbm>> -> memref<5376xi32, #tpu.memory_space<hbm>>
      %dma_wait3A_32 = tpu.memref_slice %arg4[%mul3A_2] : memref<172032xi32, #tpu.memory_space<hbm>> -> memref<5376xi32, #tpu.memory_space<hbm>>
      tpu.wait_dma2 semaphore(%run_scoped3A : memref<!tpu.dma_semaphore, #tpu.memory_space<semaphore_mem>>) src(%dma_wait3A_32 : memref<5376xi32, #tpu.memory_space<hbm>>) dst(%arg10 : memref<5376xi32, #tpu.memory_space<vmem>>)
      tpu.yield
    }) : () -> ()
    %mul3A_3 = arith.constant 5376 : i32
    %mul3A_4 = arith.muli %add3A, %mul3A_3 : i32
    "tpu.region"() ({
      %run_scoped3A = tpu.sem_alloc : memref<!tpu.dma_semaphore, #tpu.memory_space<semaphore_mem>>
      %dma_start3A = tpu.memref_slice %arg5[%mul3A_4] : memref<172032xi32, #tpu.memory_space<hbm>> -> memref<5376xi32, #tpu.memory_space<hbm>>
      %dma_start3A_31 = tpu.memref_slice %arg5[%mul3A_4] : memref<172032xi32, #tpu.memory_space<hbm>> -> memref<5376xi32, #tpu.memory_space<hbm>>
      tpu.enqueue_dma source(%dma_start3A_31 : memref<5376xi32, #tpu.memory_space<hbm>>) target(%arg11 : memref<5376xi32, #tpu.memory_space<vmem>>) target_semaphore(%run_scoped3A : memref<!tpu.dma_semaphore, #tpu.memory_space<semaphore_mem>>)
      %dma_wait3A = tpu.memref_slice %arg5[%mul3A_4] : memref<172032xi32, #tpu.memory_space<hbm>> -> memref<5376xi32, #tpu.memory_space<hbm>>
      %dma_wait3A_32 = tpu.memref_slice %arg5[%mul3A_4] : memref<172032xi32, #tpu.memory_space<hbm>> -> memref<5376xi32, #tpu.memory_space<hbm>>
      tpu.wait_dma2 semaphore(%run_scoped3A : memref<!tpu.dma_semaphore, #tpu.memory_space<semaphore_mem>>) src(%dma_wait3A_32 : memref<5376xi32, #tpu.memory_space<hbm>>) dst(%arg11 : memref<5376xi32, #tpu.memory_space<vmem>>)
      tpu.yield
    }) : () -> ()
    %broadcast_in_dim3A = arith.constant 0.000000e+00 : f32
    %broadcast_in_dim3A_5 = vector.broadcast %broadcast_in_dim3A : f32 to vector<16xf32>
    %broadcast_in_dim3A_6 = arith.constant 1.000000e+00 : f32
    %broadcast_in_dim3A_7 = vector.broadcast %broadcast_in_dim3A_6 : f32 to vector<16xf32>
    %iota3A = tpu.iota {dimensions = array<i32: 0>} : vector<16xi32>
    %scan3A = arith.constant 0 : i32
    %scan3A_8 = arith.constant 0 : i32
    %scan3A_9 = arith.constant 64 : i32
    %scan3A_10 = arith.addi %scan3A_8, %scan3A_9 : i32
    %scan3A_11 = arith.constant 1 : i32
    %scan3A_12 = scf.for %scan3A_31 = %scan3A_8 to %scan3A_10 step %scan3A_11 iter_args(%scan3A_32 = %scan3A) -> (i32)  : i32 {
      %swap3A = arith.index_cast %scan3A_31 : i32 to index
      %swap3A_33 = arith.constant 0 : index
      %swap3A_34 = tpu.vector_load %arg13[%swap3A, %swap3A_33] {strides = array<i32>} : memref<64x128xf32, #tpu.memory_space<vmem>>, vector<16xf32>,
      tpu.vector_store %arg13[%swap3A, %swap3A_33], %broadcast_in_dim3A_5 {strides = array<i32>} : memref<64x128xf32, #tpu.memory_space<vmem>>, vector<16xf32>,
      %swap3A_35 = arith.index_cast %scan3A_31 : i32 to index
      %swap3A_36 = arith.constant 16 : index
      %swap3A_37 = tpu.vector_load %arg13[%swap3A_35, %swap3A_36] {strides = array<i32>} : memref<64x128xf32, #tpu.memory_space<vmem>>, vector<16xf32>,
      tpu.vector_store %arg13[%swap3A_35, %swap3A_36], %broadcast_in_dim3A_5 {strides = array<i32>} : memref<64x128xf32, #tpu.memory_space<vmem>>, vector<16xf32>,
      %swap3A_38 = arith.index_cast %scan3A_31 : i32 to index
      %swap3A_39 = arith.constant 32 : index
      %swap3A_40 = tpu.vector_load %arg13[%swap3A_38, %swap3A_39] {strides = array<i32>} : memref<64x128xf32, #tpu.memory_space<vmem>>, vector<16xf32>,
      tpu.vector_store %arg13[%swap3A_38, %swap3A_39], %broadcast_in_dim3A_5 {strides = array<i32>} : memref<64x128xf32, #tpu.memory_space<vmem>>, vector<16xf32>,
      %swap3A_41 = arith.index_cast %scan3A_31 : i32 to index
      %swap3A_42 = arith.constant 48 : index
      %swap3A_43 = tpu.vector_load %arg13[%swap3A_41, %swap3A_42] {strides = array<i32>} : memref<64x128xf32, #tpu.memory_space<vmem>>, vector<16xf32>,
      tpu.vector_store %arg13[%swap3A_41, %swap3A_42], %broadcast_in_dim3A_5 {strides = array<i32>} : memref<64x128xf32, #tpu.memory_space<vmem>>, vector<16xf32>,
      %swap3A_44 = arith.index_cast %scan3A_31 : i32 to index
      %swap3A_45 = arith.constant 64 : index
      %swap3A_46 = tpu.vector_load %arg13[%swap3A_44, %swap3A_45] {strides = array<i32>} : memref<64x128xf32, #tpu.memory_space<vmem>>, vector<16xf32>,
      tpu.vector_store %arg13[%swap3A_44, %swap3A_45], %broadcast_in_dim3A_5 {strides = array<i32>} : memref<64x128xf32, #tpu.memory_space<vmem>>, vector<16xf32>,
      %swap3A_47 = arith.index_cast %scan3A_31 : i32 to index
      %swap3A_48 = arith.constant 80 : index
      %swap3A_49 = tpu.vector_load %arg13[%swap3A_47, %swap3A_48] {strides = array<i32>} : memref<64x128xf32, #tpu.memory_space<vmem>>, vector<16xf32>,
      tpu.vector_store %arg13[%swap3A_47, %swap3A_48], %broadcast_in_dim3A_5 {strides = array<i32>} : memref<64x128xf32, #tpu.memory_space<vmem>>, vector<16xf32>,
      %swap3A_50 = arith.index_cast %scan3A_31 : i32 to index
      %swap3A_51 = arith.constant 96 : index
      %swap3A_52 = tpu.vector_load %arg13[%swap3A_50, %swap3A_51] {strides = array<i32>} : memref<64x128xf32, #tpu.memory_space<vmem>>, vector<16xf32>,
      tpu.vector_store %arg13[%swap3A_50, %swap3A_51], %broadcast_in_dim3A_5 {strides = array<i32>} : memref<64x128xf32, #tpu.memory_space<vmem>>, vector<16xf32>,
      %swap3A_53 = arith.index_cast %scan3A_31 : i32 to index
      %swap3A_54 = arith.constant 112 : index
      %swap3A_55 = tpu.vector_load %arg13[%swap3A_53, %swap3A_54] {strides = array<i32>} : memref<64x128xf32, #tpu.memory_space<vmem>>, vector<16xf32>,
      tpu.vector_store %arg13[%swap3A_53, %swap3A_54], %broadcast_in_dim3A_5 {strides = array<i32>} : memref<64x128xf32, #tpu.memory_space<vmem>>, vector<16xf32>,
      %scan3A_56 = arith.constant 0 : i32
      scf.yield %scan3A_56 : i32
    }
    %scan3A_13 = arith.constant 64 : i32
    %lt3A = arith.constant 10 : i32
    %lt3A_14 = arith.cmpi slt, %arg1, %lt3A : i32
    %convert_element_type3A = arith.extui %lt3A_14 : i1 to i32
    %cond3A = arith.constant 0 : i32
    %cond3A_15 = arith.cmpi ne, %convert_element_type3A, %cond3A : i32
    scf.if %cond3A_15 {
      %mul3A_31 = arith.constant 16 : i32
      %mul3A_32 = arith.muli %arg1, %mul3A_31 : i32
      "tpu.region"() ({
        %run_scoped3A = tpu.sem_alloc : memref<!tpu.dma_semaphore, #tpu.memory_space<semaphore_mem>>
        %dma_start3A = arith.constant 0 : i32
        %dma_start3A_33 = arith.constant 0 : i32
        %dma_start3A_34 = tpu.memref_slice %arg13[%dma_start3A, %dma_start3A_33] : memref<64x128xf32, #tpu.memory_space<vmem>> -> memref<16x128xf32, #tpu.memory_space<vmem>>
        %dma_start3A_35 = arith.constant 0 : i32
        %dma_start3A_36 = tpu.memref_slice %arg15[%mul3A_32, %dma_start3A_35] : memref<160x128xf32, #tpu.memory_space<vmem_shared>> -> memref<16x128xf32, #tpu.memory_space<vmem_shared>>
        %dma_start3A_37 = arith.constant 0 : i32
        %dma_start3A_38 = tpu.memref_slice %arg15[%mul3A_32, %dma_start3A_37] : memref<160x128xf32, #tpu.memory_space<vmem_shared>> -> memref<16x128xf32, #tpu.memory_space<vmem_shared>>
        %dma_start3A_39 = arith.constant 0 : i32
        %dma_start3A_40 = arith.constant 0 : i32
        %dma_start3A_41 = tpu.memref_slice %arg13[%dma_start3A_39, %dma_start3A_40] : memref<64x128xf32, #tpu.memory_space<vmem>> -> memref<16x128xf32, #tpu.memory_space<vmem>>
        tpu.enqueue_dma source(%dma_start3A_41 : memref<16x128xf32, #tpu.memory_space<vmem>>) target(%dma_start3A_38 : memref<16x128xf32, #tpu.memory_space<vmem_shared>>) target_semaphore(%run_scoped3A : memref<!tpu.dma_semaphore, #tpu.memory_space<semaphore_mem>>)
        %dma_wait3A = arith.constant 0 : i32
        %dma_wait3A_42 = arith.constant 0 : i32
        %dma_wait3A_43 = tpu.memref_slice %arg13[%dma_wait3A, %dma_wait3A_42] : memref<64x128xf32, #tpu.memory_space<vmem>> -> memref<16x128xf32, #tpu.memory_space<vmem>>
        %dma_wait3A_44 = arith.constant 0 : i32
        %dma_wait3A_45 = tpu.memref_slice %arg15[%mul3A_32, %dma_wait3A_44] : memref<160x128xf32, #tpu.memory_space<vmem_shared>> -> memref<16x128xf32, #tpu.memory_space<vmem_shared>>
        %dma_wait3A_46 = arith.constant 0 : i32
        %dma_wait3A_47 = tpu.memref_slice %arg15[%mul3A_32, %dma_wait3A_46] : memref<160x128xf32, #tpu.memory_space<vmem_shared>> -> memref<16x128xf32, #tpu.memory_space<vmem_shared>>
        %dma_wait3A_48 = arith.constant 0 : i32
        %dma_wait3A_49 = arith.constant 0 : i32
        %dma_wait3A_50 = tpu.memref_slice %arg13[%dma_wait3A_48, %dma_wait3A_49] : memref<64x128xf32, #tpu.memory_space<vmem>> -> memref<16x128xf32, #tpu.memory_space<vmem>>
        tpu.wait_dma2 semaphore(%run_scoped3A : memref<!tpu.dma_semaphore, #tpu.memory_space<semaphore_mem>>) src(%dma_wait3A_50 : memref<16x128xf32, #tpu.memory_space<vmem>>) dst(%dma_wait3A_47 : memref<16x128xf32, #tpu.memory_space<vmem_shared>>)
        tpu.yield
      }) : () -> ()
    } else {
    }
    %barrier3A = arith.constant 0 : index
    tpu.barrier barrier_id(%barrier3A)
    %scan3A_16 = arith.constant 0 : i32
    %scan3A_17 = arith.constant 0 : i32
    %scan3A_18 = arith.constant 84 : i32
    %scan3A_19 = arith.addi %scan3A_17, %scan3A_18 : i32
    %scan3A_20 = arith.constant 1 : i32
    %scan3A_21 = scf.for %scan3A_31 = %scan3A_17 to %scan3A_19 step %scan3A_20 iter_args(%scan3A_32 = %scan3A_16) -> (i32)  : i32 {
      %mul3A_33 = arith.constant 64 : i32
      %mul3A_34 = arith.muli %scan3A_31, %mul3A_33 : i32
      %add3A_35 = arith.constant 0 : i32
      %add3A_36 = arith.addi %mul3A_34, %add3A_35 : i32
      %get3A = arith.index_cast %add3A_36 : i32 to index
      %get3A_37 = tpu.vector_load %arg10[%get3A] {strides = array<i32>} : memref<5376xi32, #tpu.memory_space<vmem>>, vector<16xi32>,
      %mul3A_38 = arith.constant 64 : i32
      %mul3A_39 = arith.muli %scan3A_31, %mul3A_38 : i32
      %add3A_40 = arith.constant 0 : i32
      %add3A_41 = arith.addi %mul3A_39, %add3A_40 : i32
      %get3A_42 = arith.index_cast %add3A_41 : i32 to index
      %get3A_43 = tpu.vector_load %arg11[%get3A_42] {strides = array<i32>} : memref<5376xi32, #tpu.memory_space<vmem>>, vector<16xi32>,
      %gather3A = tpu.vector_load_idx %arg8[%get3A_37] : memref<10240xf32, #tpu.memory_space<vmem>>[vector<16xi32>], vector<16xf32>,
      %gather3A_44 = tpu.vector_load_idx %arg9[%get3A_43] : memref<10240xf32, #tpu.memory_space<vmem>>[vector<16xi32>], vector<16xf32>,
      %add3A_45 = arith.addf %gather3A, %gather3A_44 : vector<16xf32>
      %lt3A_46 = arith.constant 0.000000e+00 : f32
      %lt3A_47 = vector.broadcast %lt3A_46 : f32 to vector<16xf32>
      %lt3A_48 = arith.cmpf olt, %add3A_45, %lt3A_47 : vector<16xf32>
      %mul3A_49 = arith.constant 2.000000e-01 : f32
      %mul3A_50 = vector.broadcast %mul3A_49 : f32 to vector<16xf32>
      %mul3A_51 = arith.mulf %add3A_45, %mul3A_50 : vector<16xf32>
      %select_n3A = arith.select %lt3A_48, %mul3A_51, %add3A_45 : vector<16xi1>, vector<16xf32>
      %exp3A = math.exp %select_n3A : vector<16xf32>
      %mul3A_52 = arith.constant 64 : i32
      %mul3A_53 = arith.muli %scan3A_31, %mul3A_52 : i32
      %add3A_54 = arith.constant 0 : i32
      %add3A_55 = arith.addi %mul3A_53, %add3A_54 : i32
      %swap3A = arith.index_cast %add3A_55 : i32 to index
      %swap3A_56 = tpu.vector_load %arg12[%swap3A] {strides = array<i32>} : memref<5376xf32, #tpu.memory_space<vmem>>, vector<16xf32>,
      tpu.vector_store %arg12[%swap3A], %exp3A {strides = array<i32>} : memref<5376xf32, #tpu.memory_space<vmem>>, vector<16xf32>,
      %broadcast_in_dim3A_57 = arith.constant 0 : i32
      %broadcast_in_dim3A_58 = vector.broadcast %broadcast_in_dim3A_57 : i32 to vector<16xi32>
      %add3A_59 = arith.addi %broadcast_in_dim3A_58, %iota3A : vector<16xi32>
      %and3A = arith.constant 63 : i32
      %and3A_60 = vector.broadcast %and3A : i32 to vector<16xi32>
      %and3A_61 = arith.andi %get3A_43, %and3A_60 : vector<16xi32>
      %mul3A_62 = arith.constant 2 : i32
      %mul3A_63 = vector.broadcast %mul3A_62 : i32 to vector<16xi32>
      %mul3A_64 = arith.muli %and3A_61, %mul3A_63 : vector<16xi32>
      tpu.vector_store_idx %arg13[%add3A_59, %mul3A_64], %exp3A : memref<64x128xf32, #tpu.memory_space<vmem>>[vector<16xi32>, vector<16xi32>], vector<16xf32>,
      %add3A_65 = arith.constant 1 : i32
      %add3A_66 = vector.broadcast %add3A_65 : i32 to vector<16xi32>
      %add3A_67 = arith.addi %mul3A_64, %add3A_66 : vector<16xi32>
      tpu.vector_store_idx %arg13[%add3A_59, %add3A_67], %broadcast_in_dim3A_7 : memref<64x128xf32, #tpu.memory_space<vmem>>[vector<16xi32>, vector<16xi32>], vector<16xf32>,
      %shift_right_logical3A = arith.constant 6 : i32
      %shift_right_logical3A_68 = vector.broadcast %shift_right_logical3A : i32 to vector<16xi32>
      %shift_right_logical3A_69 = arith.shrui %get3A_43, %shift_right_logical3A_68 : vector<16xi32>
      %swap3A_70 = arith.constant 0 : i32
      %swap3A_71 = arith.index_cast %swap3A_70 : i32 to index
      %swap3A_72 = arith.constant 0 : index
      %swap3A_73 = tpu.vector_load %arg14[%swap3A_71, %swap3A_72] {strides = array<i32>} : memref<1x64xi32, #tpu.memory_space<vmem>>, vector<16xi32>,
      tpu.vector_store %arg14[%swap3A_71, %swap3A_72], %shift_right_logical3A_69 {strides = array<i32>} : memref<1x64xi32, #tpu.memory_space<vmem>>, vector<16xi32>,
      %mul3A_74 = arith.constant 64 : i32
      %mul3A_75 = arith.muli %scan3A_31, %mul3A_74 : i32
      %add3A_76 = arith.constant 16 : i32
      %add3A_77 = arith.addi %mul3A_75, %add3A_76 : i32
      %get3A_78 = arith.index_cast %add3A_77 : i32 to index
      %get3A_79 = tpu.vector_load %arg10[%get3A_78] {strides = array<i32>} : memref<5376xi32, #tpu.memory_space<vmem>>, vector<16xi32>,
      %mul3A_80 = arith.constant 64 : i32
      %mul3A_81 = arith.muli %scan3A_31, %mul3A_80 : i32
      %add3A_82 = arith.constant 16 : i32
      %add3A_83 = arith.addi %mul3A_81, %add3A_82 : i32
      %get3A_84 = arith.index_cast %add3A_83 : i32 to index
      %get3A_85 = tpu.vector_load %arg11[%get3A_84] {strides = array<i32>} : memref<5376xi32, #tpu.memory_space<vmem>>, vector<16xi32>,
      %gather3A_86 = tpu.vector_load_idx %arg8[%get3A_79] : memref<10240xf32, #tpu.memory_space<vmem>>[vector<16xi32>], vector<16xf32>,
      %gather3A_87 = tpu.vector_load_idx %arg9[%get3A_85] : memref<10240xf32, #tpu.memory_space<vmem>>[vector<16xi32>], vector<16xf32>,
      %add3A_88 = arith.addf %gather3A_86, %gather3A_87 : vector<16xf32>
      %lt3A_89 = arith.constant 0.000000e+00 : f32
      %lt3A_90 = vector.broadcast %lt3A_89 : f32 to vector<16xf32>
      %lt3A_91 = arith.cmpf olt, %add3A_88, %lt3A_90 : vector<16xf32>
      %mul3A_92 = arith.constant 2.000000e-01 : f32
      %mul3A_93 = vector.broadcast %mul3A_92 : f32 to vector<16xf32>
      %mul3A_94 = arith.mulf %add3A_88, %mul3A_93 : vector<16xf32>
      %select_n3A_95 = arith.select %lt3A_91, %mul3A_94, %add3A_88 : vector<16xi1>, vector<16xf32>
      %exp3A_96 = math.exp %select_n3A_95 : vector<16xf32>
      %mul3A_97 = arith.constant 64 : i32
      %mul3A_98 = arith.muli %scan3A_31, %mul3A_97 : i32
      %add3A_99 = arith.constant 16 : i32
      %add3A_100 = arith.addi %mul3A_98, %add3A_99 : i32
      %swap3A_101 = arith.index_cast %add3A_100 : i32 to index
      %swap3A_102 = tpu.vector_load %arg12[%swap3A_101] {strides = array<i32>} : memref<5376xf32, #tpu.memory_space<vmem>>, vector<16xf32>,
      tpu.vector_store %arg12[%swap3A_101], %exp3A_96 {strides = array<i32>} : memref<5376xf32, #tpu.memory_space<vmem>>, vector<16xf32>,
      %broadcast_in_dim3A_103 = arith.constant 16 : i32
      %broadcast_in_dim3A_104 = vector.broadcast %broadcast_in_dim3A_103 : i32 to vector<16xi32>
      %add3A_105 = arith.addi %broadcast_in_dim3A_104, %iota3A : vector<16xi32>
      %and3A_106 = arith.constant 63 : i32
      %and3A_107 = vector.broadcast %and3A_106 : i32 to vector<16xi32>
      %and3A_108 = arith.andi %get3A_85, %and3A_107 : vector<16xi32>
      %mul3A_109 = arith.constant 2 : i32
      %mul3A_110 = vector.broadcast %mul3A_109 : i32 to vector<16xi32>
      %mul3A_111 = arith.muli %and3A_108, %mul3A_110 : vector<16xi32>
      tpu.vector_store_idx %arg13[%add3A_105, %mul3A_111], %exp3A_96 : memref<64x128xf32, #tpu.memory_space<vmem>>[vector<16xi32>, vector<16xi32>], vector<16xf32>,
      %add3A_112 = arith.constant 1 : i32
      %add3A_113 = vector.broadcast %add3A_112 : i32 to vector<16xi32>
      %add3A_114 = arith.addi %mul3A_111, %add3A_113 : vector<16xi32>
      tpu.vector_store_idx %arg13[%add3A_105, %add3A_114], %broadcast_in_dim3A_7 : memref<64x128xf32, #tpu.memory_space<vmem>>[vector<16xi32>, vector<16xi32>], vector<16xf32>,
      %shift_right_logical3A_115 = arith.constant 6 : i32
      %shift_right_logical3A_116 = vector.broadcast %shift_right_logical3A_115 : i32 to vector<16xi32>
      %shift_right_logical3A_117 = arith.shrui %get3A_85, %shift_right_logical3A_116 : vector<16xi32>
      %swap3A_118 = arith.constant 0 : i32
      %swap3A_119 = arith.index_cast %swap3A_118 : i32 to index
      %swap3A_120 = arith.constant 16 : index
      %swap3A_121 = tpu.vector_load %arg14[%swap3A_119, %swap3A_120] {strides = array<i32>} : memref<1x64xi32, #tpu.memory_space<vmem>>, vector<16xi32>,
      tpu.vector_store %arg14[%swap3A_119, %swap3A_120], %shift_right_logical3A_117 {strides = array<i32>} : memref<1x64xi32, #tpu.memory_space<vmem>>, vector<16xi32>,
      %mul3A_122 = arith.constant 64 : i32
      %mul3A_123 = arith.muli %scan3A_31, %mul3A_122 : i32
      %add3A_124 = arith.constant 32 : i32
      %add3A_125 = arith.addi %mul3A_123, %add3A_124 : i32
      %get3A_126 = arith.index_cast %add3A_125 : i32 to index
      %get3A_127 = tpu.vector_load %arg10[%get3A_126] {strides = array<i32>} : memref<5376xi32, #tpu.memory_space<vmem>>, vector<16xi32>,
      %mul3A_128 = arith.constant 64 : i32
      %mul3A_129 = arith.muli %scan3A_31, %mul3A_128 : i32
      %add3A_130 = arith.constant 32 : i32
      %add3A_131 = arith.addi %mul3A_129, %add3A_130 : i32
      %get3A_132 = arith.index_cast %add3A_131 : i32 to index
      %get3A_133 = tpu.vector_load %arg11[%get3A_132] {strides = array<i32>} : memref<5376xi32, #tpu.memory_space<vmem>>, vector<16xi32>,
      %gather3A_134 = tpu.vector_load_idx %arg8[%get3A_127] : memref<10240xf32, #tpu.memory_space<vmem>>[vector<16xi32>], vector<16xf32>,
      %gather3A_135 = tpu.vector_load_idx %arg9[%get3A_133] : memref<10240xf32, #tpu.memory_space<vmem>>[vector<16xi32>], vector<16xf32>,
      %add3A_136 = arith.addf %gather3A_134, %gather3A_135 : vector<16xf32>
      %lt3A_137 = arith.constant 0.000000e+00 : f32
      %lt3A_138 = vector.broadcast %lt3A_137 : f32 to vector<16xf32>
      %lt3A_139 = arith.cmpf olt, %add3A_136, %lt3A_138 : vector<16xf32>
      %mul3A_140 = arith.constant 2.000000e-01 : f32
      %mul3A_141 = vector.broadcast %mul3A_140 : f32 to vector<16xf32>
      %mul3A_142 = arith.mulf %add3A_136, %mul3A_141 : vector<16xf32>
      %select_n3A_143 = arith.select %lt3A_139, %mul3A_142, %add3A_136 : vector<16xi1>, vector<16xf32>
      %exp3A_144 = math.exp %select_n3A_143 : vector<16xf32>
      %mul3A_145 = arith.constant 64 : i32
      %mul3A_146 = arith.muli %scan3A_31, %mul3A_145 : i32
      %add3A_147 = arith.constant 32 : i32
      %add3A_148 = arith.addi %mul3A_146, %add3A_147 : i32
      %swap3A_149 = arith.index_cast %add3A_148 : i32 to index
      %swap3A_150 = tpu.vector_load %arg12[%swap3A_149] {strides = array<i32>} : memref<5376xf32, #tpu.memory_space<vmem>>, vector<16xf32>,
      tpu.vector_store %arg12[%swap3A_149], %exp3A_144 {strides = array<i32>} : memref<5376xf32, #tpu.memory_space<vmem>>, vector<16xf32>,
      %broadcast_in_dim3A_151 = arith.constant 32 : i32
      %broadcast_in_dim3A_152 = vector.broadcast %broadcast_in_dim3A_151 : i32 to vector<16xi32>
      %add3A_153 = arith.addi %broadcast_in_dim3A_152, %iota3A : vector<16xi32>
      %and3A_154 = arith.constant 63 : i32
      %and3A_155 = vector.broadcast %and3A_154 : i32 to vector<16xi32>
      %and3A_156 = arith.andi %get3A_133, %and3A_155 : vector<16xi32>
      %mul3A_157 = arith.constant 2 : i32
      %mul3A_158 = vector.broadcast %mul3A_157 : i32 to vector<16xi32>
      %mul3A_159 = arith.muli %and3A_156, %mul3A_158 : vector<16xi32>
      tpu.vector_store_idx %arg13[%add3A_153, %mul3A_159], %exp3A_144 : memref<64x128xf32, #tpu.memory_space<vmem>>[vector<16xi32>, vector<16xi32>], vector<16xf32>,
      %add3A_160 = arith.constant 1 : i32
      %add3A_161 = vector.broadcast %add3A_160 : i32 to vector<16xi32>
      %add3A_162 = arith.addi %mul3A_159, %add3A_161 : vector<16xi32>
      tpu.vector_store_idx %arg13[%add3A_153, %add3A_162], %broadcast_in_dim3A_7 : memref<64x128xf32, #tpu.memory_space<vmem>>[vector<16xi32>, vector<16xi32>], vector<16xf32>,
      %shift_right_logical3A_163 = arith.constant 6 : i32
      %shift_right_logical3A_164 = vector.broadcast %shift_right_logical3A_163 : i32 to vector<16xi32>
      %shift_right_logical3A_165 = arith.shrui %get3A_133, %shift_right_logical3A_164 : vector<16xi32>
      %swap3A_166 = arith.constant 0 : i32
      %swap3A_167 = arith.index_cast %swap3A_166 : i32 to index
      %swap3A_168 = arith.constant 32 : index
      %swap3A_169 = tpu.vector_load %arg14[%swap3A_167, %swap3A_168] {strides = array<i32>} : memref<1x64xi32, #tpu.memory_space<vmem>>, vector<16xi32>,
      tpu.vector_store %arg14[%swap3A_167, %swap3A_168], %shift_right_logical3A_165 {strides = array<i32>} : memref<1x64xi32, #tpu.memory_space<vmem>>, vector<16xi32>,
      %mul3A_170 = arith.constant 64 : i32
      %mul3A_171 = arith.muli %scan3A_31, %mul3A_170 : i32
      %add3A_172 = arith.constant 48 : i32
      %add3A_173 = arith.addi %mul3A_171, %add3A_172 : i32
      %get3A_174 = arith.index_cast %add3A_173 : i32 to index
      %get3A_175 = tpu.vector_load %arg10[%get3A_174] {strides = array<i32>} : memref<5376xi32, #tpu.memory_space<vmem>>, vector<16xi32>,
      %mul3A_176 = arith.constant 64 : i32
      %mul3A_177 = arith.muli %scan3A_31, %mul3A_176 : i32
      %add3A_178 = arith.constant 48 : i32
      %add3A_179 = arith.addi %mul3A_177, %add3A_178 : i32
      %get3A_180 = arith.index_cast %add3A_179 : i32 to index
      %get3A_181 = tpu.vector_load %arg11[%get3A_180] {strides = array<i32>} : memref<5376xi32, #tpu.memory_space<vmem>>, vector<16xi32>,
      %gather3A_182 = tpu.vector_load_idx %arg8[%get3A_175] : memref<10240xf32, #tpu.memory_space<vmem>>[vector<16xi32>], vector<16xf32>,
      %gather3A_183 = tpu.vector_load_idx %arg9[%get3A_181] : memref<10240xf32, #tpu.memory_space<vmem>>[vector<16xi32>], vector<16xf32>,
      %add3A_184 = arith.addf %gather3A_182, %gather3A_183 : vector<16xf32>
      %lt3A_185 = arith.constant 0.000000e+00 : f32
      %lt3A_186 = vector.broadcast %lt3A_185 : f32 to vector<16xf32>
      %lt3A_187 = arith.cmpf olt, %add3A_184, %lt3A_186 : vector<16xf32>
      %mul3A_188 = arith.constant 2.000000e-01 : f32
      %mul3A_189 = vector.broadcast %mul3A_188 : f32 to vector<16xf32>
      %mul3A_190 = arith.mulf %add3A_184, %mul3A_189 : vector<16xf32>
      %select_n3A_191 = arith.select %lt3A_187, %mul3A_190, %add3A_184 : vector<16xi1>, vector<16xf32>
      %exp3A_192 = math.exp %select_n3A_191 : vector<16xf32>
      %mul3A_193 = arith.constant 64 : i32
      %mul3A_194 = arith.muli %scan3A_31, %mul3A_193 : i32
      %add3A_195 = arith.constant 48 : i32
      %add3A_196 = arith.addi %mul3A_194, %add3A_195 : i32
      %swap3A_197 = arith.index_cast %add3A_196 : i32 to index
      %swap3A_198 = tpu.vector_load %arg12[%swap3A_197] {strides = array<i32>} : memref<5376xf32, #tpu.memory_space<vmem>>, vector<16xf32>,
      tpu.vector_store %arg12[%swap3A_197], %exp3A_192 {strides = array<i32>} : memref<5376xf32, #tpu.memory_space<vmem>>, vector<16xf32>,
      %broadcast_in_dim3A_199 = arith.constant 48 : i32
      %broadcast_in_dim3A_200 = vector.broadcast %broadcast_in_dim3A_199 : i32 to vector<16xi32>
      %add3A_201 = arith.addi %broadcast_in_dim3A_200, %iota3A : vector<16xi32>
      %and3A_202 = arith.constant 63 : i32
      %and3A_203 = vector.broadcast %and3A_202 : i32 to vector<16xi32>
      %and3A_204 = arith.andi %get3A_181, %and3A_203 : vector<16xi32>
      %mul3A_205 = arith.constant 2 : i32
      %mul3A_206 = vector.broadcast %mul3A_205 : i32 to vector<16xi32>
      %mul3A_207 = arith.muli %and3A_204, %mul3A_206 : vector<16xi32>
      tpu.vector_store_idx %arg13[%add3A_201, %mul3A_207], %exp3A_192 : memref<64x128xf32, #tpu.memory_space<vmem>>[vector<16xi32>, vector<16xi32>], vector<16xf32>,
      %add3A_208 = arith.constant 1 : i32
      %add3A_209 = vector.broadcast %add3A_208 : i32 to vector<16xi32>
      %add3A_210 = arith.addi %mul3A_207, %add3A_209 : vector<16xi32>
      tpu.vector_store_idx %arg13[%add3A_201, %add3A_210], %broadcast_in_dim3A_7 : memref<64x128xf32, #tpu.memory_space<vmem>>[vector<16xi32>, vector<16xi32>], vector<16xf32>,
      %shift_right_logical3A_211 = arith.constant 6 : i32
      %shift_right_logical3A_212 = vector.broadcast %shift_right_logical3A_211 : i32 to vector<16xi32>
      %shift_right_logical3A_213 = arith.shrui %get3A_181, %shift_right_logical3A_212 : vector<16xi32>
      %swap3A_214 = arith.constant 0 : i32
      %swap3A_215 = arith.index_cast %swap3A_214 : i32 to index
      %swap3A_216 = arith.constant 48 : index
      %swap3A_217 = tpu.vector_load %arg14[%swap3A_215, %swap3A_216] {strides = array<i32>} : memref<1x64xi32, #tpu.memory_space<vmem>>, vector<16xi32>,
      tpu.vector_store %arg14[%swap3A_215, %swap3A_216], %shift_right_logical3A_213 {strides = array<i32>} : memref<1x64xi32, #tpu.memory_space<vmem>>, vector<16xi32>,
      %run_scoped3A = arith.constant 0 : i32
      "tpu.region"() ({
        %run_scoped3A_291 = tpu.sem_alloc : memref<!tpu.dma_semaphore, #tpu.memory_space<semaphore_mem>>
        %dma_start3A = arith.constant 0 : i32
        %dma_start3A_292 = tpu.memref_slice %arg14[%run_scoped3A, %dma_start3A] : memref<1x64xi32, #tpu.memory_space<vmem>> -> memref<1x64xi32, #tpu.memory_space<vmem>>
        %dma_start3A_293 = tpu.memref_squeeze %dma_start3A_292 : memref<1x64xi32, #tpu.memory_space<vmem>> -> memref<64xi32, #tpu.memory_space<vmem>>
        %dma_start3A_294 = arith.constant 0 : i32
        %dma_start3A_295 = arith.constant 0 : i32
        %dma_start3A_296 = tpu.memref_slice %arg15[%dma_start3A_294, %dma_start3A_295] : memref<160x128xf32, #tpu.memory_space<vmem_shared>> -> memref<160x128xf32, #tpu.memory_space<vmem_shared>>
        tpu.enqueue_indirect_dma source(%arg13 : memref<64x128xf32, #tpu.memory_space<vmem>>) target(%dma_start3A_296 : memref<160x128xf32, #tpu.memory_space<vmem_shared>>) offsets(%dma_start3A_293 : memref<64xi32, #tpu.memory_space<vmem>>) semaphore(%run_scoped3A_291 : memref<!tpu.dma_semaphore, #tpu.memory_space<semaphore_mem>>) {add = true}
        %dma_wait3A = arith.constant 0 : i32
        %dma_wait3A_297 = tpu.memref_slice %arg14[%run_scoped3A, %dma_wait3A] : memref<1x64xi32, #tpu.memory_space<vmem>> -> memref<1x64xi32, #tpu.memory_space<vmem>>
        %dma_wait3A_298 = tpu.memref_squeeze %dma_wait3A_297 : memref<1x64xi32, #tpu.memory_space<vmem>> -> memref<64xi32, #tpu.memory_space<vmem>>
        %dma_wait3A_299 = arith.constant 0 : i32
        %dma_wait3A_300 = arith.constant 0 : i32
        %dma_wait3A_301 = tpu.memref_slice %arg15[%dma_wait3A_299, %dma_wait3A_300] : memref<160x128xf32, #tpu.memory_space<vmem_shared>> -> memref<160x128xf32, #tpu.memory_space<vmem_shared>>
        tpu.wait_indirect_dma semaphore(%run_scoped3A_291 : memref<!tpu.dma_semaphore, #tpu.memory_space<semaphore_mem>>) src(%arg13 : memref<64x128xf32, #tpu.memory_space<vmem>>) dst(%dma_wait3A_301 : memref<160x128xf32, #tpu.memory_space<vmem_shared>>)
        tpu.yield
      }) : () -> ()
      %mul3A_218 = arith.constant 64 : i32
      %mul3A_219 = arith.muli %scan3A_31, %mul3A_218 : i32
      %add3A_220 = arith.constant 0 : i32
      %add3A_221 = arith.addi %mul3A_219, %add3A_220 : i32
      %get3A_222 = arith.index_cast %add3A_221 : i32 to index
      %get3A_223 = tpu.vector_load %arg11[%get3A_222] {strides = array<i32>} : memref<5376xi32, #tpu.memory_space<vmem>>, vector<16xi32>,
      %broadcast_in_dim3A_224 = arith.constant 0 : i32
      %broadcast_in_dim3A_225 = vector.broadcast %broadcast_in_dim3A_224 : i32 to vector<16xi32>
      %add3A_226 = arith.addi %broadcast_in_dim3A_225, %iota3A : vector<16xi32>
      %and3A_227 = arith.constant 63 : i32
      %and3A_228 = vector.broadcast %and3A_227 : i32 to vector<16xi32>
      %and3A_229 = arith.andi %get3A_223, %and3A_228 : vector<16xi32>
      %mul3A_230 = arith.constant 2 : i32
      %mul3A_231 = vector.broadcast %mul3A_230 : i32 to vector<16xi32>
      %mul3A_232 = arith.muli %and3A_229, %mul3A_231 : vector<16xi32>
      tpu.vector_store_idx %arg13[%add3A_226, %mul3A_232], %broadcast_in_dim3A_5 : memref<64x128xf32, #tpu.memory_space<vmem>>[vector<16xi32>, vector<16xi32>], vector<16xf32>,
      %add3A_233 = arith.constant 1 : i32
      %add3A_234 = vector.broadcast %add3A_233 : i32 to vector<16xi32>
      %add3A_235 = arith.addi %mul3A_232, %add3A_234 : vector<16xi32>
      tpu.vector_store_idx %arg13[%add3A_226, %add3A_235], %broadcast_in_dim3A_5 : memref<64x128xf32, #tpu.memory_space<vmem>>[vector<16xi32>, vector<16xi32>], vector<16xf32>,
      %mul3A_236 = arith.constant 64 : i32
      %mul3A_237 = arith.muli %scan3A_31, %mul3A_236 : i32
      %add3A_238 = arith.constant 16 : i32
      %add3A_239 = arith.addi %mul3A_237, %add3A_238 : i32
      %get3A_240 = arith.index_cast %add3A_239 : i32 to index
      %get3A_241 = tpu.vector_load %arg11[%get3A_240] {strides = array<i32>} : memref<5376xi32, #tpu.memory_space<vmem>>, vector<16xi32>,
      %broadcast_in_dim3A_242 = arith.constant 16 : i32
      %broadcast_in_dim3A_243 = vector.broadcast %broadcast_in_dim3A_242 : i32 to vector<16xi32>
      %add3A_244 = arith.addi %broadcast_in_dim3A_243, %iota3A : vector<16xi32>
      %and3A_245 = arith.constant 63 : i32
      %and3A_246 = vector.broadcast %and3A_245 : i32 to vector<16xi32>
      %and3A_247 = arith.andi %get3A_241, %and3A_246 : vector<16xi32>
      %mul3A_248 = arith.constant 2 : i32
      %mul3A_249 = vector.broadcast %mul3A_248 : i32 to vector<16xi32>
      %mul3A_250 = arith.muli %and3A_247, %mul3A_249 : vector<16xi32>
      tpu.vector_store_idx %arg13[%add3A_244, %mul3A_250], %broadcast_in_dim3A_5 : memref<64x128xf32, #tpu.memory_space<vmem>>[vector<16xi32>, vector<16xi32>], vector<16xf32>,
      %add3A_251 = arith.constant 1 : i32
      %add3A_252 = vector.broadcast %add3A_251 : i32 to vector<16xi32>
      %add3A_253 = arith.addi %mul3A_250, %add3A_252 : vector<16xi32>
      tpu.vector_store_idx %arg13[%add3A_244, %add3A_253], %broadcast_in_dim3A_5 : memref<64x128xf32, #tpu.memory_space<vmem>>[vector<16xi32>, vector<16xi32>], vector<16xf32>,
      %mul3A_254 = arith.constant 64 : i32
      %mul3A_255 = arith.muli %scan3A_31, %mul3A_254 : i32
      %add3A_256 = arith.constant 32 : i32
      %add3A_257 = arith.addi %mul3A_255, %add3A_256 : i32
      %get3A_258 = arith.index_cast %add3A_257 : i32 to index
      %get3A_259 = tpu.vector_load %arg11[%get3A_258] {strides = array<i32>} : memref<5376xi32, #tpu.memory_space<vmem>>, vector<16xi32>,
      %broadcast_in_dim3A_260 = arith.constant 32 : i32
      %broadcast_in_dim3A_261 = vector.broadcast %broadcast_in_dim3A_260 : i32 to vector<16xi32>
      %add3A_262 = arith.addi %broadcast_in_dim3A_261, %iota3A : vector<16xi32>
      %and3A_263 = arith.constant 63 : i32
      %and3A_264 = vector.broadcast %and3A_263 : i32 to vector<16xi32>
      %and3A_265 = arith.andi %get3A_259, %and3A_264 : vector<16xi32>
      %mul3A_266 = arith.constant 2 : i32
      %mul3A_267 = vector.broadcast %mul3A_266 : i32 to vector<16xi32>
      %mul3A_268 = arith.muli %and3A_265, %mul3A_267 : vector<16xi32>
      tpu.vector_store_idx %arg13[%add3A_262, %mul3A_268], %broadcast_in_dim3A_5 : memref<64x128xf32, #tpu.memory_space<vmem>>[vector<16xi32>, vector<16xi32>], vector<16xf32>,
      %add3A_269 = arith.constant 1 : i32
      %add3A_270 = vector.broadcast %add3A_269 : i32 to vector<16xi32>
      %add3A_271 = arith.addi %mul3A_268, %add3A_270 : vector<16xi32>
      tpu.vector_store_idx %arg13[%add3A_262, %add3A_271], %broadcast_in_dim3A_5 : memref<64x128xf32, #tpu.memory_space<vmem>>[vector<16xi32>, vector<16xi32>], vector<16xf32>,
      %mul3A_272 = arith.constant 64 : i32
      %mul3A_273 = arith.muli %scan3A_31, %mul3A_272 : i32
      %add3A_274 = arith.constant 48 : i32
      %add3A_275 = arith.addi %mul3A_273, %add3A_274 : i32
      %get3A_276 = arith.index_cast %add3A_275 : i32 to index
      %get3A_277 = tpu.vector_load %arg11[%get3A_276] {strides = array<i32>} : memref<5376xi32, #tpu.memory_space<vmem>>, vector<16xi32>,
      %broadcast_in_dim3A_278 = arith.constant 48 : i32
      %broadcast_in_dim3A_279 = vector.broadcast %broadcast_in_dim3A_278 : i32 to vector<16xi32>
      %add3A_280 = arith.addi %broadcast_in_dim3A_279, %iota3A : vector<16xi32>
      %and3A_281 = arith.constant 63 : i32
      %and3A_282 = vector.broadcast %and3A_281 : i32 to vector<16xi32>
      %and3A_283 = arith.andi %get3A_277, %and3A_282 : vector<16xi32>
      %mul3A_284 = arith.constant 2 : i32
      %mul3A_285 = vector.broadcast %mul3A_284 : i32 to vector<16xi32>
      %mul3A_286 = arith.muli %and3A_283, %mul3A_285 : vector<16xi32>
      tpu.vector_store_idx %arg13[%add3A_280, %mul3A_286], %broadcast_in_dim3A_5 : memref<64x128xf32, #tpu.memory_space<vmem>>[vector<16xi32>, vector<16xi32>], vector<16xf32>,
      %add3A_287 = arith.constant 1 : i32
      %add3A_288 = vector.broadcast %add3A_287 : i32 to vector<16xi32>
      %add3A_289 = arith.addi %mul3A_286, %add3A_288 : vector<16xi32>
      tpu.vector_store_idx %arg13[%add3A_280, %add3A_289], %broadcast_in_dim3A_5 : memref<64x128xf32, #tpu.memory_space<vmem>>[vector<16xi32>, vector<16xi32>], vector<16xf32>,
      %scan3A_290 = arith.constant 0 : i32
      scf.yield %scan3A_290 : i32
    }
    %scan3A_22 = arith.constant 84 : i32
    %mul3A_23 = arith.constant 5376 : i32
    %mul3A_24 = arith.muli %add3A, %mul3A_23 : i32
    "tpu.region"() ({
      %run_scoped3A = tpu.sem_alloc : memref<!tpu.dma_semaphore, #tpu.memory_space<semaphore_mem>>
      %dma_start3A = tpu.memref_slice %arg6[%mul3A_24] : memref<172032xf32, #tpu.memory_space<hbm>> -> memref<5376xf32, #tpu.memory_space<hbm>>
      %dma_start3A_31 = tpu.memref_slice %arg6[%mul3A_24] : memref<172032xf32, #tpu.memory_space<hbm>> -> memref<5376xf32, #tpu.memory_space<hbm>>
      tpu.enqueue_dma source(%arg12 : memref<5376xf32, #tpu.memory_space<vmem>>) target(%dma_start3A_31 : memref<5376xf32, #tpu.memory_space<hbm>>) target_semaphore(%run_scoped3A : memref<!tpu.dma_semaphore, #tpu.memory_space<semaphore_mem>>)
      %dma_wait3A = tpu.memref_slice %arg6[%mul3A_24] : memref<172032xf32, #tpu.memory_space<hbm>> -> memref<5376xf32, #tpu.memory_space<hbm>>
      %dma_wait3A_32 = tpu.memref_slice %arg6[%mul3A_24] : memref<172032xf32, #tpu.memory_space<hbm>> -> memref<5376xf32, #tpu.memory_space<hbm>>
      tpu.wait_dma2 semaphore(%run_scoped3A : memref<!tpu.dma_semaphore, #tpu.memory_space<semaphore_mem>>) src(%arg12 : memref<5376xf32, #tpu.memory_space<vmem>>) dst(%dma_wait3A_32 : memref<5376xf32, #tpu.memory_space<hbm>>)
      tpu.yield
    }) : () -> ()
    %barrier3A_25 = arith.constant 0 : index
    tpu.barrier barrier_id(%barrier3A_25)
    %lt3A_26 = arith.constant 10 : i32
    %lt3A_27 = arith.cmpi slt, %arg1, %lt3A_26 : i32
    %convert_element_type3A_28 = arith.extui %lt3A_27 : i1 to i32
    %cond3A_29 = arith.constant 0 : i32
    %cond3A_30 = arith.cmpi ne, %convert_element_type3A_28, %cond3A_29 : i32
    scf.if %cond3A_30 {
      %mul3A_31 = arith.constant 16 : i32
      %mul3A_32 = arith.muli %arg1, %mul3A_31 : i32
      %mul3A_33 = arith.constant 16 : i32
      %mul3A_34 = arith.muli %arg1, %mul3A_33 : i32
      "tpu.region"() ({
        %run_scoped3A = tpu.sem_alloc : memref<!tpu.dma_semaphore, #tpu.memory_space<semaphore_mem>>
        %dma_start3A = arith.constant 0 : i32
        %dma_start3A_35 = arith.constant 0 : i32
        %dma_start3A_36 = tpu.memref_slice %arg7[%arg0, %dma_start3A, %dma_start3A_35] : memref<2x160x128xf32, #tpu.memory_space<hbm>> -> memref<1x160x128xf32, #tpu.memory_space<hbm>>
        %dma_start3A_37 = tpu.memref_squeeze %dma_start3A_36 : memref<1x160x128xf32, #tpu.memory_space<hbm>> -> memref<160x128xf32, #tpu.memory_space<hbm>>
        %dma_start3A_38 = arith.constant 0 : i32
        %dma_start3A_39 = tpu.memref_slice %dma_start3A_37[%mul3A_34, %dma_start3A_38] : memref<160x128xf32, #tpu.memory_space<hbm>> -> memref<16x128xf32, #tpu.memory_space<hbm>>
        %dma_start3A_40 = arith.constant 0 : i32
        %dma_start3A_41 = tpu.memref_slice %arg15[%mul3A_32, %dma_start3A_40] : memref<160x128xf32, #tpu.memory_space<vmem_shared>> -> memref<16x128xf32, #tpu.memory_space<vmem_shared>>
        tpu.enqueue_dma source(%dma_start3A_41 : memref<16x128xf32, #tpu.memory_space<vmem_shared>>) target(%dma_start3A_39 : memref<16x128xf32, #tpu.memory_space<hbm>>) target_semaphore(%run_scoped3A : memref<!tpu.dma_semaphore, #tpu.memory_space<semaphore_mem>>)
        %dma_wait3A = arith.constant 0 : i32
        %dma_wait3A_42 = arith.constant 0 : i32
        %dma_wait3A_43 = tpu.memref_slice %arg7[%arg0, %dma_wait3A, %dma_wait3A_42] : memref<2x160x128xf32, #tpu.memory_space<hbm>> -> memref<1x160x128xf32, #tpu.memory_space<hbm>>
        %dma_wait3A_44 = tpu.memref_squeeze %dma_wait3A_43 : memref<1x160x128xf32, #tpu.memory_space<hbm>> -> memref<160x128xf32, #tpu.memory_space<hbm>>
        %dma_wait3A_45 = arith.constant 0 : i32
        %dma_wait3A_46 = tpu.memref_slice %dma_wait3A_44[%mul3A_34, %dma_wait3A_45] : memref<160x128xf32, #tpu.memory_space<hbm>> -> memref<16x128xf32, #tpu.memory_space<hbm>>
        %dma_wait3A_47 = arith.constant 0 : i32
        %dma_wait3A_48 = tpu.memref_slice %arg15[%mul3A_32, %dma_wait3A_47] : memref<160x128xf32, #tpu.memory_space<vmem_shared>> -> memref<16x128xf32, #tpu.memory_space<vmem_shared>>
        tpu.wait_dma2 semaphore(%run_scoped3A : memref<!tpu.dma_semaphore, #tpu.memory_space<semaphore_mem>>) src(%dma_wait3A_48 : memref<16x128xf32, #tpu.memory_space<vmem_shared>>) dst(%dma_wait3A_46 : memref<16x128xf32, #tpu.memory_space<hbm>>)
        tpu.yield
      }) : () -> ()
    } else {
    }
    return
  }
}

#map = affine_map<(d0, d1) -> (0)>
#map1 = affine_map<(d0, d1) -> (0, 0, 0)>
module attributes {stable_mosaic.version = 14 : i64} {
  func.func @_sc_edge_w(%arg0: i32, %arg1: i32, %arg2: memref<10240xf32, #tpu.memory_space<hbm>>, %arg3: memref<10240xf32, #tpu.memory_space<hbm>>, %arg4: memref<172032xi32, #tpu.memory_space<hbm>>, %arg5: memref<172032xi32, #tpu.memory_space<hbm>>, %arg6: memref<172032xf32, #tpu.memory_space<hbm>>, %arg7: memref<2x160x128xf32, #tpu.memory_space<hbm>>, %arg8: memref<10240xf32, #tpu.memory_space<vmem>>, %arg9: memref<10240xf32, #tpu.memory_space<vmem>>, %arg10: memref<5376xi32, #tpu.memory_space<vmem>>, %arg11: memref<5376xi32, #tpu.memory_space<vmem>>, %arg12: memref<5376xf32, #tpu.memory_space<vmem>>, %arg13: memref<64x128xf32, #tpu.memory_space<vmem>>, %arg14: memref<1x64xi32, #tpu.memory_space<vmem>>, %arg15: memref<160x128xf32, #tpu.memory_space<vmem_shared>>, %arg16: memref<!tpu.dma_semaphore, #tpu.memory_space<semaphore_mem>>) attributes {dimension_semantics = [#tpu.dimension_semantics<core_parallel>, #tpu.dimension_semantics<subcore_parallel>], iteration_bounds = array<i64: 2, 16>, scalar_prefetch = 0 : i64, scratch_operands = 9 : i64, tpu.core_type = #tpu.core_type<sc_vector_subcore>, window_params = [{transform_indices = #map}, {transform_indices = #map}, {transform_indices = #map}, {transform_indices = #map}, {transform_indices = #map}, {transform_indices = #map1}]} {
    %mul3A = arith.constant 2 : i32
    %mul3A_0 = arith.muli %arg1, %mul3A : i32
    %add3A = arith.addi %mul3A_0, %arg0 : i32
    "tpu.region"() ({
      %run_scoped3A = tpu.sem_alloc : memref<!tpu.dma_semaphore, #tpu.memory_space<semaphore_mem>>
      tpu.enqueue_dma source(%arg2 : memref<10240xf32, #tpu.memory_space<hbm>>) target(%arg8 : memref<10240xf32, #tpu.memory_space<vmem>>) target_semaphore(%run_scoped3A : memref<!tpu.dma_semaphore, #tpu.memory_space<semaphore_mem>>)
      tpu.wait_dma2 semaphore(%run_scoped3A : memref<!tpu.dma_semaphore, #tpu.memory_space<semaphore_mem>>) src(%arg2 : memref<10240xf32, #tpu.memory_space<hbm>>) dst(%arg8 : memref<10240xf32, #tpu.memory_space<vmem>>)
      tpu.yield
    }) : () -> ()
    "tpu.region"() ({
      %run_scoped3A = tpu.sem_alloc : memref<!tpu.dma_semaphore, #tpu.memory_space<semaphore_mem>>
      tpu.enqueue_dma source(%arg3 : memref<10240xf32, #tpu.memory_space<hbm>>) target(%arg9 : memref<10240xf32, #tpu.memory_space<vmem>>) target_semaphore(%run_scoped3A : memref<!tpu.dma_semaphore, #tpu.memory_space<semaphore_mem>>)
      tpu.wait_dma2 semaphore(%run_scoped3A : memref<!tpu.dma_semaphore, #tpu.memory_space<semaphore_mem>>) src(%arg3 : memref<10240xf32, #tpu.memory_space<hbm>>) dst(%arg9 : memref<10240xf32, #tpu.memory_space<vmem>>)
      tpu.yield
    }) : () -> ()
    %mul3A_1 = arith.constant 5376 : i32
    %mul3A_2 = arith.muli %add3A, %mul3A_1 : i32
    "tpu.region"() ({
      %run_scoped3A = tpu.sem_alloc : memref<!tpu.dma_semaphore, #tpu.memory_space<semaphore_mem>>
      %dma_start3A = tpu.memref_slice %arg4[%mul3A_2] : memref<172032xi32, #tpu.memory_space<hbm>> -> memref<5376xi32, #tpu.memory_space<hbm>>
      %dma_start3A_31 = tpu.memref_slice %arg4[%mul3A_2] : memref<172032xi32, #tpu.memory_space<hbm>> -> memref<5376xi32, #tpu.memory_space<hbm>>
      tpu.enqueue_dma source(%dma_start3A_31 : memref<5376xi32, #tpu.memory_space<hbm>>) target(%arg10 : memref<5376xi32, #tpu.memory_space<vmem>>) target_semaphore(%run_scoped3A : memref<!tpu.dma_semaphore, #tpu.memory_space<semaphore_mem>>)
      %dma_wait3A = tpu.memref_slice %arg4[%mul3A_2] : memref<172032xi32, #tpu.memory_space<hbm>> -> memref<5376xi32, #tpu.memory_space<hbm>>
      %dma_wait3A_32 = tpu.memref_slice %arg4[%mul3A_2] : memref<172032xi32, #tpu.memory_space<hbm>> -> memref<5376xi32, #tpu.memory_space<hbm>>
      tpu.wait_dma2 semaphore(%run_scoped3A : memref<!tpu.dma_semaphore, #tpu.memory_space<semaphore_mem>>) src(%dma_wait3A_32 : memref<5376xi32, #tpu.memory_space<hbm>>) dst(%arg10 : memref<5376xi32, #tpu.memory_space<vmem>>)
      tpu.yield
    }) : () -> ()
    %mul3A_3 = arith.constant 5376 : i32
    %mul3A_4 = arith.muli %add3A, %mul3A_3 : i32
    "tpu.region"() ({
      %run_scoped3A = tpu.sem_alloc : memref<!tpu.dma_semaphore, #tpu.memory_space<semaphore_mem>>
      %dma_start3A = tpu.memref_slice %arg5[%mul3A_4] : memref<172032xi32, #tpu.memory_space<hbm>> -> memref<5376xi32, #tpu.memory_space<hbm>>
      %dma_start3A_31 = tpu.memref_slice %arg5[%mul3A_4] : memref<172032xi32, #tpu.memory_space<hbm>> -> memref<5376xi32, #tpu.memory_space<hbm>>
      tpu.enqueue_dma source(%dma_start3A_31 : memref<5376xi32, #tpu.memory_space<hbm>>) target(%arg11 : memref<5376xi32, #tpu.memory_space<vmem>>) target_semaphore(%run_scoped3A : memref<!tpu.dma_semaphore, #tpu.memory_space<semaphore_mem>>)
      %dma_wait3A = tpu.memref_slice %arg5[%mul3A_4] : memref<172032xi32, #tpu.memory_space<hbm>> -> memref<5376xi32, #tpu.memory_space<hbm>>
      %dma_wait3A_32 = tpu.memref_slice %arg5[%mul3A_4] : memref<172032xi32, #tpu.memory_space<hbm>> -> memref<5376xi32, #tpu.memory_space<hbm>>
      tpu.wait_dma2 semaphore(%run_scoped3A : memref<!tpu.dma_semaphore, #tpu.memory_space<semaphore_mem>>) src(%dma_wait3A_32 : memref<5376xi32, #tpu.memory_space<hbm>>) dst(%arg11 : memref<5376xi32, #tpu.memory_space<vmem>>)
      tpu.yield
    }) : () -> ()
    %broadcast_in_dim3A = arith.constant 0.000000e+00 : f32
    %broadcast_in_dim3A_5 = vector.broadcast %broadcast_in_dim3A : f32 to vector<16xf32>
    %broadcast_in_dim3A_6 = arith.constant 1.000000e+00 : f32
    %broadcast_in_dim3A_7 = vector.broadcast %broadcast_in_dim3A_6 : f32 to vector<16xf32>
    %iota3A = tpu.iota {dimensions = array<i32: 0>} : vector<16xi32>
    %scan3A = arith.constant 0 : i32
    %scan3A_8 = arith.constant 0 : i32
    %scan3A_9 = arith.constant 64 : i32
    %scan3A_10 = arith.addi %scan3A_8, %scan3A_9 : i32
    %scan3A_11 = arith.constant 1 : i32
    %scan3A_12 = scf.for %scan3A_31 = %scan3A_8 to %scan3A_10 step %scan3A_11 iter_args(%scan3A_32 = %scan3A) -> (i32)  : i32 {
      %swap3A = arith.index_cast %scan3A_31 : i32 to index
      %swap3A_33 = arith.constant 0 : index
      %swap3A_34 = tpu.vector_load %arg13[%swap3A, %swap3A_33] {strides = array<i32>} : memref<64x128xf32, #tpu.memory_space<vmem>>, vector<16xf32>,
      tpu.vector_store %arg13[%swap3A, %swap3A_33], %broadcast_in_dim3A_5 {strides = array<i32>} : memref<64x128xf32, #tpu.memory_space<vmem>>, vector<16xf32>,
      %swap3A_35 = arith.index_cast %scan3A_31 : i32 to index
      %swap3A_36 = arith.constant 16 : index
      %swap3A_37 = tpu.vector_load %arg13[%swap3A_35, %swap3A_36] {strides = array<i32>} : memref<64x128xf32, #tpu.memory_space<vmem>>, vector<16xf32>,
      tpu.vector_store %arg13[%swap3A_35, %swap3A_36], %broadcast_in_dim3A_5 {strides = array<i32>} : memref<64x128xf32, #tpu.memory_space<vmem>>, vector<16xf32>,
      %swap3A_38 = arith.index_cast %scan3A_31 : i32 to index
      %swap3A_39 = arith.constant 32 : index
      %swap3A_40 = tpu.vector_load %arg13[%swap3A_38, %swap3A_39] {strides = array<i32>} : memref<64x128xf32, #tpu.memory_space<vmem>>, vector<16xf32>,
      tpu.vector_store %arg13[%swap3A_38, %swap3A_39], %broadcast_in_dim3A_5 {strides = array<i32>} : memref<64x128xf32, #tpu.memory_space<vmem>>, vector<16xf32>,
      %swap3A_41 = arith.index_cast %scan3A_31 : i32 to index
      %swap3A_42 = arith.constant 48 : index
      %swap3A_43 = tpu.vector_load %arg13[%swap3A_41, %swap3A_42] {strides = array<i32>} : memref<64x128xf32, #tpu.memory_space<vmem>>, vector<16xf32>,
      tpu.vector_store %arg13[%swap3A_41, %swap3A_42], %broadcast_in_dim3A_5 {strides = array<i32>} : memref<64x128xf32, #tpu.memory_space<vmem>>, vector<16xf32>,
      %swap3A_44 = arith.index_cast %scan3A_31 : i32 to index
      %swap3A_45 = arith.constant 64 : index
      %swap3A_46 = tpu.vector_load %arg13[%swap3A_44, %swap3A_45] {strides = array<i32>} : memref<64x128xf32, #tpu.memory_space<vmem>>, vector<16xf32>,
      tpu.vector_store %arg13[%swap3A_44, %swap3A_45], %broadcast_in_dim3A_5 {strides = array<i32>} : memref<64x128xf32, #tpu.memory_space<vmem>>, vector<16xf32>,
      %swap3A_47 = arith.index_cast %scan3A_31 : i32 to index
      %swap3A_48 = arith.constant 80 : index
      %swap3A_49 = tpu.vector_load %arg13[%swap3A_47, %swap3A_48] {strides = array<i32>} : memref<64x128xf32, #tpu.memory_space<vmem>>, vector<16xf32>,
      tpu.vector_store %arg13[%swap3A_47, %swap3A_48], %broadcast_in_dim3A_5 {strides = array<i32>} : memref<64x128xf32, #tpu.memory_space<vmem>>, vector<16xf32>,
      %swap3A_50 = arith.index_cast %scan3A_31 : i32 to index
      %swap3A_51 = arith.constant 96 : index
      %swap3A_52 = tpu.vector_load %arg13[%swap3A_50, %swap3A_51] {strides = array<i32>} : memref<64x128xf32, #tpu.memory_space<vmem>>, vector<16xf32>,
      tpu.vector_store %arg13[%swap3A_50, %swap3A_51], %broadcast_in_dim3A_5 {strides = array<i32>} : memref<64x128xf32, #tpu.memory_space<vmem>>, vector<16xf32>,
      %swap3A_53 = arith.index_cast %scan3A_31 : i32 to index
      %swap3A_54 = arith.constant 112 : index
      %swap3A_55 = tpu.vector_load %arg13[%swap3A_53, %swap3A_54] {strides = array<i32>} : memref<64x128xf32, #tpu.memory_space<vmem>>, vector<16xf32>,
      tpu.vector_store %arg13[%swap3A_53, %swap3A_54], %broadcast_in_dim3A_5 {strides = array<i32>} : memref<64x128xf32, #tpu.memory_space<vmem>>, vector<16xf32>,
      %scan3A_56 = arith.constant 0 : i32
      scf.yield %scan3A_56 : i32
    }
    %scan3A_13 = arith.constant 64 : i32
    %lt3A = arith.constant 10 : i32
    %lt3A_14 = arith.cmpi slt, %arg1, %lt3A : i32
    %convert_element_type3A = arith.extui %lt3A_14 : i1 to i32
    %cond3A = arith.constant 0 : i32
    %cond3A_15 = arith.cmpi ne, %convert_element_type3A, %cond3A : i32
    scf.if %cond3A_15 {
      %mul3A_31 = arith.constant 16 : i32
      %mul3A_32 = arith.muli %arg1, %mul3A_31 : i32
      "tpu.region"() ({
        %run_scoped3A = tpu.sem_alloc : memref<!tpu.dma_semaphore, #tpu.memory_space<semaphore_mem>>
        %dma_start3A = arith.constant 0 : i32
        %dma_start3A_33 = arith.constant 0 : i32
        %dma_start3A_34 = tpu.memref_slice %arg13[%dma_start3A, %dma_start3A_33] : memref<64x128xf32, #tpu.memory_space<vmem>> -> memref<16x128xf32, #tpu.memory_space<vmem>>
        %dma_start3A_35 = arith.constant 0 : i32
        %dma_start3A_36 = tpu.memref_slice %arg15[%mul3A_32, %dma_start3A_35] : memref<160x128xf32, #tpu.memory_space<vmem_shared>> -> memref<16x128xf32, #tpu.memory_space<vmem_shared>>
        %dma_start3A_37 = arith.constant 0 : i32
        %dma_start3A_38 = tpu.memref_slice %arg15[%mul3A_32, %dma_start3A_37] : memref<160x128xf32, #tpu.memory_space<vmem_shared>> -> memref<16x128xf32, #tpu.memory_space<vmem_shared>>
        %dma_start3A_39 = arith.constant 0 : i32
        %dma_start3A_40 = arith.constant 0 : i32
        %dma_start3A_41 = tpu.memref_slice %arg13[%dma_start3A_39, %dma_start3A_40] : memref<64x128xf32, #tpu.memory_space<vmem>> -> memref<16x128xf32, #tpu.memory_space<vmem>>
        tpu.enqueue_dma source(%dma_start3A_41 : memref<16x128xf32, #tpu.memory_space<vmem>>) target(%dma_start3A_38 : memref<16x128xf32, #tpu.memory_space<vmem_shared>>) target_semaphore(%run_scoped3A : memref<!tpu.dma_semaphore, #tpu.memory_space<semaphore_mem>>)
        %dma_wait3A = arith.constant 0 : i32
        %dma_wait3A_42 = arith.constant 0 : i32
        %dma_wait3A_43 = tpu.memref_slice %arg13[%dma_wait3A, %dma_wait3A_42] : memref<64x128xf32, #tpu.memory_space<vmem>> -> memref<16x128xf32, #tpu.memory_space<vmem>>
        %dma_wait3A_44 = arith.constant 0 : i32
        %dma_wait3A_45 = tpu.memref_slice %arg15[%mul3A_32, %dma_wait3A_44] : memref<160x128xf32, #tpu.memory_space<vmem_shared>> -> memref<16x128xf32, #tpu.memory_space<vmem_shared>>
        %dma_wait3A_46 = arith.constant 0 : i32
        %dma_wait3A_47 = tpu.memref_slice %arg15[%mul3A_32, %dma_wait3A_46] : memref<160x128xf32, #tpu.memory_space<vmem_shared>> -> memref<16x128xf32, #tpu.memory_space<vmem_shared>>
        %dma_wait3A_48 = arith.constant 0 : i32
        %dma_wait3A_49 = arith.constant 0 : i32
        %dma_wait3A_50 = tpu.memref_slice %arg13[%dma_wait3A_48, %dma_wait3A_49] : memref<64x128xf32, #tpu.memory_space<vmem>> -> memref<16x128xf32, #tpu.memory_space<vmem>>
        tpu.wait_dma2 semaphore(%run_scoped3A : memref<!tpu.dma_semaphore, #tpu.memory_space<semaphore_mem>>) src(%dma_wait3A_50 : memref<16x128xf32, #tpu.memory_space<vmem>>) dst(%dma_wait3A_47 : memref<16x128xf32, #tpu.memory_space<vmem_shared>>)
        tpu.yield
      }) : () -> ()
    } else {
    }
    %barrier3A = arith.constant 0 : index
    tpu.barrier barrier_id(%barrier3A)
    %scan3A_16 = arith.constant 0 : i32
    %scan3A_17 = arith.constant 0 : i32
    %scan3A_18 = arith.constant 84 : i32
    %scan3A_19 = arith.addi %scan3A_17, %scan3A_18 : i32
    %scan3A_20 = arith.constant 1 : i32
    %scan3A_21 = scf.for %scan3A_31 = %scan3A_17 to %scan3A_19 step %scan3A_20 iter_args(%scan3A_32 = %scan3A_16) -> (i32)  : i32 {
      %mul3A_33 = arith.constant 64 : i32
      %mul3A_34 = arith.muli %scan3A_31, %mul3A_33 : i32
      %add3A_35 = arith.constant 0 : i32
      %add3A_36 = arith.addi %mul3A_34, %add3A_35 : i32
      %get3A = arith.index_cast %add3A_36 : i32 to index
      %get3A_37 = tpu.vector_load %arg10[%get3A] {strides = array<i32>} : memref<5376xi32, #tpu.memory_space<vmem>>, vector<16xi32>,
      %mul3A_38 = arith.constant 64 : i32
      %mul3A_39 = arith.muli %scan3A_31, %mul3A_38 : i32
      %add3A_40 = arith.constant 0 : i32
      %add3A_41 = arith.addi %mul3A_39, %add3A_40 : i32
      %get3A_42 = arith.index_cast %add3A_41 : i32 to index
      %get3A_43 = tpu.vector_load %arg11[%get3A_42] {strides = array<i32>} : memref<5376xi32, #tpu.memory_space<vmem>>, vector<16xi32>,
      %gather3A = tpu.vector_load_idx %arg8[%get3A_37] : memref<10240xf32, #tpu.memory_space<vmem>>[vector<16xi32>], vector<16xf32>,
      %gather3A_44 = tpu.vector_load_idx %arg9[%get3A_43] : memref<10240xf32, #tpu.memory_space<vmem>>[vector<16xi32>], vector<16xf32>,
      %add3A_45 = arith.addf %gather3A, %gather3A_44 : vector<16xf32>
      %lt3A_46 = arith.constant 0.000000e+00 : f32
      %lt3A_47 = vector.broadcast %lt3A_46 : f32 to vector<16xf32>
      %lt3A_48 = arith.cmpf olt, %add3A_45, %lt3A_47 : vector<16xf32>
      %mul3A_49 = arith.constant 2.000000e-01 : f32
      %mul3A_50 = vector.broadcast %mul3A_49 : f32 to vector<16xf32>
      %mul3A_51 = arith.mulf %add3A_45, %mul3A_50 : vector<16xf32>
      %select_n3A = arith.select %lt3A_48, %mul3A_51, %add3A_45 : vector<16xi1>, vector<16xf32>
      %exp3A = math.exp %select_n3A : vector<16xf32>
      %mul3A_52 = arith.constant 64 : i32
      %mul3A_53 = arith.muli %scan3A_31, %mul3A_52 : i32
      %add3A_54 = arith.constant 0 : i32
      %add3A_55 = arith.addi %mul3A_53, %add3A_54 : i32
      %swap3A = arith.index_cast %add3A_55 : i32 to index
      %swap3A_56 = tpu.vector_load %arg12[%swap3A] {strides = array<i32>} : memref<5376xf32, #tpu.memory_space<vmem>>, vector<16xf32>,
      tpu.vector_store %arg12[%swap3A], %exp3A {strides = array<i32>} : memref<5376xf32, #tpu.memory_space<vmem>>, vector<16xf32>,
      %broadcast_in_dim3A_57 = arith.constant 0 : i32
      %broadcast_in_dim3A_58 = vector.broadcast %broadcast_in_dim3A_57 : i32 to vector<16xi32>
      %add3A_59 = arith.addi %broadcast_in_dim3A_58, %iota3A : vector<16xi32>
      %and3A = arith.constant 63 : i32
      %and3A_60 = vector.broadcast %and3A : i32 to vector<16xi32>
      %and3A_61 = arith.andi %get3A_43, %and3A_60 : vector<16xi32>
      %mul3A_62 = arith.constant 2 : i32
      %mul3A_63 = vector.broadcast %mul3A_62 : i32 to vector<16xi32>
      %mul3A_64 = arith.muli %and3A_61, %mul3A_63 : vector<16xi32>
      tpu.vector_store_idx %arg13[%add3A_59, %mul3A_64], %exp3A : memref<64x128xf32, #tpu.memory_space<vmem>>[vector<16xi32>, vector<16xi32>], vector<16xf32>,
      %add3A_65 = arith.constant 1 : i32
      %add3A_66 = vector.broadcast %add3A_65 : i32 to vector<16xi32>
      %add3A_67 = arith.addi %mul3A_64, %add3A_66 : vector<16xi32>
      tpu.vector_store_idx %arg13[%add3A_59, %add3A_67], %broadcast_in_dim3A_7 : memref<64x128xf32, #tpu.memory_space<vmem>>[vector<16xi32>, vector<16xi32>], vector<16xf32>,
      %shift_right_logical3A = arith.constant 6 : i32
      %shift_right_logical3A_68 = vector.broadcast %shift_right_logical3A : i32 to vector<16xi32>
      %shift_right_logical3A_69 = arith.shrui %get3A_43, %shift_right_logical3A_68 : vector<16xi32>
      %swap3A_70 = arith.constant 0 : i32
      %swap3A_71 = arith.index_cast %swap3A_70 : i32 to index
      %swap3A_72 = arith.constant 0 : index
      %swap3A_73 = tpu.vector_load %arg14[%swap3A_71, %swap3A_72] {strides = array<i32>} : memref<1x64xi32, #tpu.memory_space<vmem>>, vector<16xi32>,
      tpu.vector_store %arg14[%swap3A_71, %swap3A_72], %shift_right_logical3A_69 {strides = array<i32>} : memref<1x64xi32, #tpu.memory_space<vmem>>, vector<16xi32>,
      %mul3A_74 = arith.constant 64 : i32
      %mul3A_75 = arith.muli %scan3A_31, %mul3A_74 : i32
      %add3A_76 = arith.constant 16 : i32
      %add3A_77 = arith.addi %mul3A_75, %add3A_76 : i32
      %get3A_78 = arith.index_cast %add3A_77 : i32 to index
      %get3A_79 = tpu.vector_load %arg10[%get3A_78] {strides = array<i32>} : memref<5376xi32, #tpu.memory_space<vmem>>, vector<16xi32>,
      %mul3A_80 = arith.constant 64 : i32
      %mul3A_81 = arith.muli %scan3A_31, %mul3A_80 : i32
      %add3A_82 = arith.constant 16 : i32
      %add3A_83 = arith.addi %mul3A_81, %add3A_82 : i32
      %get3A_84 = arith.index_cast %add3A_83 : i32 to index
      %get3A_85 = tpu.vector_load %arg11[%get3A_84] {strides = array<i32>} : memref<5376xi32, #tpu.memory_space<vmem>>, vector<16xi32>,
      %gather3A_86 = tpu.vector_load_idx %arg8[%get3A_79] : memref<10240xf32, #tpu.memory_space<vmem>>[vector<16xi32>], vector<16xf32>,
      %gather3A_87 = tpu.vector_load_idx %arg9[%get3A_85] : memref<10240xf32, #tpu.memory_space<vmem>>[vector<16xi32>], vector<16xf32>,
      %add3A_88 = arith.addf %gather3A_86, %gather3A_87 : vector<16xf32>
      %lt3A_89 = arith.constant 0.000000e+00 : f32
      %lt3A_90 = vector.broadcast %lt3A_89 : f32 to vector<16xf32>
      %lt3A_91 = arith.cmpf olt, %add3A_88, %lt3A_90 : vector<16xf32>
      %mul3A_92 = arith.constant 2.000000e-01 : f32
      %mul3A_93 = vector.broadcast %mul3A_92 : f32 to vector<16xf32>
      %mul3A_94 = arith.mulf %add3A_88, %mul3A_93 : vector<16xf32>
      %select_n3A_95 = arith.select %lt3A_91, %mul3A_94, %add3A_88 : vector<16xi1>, vector<16xf32>
      %exp3A_96 = math.exp %select_n3A_95 : vector<16xf32>
      %mul3A_97 = arith.constant 64 : i32
      %mul3A_98 = arith.muli %scan3A_31, %mul3A_97 : i32
      %add3A_99 = arith.constant 16 : i32
      %add3A_100 = arith.addi %mul3A_98, %add3A_99 : i32
      %swap3A_101 = arith.index_cast %add3A_100 : i32 to index
      %swap3A_102 = tpu.vector_load %arg12[%swap3A_101] {strides = array<i32>} : memref<5376xf32, #tpu.memory_space<vmem>>, vector<16xf32>,
      tpu.vector_store %arg12[%swap3A_101], %exp3A_96 {strides = array<i32>} : memref<5376xf32, #tpu.memory_space<vmem>>, vector<16xf32>,
      %broadcast_in_dim3A_103 = arith.constant 16 : i32
      %broadcast_in_dim3A_104 = vector.broadcast %broadcast_in_dim3A_103 : i32 to vector<16xi32>
      %add3A_105 = arith.addi %broadcast_in_dim3A_104, %iota3A : vector<16xi32>
      %and3A_106 = arith.constant 63 : i32
      %and3A_107 = vector.broadcast %and3A_106 : i32 to vector<16xi32>
      %and3A_108 = arith.andi %get3A_85, %and3A_107 : vector<16xi32>
      %mul3A_109 = arith.constant 2 : i32
      %mul3A_110 = vector.broadcast %mul3A_109 : i32 to vector<16xi32>
      %mul3A_111 = arith.muli %and3A_108, %mul3A_110 : vector<16xi32>
      tpu.vector_store_idx %arg13[%add3A_105, %mul3A_111], %exp3A_96 : memref<64x128xf32, #tpu.memory_space<vmem>>[vector<16xi32>, vector<16xi32>], vector<16xf32>,
      %add3A_112 = arith.constant 1 : i32
      %add3A_113 = vector.broadcast %add3A_112 : i32 to vector<16xi32>
      %add3A_114 = arith.addi %mul3A_111, %add3A_113 : vector<16xi32>
      tpu.vector_store_idx %arg13[%add3A_105, %add3A_114], %broadcast_in_dim3A_7 : memref<64x128xf32, #tpu.memory_space<vmem>>[vector<16xi32>, vector<16xi32>], vector<16xf32>,
      %shift_right_logical3A_115 = arith.constant 6 : i32
      %shift_right_logical3A_116 = vector.broadcast %shift_right_logical3A_115 : i32 to vector<16xi32>
      %shift_right_logical3A_117 = arith.shrui %get3A_85, %shift_right_logical3A_116 : vector<16xi32>
      %swap3A_118 = arith.constant 0 : i32
      %swap3A_119 = arith.index_cast %swap3A_118 : i32 to index
      %swap3A_120 = arith.constant 16 : index
      %swap3A_121 = tpu.vector_load %arg14[%swap3A_119, %swap3A_120] {strides = array<i32>} : memref<1x64xi32, #tpu.memory_space<vmem>>, vector<16xi32>,
      tpu.vector_store %arg14[%swap3A_119, %swap3A_120], %shift_right_logical3A_117 {strides = array<i32>} : memref<1x64xi32, #tpu.memory_space<vmem>>, vector<16xi32>,
      %mul3A_122 = arith.constant 64 : i32
      %mul3A_123 = arith.muli %scan3A_31, %mul3A_122 : i32
      %add3A_124 = arith.constant 32 : i32
      %add3A_125 = arith.addi %mul3A_123, %add3A_124 : i32
      %get3A_126 = arith.index_cast %add3A_125 : i32 to index
      %get3A_127 = tpu.vector_load %arg10[%get3A_126] {strides = array<i32>} : memref<5376xi32, #tpu.memory_space<vmem>>, vector<16xi32>,
      %mul3A_128 = arith.constant 64 : i32
      %mul3A_129 = arith.muli %scan3A_31, %mul3A_128 : i32
      %add3A_130 = arith.constant 32 : i32
      %add3A_131 = arith.addi %mul3A_129, %add3A_130 : i32
      %get3A_132 = arith.index_cast %add3A_131 : i32 to index
      %get3A_133 = tpu.vector_load %arg11[%get3A_132] {strides = array<i32>} : memref<5376xi32, #tpu.memory_space<vmem>>, vector<16xi32>,
      %gather3A_134 = tpu.vector_load_idx %arg8[%get3A_127] : memref<10240xf32, #tpu.memory_space<vmem>>[vector<16xi32>], vector<16xf32>,
      %gather3A_135 = tpu.vector_load_idx %arg9[%get3A_133] : memref<10240xf32, #tpu.memory_space<vmem>>[vector<16xi32>], vector<16xf32>,
      %add3A_136 = arith.addf %gather3A_134, %gather3A_135 : vector<16xf32>
      %lt3A_137 = arith.constant 0.000000e+00 : f32
      %lt3A_138 = vector.broadcast %lt3A_137 : f32 to vector<16xf32>
      %lt3A_139 = arith.cmpf olt, %add3A_136, %lt3A_138 : vector<16xf32>
      %mul3A_140 = arith.constant 2.000000e-01 : f32
      %mul3A_141 = vector.broadcast %mul3A_140 : f32 to vector<16xf32>
      %mul3A_142 = arith.mulf %add3A_136, %mul3A_141 : vector<16xf32>
      %select_n3A_143 = arith.select %lt3A_139, %mul3A_142, %add3A_136 : vector<16xi1>, vector<16xf32>
      %exp3A_144 = math.exp %select_n3A_143 : vector<16xf32>
      %mul3A_145 = arith.constant 64 : i32
      %mul3A_146 = arith.muli %scan3A_31, %mul3A_145 : i32
      %add3A_147 = arith.constant 32 : i32
      %add3A_148 = arith.addi %mul3A_146, %add3A_147 : i32
      %swap3A_149 = arith.index_cast %add3A_148 : i32 to index
      %swap3A_150 = tpu.vector_load %arg12[%swap3A_149] {strides = array<i32>} : memref<5376xf32, #tpu.memory_space<vmem>>, vector<16xf32>,
      tpu.vector_store %arg12[%swap3A_149], %exp3A_144 {strides = array<i32>} : memref<5376xf32, #tpu.memory_space<vmem>>, vector<16xf32>,
      %broadcast_in_dim3A_151 = arith.constant 32 : i32
      %broadcast_in_dim3A_152 = vector.broadcast %broadcast_in_dim3A_151 : i32 to vector<16xi32>
      %add3A_153 = arith.addi %broadcast_in_dim3A_152, %iota3A : vector<16xi32>
      %and3A_154 = arith.constant 63 : i32
      %and3A_155 = vector.broadcast %and3A_154 : i32 to vector<16xi32>
      %and3A_156 = arith.andi %get3A_133, %and3A_155 : vector<16xi32>
      %mul3A_157 = arith.constant 2 : i32
      %mul3A_158 = vector.broadcast %mul3A_157 : i32 to vector<16xi32>
      %mul3A_159 = arith.muli %and3A_156, %mul3A_158 : vector<16xi32>
      tpu.vector_store_idx %arg13[%add3A_153, %mul3A_159], %exp3A_144 : memref<64x128xf32, #tpu.memory_space<vmem>>[vector<16xi32>, vector<16xi32>], vector<16xf32>,
      %add3A_160 = arith.constant 1 : i32
      %add3A_161 = vector.broadcast %add3A_160 : i32 to vector<16xi32>
      %add3A_162 = arith.addi %mul3A_159, %add3A_161 : vector<16xi32>
      tpu.vector_store_idx %arg13[%add3A_153, %add3A_162], %broadcast_in_dim3A_7 : memref<64x128xf32, #tpu.memory_space<vmem>>[vector<16xi32>, vector<16xi32>], vector<16xf32>,
      %shift_right_logical3A_163 = arith.constant 6 : i32
      %shift_right_logical3A_164 = vector.broadcast %shift_right_logical3A_163 : i32 to vector<16xi32>
      %shift_right_logical3A_165 = arith.shrui %get3A_133, %shift_right_logical3A_164 : vector<16xi32>
      %swap3A_166 = arith.constant 0 : i32
      %swap3A_167 = arith.index_cast %swap3A_166 : i32 to index
      %swap3A_168 = arith.constant 32 : index
      %swap3A_169 = tpu.vector_load %arg14[%swap3A_167, %swap3A_168] {strides = array<i32>} : memref<1x64xi32, #tpu.memory_space<vmem>>, vector<16xi32>,
      tpu.vector_store %arg14[%swap3A_167, %swap3A_168], %shift_right_logical3A_165 {strides = array<i32>} : memref<1x64xi32, #tpu.memory_space<vmem>>, vector<16xi32>,
      %mul3A_170 = arith.constant 64 : i32
      %mul3A_171 = arith.muli %scan3A_31, %mul3A_170 : i32
      %add3A_172 = arith.constant 48 : i32
      %add3A_173 = arith.addi %mul3A_171, %add3A_172 : i32
      %get3A_174 = arith.index_cast %add3A_173 : i32 to index
      %get3A_175 = tpu.vector_load %arg10[%get3A_174] {strides = array<i32>} : memref<5376xi32, #tpu.memory_space<vmem>>, vector<16xi32>,
      %mul3A_176 = arith.constant 64 : i32
      %mul3A_177 = arith.muli %scan3A_31, %mul3A_176 : i32
      %add3A_178 = arith.constant 48 : i32
      %add3A_179 = arith.addi %mul3A_177, %add3A_178 : i32
      %get3A_180 = arith.index_cast %add3A_179 : i32 to index
      %get3A_181 = tpu.vector_load %arg11[%get3A_180] {strides = array<i32>} : memref<5376xi32, #tpu.memory_space<vmem>>, vector<16xi32>,
      %gather3A_182 = tpu.vector_load_idx %arg8[%get3A_175] : memref<10240xf32, #tpu.memory_space<vmem>>[vector<16xi32>], vector<16xf32>,
      %gather3A_183 = tpu.vector_load_idx %arg9[%get3A_181] : memref<10240xf32, #tpu.memory_space<vmem>>[vector<16xi32>], vector<16xf32>,
      %add3A_184 = arith.addf %gather3A_182, %gather3A_183 : vector<16xf32>
      %lt3A_185 = arith.constant 0.000000e+00 : f32
      %lt3A_186 = vector.broadcast %lt3A_185 : f32 to vector<16xf32>
      %lt3A_187 = arith.cmpf olt, %add3A_184, %lt3A_186 : vector<16xf32>
      %mul3A_188 = arith.constant 2.000000e-01 : f32
      %mul3A_189 = vector.broadcast %mul3A_188 : f32 to vector<16xf32>
      %mul3A_190 = arith.mulf %add3A_184, %mul3A_189 : vector<16xf32>
      %select_n3A_191 = arith.select %lt3A_187, %mul3A_190, %add3A_184 : vector<16xi1>, vector<16xf32>
      %exp3A_192 = math.exp %select_n3A_191 : vector<16xf32>
      %mul3A_193 = arith.constant 64 : i32
      %mul3A_194 = arith.muli %scan3A_31, %mul3A_193 : i32
      %add3A_195 = arith.constant 48 : i32
      %add3A_196 = arith.addi %mul3A_194, %add3A_195 : i32
      %swap3A_197 = arith.index_cast %add3A_196 : i32 to index
      %swap3A_198 = tpu.vector_load %arg12[%swap3A_197] {strides = array<i32>} : memref<5376xf32, #tpu.memory_space<vmem>>, vector<16xf32>,
      tpu.vector_store %arg12[%swap3A_197], %exp3A_192 {strides = array<i32>} : memref<5376xf32, #tpu.memory_space<vmem>>, vector<16xf32>,
      %broadcast_in_dim3A_199 = arith.constant 48 : i32
      %broadcast_in_dim3A_200 = vector.broadcast %broadcast_in_dim3A_199 : i32 to vector<16xi32>
      %add3A_201 = arith.addi %broadcast_in_dim3A_200, %iota3A : vector<16xi32>
      %and3A_202 = arith.constant 63 : i32
      %and3A_203 = vector.broadcast %and3A_202 : i32 to vector<16xi32>
      %and3A_204 = arith.andi %get3A_181, %and3A_203 : vector<16xi32>
      %mul3A_205 = arith.constant 2 : i32
      %mul3A_206 = vector.broadcast %mul3A_205 : i32 to vector<16xi32>
      %mul3A_207 = arith.muli %and3A_204, %mul3A_206 : vector<16xi32>
      tpu.vector_store_idx %arg13[%add3A_201, %mul3A_207], %exp3A_192 : memref<64x128xf32, #tpu.memory_space<vmem>>[vector<16xi32>, vector<16xi32>], vector<16xf32>,
      %add3A_208 = arith.constant 1 : i32
      %add3A_209 = vector.broadcast %add3A_208 : i32 to vector<16xi32>
      %add3A_210 = arith.addi %mul3A_207, %add3A_209 : vector<16xi32>
      tpu.vector_store_idx %arg13[%add3A_201, %add3A_210], %broadcast_in_dim3A_7 : memref<64x128xf32, #tpu.memory_space<vmem>>[vector<16xi32>, vector<16xi32>], vector<16xf32>,
      %shift_right_logical3A_211 = arith.constant 6 : i32
      %shift_right_logical3A_212 = vector.broadcast %shift_right_logical3A_211 : i32 to vector<16xi32>
      %shift_right_logical3A_213 = arith.shrui %get3A_181, %shift_right_logical3A_212 : vector<16xi32>
      %swap3A_214 = arith.constant 0 : i32
      %swap3A_215 = arith.index_cast %swap3A_214 : i32 to index
      %swap3A_216 = arith.constant 48 : index
      %swap3A_217 = tpu.vector_load %arg14[%swap3A_215, %swap3A_216] {strides = array<i32>} : memref<1x64xi32, #tpu.memory_space<vmem>>, vector<16xi32>,
      tpu.vector_store %arg14[%swap3A_215, %swap3A_216], %shift_right_logical3A_213 {strides = array<i32>} : memref<1x64xi32, #tpu.memory_space<vmem>>, vector<16xi32>,
      %run_scoped3A = arith.constant 0 : i32
      "tpu.region"() ({
        %run_scoped3A_291 = tpu.sem_alloc : memref<!tpu.dma_semaphore, #tpu.memory_space<semaphore_mem>>
        %dma_start3A = arith.constant 0 : i32
        %dma_start3A_292 = tpu.memref_slice %arg14[%run_scoped3A, %dma_start3A] : memref<1x64xi32, #tpu.memory_space<vmem>> -> memref<1x64xi32, #tpu.memory_space<vmem>>
        %dma_start3A_293 = tpu.memref_squeeze %dma_start3A_292 : memref<1x64xi32, #tpu.memory_space<vmem>> -> memref<64xi32, #tpu.memory_space<vmem>>
        %dma_start3A_294 = arith.constant 0 : i32
        %dma_start3A_295 = arith.constant 0 : i32
        %dma_start3A_296 = tpu.memref_slice %arg15[%dma_start3A_294, %dma_start3A_295] : memref<160x128xf32, #tpu.memory_space<vmem_shared>> -> memref<160x128xf32, #tpu.memory_space<vmem_shared>>
        tpu.enqueue_indirect_dma source(%arg13 : memref<64x128xf32, #tpu.memory_space<vmem>>) target(%dma_start3A_296 : memref<160x128xf32, #tpu.memory_space<vmem_shared>>) offsets(%dma_start3A_293 : memref<64xi32, #tpu.memory_space<vmem>>) semaphore(%run_scoped3A_291 : memref<!tpu.dma_semaphore, #tpu.memory_space<semaphore_mem>>) {add = true}
        %dma_wait3A = arith.constant 0 : i32
        %dma_wait3A_297 = tpu.memref_slice %arg14[%run_scoped3A, %dma_wait3A] : memref<1x64xi32, #tpu.memory_space<vmem>> -> memref<1x64xi32, #tpu.memory_space<vmem>>
        %dma_wait3A_298 = tpu.memref_squeeze %dma_wait3A_297 : memref<1x64xi32, #tpu.memory_space<vmem>> -> memref<64xi32, #tpu.memory_space<vmem>>
        %dma_wait3A_299 = arith.constant 0 : i32
        %dma_wait3A_300 = arith.constant 0 : i32
        %dma_wait3A_301 = tpu.memref_slice %arg15[%dma_wait3A_299, %dma_wait3A_300] : memref<160x128xf32, #tpu.memory_space<vmem_shared>> -> memref<160x128xf32, #tpu.memory_space<vmem_shared>>
        tpu.wait_indirect_dma semaphore(%run_scoped3A_291 : memref<!tpu.dma_semaphore, #tpu.memory_space<semaphore_mem>>) src(%arg13 : memref<64x128xf32, #tpu.memory_space<vmem>>) dst(%dma_wait3A_301 : memref<160x128xf32, #tpu.memory_space<vmem_shared>>)
        tpu.yield
      }) : () -> ()
      %mul3A_218 = arith.constant 64 : i32
      %mul3A_219 = arith.muli %scan3A_31, %mul3A_218 : i32
      %add3A_220 = arith.constant 0 : i32
      %add3A_221 = arith.addi %mul3A_219, %add3A_220 : i32
      %get3A_222 = arith.index_cast %add3A_221 : i32 to index
      %get3A_223 = tpu.vector_load %arg11[%get3A_222] {strides = array<i32>} : memref<5376xi32, #tpu.memory_space<vmem>>, vector<16xi32>,
      %broadcast_in_dim3A_224 = arith.constant 0 : i32
      %broadcast_in_dim3A_225 = vector.broadcast %broadcast_in_dim3A_224 : i32 to vector<16xi32>
      %add3A_226 = arith.addi %broadcast_in_dim3A_225, %iota3A : vector<16xi32>
      %and3A_227 = arith.constant 63 : i32
      %and3A_228 = vector.broadcast %and3A_227 : i32 to vector<16xi32>
      %and3A_229 = arith.andi %get3A_223, %and3A_228 : vector<16xi32>
      %mul3A_230 = arith.constant 2 : i32
      %mul3A_231 = vector.broadcast %mul3A_230 : i32 to vector<16xi32>
      %mul3A_232 = arith.muli %and3A_229, %mul3A_231 : vector<16xi32>
      tpu.vector_store_idx %arg13[%add3A_226, %mul3A_232], %broadcast_in_dim3A_5 : memref<64x128xf32, #tpu.memory_space<vmem>>[vector<16xi32>, vector<16xi32>], vector<16xf32>,
      %add3A_233 = arith.constant 1 : i32
      %add3A_234 = vector.broadcast %add3A_233 : i32 to vector<16xi32>
      %add3A_235 = arith.addi %mul3A_232, %add3A_234 : vector<16xi32>
      tpu.vector_store_idx %arg13[%add3A_226, %add3A_235], %broadcast_in_dim3A_5 : memref<64x128xf32, #tpu.memory_space<vmem>>[vector<16xi32>, vector<16xi32>], vector<16xf32>,
      %mul3A_236 = arith.constant 64 : i32
      %mul3A_237 = arith.muli %scan3A_31, %mul3A_236 : i32
      %add3A_238 = arith.constant 16 : i32
      %add3A_239 = arith.addi %mul3A_237, %add3A_238 : i32
      %get3A_240 = arith.index_cast %add3A_239 : i32 to index
      %get3A_241 = tpu.vector_load %arg11[%get3A_240] {strides = array<i32>} : memref<5376xi32, #tpu.memory_space<vmem>>, vector<16xi32>,
      %broadcast_in_dim3A_242 = arith.constant 16 : i32
      %broadcast_in_dim3A_243 = vector.broadcast %broadcast_in_dim3A_242 : i32 to vector<16xi32>
      %add3A_244 = arith.addi %broadcast_in_dim3A_243, %iota3A : vector<16xi32>
      %and3A_245 = arith.constant 63 : i32
      %and3A_246 = vector.broadcast %and3A_245 : i32 to vector<16xi32>
      %and3A_247 = arith.andi %get3A_241, %and3A_246 : vector<16xi32>
      %mul3A_248 = arith.constant 2 : i32
      %mul3A_249 = vector.broadcast %mul3A_248 : i32 to vector<16xi32>
      %mul3A_250 = arith.muli %and3A_247, %mul3A_249 : vector<16xi32>
      tpu.vector_store_idx %arg13[%add3A_244, %mul3A_250], %broadcast_in_dim3A_5 : memref<64x128xf32, #tpu.memory_space<vmem>>[vector<16xi32>, vector<16xi32>], vector<16xf32>,
      %add3A_251 = arith.constant 1 : i32
      %add3A_252 = vector.broadcast %add3A_251 : i32 to vector<16xi32>
      %add3A_253 = arith.addi %mul3A_250, %add3A_252 : vector<16xi32>
      tpu.vector_store_idx %arg13[%add3A_244, %add3A_253], %broadcast_in_dim3A_5 : memref<64x128xf32, #tpu.memory_space<vmem>>[vector<16xi32>, vector<16xi32>], vector<16xf32>,
      %mul3A_254 = arith.constant 64 : i32
      %mul3A_255 = arith.muli %scan3A_31, %mul3A_254 : i32
      %add3A_256 = arith.constant 32 : i32
      %add3A_257 = arith.addi %mul3A_255, %add3A_256 : i32
      %get3A_258 = arith.index_cast %add3A_257 : i32 to index
      %get3A_259 = tpu.vector_load %arg11[%get3A_258] {strides = array<i32>} : memref<5376xi32, #tpu.memory_space<vmem>>, vector<16xi32>,
      %broadcast_in_dim3A_260 = arith.constant 32 : i32
      %broadcast_in_dim3A_261 = vector.broadcast %broadcast_in_dim3A_260 : i32 to vector<16xi32>
      %add3A_262 = arith.addi %broadcast_in_dim3A_261, %iota3A : vector<16xi32>
      %and3A_263 = arith.constant 63 : i32
      %and3A_264 = vector.broadcast %and3A_263 : i32 to vector<16xi32>
      %and3A_265 = arith.andi %get3A_259, %and3A_264 : vector<16xi32>
      %mul3A_266 = arith.constant 2 : i32
      %mul3A_267 = vector.broadcast %mul3A_266 : i32 to vector<16xi32>
      %mul3A_268 = arith.muli %and3A_265, %mul3A_267 : vector<16xi32>
      tpu.vector_store_idx %arg13[%add3A_262, %mul3A_268], %broadcast_in_dim3A_5 : memref<64x128xf32, #tpu.memory_space<vmem>>[vector<16xi32>, vector<16xi32>], vector<16xf32>,
      %add3A_269 = arith.constant 1 : i32
      %add3A_270 = vector.broadcast %add3A_269 : i32 to vector<16xi32>
      %add3A_271 = arith.addi %mul3A_268, %add3A_270 : vector<16xi32>
      tpu.vector_store_idx %arg13[%add3A_262, %add3A_271], %broadcast_in_dim3A_5 : memref<64x128xf32, #tpu.memory_space<vmem>>[vector<16xi32>, vector<16xi32>], vector<16xf32>,
      %mul3A_272 = arith.constant 64 : i32
      %mul3A_273 = arith.muli %scan3A_31, %mul3A_272 : i32
      %add3A_274 = arith.constant 48 : i32
      %add3A_275 = arith.addi %mul3A_273, %add3A_274 : i32
      %get3A_276 = arith.index_cast %add3A_275 : i32 to index
      %get3A_277 = tpu.vector_load %arg11[%get3A_276] {strides = array<i32>} : memref<5376xi32, #tpu.memory_space<vmem>>, vector<16xi32>,
      %broadcast_in_dim3A_278 = arith.constant 48 : i32
      %broadcast_in_dim3A_279 = vector.broadcast %broadcast_in_dim3A_278 : i32 to vector<16xi32>
      %add3A_280 = arith.addi %broadcast_in_dim3A_279, %iota3A : vector<16xi32>
      %and3A_281 = arith.constant 63 : i32
      %and3A_282 = vector.broadcast %and3A_281 : i32 to vector<16xi32>
      %and3A_283 = arith.andi %get3A_277, %and3A_282 : vector<16xi32>
      %mul3A_284 = arith.constant 2 : i32
      %mul3A_285 = vector.broadcast %mul3A_284 : i32 to vector<16xi32>
      %mul3A_286 = arith.muli %and3A_283, %mul3A_285 : vector<16xi32>
      tpu.vector_store_idx %arg13[%add3A_280, %mul3A_286], %broadcast_in_dim3A_5 : memref<64x128xf32, #tpu.memory_space<vmem>>[vector<16xi32>, vector<16xi32>], vector<16xf32>,
      %add3A_287 = arith.constant 1 : i32
      %add3A_288 = vector.broadcast %add3A_287 : i32 to vector<16xi32>
      %add3A_289 = arith.addi %mul3A_286, %add3A_288 : vector<16xi32>
      tpu.vector_store_idx %arg13[%add3A_280, %add3A_289], %broadcast_in_dim3A_5 : memref<64x128xf32, #tpu.memory_space<vmem>>[vector<16xi32>, vector<16xi32>], vector<16xf32>,
      %scan3A_290 = arith.constant 0 : i32
      scf.yield %scan3A_290 : i32
    }
    %scan3A_22 = arith.constant 84 : i32
    %mul3A_23 = arith.constant 5376 : i32
    %mul3A_24 = arith.muli %add3A, %mul3A_23 : i32
    "tpu.region"() ({
      %run_scoped3A = tpu.sem_alloc : memref<!tpu.dma_semaphore, #tpu.memory_space<semaphore_mem>>
      %dma_start3A = tpu.memref_slice %arg6[%mul3A_24] : memref<172032xf32, #tpu.memory_space<hbm>> -> memref<5376xf32, #tpu.memory_space<hbm>>
      %dma_start3A_31 = tpu.memref_slice %arg6[%mul3A_24] : memref<172032xf32, #tpu.memory_space<hbm>> -> memref<5376xf32, #tpu.memory_space<hbm>>
      tpu.enqueue_dma source(%arg12 : memref<5376xf32, #tpu.memory_space<vmem>>) target(%dma_start3A_31 : memref<5376xf32, #tpu.memory_space<hbm>>) target_semaphore(%run_scoped3A : memref<!tpu.dma_semaphore, #tpu.memory_space<semaphore_mem>>)
      %dma_wait3A = tpu.memref_slice %arg6[%mul3A_24] : memref<172032xf32, #tpu.memory_space<hbm>> -> memref<5376xf32, #tpu.memory_space<hbm>>
      %dma_wait3A_32 = tpu.memref_slice %arg6[%mul3A_24] : memref<172032xf32, #tpu.memory_space<hbm>> -> memref<5376xf32, #tpu.memory_space<hbm>>
      tpu.wait_dma2 semaphore(%run_scoped3A : memref<!tpu.dma_semaphore, #tpu.memory_space<semaphore_mem>>) src(%arg12 : memref<5376xf32, #tpu.memory_space<vmem>>) dst(%dma_wait3A_32 : memref<5376xf32, #tpu.memory_space<hbm>>)
      tpu.yield
    }) : () -> ()
    %barrier3A_25 = arith.constant 0 : index
    tpu.barrier barrier_id(%barrier3A_25)
    %lt3A_26 = arith.constant 10 : i32
    %lt3A_27 = arith.cmpi slt, %arg1, %lt3A_26 : i32
    %convert_element_type3A_28 = arith.extui %lt3A_27 : i1 to i32
    %cond3A_29 = arith.constant 0 : i32
    %cond3A_30 = arith.cmpi ne, %convert_element_type3A_28, %cond3A_29 : i32
    scf.if %cond3A_30 {
      %mul3A_31 = arith.constant 16 : i32
      %mul3A_32 = arith.muli %arg1, %mul3A_31 : i32
      %mul3A_33 = arith.constant 16 : i32
      %mul3A_34 = arith.muli %arg1, %mul3A_33 : i32
      "tpu.region"() ({
        %run_scoped3A = tpu.sem_alloc : memref<!tpu.dma_semaphore, #tpu.memory_space<semaphore_mem>>
        %dma_start3A = arith.constant 0 : i32
        %dma_start3A_35 = arith.constant 0 : i32
        %dma_start3A_36 = tpu.memref_slice %arg7[%arg0, %dma_start3A, %dma_start3A_35] : memref<2x160x128xf32, #tpu.memory_space<hbm>> -> memref<1x160x128xf32, #tpu.memory_space<hbm>>
        %dma_start3A_37 = tpu.memref_squeeze %dma_start3A_36 : memref<1x160x128xf32, #tpu.memory_space<hbm>> -> memref<160x128xf32, #tpu.memory_space<hbm>>
        %dma_start3A_38 = arith.constant 0 : i32
        %dma_start3A_39 = tpu.memref_slice %dma_start3A_37[%mul3A_34, %dma_start3A_38] : memref<160x128xf32, #tpu.memory_space<hbm>> -> memref<16x128xf32, #tpu.memory_space<hbm>>
        %dma_start3A_40 = arith.constant 0 : i32
        %dma_start3A_41 = tpu.memref_slice %arg15[%mul3A_32, %dma_start3A_40] : memref<160x128xf32, #tpu.memory_space<vmem_shared>> -> memref<16x128xf32, #tpu.memory_space<vmem_shared>>
        tpu.enqueue_dma source(%dma_start3A_41 : memref<16x128xf32, #tpu.memory_space<vmem_shared>>) target(%dma_start3A_39 : memref<16x128xf32, #tpu.memory_space<hbm>>) target_semaphore(%run_scoped3A : memref<!tpu.dma_semaphore, #tpu.memory_space<semaphore_mem>>)
        %dma_wait3A = arith.constant 0 : i32
        %dma_wait3A_42 = arith.constant 0 : i32
        %dma_wait3A_43 = tpu.memref_slice %arg7[%arg0, %dma_wait3A, %dma_wait3A_42] : memref<2x160x128xf32, #tpu.memory_space<hbm>> -> memref<1x160x128xf32, #tpu.memory_space<hbm>>
        %dma_wait3A_44 = tpu.memref_squeeze %dma_wait3A_43 : memref<1x160x128xf32, #tpu.memory_space<hbm>> -> memref<160x128xf32, #tpu.memory_space<hbm>>
        %dma_wait3A_45 = arith.constant 0 : i32
        %dma_wait3A_46 = tpu.memref_slice %dma_wait3A_44[%mul3A_34, %dma_wait3A_45] : memref<160x128xf32, #tpu.memory_space<hbm>> -> memref<16x128xf32, #tpu.memory_space<hbm>>
        %dma_wait3A_47 = arith.constant 0 : i32
        %dma_wait3A_48 = tpu.memref_slice %arg15[%mul3A_32, %dma_wait3A_47] : memref<160x128xf32, #tpu.memory_space<vmem_shared>> -> memref<16x128xf32, #tpu.memory_space<vmem_shared>>
        tpu.wait_dma2 semaphore(%run_scoped3A : memref<!tpu.dma_semaphore, #tpu.memory_space<semaphore_mem>>) src(%dma_wait3A_48 : memref<16x128xf32, #tpu.memory_space<vmem_shared>>) dst(%dma_wait3A_46 : memref<16x128xf32, #tpu.memory_space<hbm>>)
        tpu.yield
      }) : () -> ()
    } else {
    }
    return
  }
}

#map = affine_map<(d0, d1) -> (0, 0)>
#map1 = affine_map<(d0, d1) -> (0, 0, 0)>
module attributes {stable_mosaic.version = 14 : i64} {
  func.func @_sc_row_agg(%arg0: i32, %arg1: i32, %arg2: memref<20480x128xf32, #tpu.memory_space<hbm>>, %arg3: memref<16x168x64xf32, #tpu.memory_space<hbm>>, %arg4: memref<16x168x64xi32, #tpu.memory_space<hbm>>, %arg5: memref<16x168x64xi32, #tpu.memory_space<hbm>>, %arg6: memref<2x10240x128xf32, #tpu.memory_space<hbm>>, %arg7: memref<1x64xi32, #tpu.memory_space<vmem>>, %arg8: memref<1x64xi32, #tpu.memory_space<vmem>>, %arg9: memref<1x64xf32, #tpu.memory_space<vmem>>, %arg10: memref<64x128xf32, #tpu.memory_space<vmem>>, %arg11: memref<10240x128xf32, #tpu.memory_space<vmem_shared>>, %arg12: memref<!tpu.dma_semaphore, #tpu.memory_space<semaphore_mem>>) attributes {dimension_semantics = [#tpu.dimension_semantics<core_parallel>, #tpu.dimension_semantics<subcore_parallel>], iteration_bounds = array<i64: 2, 16>, scalar_prefetch = 0 : i64, scratch_operands = 6 : i64, tpu.core_type = #tpu.core_type<sc_vector_subcore>, window_params = [{transform_indices = #map}, {transform_indices = #map1}, {transform_indices = #map1}, {transform_indices = #map1}, {transform_indices = #map1}]} {
    %broadcast_in_dim3A = arith.constant 0.000000e+00 : f32
    %broadcast_in_dim3A_0 = vector.broadcast %broadcast_in_dim3A : f32 to vector<16xf32>
    %scan3A = arith.constant 0 : i32
    %scan3A_1 = arith.constant 0 : i32
    %scan3A_2 = arith.constant 64 : i32
    %scan3A_3 = arith.addi %scan3A_1, %scan3A_2 : i32
    %scan3A_4 = arith.constant 1 : i32
    %scan3A_5 = scf.for %scan3A_28 = %scan3A_1 to %scan3A_3 step %scan3A_4 iter_args(%scan3A_29 = %scan3A) -> (i32)  : i32 {
      %swap3A = arith.index_cast %scan3A_28 : i32 to index
      %swap3A_30 = arith.constant 0 : index
      %swap3A_31 = tpu.vector_load %arg10[%swap3A, %swap3A_30] {strides = array<i32>} : memref<64x128xf32, #tpu.memory_space<vmem>>, vector<16xf32>,
      tpu.vector_store %arg10[%swap3A, %swap3A_30], %broadcast_in_dim3A_0 {strides = array<i32>} : memref<64x128xf32, #tpu.memory_space<vmem>>, vector<16xf32>,
      %swap3A_32 = arith.index_cast %scan3A_28 : i32 to index
      %swap3A_33 = arith.constant 16 : index
      %swap3A_34 = tpu.vector_load %arg10[%swap3A_32, %swap3A_33] {strides = array<i32>} : memref<64x128xf32, #tpu.memory_space<vmem>>, vector<16xf32>,
      tpu.vector_store %arg10[%swap3A_32, %swap3A_33], %broadcast_in_dim3A_0 {strides = array<i32>} : memref<64x128xf32, #tpu.memory_space<vmem>>, vector<16xf32>,
      %swap3A_35 = arith.index_cast %scan3A_28 : i32 to index
      %swap3A_36 = arith.constant 32 : index
      %swap3A_37 = tpu.vector_load %arg10[%swap3A_35, %swap3A_36] {strides = array<i32>} : memref<64x128xf32, #tpu.memory_space<vmem>>, vector<16xf32>,
      tpu.vector_store %arg10[%swap3A_35, %swap3A_36], %broadcast_in_dim3A_0 {strides = array<i32>} : memref<64x128xf32, #tpu.memory_space<vmem>>, vector<16xf32>,
      %swap3A_38 = arith.index_cast %scan3A_28 : i32 to index
      %swap3A_39 = arith.constant 48 : index
      %swap3A_40 = tpu.vector_load %arg10[%swap3A_38, %swap3A_39] {strides = array<i32>} : memref<64x128xf32, #tpu.memory_space<vmem>>, vector<16xf32>,
      tpu.vector_store %arg10[%swap3A_38, %swap3A_39], %broadcast_in_dim3A_0 {strides = array<i32>} : memref<64x128xf32, #tpu.memory_space<vmem>>, vector<16xf32>,
      %swap3A_41 = arith.index_cast %scan3A_28 : i32 to index
      %swap3A_42 = arith.constant 64 : index
      %swap3A_43 = tpu.vector_load %arg10[%swap3A_41, %swap3A_42] {strides = array<i32>} : memref<64x128xf32, #tpu.memory_space<vmem>>, vector<16xf32>,
      tpu.vector_store %arg10[%swap3A_41, %swap3A_42], %broadcast_in_dim3A_0 {strides = array<i32>} : memref<64x128xf32, #tpu.memory_space<vmem>>, vector<16xf32>,
      %swap3A_44 = arith.index_cast %scan3A_28 : i32 to index
      %swap3A_45 = arith.constant 80 : index
      %swap3A_46 = tpu.vector_load %arg10[%swap3A_44, %swap3A_45] {strides = array<i32>} : memref<64x128xf32, #tpu.memory_space<vmem>>, vector<16xf32>,
      tpu.vector_store %arg10[%swap3A_44, %swap3A_45], %broadcast_in_dim3A_0 {strides = array<i32>} : memref<64x128xf32, #tpu.memory_space<vmem>>, vector<16xf32>,
      %swap3A_47 = arith.index_cast %scan3A_28 : i32 to index
      %swap3A_48 = arith.constant 96 : index
      %swap3A_49 = tpu.vector_load %arg10[%swap3A_47, %swap3A_48] {strides = array<i32>} : memref<64x128xf32, #tpu.memory_space<vmem>>, vector<16xf32>,
      tpu.vector_store %arg10[%swap3A_47, %swap3A_48], %broadcast_in_dim3A_0 {strides = array<i32>} : memref<64x128xf32, #tpu.memory_space<vmem>>, vector<16xf32>,
      %swap3A_50 = arith.index_cast %scan3A_28 : i32 to index
      %swap3A_51 = arith.constant 112 : index
      %swap3A_52 = tpu.vector_load %arg10[%swap3A_50, %swap3A_51] {strides = array<i32>} : memref<64x128xf32, #tpu.memory_space<vmem>>, vector<16xf32>,
      tpu.vector_store %arg10[%swap3A_50, %swap3A_51], %broadcast_in_dim3A_0 {strides = array<i32>} : memref<64x128xf32, #tpu.memory_space<vmem>>, vector<16xf32>,
      %scan3A_53 = arith.constant 0 : i32
      scf.yield %scan3A_53 : i32
    }
    %scan3A_6 = arith.constant 64 : i32
    %scan3A_7 = arith.constant 0 : i32
    %scan3A_8 = arith.constant 0 : i32
    %scan3A_9 = arith.constant 10 : i32
    %scan3A_10 = arith.addi %scan3A_8, %scan3A_9 : i32
    %scan3A_11 = arith.constant 1 : i32
    %scan3A_12 = scf.for %scan3A_28 = %scan3A_8 to %scan3A_10 step %scan3A_11 iter_args(%scan3A_29 = %scan3A_7) -> (i32)  : i32 {
      %mul3A_30 = arith.constant 640 : i32
      %mul3A_31 = arith.muli %arg1, %mul3A_30 : i32
      %mul3A_32 = arith.constant 64 : i32
      %mul3A_33 = arith.muli %scan3A_28, %mul3A_32 : i32
      %add3A = arith.addi %mul3A_31, %mul3A_33 : i32
      "tpu.region"() ({
        %run_scoped3A = tpu.sem_alloc : memref<!tpu.dma_semaphore, #tpu.memory_space<semaphore_mem>>
        %dma_start3A = arith.constant 0 : i32
        %dma_start3A_35 = tpu.memref_slice %arg11[%add3A, %dma_start3A] : memref<10240x128xf32, #tpu.memory_space<vmem_shared>> -> memref<64x128xf32, #tpu.memory_space<vmem_shared>>
        %dma_start3A_36 = arith.constant 0 : i32
        %dma_start3A_37 = tpu.memref_slice %arg11[%add3A, %dma_start3A_36] : memref<10240x128xf32, #tpu.memory_space<vmem_shared>> -> memref<64x128xf32, #tpu.memory_space<vmem_shared>>
        tpu.enqueue_dma source(%arg10 : memref<64x128xf32, #tpu.memory_space<vmem>>) target(%dma_start3A_37 : memref<64x128xf32, #tpu.memory_space<vmem_shared>>) target_semaphore(%run_scoped3A : memref<!tpu.dma_semaphore, #tpu.memory_space<semaphore_mem>>)
        %dma_wait3A = arith.constant 0 : i32
        %dma_wait3A_38 = tpu.memref_slice %arg11[%add3A, %dma_wait3A] : memref<10240x128xf32, #tpu.memory_space<vmem_shared>> -> memref<64x128xf32, #tpu.memory_space<vmem_shared>>
        %dma_wait3A_39 = arith.constant 0 : i32
        %dma_wait3A_40 = tpu.memref_slice %arg11[%add3A, %dma_wait3A_39] : memref<10240x128xf32, #tpu.memory_space<vmem_shared>> -> memref<64x128xf32, #tpu.memory_space<vmem_shared>>
        tpu.wait_dma2 semaphore(%run_scoped3A : memref<!tpu.dma_semaphore, #tpu.memory_space<semaphore_mem>>) src(%arg10 : memref<64x128xf32, #tpu.memory_space<vmem>>) dst(%dma_wait3A_40 : memref<64x128xf32, #tpu.memory_space<vmem_shared>>)
        tpu.yield
      }) : () -> ()
      %scan3A_34 = arith.constant 0 : i32
      scf.yield %scan3A_34 : i32
    }
    %scan3A_13 = arith.constant 10 : i32
    %barrier3A = arith.constant 0 : index
    tpu.barrier barrier_id(%barrier3A)
    %mul3A = arith.constant 10240 : i32
    %mul3A_14 = arith.muli %arg0, %mul3A : i32
    %broadcast_in_dim3A_15 = vector.broadcast %mul3A_14 : i32 to vector<16xi32>
    %scan3A_16 = arith.constant 0 : i32
    %scan3A_17 = arith.constant 0 : i32
    %scan3A_18 = arith.constant 168 : i32
    %scan3A_19 = arith.addi %scan3A_17, %scan3A_18 : i32
    %scan3A_20 = arith.constant 1 : i32
    %scan3A_21 = scf.for %scan3A_28 = %scan3A_17 to %scan3A_19 step %scan3A_20 iter_args(%scan3A_29 = %scan3A_16) -> (i32)  : i32 {
      "tpu.region"() ({
        %run_scoped3A_83 = tpu.sem_alloc : memref<!tpu.dma_semaphore, #tpu.memory_space<semaphore_mem>>
        %dma_start3A_84 = arith.constant 0 : i32
        %dma_start3A_85 = arith.constant 0 : i32
        %dma_start3A_86 = tpu.memref_slice %arg4[%arg1, %dma_start3A_84, %dma_start3A_85] : memref<16x168x64xi32, #tpu.memory_space<hbm>> -> memref<1x168x64xi32, #tpu.memory_space<hbm>>
        %dma_start3A_87 = tpu.memref_squeeze %dma_start3A_86 : memref<1x168x64xi32, #tpu.memory_space<hbm>> -> memref<168x64xi32, #tpu.memory_space<hbm>>
        %dma_start3A_88 = arith.constant 0 : i32
        %dma_start3A_89 = tpu.memref_slice %dma_start3A_87[%scan3A_28, %dma_start3A_88] : memref<168x64xi32, #tpu.memory_space<hbm>> -> memref<1x64xi32, #tpu.memory_space<hbm>>
        %dma_start3A_90 = arith.constant 0 : i32
        %dma_start3A_91 = arith.constant 0 : i32
        %dma_start3A_92 = tpu.memref_slice %arg4[%arg1, %dma_start3A_90, %dma_start3A_91] : memref<16x168x64xi32, #tpu.memory_space<hbm>> -> memref<1x168x64xi32, #tpu.memory_space<hbm>>
        %dma_start3A_93 = tpu.memref_squeeze %dma_start3A_92 : memref<1x168x64xi32, #tpu.memory_space<hbm>> -> memref<168x64xi32, #tpu.memory_space<hbm>>
        %dma_start3A_94 = arith.constant 0 : i32
        %dma_start3A_95 = tpu.memref_slice %dma_start3A_93[%scan3A_28, %dma_start3A_94] : memref<168x64xi32, #tpu.memory_space<hbm>> -> memref<1x64xi32, #tpu.memory_space<hbm>>
        tpu.enqueue_dma source(%dma_start3A_95 : memref<1x64xi32, #tpu.memory_space<hbm>>) target(%arg7 : memref<1x64xi32, #tpu.memory_space<vmem>>) target_semaphore(%run_scoped3A_83 : memref<!tpu.dma_semaphore, #tpu.memory_space<semaphore_mem>>)
        %dma_wait3A_96 = arith.constant 0 : i32
        %dma_wait3A_97 = arith.constant 0 : i32
        %dma_wait3A_98 = tpu.memref_slice %arg4[%arg1, %dma_wait3A_96, %dma_wait3A_97] : memref<16x168x64xi32, #tpu.memory_space<hbm>> -> memref<1x168x64xi32, #tpu.memory_space<hbm>>
        %dma_wait3A_99 = tpu.memref_squeeze %dma_wait3A_98 : memref<1x168x64xi32, #tpu.memory_space<hbm>> -> memref<168x64xi32, #tpu.memory_space<hbm>>
        %dma_wait3A_100 = arith.constant 0 : i32
        %dma_wait3A_101 = tpu.memref_slice %dma_wait3A_99[%scan3A_28, %dma_wait3A_100] : memref<168x64xi32, #tpu.memory_space<hbm>> -> memref<1x64xi32, #tpu.memory_space<hbm>>
        %dma_wait3A_102 = arith.constant 0 : i32
        %dma_wait3A_103 = arith.constant 0 : i32
        %dma_wait3A_104 = tpu.memref_slice %arg4[%arg1, %dma_wait3A_102, %dma_wait3A_103] : memref<16x168x64xi32, #tpu.memory_space<hbm>> -> memref<1x168x64xi32, #tpu.memory_space<hbm>>
        %dma_wait3A_105 = tpu.memref_squeeze %dma_wait3A_104 : memref<1x168x64xi32, #tpu.memory_space<hbm>> -> memref<168x64xi32, #tpu.memory_space<hbm>>
        %dma_wait3A_106 = arith.constant 0 : i32
        %dma_wait3A_107 = tpu.memref_slice %dma_wait3A_105[%scan3A_28, %dma_wait3A_106] : memref<168x64xi32, #tpu.memory_space<hbm>> -> memref<1x64xi32, #tpu.memory_space<hbm>>
        tpu.wait_dma2 semaphore(%run_scoped3A_83 : memref<!tpu.dma_semaphore, #tpu.memory_space<semaphore_mem>>) src(%dma_wait3A_107 : memref<1x64xi32, #tpu.memory_space<hbm>>) dst(%arg7 : memref<1x64xi32, #tpu.memory_space<vmem>>)
        tpu.yield
      }) : () -> ()
      "tpu.region"() ({
        %run_scoped3A_83 = tpu.sem_alloc : memref<!tpu.dma_semaphore, #tpu.memory_space<semaphore_mem>>
        %dma_start3A_84 = arith.constant 0 : i32
        %dma_start3A_85 = arith.constant 0 : i32
        %dma_start3A_86 = tpu.memref_slice %arg5[%arg1, %dma_start3A_84, %dma_start3A_85] : memref<16x168x64xi32, #tpu.memory_space<hbm>> -> memref<1x168x64xi32, #tpu.memory_space<hbm>>
        %dma_start3A_87 = tpu.memref_squeeze %dma_start3A_86 : memref<1x168x64xi32, #tpu.memory_space<hbm>> -> memref<168x64xi32, #tpu.memory_space<hbm>>
        %dma_start3A_88 = arith.constant 0 : i32
        %dma_start3A_89 = tpu.memref_slice %dma_start3A_87[%scan3A_28, %dma_start3A_88] : memref<168x64xi32, #tpu.memory_space<hbm>> -> memref<1x64xi32, #tpu.memory_space<hbm>>
        %dma_start3A_90 = arith.constant 0 : i32
        %dma_start3A_91 = arith.constant 0 : i32
        %dma_start3A_92 = tpu.memref_slice %arg5[%arg1, %dma_start3A_90, %dma_start3A_91] : memref<16x168x64xi32, #tpu.memory_space<hbm>> -> memref<1x168x64xi32, #tpu.memory_space<hbm>>
        %dma_start3A_93 = tpu.memref_squeeze %dma_start3A_92 : memref<1x168x64xi32, #tpu.memory_space<hbm>> -> memref<168x64xi32, #tpu.memory_space<hbm>>
        %dma_start3A_94 = arith.constant 0 : i32
        %dma_start3A_95 = tpu.memref_slice %dma_start3A_93[%scan3A_28, %dma_start3A_94] : memref<168x64xi32, #tpu.memory_space<hbm>> -> memref<1x64xi32, #tpu.memory_space<hbm>>
        tpu.enqueue_dma source(%dma_start3A_95 : memref<1x64xi32, #tpu.memory_space<hbm>>) target(%arg8 : memref<1x64xi32, #tpu.memory_space<vmem>>) target_semaphore(%run_scoped3A_83 : memref<!tpu.dma_semaphore, #tpu.memory_space<semaphore_mem>>)
        %dma_wait3A_96 = arith.constant 0 : i32
        %dma_wait3A_97 = arith.constant 0 : i32
        %dma_wait3A_98 = tpu.memref_slice %arg5[%arg1, %dma_wait3A_96, %dma_wait3A_97] : memref<16x168x64xi32, #tpu.memory_space<hbm>> -> memref<1x168x64xi32, #tpu.memory_space<hbm>>
        %dma_wait3A_99 = tpu.memref_squeeze %dma_wait3A_98 : memref<1x168x64xi32, #tpu.memory_space<hbm>> -> memref<168x64xi32, #tpu.memory_space<hbm>>
        %dma_wait3A_100 = arith.constant 0 : i32
        %dma_wait3A_101 = tpu.memref_slice %dma_wait3A_99[%scan3A_28, %dma_wait3A_100] : memref<168x64xi32, #tpu.memory_space<hbm>> -> memref<1x64xi32, #tpu.memory_space<hbm>>
        %dma_wait3A_102 = arith.constant 0 : i32
        %dma_wait3A_103 = arith.constant 0 : i32
        %dma_wait3A_104 = tpu.memref_slice %arg5[%arg1, %dma_wait3A_102, %dma_wait3A_103] : memref<16x168x64xi32, #tpu.memory_space<hbm>> -> memref<1x168x64xi32, #tpu.memory_space<hbm>>
        %dma_wait3A_105 = tpu.memref_squeeze %dma_wait3A_104 : memref<1x168x64xi32, #tpu.memory_space<hbm>> -> memref<168x64xi32, #tpu.memory_space<hbm>>
        %dma_wait3A_106 = arith.constant 0 : i32
        %dma_wait3A_107 = tpu.memref_slice %dma_wait3A_105[%scan3A_28, %dma_wait3A_106] : memref<168x64xi32, #tpu.memory_space<hbm>> -> memref<1x64xi32, #tpu.memory_space<hbm>>
        tpu.wait_dma2 semaphore(%run_scoped3A_83 : memref<!tpu.dma_semaphore, #tpu.memory_space<semaphore_mem>>) src(%dma_wait3A_107 : memref<1x64xi32, #tpu.memory_space<hbm>>) dst(%arg8 : memref<1x64xi32, #tpu.memory_space<vmem>>)
        tpu.yield
      }) : () -> ()
      "tpu.region"() ({
        %run_scoped3A_83 = tpu.sem_alloc : memref<!tpu.dma_semaphore, #tpu.memory_space<semaphore_mem>>
        %dma_start3A_84 = arith.constant 0 : i32
        %dma_start3A_85 = arith.constant 0 : i32
        %dma_start3A_86 = tpu.memref_slice %arg3[%arg1, %dma_start3A_84, %dma_start3A_85] : memref<16x168x64xf32, #tpu.memory_space<hbm>> -> memref<1x168x64xf32, #tpu.memory_space<hbm>>
        %dma_start3A_87 = tpu.memref_squeeze %dma_start3A_86 : memref<1x168x64xf32, #tpu.memory_space<hbm>> -> memref<168x64xf32, #tpu.memory_space<hbm>>
        %dma_start3A_88 = arith.constant 0 : i32
        %dma_start3A_89 = tpu.memref_slice %dma_start3A_87[%scan3A_28, %dma_start3A_88] : memref<168x64xf32, #tpu.memory_space<hbm>> -> memref<1x64xf32, #tpu.memory_space<hbm>>
        %dma_start3A_90 = arith.constant 0 : i32
        %dma_start3A_91 = arith.constant 0 : i32
        %dma_start3A_92 = tpu.memref_slice %arg3[%arg1, %dma_start3A_90, %dma_start3A_91] : memref<16x168x64xf32, #tpu.memory_space<hbm>> -> memref<1x168x64xf32, #tpu.memory_space<hbm>>
        %dma_start3A_93 = tpu.memref_squeeze %dma_start3A_92 : memref<1x168x64xf32, #tpu.memory_space<hbm>> -> memref<168x64xf32, #tpu.memory_space<hbm>>
        %dma_start3A_94 = arith.constant 0 : i32
        %dma_start3A_95 = tpu.memref_slice %dma_start3A_93[%scan3A_28, %dma_start3A_94] : memref<168x64xf32, #tpu.memory_space<hbm>> -> memref<1x64xf32, #tpu.memory_space<hbm>>
        tpu.enqueue_dma source(%dma_start3A_95 : memref<1x64xf32, #tpu.memory_space<hbm>>) target(%arg9 : memref<1x64xf32, #tpu.memory_space<vmem>>) target_semaphore(%run_scoped3A_83 : memref<!tpu.dma_semaphore, #tpu.memory_space<semaphore_mem>>)
        %dma_wait3A_96 = arith.constant 0 : i32
        %dma_wait3A_97 = arith.constant 0 : i32
        %dma_wait3A_98 = tpu.memref_slice %arg3[%arg1, %dma_wait3A_96, %dma_wait3A_97] : memref<16x168x64xf32, #tpu.memory_space<hbm>> -> memref<1x168x64xf32, #tpu.memory_space<hbm>>
        %dma_wait3A_99 = tpu.memref_squeeze %dma_wait3A_98 : memref<1x168x64xf32, #tpu.memory_space<hbm>> -> memref<168x64xf32, #tpu.memory_space<hbm>>
        %dma_wait3A_100 = arith.constant 0 : i32
        %dma_wait3A_101 = tpu.memref_slice %dma_wait3A_99[%scan3A_28, %dma_wait3A_100] : memref<168x64xf32, #tpu.memory_space<hbm>> -> memref<1x64xf32, #tpu.memory_space<hbm>>
        %dma_wait3A_102 = arith.constant 0 : i32
        %dma_wait3A_103 = arith.constant 0 : i32
        %dma_wait3A_104 = tpu.memref_slice %arg3[%arg1, %dma_wait3A_102, %dma_wait3A_103] : memref<16x168x64xf32, #tpu.memory_space<hbm>> -> memref<1x168x64xf32, #tpu.memory_space<hbm>>
        %dma_wait3A_105 = tpu.memref_squeeze %dma_wait3A_104 : memref<1x168x64xf32, #tpu.memory_space<hbm>> -> memref<168x64xf32, #tpu.memory_space<hbm>>
        %dma_wait3A_106 = arith.constant 0 : i32
        %dma_wait3A_107 = tpu.memref_slice %dma_wait3A_105[%scan3A_28, %dma_wait3A_106] : memref<168x64xf32, #tpu.memory_space<hbm>> -> memref<1x64xf32, #tpu.memory_space<hbm>>
        tpu.wait_dma2 semaphore(%run_scoped3A_83 : memref<!tpu.dma_semaphore, #tpu.memory_space<semaphore_mem>>) src(%dma_wait3A_107 : memref<1x64xf32, #tpu.memory_space<hbm>>) dst(%arg9 : memref<1x64xf32, #tpu.memory_space<vmem>>)
        tpu.yield
      }) : () -> ()
      %get3A = arith.constant 0 : i32
      %get3A_30 = arith.index_cast %get3A : i32 to index
      %get3A_31 = arith.constant 0 : index
      %get3A_32 = tpu.vector_load %arg7[%get3A_30, %get3A_31] {strides = array<i32>} : memref<1x64xi32, #tpu.memory_space<vmem>>, vector<16xi32>,
      %add3A = arith.addi %get3A_32, %broadcast_in_dim3A_15 : vector<16xi32>
      %swap3A = arith.constant 0 : i32
      %swap3A_33 = arith.index_cast %swap3A : i32 to index
      %swap3A_34 = arith.constant 0 : index
      %swap3A_35 = tpu.vector_load %arg7[%swap3A_33, %swap3A_34] {strides = array<i32>} : memref<1x64xi32, #tpu.memory_space<vmem>>, vector<16xi32>,
      tpu.vector_store %arg7[%swap3A_33, %swap3A_34], %add3A {strides = array<i32>} : memref<1x64xi32, #tpu.memory_space<vmem>>, vector<16xi32>,
      %get3A_36 = arith.constant 0 : i32
      %get3A_37 = arith.index_cast %get3A_36 : i32 to index
      %get3A_38 = arith.constant 16 : index
      %get3A_39 = tpu.vector_load %arg7[%get3A_37, %get3A_38] {strides = array<i32>} : memref<1x64xi32, #tpu.memory_space<vmem>>, vector<16xi32>,
      %add3A_40 = arith.addi %get3A_39, %broadcast_in_dim3A_15 : vector<16xi32>
      %swap3A_41 = arith.constant 0 : i32
      %swap3A_42 = arith.index_cast %swap3A_41 : i32 to index
      %swap3A_43 = arith.constant 16 : index
      %swap3A_44 = tpu.vector_load %arg7[%swap3A_42, %swap3A_43] {strides = array<i32>} : memref<1x64xi32, #tpu.memory_space<vmem>>, vector<16xi32>,
      tpu.vector_store %arg7[%swap3A_42, %swap3A_43], %add3A_40 {strides = array<i32>} : memref<1x64xi32, #tpu.memory_space<vmem>>, vector<16xi32>,
      %get3A_45 = arith.constant 0 : i32
      %get3A_46 = arith.index_cast %get3A_45 : i32 to index
      %get3A_47 = arith.constant 32 : index
      %get3A_48 = tpu.vector_load %arg7[%get3A_46, %get3A_47] {strides = array<i32>} : memref<1x64xi32, #tpu.memory_space<vmem>>, vector<16xi32>,
      %add3A_49 = arith.addi %get3A_48, %broadcast_in_dim3A_15 : vector<16xi32>
      %swap3A_50 = arith.constant 0 : i32
      %swap3A_51 = arith.index_cast %swap3A_50 : i32 to index
      %swap3A_52 = arith.constant 32 : index
      %swap3A_53 = tpu.vector_load %arg7[%swap3A_51, %swap3A_52] {strides = array<i32>} : memref<1x64xi32, #tpu.memory_space<vmem>>, vector<16xi32>,
      tpu.vector_store %arg7[%swap3A_51, %swap3A_52], %add3A_49 {strides = array<i32>} : memref<1x64xi32, #tpu.memory_space<vmem>>, vector<16xi32>,
      %get3A_54 = arith.constant 0 : i32
      %get3A_55 = arith.index_cast %get3A_54 : i32 to index
      %get3A_56 = arith.constant 48 : index
      %get3A_57 = tpu.vector_load %arg7[%get3A_55, %get3A_56] {strides = array<i32>} : memref<1x64xi32, #tpu.memory_space<vmem>>, vector<16xi32>,
      %add3A_58 = arith.addi %get3A_57, %broadcast_in_dim3A_15 : vector<16xi32>
      %swap3A_59 = arith.constant 0 : i32
      %swap3A_60 = arith.index_cast %swap3A_59 : i32 to index
      %swap3A_61 = arith.constant 48 : index
      %swap3A_62 = tpu.vector_load %arg7[%swap3A_60, %swap3A_61] {strides = array<i32>} : memref<1x64xi32, #tpu.memory_space<vmem>>, vector<16xi32>,
      tpu.vector_store %arg7[%swap3A_60, %swap3A_61], %add3A_58 {strides = array<i32>} : memref<1x64xi32, #tpu.memory_space<vmem>>, vector<16xi32>,
      %dma_start3A = arith.constant 0 : i32
      %dma_start3A_63 = arith.constant 0 : i32
      %dma_start3A_64 = tpu.memref_slice %arg7[%dma_start3A, %dma_start3A_63] : memref<1x64xi32, #tpu.memory_space<vmem>> -> memref<1x64xi32, #tpu.memory_space<vmem>>
      %dma_start3A_65 = tpu.memref_squeeze %dma_start3A_64 : memref<1x64xi32, #tpu.memory_space<vmem>> -> memref<64xi32, #tpu.memory_space<vmem>>
      %dma_start3A_66 = arith.constant 0 : i32
      %dma_start3A_67 = arith.constant 0 : i32
      %dma_start3A_68 = tpu.memref_slice %arg2[%dma_start3A_66, %dma_start3A_67] : memref<20480x128xf32, #tpu.memory_space<hbm>> -> memref<20480x128xf32, #tpu.memory_space<hbm>>
      tpu.enqueue_indirect_dma source(%dma_start3A_68 : memref<20480x128xf32, #tpu.memory_space<hbm>>) target(%arg10 : memref<64x128xf32, #tpu.memory_space<vmem>>) offsets(%dma_start3A_65 : memref<64xi32, #tpu.memory_space<vmem>>) semaphore(%arg12 : memref<!tpu.dma_semaphore, #tpu.memory_space<semaphore_mem>>)
      %dma_wait3A = arith.constant 0 : i32
      %dma_wait3A_69 = arith.constant 0 : i32
      %dma_wait3A_70 = tpu.memref_slice %arg7[%dma_wait3A, %dma_wait3A_69] : memref<1x64xi32, #tpu.memory_space<vmem>> -> memref<1x64xi32, #tpu.memory_space<vmem>>
      %dma_wait3A_71 = tpu.memref_squeeze %dma_wait3A_70 : memref<1x64xi32, #tpu.memory_space<vmem>> -> memref<64xi32, #tpu.memory_space<vmem>>
      %dma_wait3A_72 = arith.constant 0 : i32
      %dma_wait3A_73 = arith.constant 0 : i32
      %dma_wait3A_74 = tpu.memref_slice %arg2[%dma_wait3A_72, %dma_wait3A_73] : memref<20480x128xf32, #tpu.memory_space<hbm>> -> memref<20480x128xf32, #tpu.memory_space<hbm>>
      tpu.wait_indirect_dma semaphore(%arg12 : memref<!tpu.dma_semaphore, #tpu.memory_space<semaphore_mem>>) src(%dma_wait3A_74 : memref<20480x128xf32, #tpu.memory_space<hbm>>) dst(%arg10 : memref<64x128xf32, #tpu.memory_space<vmem>>)
      %scan3A_75 = arith.constant 0 : i32
      %scan3A_76 = arith.constant 0 : i32
      %scan3A_77 = arith.constant 64 : i32
      %scan3A_78 = arith.addi %scan3A_76, %scan3A_77 : i32
      %scan3A_79 = arith.constant 1 : i32
      %scan3A_80 = scf.for %scan3A_83 = %scan3A_76 to %scan3A_78 step %scan3A_79 iter_args(%scan3A_84 = %scan3A_75) -> (i32)  : i32 {
        %broadcast_in_dim3A_85 = arith.constant 0 : i32
        %broadcast_in_dim3A_86 = vector.broadcast %broadcast_in_dim3A_85 : i32 to vector<16xi32>
        %broadcast_in_dim3A_87 = vector.broadcast %scan3A_83 : i32 to vector<16xi32>
        %gather3A = tpu.vector_load_idx %arg9[%broadcast_in_dim3A_86, %broadcast_in_dim3A_87] : memref<1x64xf32, #tpu.memory_space<vmem>>[vector<16xi32>, vector<16xi32>], vector<16xf32>,
        %get3A_88 = arith.index_cast %scan3A_83 : i32 to index
        %get3A_89 = arith.constant 0 : index
        %get3A_90 = tpu.vector_load %arg10[%get3A_88, %get3A_89] {strides = array<i32>} : memref<64x128xf32, #tpu.memory_space<vmem>>, vector<16xf32>,
        %mul3A_91 = arith.mulf %get3A_90, %gather3A : vector<16xf32>
        %swap3A_92 = arith.index_cast %scan3A_83 : i32 to index
        %swap3A_93 = arith.constant 0 : index
        %swap3A_94 = tpu.vector_load %arg10[%swap3A_92, %swap3A_93] {strides = array<i32>} : memref<64x128xf32, #tpu.memory_space<vmem>>, vector<16xf32>,
        tpu.vector_store %arg10[%swap3A_92, %swap3A_93], %mul3A_91 {strides = array<i32>} : memref<64x128xf32, #tpu.memory_space<vmem>>, vector<16xf32>,
        %get3A_95 = arith.index_cast %scan3A_83 : i32 to index
        %get3A_96 = arith.constant 16 : index
        %get3A_97 = tpu.vector_load %arg10[%get3A_95, %get3A_96] {strides = array<i32>} : memref<64x128xf32, #tpu.memory_space<vmem>>, vector<16xf32>,
        %mul3A_98 = arith.mulf %get3A_97, %gather3A : vector<16xf32>
        %swap3A_99 = arith.index_cast %scan3A_83 : i32 to index
        %swap3A_100 = arith.constant 16 : index
        %swap3A_101 = tpu.vector_load %arg10[%swap3A_99, %swap3A_100] {strides = array<i32>} : memref<64x128xf32, #tpu.memory_space<vmem>>, vector<16xf32>,
        tpu.vector_store %arg10[%swap3A_99, %swap3A_100], %mul3A_98 {strides = array<i32>} : memref<64x128xf32, #tpu.memory_space<vmem>>, vector<16xf32>,
        %get3A_102 = arith.index_cast %scan3A_83 : i32 to index
        %get3A_103 = arith.constant 32 : index
        %get3A_104 = tpu.vector_load %arg10[%get3A_102, %get3A_103] {strides = array<i32>} : memref<64x128xf32, #tpu.memory_space<vmem>>, vector<16xf32>,
        %mul3A_105 = arith.mulf %get3A_104, %gather3A : vector<16xf32>
        %swap3A_106 = arith.index_cast %scan3A_83 : i32 to index
        %swap3A_107 = arith.constant 32 : index
        %swap3A_108 = tpu.vector_load %arg10[%swap3A_106, %swap3A_107] {strides = array<i32>} : memref<64x128xf32, #tpu.memory_space<vmem>>, vector<16xf32>,
        tpu.vector_store %arg10[%swap3A_106, %swap3A_107], %mul3A_105 {strides = array<i32>} : memref<64x128xf32, #tpu.memory_space<vmem>>, vector<16xf32>,
        %get3A_109 = arith.index_cast %scan3A_83 : i32 to index
        %get3A_110 = arith.constant 48 : index
        %get3A_111 = tpu.vector_load %arg10[%get3A_109, %get3A_110] {strides = array<i32>} : memref<64x128xf32, #tpu.memory_space<vmem>>, vector<16xf32>,
        %mul3A_112 = arith.mulf %get3A_111, %gather3A : vector<16xf32>
        %swap3A_113 = arith.index_cast %scan3A_83 : i32 to index
        %swap3A_114 = arith.constant 48 : index
        %swap3A_115 = tpu.vector_load %arg10[%swap3A_113, %swap3A_114] {strides = array<i32>} : memref<64x128xf32, #tpu.memory_space<vmem>>, vector<16xf32>,
        tpu.vector_store %arg10[%swap3A_113, %swap3A_114], %mul3A_112 {strides = array<i32>} : memref<64x128xf32, #tpu.memory_space<vmem>>, vector<16xf32>,
        %get3A_116 = arith.index_cast %scan3A_83 : i32 to index
        %get3A_117 = arith.constant 64 : index
        %get3A_118 = tpu.vector_load %arg10[%get3A_116, %get3A_117] {strides = array<i32>} : memref<64x128xf32, #tpu.memory_space<vmem>>, vector<16xf32>,
        %mul3A_119 = arith.mulf %get3A_118, %gather3A : vector<16xf32>
        %swap3A_120 = arith.index_cast %scan3A_83 : i32 to index
        %swap3A_121 = arith.constant 64 : index
        %swap3A_122 = tpu.vector_load %arg10[%swap3A_120, %swap3A_121] {strides = array<i32>} : memref<64x128xf32, #tpu.memory_space<vmem>>, vector<16xf32>,
        tpu.vector_store %arg10[%swap3A_120, %swap3A_121], %mul3A_119 {strides = array<i32>} : memref<64x128xf32, #tpu.memory_space<vmem>>, vector<16xf32>,
        %get3A_123 = arith.index_cast %scan3A_83 : i32 to index
        %get3A_124 = arith.constant 80 : index
        %get3A_125 = tpu.vector_load %arg10[%get3A_123, %get3A_124] {strides = array<i32>} : memref<64x128xf32, #tpu.memory_space<vmem>>, vector<16xf32>,
        %mul3A_126 = arith.mulf %get3A_125, %gather3A : vector<16xf32>
        %swap3A_127 = arith.index_cast %scan3A_83 : i32 to index
        %swap3A_128 = arith.constant 80 : index
        %swap3A_129 = tpu.vector_load %arg10[%swap3A_127, %swap3A_128] {strides = array<i32>} : memref<64x128xf32, #tpu.memory_space<vmem>>, vector<16xf32>,
        tpu.vector_store %arg10[%swap3A_127, %swap3A_128], %mul3A_126 {strides = array<i32>} : memref<64x128xf32, #tpu.memory_space<vmem>>, vector<16xf32>,
        %get3A_130 = arith.index_cast %scan3A_83 : i32 to index
        %get3A_131 = arith.constant 96 : index
        %get3A_132 = tpu.vector_load %arg10[%get3A_130, %get3A_131] {strides = array<i32>} : memref<64x128xf32, #tpu.memory_space<vmem>>, vector<16xf32>,
        %mul3A_133 = arith.mulf %get3A_132, %gather3A : vector<16xf32>
        %swap3A_134 = arith.index_cast %scan3A_83 : i32 to index
        %swap3A_135 = arith.constant 96 : index
        %swap3A_136 = tpu.vector_load %arg10[%swap3A_134, %swap3A_135] {strides = array<i32>} : memref<64x128xf32, #tpu.memory_space<vmem>>, vector<16xf32>,
        tpu.vector_store %arg10[%swap3A_134, %swap3A_135], %mul3A_133 {strides = array<i32>} : memref<64x128xf32, #tpu.memory_space<vmem>>, vector<16xf32>,
        %get3A_137 = arith.index_cast %scan3A_83 : i32 to index
        %get3A_138 = arith.constant 112 : index
        %get3A_139 = tpu.vector_load %arg10[%get3A_137, %get3A_138] {strides = array<i32>} : memref<64x128xf32, #tpu.memory_space<vmem>>, vector<16xf32>,
        %mul3A_140 = arith.mulf %get3A_139, %gather3A : vector<16xf32>
        %swap3A_141 = arith.index_cast %scan3A_83 : i32 to index
        %swap3A_142 = arith.constant 112 : index
        %swap3A_143 = tpu.vector_load %arg10[%swap3A_141, %swap3A_142] {strides = array<i32>} : memref<64x128xf32, #tpu.memory_space<vmem>>, vector<16xf32>,
        tpu.vector_store %arg10[%swap3A_141, %swap3A_142], %mul3A_140 {strides = array<i32>} : memref<64x128xf32, #tpu.memory_space<vmem>>, vector<16xf32>,
        %scan3A_144 = arith.constant 0 : i32
        scf.yield %scan3A_144 : i32
      }
      %scan3A_81 = arith.constant 64 : i32
      %run_scoped3A = arith.constant 0 : i32
      "tpu.region"() ({
        %run_scoped3A_83 = tpu.sem_alloc : memref<!tpu.dma_semaphore, #tpu.memory_space<semaphore_mem>>
        %dma_start3A_84 = arith.constant 0 : i32
        %dma_start3A_85 = tpu.memref_slice %arg8[%run_scoped3A, %dma_start3A_84] : memref<1x64xi32, #tpu.memory_space<vmem>> -> memref<1x64xi32, #tpu.memory_space<vmem>>
        %dma_start3A_86 = tpu.memref_squeeze %dma_start3A_85 : memref<1x64xi32, #tpu.memory_space<vmem>> -> memref<64xi32, #tpu.memory_space<vmem>>
        %dma_start3A_87 = arith.constant 0 : i32
        %dma_start3A_88 = arith.constant 0 : i32
        %dma_start3A_89 = tpu.memref_slice %arg11[%dma_start3A_87, %dma_start3A_88] : memref<10240x128xf32, #tpu.memory_space<vmem_shared>> -> memref<10240x128xf32, #tpu.memory_space<vmem_shared>>
        tpu.enqueue_indirect_dma source(%arg10 : memref<64x128xf32, #tpu.memory_space<vmem>>) target(%dma_start3A_89 : memref<10240x128xf32, #tpu.memory_space<vmem_shared>>) offsets(%dma_start3A_86 : memref<64xi32, #tpu.memory_space<vmem>>) semaphore(%run_scoped3A_83 : memref<!tpu.dma_semaphore, #tpu.memory_space<semaphore_mem>>) {add = true}
        %dma_wait3A_90 = arith.constant 0 : i32
        %dma_wait3A_91 = tpu.memref_slice %arg8[%run_scoped3A, %dma_wait3A_90] : memref<1x64xi32, #tpu.memory_space<vmem>> -> memref<1x64xi32, #tpu.memory_space<vmem>>
        %dma_wait3A_92 = tpu.memref_squeeze %dma_wait3A_91 : memref<1x64xi32, #tpu.memory_space<vmem>> -> memref<64xi32, #tpu.memory_space<vmem>>
        %dma_wait3A_93 = arith.constant 0 : i32
        %dma_wait3A_94 = arith.constant 0 : i32
        %dma_wait3A_95 = tpu.memref_slice %arg11[%dma_wait3A_93, %dma_wait3A_94] : memref<10240x128xf32, #tpu.memory_space<vmem_shared>> -> memref<10240x128xf32, #tpu.memory_space<vmem_shared>>
        tpu.wait_indirect_dma semaphore(%run_scoped3A_83 : memref<!tpu.dma_semaphore, #tpu.memory_space<semaphore_mem>>) src(%arg10 : memref<64x128xf32, #tpu.memory_space<vmem>>) dst(%dma_wait3A_95 : memref<10240x128xf32, #tpu.memory_space<vmem_shared>>)
        tpu.yield
      }) : () -> ()
      %scan3A_82 = arith.constant 0 : i32
      scf.yield %scan3A_82 : i32
    }
    %scan3A_22 = arith.constant 168 : i32
    %barrier3A_23 = arith.constant 0 : index
    tpu.barrier barrier_id(%barrier3A_23)
    %mul3A_24 = arith.constant 640 : i32
    %mul3A_25 = arith.muli %arg1, %mul3A_24 : i32
    %mul3A_26 = arith.constant 640 : i32
    %mul3A_27 = arith.muli %arg1, %mul3A_26 : i32
    "tpu.region"() ({
      %run_scoped3A = tpu.sem_alloc : memref<!tpu.dma_semaphore, #tpu.memory_space<semaphore_mem>>
      %dma_start3A = arith.constant 0 : i32
      %dma_start3A_28 = arith.constant 0 : i32
      %dma_start3A_29 = tpu.memref_slice %arg6[%arg0, %dma_start3A, %dma_start3A_28] : memref<2x10240x128xf32, #tpu.memory_space<hbm>> -> memref<1x10240x128xf32, #tpu.memory_space<hbm>>
      %dma_start3A_30 = tpu.memref_squeeze %dma_start3A_29 : memref<1x10240x128xf32, #tpu.memory_space<hbm>> -> memref<10240x128xf32, #tpu.memory_space<hbm>>
      %dma_start3A_31 = arith.constant 0 : i32
      %dma_start3A_32 = tpu.memref_slice %dma_start3A_30[%mul3A_27, %dma_start3A_31] : memref<10240x128xf32, #tpu.memory_space<hbm>> -> memref<640x128xf32, #tpu.memory_space<hbm>>
      %dma_start3A_33 = arith.constant 0 : i32
      %dma_start3A_34 = tpu.memref_slice %arg11[%mul3A_25, %dma_start3A_33] : memref<10240x128xf32, #tpu.memory_space<vmem_shared>> -> memref<640x128xf32, #tpu.memory_space<vmem_shared>>
      tpu.enqueue_dma source(%dma_start3A_34 : memref<640x128xf32, #tpu.memory_space<vmem_shared>>) target(%dma_start3A_32 : memref<640x128xf32, #tpu.memory_space<hbm>>) target_semaphore(%run_scoped3A : memref<!tpu.dma_semaphore, #tpu.memory_space<semaphore_mem>>)
      %dma_wait3A = arith.constant 0 : i32
      %dma_wait3A_35 = arith.constant 0 : i32
      %dma_wait3A_36 = tpu.memref_slice %arg6[%arg0, %dma_wait3A, %dma_wait3A_35] : memref<2x10240x128xf32, #tpu.memory_space<hbm>> -> memref<1x10240x128xf32, #tpu.memory_space<hbm>>
      %dma_wait3A_37 = tpu.memref_squeeze %dma_wait3A_36 : memref<1x10240x128xf32, #tpu.memory_space<hbm>> -> memref<10240x128xf32, #tpu.memory_space<hbm>>
      %dma_wait3A_38 = arith.constant 0 : i32
      %dma_wait3A_39 = tpu.memref_slice %dma_wait3A_37[%mul3A_27, %dma_wait3A_38] : memref<10240x128xf32, #tpu.memory_space<hbm>> -> memref<640x128xf32, #tpu.memory_space<hbm>>
      %dma_wait3A_40 = arith.constant 0 : i32
      %dma_wait3A_41 = tpu.memref_slice %arg11[%mul3A_25, %dma_wait3A_40] : memref<10240x128xf32, #tpu.memory_space<vmem_shared>> -> memref<640x128xf32, #tpu.memory_space<vmem_shared>>
      tpu.wait_dma2 semaphore(%run_scoped3A : memref<!tpu.dma_semaphore, #tpu.memory_space<semaphore_mem>>) src(%dma_wait3A_41 : memref<640x128xf32, #tpu.memory_space<vmem_shared>>) dst(%dma_wait3A_39 : memref<640x128xf32, #tpu.memory_space<hbm>>)
      tpu.yield
    }) : () -> ()
    return
  }
}

#map = affine_map<(d0, d1) -> (0, 0)>
#map1 = affine_map<(d0, d1) -> (0, 0, 0)>
module attributes {stable_mosaic.version = 14 : i64} {
  func.func @_sc_row_agg(%arg0: i32, %arg1: i32, %arg2: memref<20480x128xf32, #tpu.memory_space<hbm>>, %arg3: memref<16x168x64xf32, #tpu.memory_space<hbm>>, %arg4: memref<16x168x64xi32, #tpu.memory_space<hbm>>, %arg5: memref<16x168x64xi32, #tpu.memory_space<hbm>>, %arg6: memref<2x10240x128xf32, #tpu.memory_space<hbm>>, %arg7: memref<1x64xi32, #tpu.memory_space<vmem>>, %arg8: memref<1x64xi32, #tpu.memory_space<vmem>>, %arg9: memref<1x64xf32, #tpu.memory_space<vmem>>, %arg10: memref<64x128xf32, #tpu.memory_space<vmem>>, %arg11: memref<10240x128xf32, #tpu.memory_space<vmem_shared>>, %arg12: memref<!tpu.dma_semaphore, #tpu.memory_space<semaphore_mem>>) attributes {dimension_semantics = [#tpu.dimension_semantics<core_parallel>, #tpu.dimension_semantics<subcore_parallel>], iteration_bounds = array<i64: 2, 16>, scalar_prefetch = 0 : i64, scratch_operands = 6 : i64, tpu.core_type = #tpu.core_type<sc_vector_subcore>, window_params = [{transform_indices = #map}, {transform_indices = #map1}, {transform_indices = #map1}, {transform_indices = #map1}, {transform_indices = #map1}]} {
    %broadcast_in_dim3A = arith.constant 0.000000e+00 : f32
    %broadcast_in_dim3A_0 = vector.broadcast %broadcast_in_dim3A : f32 to vector<16xf32>
    %scan3A = arith.constant 0 : i32
    %scan3A_1 = arith.constant 0 : i32
    %scan3A_2 = arith.constant 64 : i32
    %scan3A_3 = arith.addi %scan3A_1, %scan3A_2 : i32
    %scan3A_4 = arith.constant 1 : i32
    %scan3A_5 = scf.for %scan3A_28 = %scan3A_1 to %scan3A_3 step %scan3A_4 iter_args(%scan3A_29 = %scan3A) -> (i32)  : i32 {
      %swap3A = arith.index_cast %scan3A_28 : i32 to index
      %swap3A_30 = arith.constant 0 : index
      %swap3A_31 = tpu.vector_load %arg10[%swap3A, %swap3A_30] {strides = array<i32>} : memref<64x128xf32, #tpu.memory_space<vmem>>, vector<16xf32>,
      tpu.vector_store %arg10[%swap3A, %swap3A_30], %broadcast_in_dim3A_0 {strides = array<i32>} : memref<64x128xf32, #tpu.memory_space<vmem>>, vector<16xf32>,
      %swap3A_32 = arith.index_cast %scan3A_28 : i32 to index
      %swap3A_33 = arith.constant 16 : index
      %swap3A_34 = tpu.vector_load %arg10[%swap3A_32, %swap3A_33] {strides = array<i32>} : memref<64x128xf32, #tpu.memory_space<vmem>>, vector<16xf32>,
      tpu.vector_store %arg10[%swap3A_32, %swap3A_33], %broadcast_in_dim3A_0 {strides = array<i32>} : memref<64x128xf32, #tpu.memory_space<vmem>>, vector<16xf32>,
      %swap3A_35 = arith.index_cast %scan3A_28 : i32 to index
      %swap3A_36 = arith.constant 32 : index
      %swap3A_37 = tpu.vector_load %arg10[%swap3A_35, %swap3A_36] {strides = array<i32>} : memref<64x128xf32, #tpu.memory_space<vmem>>, vector<16xf32>,
      tpu.vector_store %arg10[%swap3A_35, %swap3A_36], %broadcast_in_dim3A_0 {strides = array<i32>} : memref<64x128xf32, #tpu.memory_space<vmem>>, vector<16xf32>,
      %swap3A_38 = arith.index_cast %scan3A_28 : i32 to index
      %swap3A_39 = arith.constant 48 : index
      %swap3A_40 = tpu.vector_load %arg10[%swap3A_38, %swap3A_39] {strides = array<i32>} : memref<64x128xf32, #tpu.memory_space<vmem>>, vector<16xf32>,
      tpu.vector_store %arg10[%swap3A_38, %swap3A_39], %broadcast_in_dim3A_0 {strides = array<i32>} : memref<64x128xf32, #tpu.memory_space<vmem>>, vector<16xf32>,
      %swap3A_41 = arith.index_cast %scan3A_28 : i32 to index
      %swap3A_42 = arith.constant 64 : index
      %swap3A_43 = tpu.vector_load %arg10[%swap3A_41, %swap3A_42] {strides = array<i32>} : memref<64x128xf32, #tpu.memory_space<vmem>>, vector<16xf32>,
      tpu.vector_store %arg10[%swap3A_41, %swap3A_42], %broadcast_in_dim3A_0 {strides = array<i32>} : memref<64x128xf32, #tpu.memory_space<vmem>>, vector<16xf32>,
      %swap3A_44 = arith.index_cast %scan3A_28 : i32 to index
      %swap3A_45 = arith.constant 80 : index
      %swap3A_46 = tpu.vector_load %arg10[%swap3A_44, %swap3A_45] {strides = array<i32>} : memref<64x128xf32, #tpu.memory_space<vmem>>, vector<16xf32>,
      tpu.vector_store %arg10[%swap3A_44, %swap3A_45], %broadcast_in_dim3A_0 {strides = array<i32>} : memref<64x128xf32, #tpu.memory_space<vmem>>, vector<16xf32>,
      %swap3A_47 = arith.index_cast %scan3A_28 : i32 to index
      %swap3A_48 = arith.constant 96 : index
      %swap3A_49 = tpu.vector_load %arg10[%swap3A_47, %swap3A_48] {strides = array<i32>} : memref<64x128xf32, #tpu.memory_space<vmem>>, vector<16xf32>,
      tpu.vector_store %arg10[%swap3A_47, %swap3A_48], %broadcast_in_dim3A_0 {strides = array<i32>} : memref<64x128xf32, #tpu.memory_space<vmem>>, vector<16xf32>,
      %swap3A_50 = arith.index_cast %scan3A_28 : i32 to index
      %swap3A_51 = arith.constant 112 : index
      %swap3A_52 = tpu.vector_load %arg10[%swap3A_50, %swap3A_51] {strides = array<i32>} : memref<64x128xf32, #tpu.memory_space<vmem>>, vector<16xf32>,
      tpu.vector_store %arg10[%swap3A_50, %swap3A_51], %broadcast_in_dim3A_0 {strides = array<i32>} : memref<64x128xf32, #tpu.memory_space<vmem>>, vector<16xf32>,
      %scan3A_53 = arith.constant 0 : i32
      scf.yield %scan3A_53 : i32
    }
    %scan3A_6 = arith.constant 64 : i32
    %scan3A_7 = arith.constant 0 : i32
    %scan3A_8 = arith.constant 0 : i32
    %scan3A_9 = arith.constant 10 : i32
    %scan3A_10 = arith.addi %scan3A_8, %scan3A_9 : i32
    %scan3A_11 = arith.constant 1 : i32
    %scan3A_12 = scf.for %scan3A_28 = %scan3A_8 to %scan3A_10 step %scan3A_11 iter_args(%scan3A_29 = %scan3A_7) -> (i32)  : i32 {
      %mul3A_30 = arith.constant 640 : i32
      %mul3A_31 = arith.muli %arg1, %mul3A_30 : i32
      %mul3A_32 = arith.constant 64 : i32
      %mul3A_33 = arith.muli %scan3A_28, %mul3A_32 : i32
      %add3A = arith.addi %mul3A_31, %mul3A_33 : i32
      "tpu.region"() ({
        %run_scoped3A = tpu.sem_alloc : memref<!tpu.dma_semaphore, #tpu.memory_space<semaphore_mem>>
        %dma_start3A = arith.constant 0 : i32
        %dma_start3A_35 = tpu.memref_slice %arg11[%add3A, %dma_start3A] : memref<10240x128xf32, #tpu.memory_space<vmem_shared>> -> memref<64x128xf32, #tpu.memory_space<vmem_shared>>
        %dma_start3A_36 = arith.constant 0 : i32
        %dma_start3A_37 = tpu.memref_slice %arg11[%add3A, %dma_start3A_36] : memref<10240x128xf32, #tpu.memory_space<vmem_shared>> -> memref<64x128xf32, #tpu.memory_space<vmem_shared>>
        tpu.enqueue_dma source(%arg10 : memref<64x128xf32, #tpu.memory_space<vmem>>) target(%dma_start3A_37 : memref<64x128xf32, #tpu.memory_space<vmem_shared>>) target_semaphore(%run_scoped3A : memref<!tpu.dma_semaphore, #tpu.memory_space<semaphore_mem>>)
        %dma_wait3A = arith.constant 0 : i32
        %dma_wait3A_38 = tpu.memref_slice %arg11[%add3A, %dma_wait3A] : memref<10240x128xf32, #tpu.memory_space<vmem_shared>> -> memref<64x128xf32, #tpu.memory_space<vmem_shared>>
        %dma_wait3A_39 = arith.constant 0 : i32
        %dma_wait3A_40 = tpu.memref_slice %arg11[%add3A, %dma_wait3A_39] : memref<10240x128xf32, #tpu.memory_space<vmem_shared>> -> memref<64x128xf32, #tpu.memory_space<vmem_shared>>
        tpu.wait_dma2 semaphore(%run_scoped3A : memref<!tpu.dma_semaphore, #tpu.memory_space<semaphore_mem>>) src(%arg10 : memref<64x128xf32, #tpu.memory_space<vmem>>) dst(%dma_wait3A_40 : memref<64x128xf32, #tpu.memory_space<vmem_shared>>)
        tpu.yield
      }) : () -> ()
      %scan3A_34 = arith.constant 0 : i32
      scf.yield %scan3A_34 : i32
    }
    %scan3A_13 = arith.constant 10 : i32
    %barrier3A = arith.constant 0 : index
    tpu.barrier barrier_id(%barrier3A)
    %mul3A = arith.constant 10240 : i32
    %mul3A_14 = arith.muli %arg0, %mul3A : i32
    %broadcast_in_dim3A_15 = vector.broadcast %mul3A_14 : i32 to vector<16xi32>
    %scan3A_16 = arith.constant 0 : i32
    %scan3A_17 = arith.constant 0 : i32
    %scan3A_18 = arith.constant 168 : i32
    %scan3A_19 = arith.addi %scan3A_17, %scan3A_18 : i32
    %scan3A_20 = arith.constant 1 : i32
    %scan3A_21 = scf.for %scan3A_28 = %scan3A_17 to %scan3A_19 step %scan3A_20 iter_args(%scan3A_29 = %scan3A_16) -> (i32)  : i32 {
      "tpu.region"() ({
        %run_scoped3A_83 = tpu.sem_alloc : memref<!tpu.dma_semaphore, #tpu.memory_space<semaphore_mem>>
        %dma_start3A_84 = arith.constant 0 : i32
        %dma_start3A_85 = arith.constant 0 : i32
        %dma_start3A_86 = tpu.memref_slice %arg4[%arg1, %dma_start3A_84, %dma_start3A_85] : memref<16x168x64xi32, #tpu.memory_space<hbm>> -> memref<1x168x64xi32, #tpu.memory_space<hbm>>
        %dma_start3A_87 = tpu.memref_squeeze %dma_start3A_86 : memref<1x168x64xi32, #tpu.memory_space<hbm>> -> memref<168x64xi32, #tpu.memory_space<hbm>>
        %dma_start3A_88 = arith.constant 0 : i32
        %dma_start3A_89 = tpu.memref_slice %dma_start3A_87[%scan3A_28, %dma_start3A_88] : memref<168x64xi32, #tpu.memory_space<hbm>> -> memref<1x64xi32, #tpu.memory_space<hbm>>
        %dma_start3A_90 = arith.constant 0 : i32
        %dma_start3A_91 = arith.constant 0 : i32
        %dma_start3A_92 = tpu.memref_slice %arg4[%arg1, %dma_start3A_90, %dma_start3A_91] : memref<16x168x64xi32, #tpu.memory_space<hbm>> -> memref<1x168x64xi32, #tpu.memory_space<hbm>>
        %dma_start3A_93 = tpu.memref_squeeze %dma_start3A_92 : memref<1x168x64xi32, #tpu.memory_space<hbm>> -> memref<168x64xi32, #tpu.memory_space<hbm>>
        %dma_start3A_94 = arith.constant 0 : i32
        %dma_start3A_95 = tpu.memref_slice %dma_start3A_93[%scan3A_28, %dma_start3A_94] : memref<168x64xi32, #tpu.memory_space<hbm>> -> memref<1x64xi32, #tpu.memory_space<hbm>>
        tpu.enqueue_dma source(%dma_start3A_95 : memref<1x64xi32, #tpu.memory_space<hbm>>) target(%arg7 : memref<1x64xi32, #tpu.memory_space<vmem>>) target_semaphore(%run_scoped3A_83 : memref<!tpu.dma_semaphore, #tpu.memory_space<semaphore_mem>>)
        %dma_wait3A_96 = arith.constant 0 : i32
        %dma_wait3A_97 = arith.constant 0 : i32
        %dma_wait3A_98 = tpu.memref_slice %arg4[%arg1, %dma_wait3A_96, %dma_wait3A_97] : memref<16x168x64xi32, #tpu.memory_space<hbm>> -> memref<1x168x64xi32, #tpu.memory_space<hbm>>
        %dma_wait3A_99 = tpu.memref_squeeze %dma_wait3A_98 : memref<1x168x64xi32, #tpu.memory_space<hbm>> -> memref<168x64xi32, #tpu.memory_space<hbm>>
        %dma_wait3A_100 = arith.constant 0 : i32
        %dma_wait3A_101 = tpu.memref_slice %dma_wait3A_99[%scan3A_28, %dma_wait3A_100] : memref<168x64xi32, #tpu.memory_space<hbm>> -> memref<1x64xi32, #tpu.memory_space<hbm>>
        %dma_wait3A_102 = arith.constant 0 : i32
        %dma_wait3A_103 = arith.constant 0 : i32
        %dma_wait3A_104 = tpu.memref_slice %arg4[%arg1, %dma_wait3A_102, %dma_wait3A_103] : memref<16x168x64xi32, #tpu.memory_space<hbm>> -> memref<1x168x64xi32, #tpu.memory_space<hbm>>
        %dma_wait3A_105 = tpu.memref_squeeze %dma_wait3A_104 : memref<1x168x64xi32, #tpu.memory_space<hbm>> -> memref<168x64xi32, #tpu.memory_space<hbm>>
        %dma_wait3A_106 = arith.constant 0 : i32
        %dma_wait3A_107 = tpu.memref_slice %dma_wait3A_105[%scan3A_28, %dma_wait3A_106] : memref<168x64xi32, #tpu.memory_space<hbm>> -> memref<1x64xi32, #tpu.memory_space<hbm>>
        tpu.wait_dma2 semaphore(%run_scoped3A_83 : memref<!tpu.dma_semaphore, #tpu.memory_space<semaphore_mem>>) src(%dma_wait3A_107 : memref<1x64xi32, #tpu.memory_space<hbm>>) dst(%arg7 : memref<1x64xi32, #tpu.memory_space<vmem>>)
        tpu.yield
      }) : () -> ()
      "tpu.region"() ({
        %run_scoped3A_83 = tpu.sem_alloc : memref<!tpu.dma_semaphore, #tpu.memory_space<semaphore_mem>>
        %dma_start3A_84 = arith.constant 0 : i32
        %dma_start3A_85 = arith.constant 0 : i32
        %dma_start3A_86 = tpu.memref_slice %arg5[%arg1, %dma_start3A_84, %dma_start3A_85] : memref<16x168x64xi32, #tpu.memory_space<hbm>> -> memref<1x168x64xi32, #tpu.memory_space<hbm>>
        %dma_start3A_87 = tpu.memref_squeeze %dma_start3A_86 : memref<1x168x64xi32, #tpu.memory_space<hbm>> -> memref<168x64xi32, #tpu.memory_space<hbm>>
        %dma_start3A_88 = arith.constant 0 : i32
        %dma_start3A_89 = tpu.memref_slice %dma_start3A_87[%scan3A_28, %dma_start3A_88] : memref<168x64xi32, #tpu.memory_space<hbm>> -> memref<1x64xi32, #tpu.memory_space<hbm>>
        %dma_start3A_90 = arith.constant 0 : i32
        %dma_start3A_91 = arith.constant 0 : i32
        %dma_start3A_92 = tpu.memref_slice %arg5[%arg1, %dma_start3A_90, %dma_start3A_91] : memref<16x168x64xi32, #tpu.memory_space<hbm>> -> memref<1x168x64xi32, #tpu.memory_space<hbm>>
        %dma_start3A_93 = tpu.memref_squeeze %dma_start3A_92 : memref<1x168x64xi32, #tpu.memory_space<hbm>> -> memref<168x64xi32, #tpu.memory_space<hbm>>
        %dma_start3A_94 = arith.constant 0 : i32
        %dma_start3A_95 = tpu.memref_slice %dma_start3A_93[%scan3A_28, %dma_start3A_94] : memref<168x64xi32, #tpu.memory_space<hbm>> -> memref<1x64xi32, #tpu.memory_space<hbm>>
        tpu.enqueue_dma source(%dma_start3A_95 : memref<1x64xi32, #tpu.memory_space<hbm>>) target(%arg8 : memref<1x64xi32, #tpu.memory_space<vmem>>) target_semaphore(%run_scoped3A_83 : memref<!tpu.dma_semaphore, #tpu.memory_space<semaphore_mem>>)
        %dma_wait3A_96 = arith.constant 0 : i32
        %dma_wait3A_97 = arith.constant 0 : i32
        %dma_wait3A_98 = tpu.memref_slice %arg5[%arg1, %dma_wait3A_96, %dma_wait3A_97] : memref<16x168x64xi32, #tpu.memory_space<hbm>> -> memref<1x168x64xi32, #tpu.memory_space<hbm>>
        %dma_wait3A_99 = tpu.memref_squeeze %dma_wait3A_98 : memref<1x168x64xi32, #tpu.memory_space<hbm>> -> memref<168x64xi32, #tpu.memory_space<hbm>>
        %dma_wait3A_100 = arith.constant 0 : i32
        %dma_wait3A_101 = tpu.memref_slice %dma_wait3A_99[%scan3A_28, %dma_wait3A_100] : memref<168x64xi32, #tpu.memory_space<hbm>> -> memref<1x64xi32, #tpu.memory_space<hbm>>
        %dma_wait3A_102 = arith.constant 0 : i32
        %dma_wait3A_103 = arith.constant 0 : i32
        %dma_wait3A_104 = tpu.memref_slice %arg5[%arg1, %dma_wait3A_102, %dma_wait3A_103] : memref<16x168x64xi32, #tpu.memory_space<hbm>> -> memref<1x168x64xi32, #tpu.memory_space<hbm>>
        %dma_wait3A_105 = tpu.memref_squeeze %dma_wait3A_104 : memref<1x168x64xi32, #tpu.memory_space<hbm>> -> memref<168x64xi32, #tpu.memory_space<hbm>>
        %dma_wait3A_106 = arith.constant 0 : i32
        %dma_wait3A_107 = tpu.memref_slice %dma_wait3A_105[%scan3A_28, %dma_wait3A_106] : memref<168x64xi32, #tpu.memory_space<hbm>> -> memref<1x64xi32, #tpu.memory_space<hbm>>
        tpu.wait_dma2 semaphore(%run_scoped3A_83 : memref<!tpu.dma_semaphore, #tpu.memory_space<semaphore_mem>>) src(%dma_wait3A_107 : memref<1x64xi32, #tpu.memory_space<hbm>>) dst(%arg8 : memref<1x64xi32, #tpu.memory_space<vmem>>)
        tpu.yield
      }) : () -> ()
      "tpu.region"() ({
        %run_scoped3A_83 = tpu.sem_alloc : memref<!tpu.dma_semaphore, #tpu.memory_space<semaphore_mem>>
        %dma_start3A_84 = arith.constant 0 : i32
        %dma_start3A_85 = arith.constant 0 : i32
        %dma_start3A_86 = tpu.memref_slice %arg3[%arg1, %dma_start3A_84, %dma_start3A_85] : memref<16x168x64xf32, #tpu.memory_space<hbm>> -> memref<1x168x64xf32, #tpu.memory_space<hbm>>
        %dma_start3A_87 = tpu.memref_squeeze %dma_start3A_86 : memref<1x168x64xf32, #tpu.memory_space<hbm>> -> memref<168x64xf32, #tpu.memory_space<hbm>>
        %dma_start3A_88 = arith.constant 0 : i32
        %dma_start3A_89 = tpu.memref_slice %dma_start3A_87[%scan3A_28, %dma_start3A_88] : memref<168x64xf32, #tpu.memory_space<hbm>> -> memref<1x64xf32, #tpu.memory_space<hbm>>
        %dma_start3A_90 = arith.constant 0 : i32
        %dma_start3A_91 = arith.constant 0 : i32
        %dma_start3A_92 = tpu.memref_slice %arg3[%arg1, %dma_start3A_90, %dma_start3A_91] : memref<16x168x64xf32, #tpu.memory_space<hbm>> -> memref<1x168x64xf32, #tpu.memory_space<hbm>>
        %dma_start3A_93 = tpu.memref_squeeze %dma_start3A_92 : memref<1x168x64xf32, #tpu.memory_space<hbm>> -> memref<168x64xf32, #tpu.memory_space<hbm>>
        %dma_start3A_94 = arith.constant 0 : i32
        %dma_start3A_95 = tpu.memref_slice %dma_start3A_93[%scan3A_28, %dma_start3A_94] : memref<168x64xf32, #tpu.memory_space<hbm>> -> memref<1x64xf32, #tpu.memory_space<hbm>>
        tpu.enqueue_dma source(%dma_start3A_95 : memref<1x64xf32, #tpu.memory_space<hbm>>) target(%arg9 : memref<1x64xf32, #tpu.memory_space<vmem>>) target_semaphore(%run_scoped3A_83 : memref<!tpu.dma_semaphore, #tpu.memory_space<semaphore_mem>>)
        %dma_wait3A_96 = arith.constant 0 : i32
        %dma_wait3A_97 = arith.constant 0 : i32
        %dma_wait3A_98 = tpu.memref_slice %arg3[%arg1, %dma_wait3A_96, %dma_wait3A_97] : memref<16x168x64xf32, #tpu.memory_space<hbm>> -> memref<1x168x64xf32, #tpu.memory_space<hbm>>
        %dma_wait3A_99 = tpu.memref_squeeze %dma_wait3A_98 : memref<1x168x64xf32, #tpu.memory_space<hbm>> -> memref<168x64xf32, #tpu.memory_space<hbm>>
        %dma_wait3A_100 = arith.constant 0 : i32
        %dma_wait3A_101 = tpu.memref_slice %dma_wait3A_99[%scan3A_28, %dma_wait3A_100] : memref<168x64xf32, #tpu.memory_space<hbm>> -> memref<1x64xf32, #tpu.memory_space<hbm>>
        %dma_wait3A_102 = arith.constant 0 : i32
        %dma_wait3A_103 = arith.constant 0 : i32
        %dma_wait3A_104 = tpu.memref_slice %arg3[%arg1, %dma_wait3A_102, %dma_wait3A_103] : memref<16x168x64xf32, #tpu.memory_space<hbm>> -> memref<1x168x64xf32, #tpu.memory_space<hbm>>
        %dma_wait3A_105 = tpu.memref_squeeze %dma_wait3A_104 : memref<1x168x64xf32, #tpu.memory_space<hbm>> -> memref<168x64xf32, #tpu.memory_space<hbm>>
        %dma_wait3A_106 = arith.constant 0 : i32
        %dma_wait3A_107 = tpu.memref_slice %dma_wait3A_105[%scan3A_28, %dma_wait3A_106] : memref<168x64xf32, #tpu.memory_space<hbm>> -> memref<1x64xf32, #tpu.memory_space<hbm>>
        tpu.wait_dma2 semaphore(%run_scoped3A_83 : memref<!tpu.dma_semaphore, #tpu.memory_space<semaphore_mem>>) src(%dma_wait3A_107 : memref<1x64xf32, #tpu.memory_space<hbm>>) dst(%arg9 : memref<1x64xf32, #tpu.memory_space<vmem>>)
        tpu.yield
      }) : () -> ()
      %get3A = arith.constant 0 : i32
      %get3A_30 = arith.index_cast %get3A : i32 to index
      %get3A_31 = arith.constant 0 : index
      %get3A_32 = tpu.vector_load %arg7[%get3A_30, %get3A_31] {strides = array<i32>} : memref<1x64xi32, #tpu.memory_space<vmem>>, vector<16xi32>,
      %add3A = arith.addi %get3A_32, %broadcast_in_dim3A_15 : vector<16xi32>
      %swap3A = arith.constant 0 : i32
      %swap3A_33 = arith.index_cast %swap3A : i32 to index
      %swap3A_34 = arith.constant 0 : index
      %swap3A_35 = tpu.vector_load %arg7[%swap3A_33, %swap3A_34] {strides = array<i32>} : memref<1x64xi32, #tpu.memory_space<vmem>>, vector<16xi32>,
      tpu.vector_store %arg7[%swap3A_33, %swap3A_34], %add3A {strides = array<i32>} : memref<1x64xi32, #tpu.memory_space<vmem>>, vector<16xi32>,
      %get3A_36 = arith.constant 0 : i32
      %get3A_37 = arith.index_cast %get3A_36 : i32 to index
      %get3A_38 = arith.constant 16 : index
      %get3A_39 = tpu.vector_load %arg7[%get3A_37, %get3A_38] {strides = array<i32>} : memref<1x64xi32, #tpu.memory_space<vmem>>, vector<16xi32>,
      %add3A_40 = arith.addi %get3A_39, %broadcast_in_dim3A_15 : vector<16xi32>
      %swap3A_41 = arith.constant 0 : i32
      %swap3A_42 = arith.index_cast %swap3A_41 : i32 to index
      %swap3A_43 = arith.constant 16 : index
      %swap3A_44 = tpu.vector_load %arg7[%swap3A_42, %swap3A_43] {strides = array<i32>} : memref<1x64xi32, #tpu.memory_space<vmem>>, vector<16xi32>,
      tpu.vector_store %arg7[%swap3A_42, %swap3A_43], %add3A_40 {strides = array<i32>} : memref<1x64xi32, #tpu.memory_space<vmem>>, vector<16xi32>,
      %get3A_45 = arith.constant 0 : i32
      %get3A_46 = arith.index_cast %get3A_45 : i32 to index
      %get3A_47 = arith.constant 32 : index
      %get3A_48 = tpu.vector_load %arg7[%get3A_46, %get3A_47] {strides = array<i32>} : memref<1x64xi32, #tpu.memory_space<vmem>>, vector<16xi32>,
      %add3A_49 = arith.addi %get3A_48, %broadcast_in_dim3A_15 : vector<16xi32>
      %swap3A_50 = arith.constant 0 : i32
      %swap3A_51 = arith.index_cast %swap3A_50 : i32 to index
      %swap3A_52 = arith.constant 32 : index
      %swap3A_53 = tpu.vector_load %arg7[%swap3A_51, %swap3A_52] {strides = array<i32>} : memref<1x64xi32, #tpu.memory_space<vmem>>, vector<16xi32>,
      tpu.vector_store %arg7[%swap3A_51, %swap3A_52], %add3A_49 {strides = array<i32>} : memref<1x64xi32, #tpu.memory_space<vmem>>, vector<16xi32>,
      %get3A_54 = arith.constant 0 : i32
      %get3A_55 = arith.index_cast %get3A_54 : i32 to index
      %get3A_56 = arith.constant 48 : index
      %get3A_57 = tpu.vector_load %arg7[%get3A_55, %get3A_56] {strides = array<i32>} : memref<1x64xi32, #tpu.memory_space<vmem>>, vector<16xi32>,
      %add3A_58 = arith.addi %get3A_57, %broadcast_in_dim3A_15 : vector<16xi32>
      %swap3A_59 = arith.constant 0 : i32
      %swap3A_60 = arith.index_cast %swap3A_59 : i32 to index
      %swap3A_61 = arith.constant 48 : index
      %swap3A_62 = tpu.vector_load %arg7[%swap3A_60, %swap3A_61] {strides = array<i32>} : memref<1x64xi32, #tpu.memory_space<vmem>>, vector<16xi32>,
      tpu.vector_store %arg7[%swap3A_60, %swap3A_61], %add3A_58 {strides = array<i32>} : memref<1x64xi32, #tpu.memory_space<vmem>>, vector<16xi32>,
      %dma_start3A = arith.constant 0 : i32
      %dma_start3A_63 = arith.constant 0 : i32
      %dma_start3A_64 = tpu.memref_slice %arg7[%dma_start3A, %dma_start3A_63] : memref<1x64xi32, #tpu.memory_space<vmem>> -> memref<1x64xi32, #tpu.memory_space<vmem>>
      %dma_start3A_65 = tpu.memref_squeeze %dma_start3A_64 : memref<1x64xi32, #tpu.memory_space<vmem>> -> memref<64xi32, #tpu.memory_space<vmem>>
      %dma_start3A_66 = arith.constant 0 : i32
      %dma_start3A_67 = arith.constant 0 : i32
      %dma_start3A_68 = tpu.memref_slice %arg2[%dma_start3A_66, %dma_start3A_67] : memref<20480x128xf32, #tpu.memory_space<hbm>> -> memref<20480x128xf32, #tpu.memory_space<hbm>>
      tpu.enqueue_indirect_dma source(%dma_start3A_68 : memref<20480x128xf32, #tpu.memory_space<hbm>>) target(%arg10 : memref<64x128xf32, #tpu.memory_space<vmem>>) offsets(%dma_start3A_65 : memref<64xi32, #tpu.memory_space<vmem>>) semaphore(%arg12 : memref<!tpu.dma_semaphore, #tpu.memory_space<semaphore_mem>>)
      %dma_wait3A = arith.constant 0 : i32
      %dma_wait3A_69 = arith.constant 0 : i32
      %dma_wait3A_70 = tpu.memref_slice %arg7[%dma_wait3A, %dma_wait3A_69] : memref<1x64xi32, #tpu.memory_space<vmem>> -> memref<1x64xi32, #tpu.memory_space<vmem>>
      %dma_wait3A_71 = tpu.memref_squeeze %dma_wait3A_70 : memref<1x64xi32, #tpu.memory_space<vmem>> -> memref<64xi32, #tpu.memory_space<vmem>>
      %dma_wait3A_72 = arith.constant 0 : i32
      %dma_wait3A_73 = arith.constant 0 : i32
      %dma_wait3A_74 = tpu.memref_slice %arg2[%dma_wait3A_72, %dma_wait3A_73] : memref<20480x128xf32, #tpu.memory_space<hbm>> -> memref<20480x128xf32, #tpu.memory_space<hbm>>
      tpu.wait_indirect_dma semaphore(%arg12 : memref<!tpu.dma_semaphore, #tpu.memory_space<semaphore_mem>>) src(%dma_wait3A_74 : memref<20480x128xf32, #tpu.memory_space<hbm>>) dst(%arg10 : memref<64x128xf32, #tpu.memory_space<vmem>>)
      %scan3A_75 = arith.constant 0 : i32
      %scan3A_76 = arith.constant 0 : i32
      %scan3A_77 = arith.constant 64 : i32
      %scan3A_78 = arith.addi %scan3A_76, %scan3A_77 : i32
      %scan3A_79 = arith.constant 1 : i32
      %scan3A_80 = scf.for %scan3A_83 = %scan3A_76 to %scan3A_78 step %scan3A_79 iter_args(%scan3A_84 = %scan3A_75) -> (i32)  : i32 {
        %broadcast_in_dim3A_85 = arith.constant 0 : i32
        %broadcast_in_dim3A_86 = vector.broadcast %broadcast_in_dim3A_85 : i32 to vector<16xi32>
        %broadcast_in_dim3A_87 = vector.broadcast %scan3A_83 : i32 to vector<16xi32>
        %gather3A = tpu.vector_load_idx %arg9[%broadcast_in_dim3A_86, %broadcast_in_dim3A_87] : memref<1x64xf32, #tpu.memory_space<vmem>>[vector<16xi32>, vector<16xi32>], vector<16xf32>,
        %get3A_88 = arith.index_cast %scan3A_83 : i32 to index
        %get3A_89 = arith.constant 0 : index
        %get3A_90 = tpu.vector_load %arg10[%get3A_88, %get3A_89] {strides = array<i32>} : memref<64x128xf32, #tpu.memory_space<vmem>>, vector<16xf32>,
        %mul3A_91 = arith.mulf %get3A_90, %gather3A : vector<16xf32>
        %swap3A_92 = arith.index_cast %scan3A_83 : i32 to index
        %swap3A_93 = arith.constant 0 : index
        %swap3A_94 = tpu.vector_load %arg10[%swap3A_92, %swap3A_93] {strides = array<i32>} : memref<64x128xf32, #tpu.memory_space<vmem>>, vector<16xf32>,
        tpu.vector_store %arg10[%swap3A_92, %swap3A_93], %mul3A_91 {strides = array<i32>} : memref<64x128xf32, #tpu.memory_space<vmem>>, vector<16xf32>,
        %get3A_95 = arith.index_cast %scan3A_83 : i32 to index
        %get3A_96 = arith.constant 16 : index
        %get3A_97 = tpu.vector_load %arg10[%get3A_95, %get3A_96] {strides = array<i32>} : memref<64x128xf32, #tpu.memory_space<vmem>>, vector<16xf32>,
        %mul3A_98 = arith.mulf %get3A_97, %gather3A : vector<16xf32>
        %swap3A_99 = arith.index_cast %scan3A_83 : i32 to index
        %swap3A_100 = arith.constant 16 : index
        %swap3A_101 = tpu.vector_load %arg10[%swap3A_99, %swap3A_100] {strides = array<i32>} : memref<64x128xf32, #tpu.memory_space<vmem>>, vector<16xf32>,
        tpu.vector_store %arg10[%swap3A_99, %swap3A_100], %mul3A_98 {strides = array<i32>} : memref<64x128xf32, #tpu.memory_space<vmem>>, vector<16xf32>,
        %get3A_102 = arith.index_cast %scan3A_83 : i32 to index
        %get3A_103 = arith.constant 32 : index
        %get3A_104 = tpu.vector_load %arg10[%get3A_102, %get3A_103] {strides = array<i32>} : memref<64x128xf32, #tpu.memory_space<vmem>>, vector<16xf32>,
        %mul3A_105 = arith.mulf %get3A_104, %gather3A : vector<16xf32>
        %swap3A_106 = arith.index_cast %scan3A_83 : i32 to index
        %swap3A_107 = arith.constant 32 : index
        %swap3A_108 = tpu.vector_load %arg10[%swap3A_106, %swap3A_107] {strides = array<i32>} : memref<64x128xf32, #tpu.memory_space<vmem>>, vector<16xf32>,
        tpu.vector_store %arg10[%swap3A_106, %swap3A_107], %mul3A_105 {strides = array<i32>} : memref<64x128xf32, #tpu.memory_space<vmem>>, vector<16xf32>,
        %get3A_109 = arith.index_cast %scan3A_83 : i32 to index
        %get3A_110 = arith.constant 48 : index
        %get3A_111 = tpu.vector_load %arg10[%get3A_109, %get3A_110] {strides = array<i32>} : memref<64x128xf32, #tpu.memory_space<vmem>>, vector<16xf32>,
        %mul3A_112 = arith.mulf %get3A_111, %gather3A : vector<16xf32>
        %swap3A_113 = arith.index_cast %scan3A_83 : i32 to index
        %swap3A_114 = arith.constant 48 : index
        %swap3A_115 = tpu.vector_load %arg10[%swap3A_113, %swap3A_114] {strides = array<i32>} : memref<64x128xf32, #tpu.memory_space<vmem>>, vector<16xf32>,
        tpu.vector_store %arg10[%swap3A_113, %swap3A_114], %mul3A_112 {strides = array<i32>} : memref<64x128xf32, #tpu.memory_space<vmem>>, vector<16xf32>,
        %get3A_116 = arith.index_cast %scan3A_83 : i32 to index
        %get3A_117 = arith.constant 64 : index
        %get3A_118 = tpu.vector_load %arg10[%get3A_116, %get3A_117] {strides = array<i32>} : memref<64x128xf32, #tpu.memory_space<vmem>>, vector<16xf32>,
        %mul3A_119 = arith.mulf %get3A_118, %gather3A : vector<16xf32>
        %swap3A_120 = arith.index_cast %scan3A_83 : i32 to index
        %swap3A_121 = arith.constant 64 : index
        %swap3A_122 = tpu.vector_load %arg10[%swap3A_120, %swap3A_121] {strides = array<i32>} : memref<64x128xf32, #tpu.memory_space<vmem>>, vector<16xf32>,
        tpu.vector_store %arg10[%swap3A_120, %swap3A_121], %mul3A_119 {strides = array<i32>} : memref<64x128xf32, #tpu.memory_space<vmem>>, vector<16xf32>,
        %get3A_123 = arith.index_cast %scan3A_83 : i32 to index
        %get3A_124 = arith.constant 80 : index
        %get3A_125 = tpu.vector_load %arg10[%get3A_123, %get3A_124] {strides = array<i32>} : memref<64x128xf32, #tpu.memory_space<vmem>>, vector<16xf32>,
        %mul3A_126 = arith.mulf %get3A_125, %gather3A : vector<16xf32>
        %swap3A_127 = arith.index_cast %scan3A_83 : i32 to index
        %swap3A_128 = arith.constant 80 : index
        %swap3A_129 = tpu.vector_load %arg10[%swap3A_127, %swap3A_128] {strides = array<i32>} : memref<64x128xf32, #tpu.memory_space<vmem>>, vector<16xf32>,
        tpu.vector_store %arg10[%swap3A_127, %swap3A_128], %mul3A_126 {strides = array<i32>} : memref<64x128xf32, #tpu.memory_space<vmem>>, vector<16xf32>,
        %get3A_130 = arith.index_cast %scan3A_83 : i32 to index
        %get3A_131 = arith.constant 96 : index
        %get3A_132 = tpu.vector_load %arg10[%get3A_130, %get3A_131] {strides = array<i32>} : memref<64x128xf32, #tpu.memory_space<vmem>>, vector<16xf32>,
        %mul3A_133 = arith.mulf %get3A_132, %gather3A : vector<16xf32>
        %swap3A_134 = arith.index_cast %scan3A_83 : i32 to index
        %swap3A_135 = arith.constant 96 : index
        %swap3A_136 = tpu.vector_load %arg10[%swap3A_134, %swap3A_135] {strides = array<i32>} : memref<64x128xf32, #tpu.memory_space<vmem>>, vector<16xf32>,
        tpu.vector_store %arg10[%swap3A_134, %swap3A_135], %mul3A_133 {strides = array<i32>} : memref<64x128xf32, #tpu.memory_space<vmem>>, vector<16xf32>,
        %get3A_137 = arith.index_cast %scan3A_83 : i32 to index
        %get3A_138 = arith.constant 112 : index
        %get3A_139 = tpu.vector_load %arg10[%get3A_137, %get3A_138] {strides = array<i32>} : memref<64x128xf32, #tpu.memory_space<vmem>>, vector<16xf32>,
        %mul3A_140 = arith.mulf %get3A_139, %gather3A : vector<16xf32>
        %swap3A_141 = arith.index_cast %scan3A_83 : i32 to index
        %swap3A_142 = arith.constant 112 : index
        %swap3A_143 = tpu.vector_load %arg10[%swap3A_141, %swap3A_142] {strides = array<i32>} : memref<64x128xf32, #tpu.memory_space<vmem>>, vector<16xf32>,
        tpu.vector_store %arg10[%swap3A_141, %swap3A_142], %mul3A_140 {strides = array<i32>} : memref<64x128xf32, #tpu.memory_space<vmem>>, vector<16xf32>,
        %scan3A_144 = arith.constant 0 : i32
        scf.yield %scan3A_144 : i32
      }
      %scan3A_81 = arith.constant 64 : i32
      %run_scoped3A = arith.constant 0 : i32
      "tpu.region"() ({
        %run_scoped3A_83 = tpu.sem_alloc : memref<!tpu.dma_semaphore, #tpu.memory_space<semaphore_mem>>
        %dma_start3A_84 = arith.constant 0 : i32
        %dma_start3A_85 = tpu.memref_slice %arg8[%run_scoped3A, %dma_start3A_84] : memref<1x64xi32, #tpu.memory_space<vmem>> -> memref<1x64xi32, #tpu.memory_space<vmem>>
        %dma_start3A_86 = tpu.memref_squeeze %dma_start3A_85 : memref<1x64xi32, #tpu.memory_space<vmem>> -> memref<64xi32, #tpu.memory_space<vmem>>
        %dma_start3A_87 = arith.constant 0 : i32
        %dma_start3A_88 = arith.constant 0 : i32
        %dma_start3A_89 = tpu.memref_slice %arg11[%dma_start3A_87, %dma_start3A_88] : memref<10240x128xf32, #tpu.memory_space<vmem_shared>> -> memref<10240x128xf32, #tpu.memory_space<vmem_shared>>
        tpu.enqueue_indirect_dma source(%arg10 : memref<64x128xf32, #tpu.memory_space<vmem>>) target(%dma_start3A_89 : memref<10240x128xf32, #tpu.memory_space<vmem_shared>>) offsets(%dma_start3A_86 : memref<64xi32, #tpu.memory_space<vmem>>) semaphore(%run_scoped3A_83 : memref<!tpu.dma_semaphore, #tpu.memory_space<semaphore_mem>>) {add = true}
        %dma_wait3A_90 = arith.constant 0 : i32
        %dma_wait3A_91 = tpu.memref_slice %arg8[%run_scoped3A, %dma_wait3A_90] : memref<1x64xi32, #tpu.memory_space<vmem>> -> memref<1x64xi32, #tpu.memory_space<vmem>>
        %dma_wait3A_92 = tpu.memref_squeeze %dma_wait3A_91 : memref<1x64xi32, #tpu.memory_space<vmem>> -> memref<64xi32, #tpu.memory_space<vmem>>
        %dma_wait3A_93 = arith.constant 0 : i32
        %dma_wait3A_94 = arith.constant 0 : i32
        %dma_wait3A_95 = tpu.memref_slice %arg11[%dma_wait3A_93, %dma_wait3A_94] : memref<10240x128xf32, #tpu.memory_space<vmem_shared>> -> memref<10240x128xf32, #tpu.memory_space<vmem_shared>>
        tpu.wait_indirect_dma semaphore(%run_scoped3A_83 : memref<!tpu.dma_semaphore, #tpu.memory_space<semaphore_mem>>) src(%arg10 : memref<64x128xf32, #tpu.memory_space<vmem>>) dst(%dma_wait3A_95 : memref<10240x128xf32, #tpu.memory_space<vmem_shared>>)
        tpu.yield
      }) : () -> ()
      %scan3A_82 = arith.constant 0 : i32
      scf.yield %scan3A_82 : i32
    }
    %scan3A_22 = arith.constant 168 : i32
    %barrier3A_23 = arith.constant 0 : index
    tpu.barrier barrier_id(%barrier3A_23)
    %mul3A_24 = arith.constant 640 : i32
    %mul3A_25 = arith.muli %arg1, %mul3A_24 : i32
    %mul3A_26 = arith.constant 640 : i32
    %mul3A_27 = arith.muli %arg1, %mul3A_26 : i32
    "tpu.region"() ({
      %run_scoped3A = tpu.sem_alloc : memref<!tpu.dma_semaphore, #tpu.memory_space<semaphore_mem>>
      %dma_start3A = arith.constant 0 : i32
      %dma_start3A_28 = arith.constant 0 : i32
      %dma_start3A_29 = tpu.memref_slice %arg6[%arg0, %dma_start3A, %dma_start3A_28] : memref<2x10240x128xf32, #tpu.memory_space<hbm>> -> memref<1x10240x128xf32, #tpu.memory_space<hbm>>
      %dma_start3A_30 = tpu.memref_squeeze %dma_start3A_29 : memref<1x10240x128xf32, #tpu.memory_space<hbm>> -> memref<10240x128xf32, #tpu.memory_space<hbm>>
      %dma_start3A_31 = arith.constant 0 : i32
      %dma_start3A_32 = tpu.memref_slice %dma_start3A_30[%mul3A_27, %dma_start3A_31] : memref<10240x128xf32, #tpu.memory_space<hbm>> -> memref<640x128xf32, #tpu.memory_space<hbm>>
      %dma_start3A_33 = arith.constant 0 : i32
      %dma_start3A_34 = tpu.memref_slice %arg11[%mul3A_25, %dma_start3A_33] : memref<10240x128xf32, #tpu.memory_space<vmem_shared>> -> memref<640x128xf32, #tpu.memory_space<vmem_shared>>
      tpu.enqueue_dma source(%dma_start3A_34 : memref<640x128xf32, #tpu.memory_space<vmem_shared>>) target(%dma_start3A_32 : memref<640x128xf32, #tpu.memory_space<hbm>>) target_semaphore(%run_scoped3A : memref<!tpu.dma_semaphore, #tpu.memory_space<semaphore_mem>>)
      %dma_wait3A = arith.constant 0 : i32
      %dma_wait3A_35 = arith.constant 0 : i32
      %dma_wait3A_36 = tpu.memref_slice %arg6[%arg0, %dma_wait3A, %dma_wait3A_35] : memref<2x10240x128xf32, #tpu.memory_space<hbm>> -> memref<1x10240x128xf32, #tpu.memory_space<hbm>>
      %dma_wait3A_37 = tpu.memref_squeeze %dma_wait3A_36 : memref<1x10240x128xf32, #tpu.memory_space<hbm>> -> memref<10240x128xf32, #tpu.memory_space<hbm>>
      %dma_wait3A_38 = arith.constant 0 : i32
      %dma_wait3A_39 = tpu.memref_slice %dma_wait3A_37[%mul3A_27, %dma_wait3A_38] : memref<10240x128xf32, #tpu.memory_space<hbm>> -> memref<640x128xf32, #tpu.memory_space<hbm>>
      %dma_wait3A_40 = arith.constant 0 : i32
      %dma_wait3A_41 = tpu.memref_slice %arg11[%mul3A_25, %dma_wait3A_40] : memref<10240x128xf32, #tpu.memory_space<vmem_shared>> -> memref<640x128xf32, #tpu.memory_space<vmem_shared>>
      tpu.wait_dma2 semaphore(%run_scoped3A : memref<!tpu.dma_semaphore, #tpu.memory_space<semaphore_mem>>) src(%dma_wait3A_41 : memref<640x128xf32, #tpu.memory_space<vmem_shared>>) dst(%dma_wait3A_39 : memref<640x128xf32, #tpu.memory_space<hbm>>)
      tpu.yield
    }) : () -> ()
    return
  }
}

module attributes {stable_mosaic.version = 14 : i64} {
  func.func @body(%arg0: i32, %arg1: memref<512x256xf32, #tpu.memory_space<vmem>>, %arg2: memref<256x256xf32, #tpu.memory_space<vmem>>, %arg3: memref<1x256xf32, #tpu.memory_space<vmem>>, %arg4: memref<1x256xf32, #tpu.memory_space<vmem>>, %arg5: memref<2x512x128xf32, #tpu.memory_space<vmem>>, %arg6: memref<512x1xf32, #tpu.memory_space<vmem>>, %arg7: memref<512x1xf32, #tpu.memory_space<vmem>>) attributes {dimension_semantics = [#tpu.dimension_semantics<arbitrary>], iteration_bounds = array<i64: 20>, scalar_prefetch = 0 : i64, scratch_operands = 0 : i64, tpu.core_type = #tpu.core_type<tc>, window_params = [{transform_indices = @transform_0, window_bounds = array<i64: 512, 256>}, {pipeline_mode = #tpu.pipeline_mode<synchronous>, transform_indices = @transform_1, window_bounds = array<i64: 256, 256>}, {pipeline_mode = #tpu.pipeline_mode<synchronous>, transform_indices = @transform_2, window_bounds = array<i64: 1, 256>}, {pipeline_mode = #tpu.pipeline_mode<synchronous>, transform_indices = @transform_3, window_bounds = array<i64: 1, 256>}, {transform_indices = @transform_4, window_bounds = array<i64: 2, 512, 128>}, {transform_indices = @transform_5, window_bounds = array<i64: 512, 1>}, {transform_indices = @transform_6, window_bounds = array<i64: 512, 1>}]} {
    %get3A = arith.constant 0 : index
    %get3A_0 = arith.constant 0 : index
    %get3A_1 = vector.load %arg1[%get3A, %get3A_0] : memref<512x256xf32, #tpu.memory_space<vmem>>, vector<512x256xf32>
    %get3A_2 = arith.constant 0 : index
    %get3A_3 = arith.constant 0 : index
    %get3A_4 = vector.load %arg2[%get3A_2, %get3A_3] : memref<256x256xf32, #tpu.memory_space<vmem>>, vector<256x256xf32>
    %dot_general3A = arith.constant dense<0.000000e+00> : vector<512x256xf32>
    %dot_general3A_5 = tpu.matmul %get3A_1, %get3A_4, %dot_general3A {dimension_numbers = #tpu.dot_dimension_numbers<[1], [0], [0], [1], [0, 0, 1, 1], [], []>, precision = #tpu.contract_precision<fp32>, transpose_lhs_hint = false} : vector<512x256xf32>, vector<256x256xf32>, vector<512x256xf32> -> vector<512x256xf32>
    %slice3A = vector.extract_strided_slice %dot_general3A_5 {offsets = [0, 0], sizes = [512, 128], strides = [1, 1]} : vector<512x256xf32> to vector<512x128xf32>
    %swap3A = arith.constant 0 : index
    %swap3A_6 = arith.constant 0 : index
    %swap3A_7 = arith.constant 0 : index
    %swap3A_8 = vector.load %arg5[%swap3A, %swap3A_6, %swap3A_7] : memref<2x512x128xf32, #tpu.memory_space<vmem>>, vector<1x512x128xf32>
    %swap3A_9 = vector.shape_cast %swap3A_8 : vector<1x512x128xf32> to vector<512x128xf32>
    %swap3A_10 = vector.shape_cast %slice3A : vector<512x128xf32> to vector<1x512x128xf32>
    tpu.vector_store %arg5[%swap3A, %swap3A_6, %swap3A_7], %swap3A_10 {strides = array<i32>} : memref<2x512x128xf32, #tpu.memory_space<vmem>>, vector<1x512x128xf32>,
    %slice3A_11 = vector.extract_strided_slice %dot_general3A_5 {offsets = [0, 128], sizes = [512, 128], strides = [1, 1]} : vector<512x256xf32> to vector<512x128xf32>
    %swap3A_12 = arith.constant 1 : index
    %swap3A_13 = arith.constant 0 : index
    %swap3A_14 = arith.constant 0 : index
    %swap3A_15 = vector.load %arg5[%swap3A_12, %swap3A_13, %swap3A_14] : memref<2x512x128xf32, #tpu.memory_space<vmem>>, vector<1x512x128xf32>
    %swap3A_16 = vector.shape_cast %swap3A_15 : vector<1x512x128xf32> to vector<512x128xf32>
    %swap3A_17 = vector.shape_cast %slice3A_11 : vector<512x128xf32> to vector<1x512x128xf32>
    tpu.vector_store %arg5[%swap3A_12, %swap3A_13, %swap3A_14], %swap3A_17 {strides = array<i32>} : memref<2x512x128xf32, #tpu.memory_space<vmem>>, vector<1x512x128xf32>,
    %get3A_18 = arith.constant 0 : index
    %get3A_19 = arith.constant 0 : index
    %get3A_20 = vector.load %arg3[%get3A_18, %get3A_19] : memref<1x256xf32, #tpu.memory_space<vmem>>, vector<1x256xf32>
    %mul3A = vector.broadcast %get3A_20 : vector<1x256xf32> to vector<512x256xf32>
    %mul3A_21 = arith.mulf %dot_general3A_5, %mul3A : vector<512x256xf32>
    %reduce_sum3A = arith.constant dense<0.000000e+00> : vector<512xf32>
    %reduce_sum3A_22 = vector.multi_reduction <add>, %mul3A_21, %reduce_sum3A [1] : vector<512x256xf32> to vector<512xf32>
    %broadcast_in_dim3A = vector.shape_cast %reduce_sum3A_22 : vector<512xf32> to vector<512x1xf32>
    %swap3A_23 = arith.constant 0 : index
    %swap3A_24 = arith.constant 0 : index
    %swap3A_25 = vector.load %arg6[%swap3A_23, %swap3A_24] : memref<512x1xf32, #tpu.memory_space<vmem>>, vector<512x1xf32>
    tpu.vector_store %arg6[%swap3A_23, %swap3A_24], %broadcast_in_dim3A {strides = array<i32>} : memref<512x1xf32, #tpu.memory_space<vmem>>, vector<512x1xf32>,
    %get3A_26 = arith.constant 0 : index
    %get3A_27 = arith.constant 0 : index
    %get3A_28 = vector.load %arg4[%get3A_26, %get3A_27] : memref<1x256xf32, #tpu.memory_space<vmem>>, vector<1x256xf32>
    %mul3A_29 = vector.broadcast %get3A_28 : vector<1x256xf32> to vector<512x256xf32>
    %mul3A_30 = arith.mulf %dot_general3A_5, %mul3A_29 : vector<512x256xf32>
    %reduce_sum3A_31 = arith.constant dense<0.000000e+00> : vector<512xf32>
    %reduce_sum3A_32 = vector.multi_reduction <add>, %mul3A_30, %reduce_sum3A_31 [1] : vector<512x256xf32> to vector<512xf32>
    %broadcast_in_dim3A_33 = vector.shape_cast %reduce_sum3A_32 : vector<512xf32> to vector<512x1xf32>
    %swap3A_34 = arith.constant 0 : index
    %swap3A_35 = arith.constant 0 : index
    %swap3A_36 = vector.load %arg7[%swap3A_34, %swap3A_35] : memref<512x1xf32, #tpu.memory_space<vmem>>, vector<512x1xf32>
    tpu.vector_store %arg7[%swap3A_34, %swap3A_35], %broadcast_in_dim3A_33 {strides = array<i32>} : memref<512x1xf32, #tpu.memory_space<vmem>>, vector<512x1xf32>,
    return
  }
  func.func @transform_0(%arg0: i32) -> (i32, i32) {
    %c0_i32 = arith.constant 0 : i32
    %c0_i32_0 = arith.constant 0 : i32
    return %arg0, %c0_i32 : i32, i32
  }
  func.func @transform_1(%arg0: i32) -> (i32, i32) {
    %c0_i32 = arith.constant 0 : i32
    %c0_i32_0 = arith.constant 0 : i32
    %c0_i32_1 = arith.constant 0 : i32
    return %c0_i32, %c0_i32_0 : i32, i32
  }
  func.func @transform_2(%arg0: i32) -> (i32, i32) {
    %c0_i32 = arith.constant 0 : i32
    %c0_i32_0 = arith.constant 0 : i32
    %c0_i32_1 = arith.constant 0 : i32
    return %c0_i32, %c0_i32_0 : i32, i32
  }
  func.func @transform_3(%arg0: i32) -> (i32, i32) {
    %c0_i32 = arith.constant 0 : i32
    %c0_i32_0 = arith.constant 0 : i32
    %c0_i32_1 = arith.constant 0 : i32
    return %c0_i32, %c0_i32_0 : i32, i32
  }
  func.func @transform_4(%arg0: i32) -> (i32, i32, i32) {
    %c0_i32 = arith.constant 0 : i32
    %c0_i32_0 = arith.constant 0 : i32
    %c0_i32_1 = arith.constant 0 : i32
    return %c0_i32, %arg0, %c0_i32_0 : i32, i32, i32
  }
  func.func @transform_5(%arg0: i32) -> (i32, i32) {
    %c0_i32 = arith.constant 0 : i32
    %c0_i32_0 = arith.constant 0 : i32
    return %arg0, %c0_i32 : i32, i32
  }
  func.func @transform_6(%arg0: i32) -> (i32, i32) {
    %c0_i32 = arith.constant 0 : i32
    %c0_i32_0 = arith.constant 0 : i32
    return %arg0, %c0_i32 : i32, i32
  }
}

module attributes {stable_mosaic.version = 14 : i64} {
  func.func @body(%arg0: i32, %arg1: memref<2x512x128xf32, #tpu.memory_space<vmem>>, %arg2: memref<512x1xf32, #tpu.memory_space<vmem>>, %arg3: memref<512x1xf32, #tpu.memory_space<vmem>>, %arg4: memref<256x256xf32, #tpu.memory_space<vmem>>, %arg5: memref<1x256xf32, #tpu.memory_space<vmem>>, %arg6: memref<2x512x128xf32, #tpu.memory_space<vmem>>, %arg7: memref<512x1xf32, #tpu.memory_space<vmem>>) attributes {dimension_semantics = [#tpu.dimension_semantics<arbitrary>], iteration_bounds = array<i64: 20>, scalar_prefetch = 0 : i64, scratch_operands = 0 : i64, tpu.core_type = #tpu.core_type<tc>, window_params = [{transform_indices = @transform_0, window_bounds = array<i64: 2, 512, 128>}, {transform_indices = @transform_1, window_bounds = array<i64: 512, 1>}, {transform_indices = @transform_2, window_bounds = array<i64: 512, 1>}, {pipeline_mode = #tpu.pipeline_mode<synchronous>, transform_indices = @transform_3, window_bounds = array<i64: 256, 256>}, {pipeline_mode = #tpu.pipeline_mode<synchronous>, transform_indices = @transform_4, window_bounds = array<i64: 1, 256>}, {transform_indices = @transform_5, window_bounds = array<i64: 2, 512, 128>}, {transform_indices = @transform_6, window_bounds = array<i64: 512, 1>}]} {
    %get3A = arith.constant 0 : index
    %get3A_0 = arith.constant 0 : index
    %get3A_1 = vector.load %arg2[%get3A, %get3A_0] : memref<512x1xf32, #tpu.memory_space<vmem>>, vector<512x1xf32>
    %add3A = arith.constant 1.000000e-16 : f32
    %add3A_2 = vector.broadcast %add3A : f32 to vector<512x1xf32>
    %add3A_3 = arith.addf %get3A_1, %add3A_2 : vector<512x1xf32>
    %get3A_4 = arith.constant 0 : index
    %get3A_5 = arith.constant 0 : index
    %get3A_6 = arith.constant 0 : index
    %get3A_7 = vector.load %arg1[%get3A_4, %get3A_5, %get3A_6] : memref<2x512x128xf32, #tpu.memory_space<vmem>>, vector<1x512x128xf32>
    %get3A_8 = vector.shape_cast %get3A_7 : vector<1x512x128xf32> to vector<512x128xf32>
    %get3A_9 = arith.constant 1 : index
    %get3A_10 = arith.constant 0 : index
    %get3A_11 = arith.constant 0 : index
    %get3A_12 = vector.load %arg1[%get3A_9, %get3A_10, %get3A_11] : memref<2x512x128xf32, #tpu.memory_space<vmem>>, vector<1x512x128xf32>
    %get3A_13 = vector.shape_cast %get3A_12 : vector<1x512x128xf32> to vector<512x128xf32>
    %concatenate3A = tpu.concatenate %get3A_8, %get3A_13 in 1 : vector<512x128xf32>, vector<512x128xf32> -> vector<512x256xf32>
    %div3A = vector.broadcast %add3A_3 : vector<512x1xf32> to vector<512x256xf32>
    %div3A_14 = arith.divf %concatenate3A, %div3A : vector<512x256xf32>
    %get3A_15 = arith.constant 0 : index
    %get3A_16 = arith.constant 0 : index
    %get3A_17 = vector.load %arg5[%get3A_15, %get3A_16] : memref<1x256xf32, #tpu.memory_space<vmem>>, vector<1x256xf32>
    %add3A_18 = vector.broadcast %get3A_17 : vector<1x256xf32> to vector<512x256xf32>
    %add3A_19 = arith.addf %div3A_14, %add3A_18 : vector<512x256xf32>
    %get3A_20 = arith.constant 0 : index
    %get3A_21 = arith.constant 0 : index
    %get3A_22 = vector.load %arg3[%get3A_20, %get3A_21] : memref<512x1xf32, #tpu.memory_space<vmem>>, vector<512x1xf32>
    %max3A = arith.constant 1.000000e+00 : f32
    %max3A_23 = vector.broadcast %max3A : f32 to vector<512x1xf32>
    %max3A_24 = arith.maximumf %get3A_22, %max3A_23 : vector<512x1xf32>
    %rsqrt3A = math.rsqrt %max3A_24 : vector<512x1xf32>
    %get3A_25 = arith.constant 0 : index
    %get3A_26 = arith.constant 0 : index
    %get3A_27 = vector.load %arg4[%get3A_25, %get3A_26] : memref<256x256xf32, #tpu.memory_space<vmem>>, vector<256x256xf32>
    %dot_general3A = arith.constant dense<0.000000e+00> : vector<512x256xf32>
    %dot_general3A_28 = tpu.matmul %add3A_19, %get3A_27, %dot_general3A {dimension_numbers = #tpu.dot_dimension_numbers<[1], [0], [0], [1], [0, 0, 1, 1], [], []>, precision = #tpu.contract_precision<fp32>, transpose_lhs_hint = false} : vector<512x256xf32>, vector<256x256xf32>, vector<512x256xf32> -> vector<512x256xf32>
    %mul3A = vector.broadcast %rsqrt3A : vector<512x1xf32> to vector<512x256xf32>
    %mul3A_29 = arith.mulf %dot_general3A_28, %mul3A : vector<512x256xf32>
    %slice3A = vector.extract_strided_slice %mul3A_29 {offsets = [0, 0], sizes = [512, 128], strides = [1, 1]} : vector<512x256xf32> to vector<512x128xf32>
    %swap3A = arith.constant 0 : index
    %swap3A_30 = arith.constant 0 : index
    %swap3A_31 = arith.constant 0 : index
    %swap3A_32 = vector.load %arg6[%swap3A, %swap3A_30, %swap3A_31] : memref<2x512x128xf32, #tpu.memory_space<vmem>>, vector<1x512x128xf32>
    %swap3A_33 = vector.shape_cast %swap3A_32 : vector<1x512x128xf32> to vector<512x128xf32>
    %swap3A_34 = vector.shape_cast %slice3A : vector<512x128xf32> to vector<1x512x128xf32>
    tpu.vector_store %arg6[%swap3A, %swap3A_30, %swap3A_31], %swap3A_34 {strides = array<i32>} : memref<2x512x128xf32, #tpu.memory_space<vmem>>, vector<1x512x128xf32>,
    %slice3A_35 = vector.extract_strided_slice %mul3A_29 {offsets = [0, 128], sizes = [512, 128], strides = [1, 1]} : vector<512x256xf32> to vector<512x128xf32>
    %swap3A_36 = arith.constant 1 : index
    %swap3A_37 = arith.constant 0 : index
    %swap3A_38 = arith.constant 0 : index
    %swap3A_39 = vector.load %arg6[%swap3A_36, %swap3A_37, %swap3A_38] : memref<2x512x128xf32, #tpu.memory_space<vmem>>, vector<1x512x128xf32>
    %swap3A_40 = vector.shape_cast %swap3A_39 : vector<1x512x128xf32> to vector<512x128xf32>
    %swap3A_41 = vector.shape_cast %slice3A_35 : vector<512x128xf32> to vector<1x512x128xf32>
    tpu.vector_store %arg6[%swap3A_36, %swap3A_37, %swap3A_38], %swap3A_41 {strides = array<i32>} : memref<2x512x128xf32, #tpu.memory_space<vmem>>, vector<1x512x128xf32>,
    %swap3A_42 = arith.constant 0 : index
    %swap3A_43 = arith.constant 0 : index
    %swap3A_44 = vector.load %arg7[%swap3A_42, %swap3A_43] : memref<512x1xf32, #tpu.memory_space<vmem>>, vector<512x1xf32>
    tpu.vector_store %arg7[%swap3A_42, %swap3A_43], %rsqrt3A {strides = array<i32>} : memref<512x1xf32, #tpu.memory_space<vmem>>, vector<512x1xf32>,
    return
  }
  func.func @transform_0(%arg0: i32) -> (i32, i32, i32) {
    %c0_i32 = arith.constant 0 : i32
    %c0_i32_0 = arith.constant 0 : i32
    %c0_i32_1 = arith.constant 0 : i32
    return %c0_i32, %arg0, %c0_i32_0 : i32, i32, i32
  }
  func.func @transform_1(%arg0: i32) -> (i32, i32) {
    %c0_i32 = arith.constant 0 : i32
    %c0_i32_0 = arith.constant 0 : i32
    return %arg0, %c0_i32 : i32, i32
  }
  func.func @transform_2(%arg0: i32) -> (i32, i32) {
    %c0_i32 = arith.constant 0 : i32
    %c0_i32_0 = arith.constant 0 : i32
    return %arg0, %c0_i32 : i32, i32
  }
  func.func @transform_3(%arg0: i32) -> (i32, i32) {
    %c0_i32 = arith.constant 0 : i32
    %c0_i32_0 = arith.constant 0 : i32
    %c0_i32_1 = arith.constant 0 : i32
    return %c0_i32, %c0_i32_0 : i32, i32
  }
  func.func @transform_4(%arg0: i32) -> (i32, i32) {
    %c0_i32 = arith.constant 0 : i32
    %c0_i32_0 = arith.constant 0 : i32
    %c0_i32_1 = arith.constant 0 : i32
    return %c0_i32, %c0_i32_0 : i32, i32
  }
  func.func @transform_5(%arg0: i32) -> (i32, i32, i32) {
    %c0_i32 = arith.constant 0 : i32
    %c0_i32_0 = arith.constant 0 : i32
    %c0_i32_1 = arith.constant 0 : i32
    return %c0_i32, %arg0, %c0_i32_0 : i32, i32, i32
  }
  func.func @transform_6(%arg0: i32) -> (i32, i32) {
    %c0_i32 = arith.constant 0 : i32
    %c0_i32_0 = arith.constant 0 : i32
    return %arg0, %c0_i32 : i32, i32
  }
}

module attributes {stable_mosaic.version = 14 : i64} {
  func.func @body(%arg0: i32, %arg1: memref<2x512x128xf32, #tpu.memory_space<vmem>>, %arg2: memref<512x1xf32, #tpu.memory_space<vmem>>, %arg3: memref<1x256xf32, #tpu.memory_space<vmem>>, %arg4: memref<256x256xf32, #tpu.memory_space<vmem>>, %arg5: memref<1x256xf32, #tpu.memory_space<vmem>>, %arg6: memref<1x256xf32, #tpu.memory_space<vmem>>, %arg7: memref<2x512x128xf32, #tpu.memory_space<vmem>>, %arg8: memref<512x1xf32, #tpu.memory_space<vmem>>, %arg9: memref<512x1xf32, #tpu.memory_space<vmem>>) attributes {dimension_semantics = [#tpu.dimension_semantics<arbitrary>], iteration_bounds = array<i64: 20>, scalar_prefetch = 0 : i64, scratch_operands = 0 : i64, tpu.core_type = #tpu.core_type<tc>, window_params = [{transform_indices = @transform_0, window_bounds = array<i64: 2, 512, 128>}, {transform_indices = @transform_1, window_bounds = array<i64: 512, 1>}, {pipeline_mode = #tpu.pipeline_mode<synchronous>, transform_indices = @transform_2, window_bounds = array<i64: 1, 256>}, {pipeline_mode = #tpu.pipeline_mode<synchronous>, transform_indices = @transform_3, window_bounds = array<i64: 256, 256>}, {pipeline_mode = #tpu.pipeline_mode<synchronous>, transform_indices = @transform_4, window_bounds = array<i64: 1, 256>}, {pipeline_mode = #tpu.pipeline_mode<synchronous>, transform_indices = @transform_5, window_bounds = array<i64: 1, 256>}, {transform_indices = @transform_6, window_bounds = array<i64: 2, 512, 128>}, {transform_indices = @transform_7, window_bounds = array<i64: 512, 1>}, {transform_indices = @transform_8, window_bounds = array<i64: 512, 1>}]} {
    %get3A = arith.constant 0 : index
    %get3A_0 = arith.constant 0 : index
    %get3A_1 = arith.constant 0 : index
    %get3A_2 = vector.load %arg1[%get3A, %get3A_0, %get3A_1] : memref<2x512x128xf32, #tpu.memory_space<vmem>>, vector<1x512x128xf32>
    %get3A_3 = vector.shape_cast %get3A_2 : vector<1x512x128xf32> to vector<512x128xf32>
    %get3A_4 = arith.constant 1 : index
    %get3A_5 = arith.constant 0 : index
    %get3A_6 = arith.constant 0 : index
    %get3A_7 = vector.load %arg1[%get3A_4, %get3A_5, %get3A_6] : memref<2x512x128xf32, #tpu.memory_space<vmem>>, vector<1x512x128xf32>
    %get3A_8 = vector.shape_cast %get3A_7 : vector<1x512x128xf32> to vector<512x128xf32>
    %concatenate3A = tpu.concatenate %get3A_3, %get3A_8 in 1 : vector<512x128xf32>, vector<512x128xf32> -> vector<512x256xf32>
    %get3A_9 = arith.constant 0 : index
    %get3A_10 = arith.constant 0 : index
    %get3A_11 = vector.load %arg2[%get3A_9, %get3A_10] : memref<512x1xf32, #tpu.memory_space<vmem>>, vector<512x1xf32>
    %mul3A = vector.broadcast %get3A_11 : vector<512x1xf32> to vector<512x256xf32>
    %mul3A_12 = arith.mulf %concatenate3A, %mul3A : vector<512x256xf32>
    %get3A_13 = arith.constant 0 : index
    %get3A_14 = arith.constant 0 : index
    %get3A_15 = vector.load %arg3[%get3A_13, %get3A_14] : memref<1x256xf32, #tpu.memory_space<vmem>>, vector<1x256xf32>
    %add3A = vector.broadcast %get3A_15 : vector<1x256xf32> to vector<512x256xf32>
    %add3A_16 = arith.addf %mul3A_12, %add3A : vector<512x256xf32>
    %get3A_17 = arith.constant 0 : index
    %get3A_18 = arith.constant 0 : index
    %get3A_19 = vector.load %arg4[%get3A_17, %get3A_18] : memref<256x256xf32, #tpu.memory_space<vmem>>, vector<256x256xf32>
    %dot_general3A = arith.constant dense<0.000000e+00> : vector<512x256xf32>
    %dot_general3A_20 = tpu.matmul %add3A_16, %get3A_19, %dot_general3A {dimension_numbers = #tpu.dot_dimension_numbers<[1], [0], [0], [1], [0, 0, 1, 1], [], []>, precision = #tpu.contract_precision<fp32>, transpose_lhs_hint = false} : vector<512x256xf32>, vector<256x256xf32>, vector<512x256xf32> -> vector<512x256xf32>
    %slice3A = vector.extract_strided_slice %dot_general3A_20 {offsets = [0, 0], sizes = [512, 128], strides = [1, 1]} : vector<512x256xf32> to vector<512x128xf32>
    %swap3A = arith.constant 0 : index
    %swap3A_21 = arith.constant 0 : index
    %swap3A_22 = arith.constant 0 : index
    %swap3A_23 = vector.load %arg7[%swap3A, %swap3A_21, %swap3A_22] : memref<2x512x128xf32, #tpu.memory_space<vmem>>, vector<1x512x128xf32>
    %swap3A_24 = vector.shape_cast %swap3A_23 : vector<1x512x128xf32> to vector<512x128xf32>
    %swap3A_25 = vector.shape_cast %slice3A : vector<512x128xf32> to vector<1x512x128xf32>
    tpu.vector_store %arg7[%swap3A, %swap3A_21, %swap3A_22], %swap3A_25 {strides = array<i32>} : memref<2x512x128xf32, #tpu.memory_space<vmem>>, vector<1x512x128xf32>,
    %slice3A_26 = vector.extract_strided_slice %dot_general3A_20 {offsets = [0, 128], sizes = [512, 128], strides = [1, 1]} : vector<512x256xf32> to vector<512x128xf32>
    %swap3A_27 = arith.constant 1 : index
    %swap3A_28 = arith.constant 0 : index
    %swap3A_29 = arith.constant 0 : index
    %swap3A_30 = vector.load %arg7[%swap3A_27, %swap3A_28, %swap3A_29] : memref<2x512x128xf32, #tpu.memory_space<vmem>>, vector<1x512x128xf32>
    %swap3A_31 = vector.shape_cast %swap3A_30 : vector<1x512x128xf32> to vector<512x128xf32>
    %swap3A_32 = vector.shape_cast %slice3A_26 : vector<512x128xf32> to vector<1x512x128xf32>
    tpu.vector_store %arg7[%swap3A_27, %swap3A_28, %swap3A_29], %swap3A_32 {strides = array<i32>} : memref<2x512x128xf32, #tpu.memory_space<vmem>>, vector<1x512x128xf32>,
    %get3A_33 = arith.constant 0 : index
    %get3A_34 = arith.constant 0 : index
    %get3A_35 = vector.load %arg5[%get3A_33, %get3A_34] : memref<1x256xf32, #tpu.memory_space<vmem>>, vector<1x256xf32>
    %mul3A_36 = vector.broadcast %get3A_35 : vector<1x256xf32> to vector<512x256xf32>
    %mul3A_37 = arith.mulf %dot_general3A_20, %mul3A_36 : vector<512x256xf32>
    %reduce_sum3A = arith.constant dense<0.000000e+00> : vector<512xf32>
    %reduce_sum3A_38 = vector.multi_reduction <add>, %mul3A_37, %reduce_sum3A [1] : vector<512x256xf32> to vector<512xf32>
    %broadcast_in_dim3A = vector.shape_cast %reduce_sum3A_38 : vector<512xf32> to vector<512x1xf32>
    %swap3A_39 = arith.constant 0 : index
    %swap3A_40 = arith.constant 0 : index
    %swap3A_41 = vector.load %arg8[%swap3A_39, %swap3A_40] : memref<512x1xf32, #tpu.memory_space<vmem>>, vector<512x1xf32>
    tpu.vector_store %arg8[%swap3A_39, %swap3A_40], %broadcast_in_dim3A {strides = array<i32>} : memref<512x1xf32, #tpu.memory_space<vmem>>, vector<512x1xf32>,
    %get3A_42 = arith.constant 0 : index
    %get3A_43 = arith.constant 0 : index
    %get3A_44 = vector.load %arg6[%get3A_42, %get3A_43] : memref<1x256xf32, #tpu.memory_space<vmem>>, vector<1x256xf32>
    %mul3A_45 = vector.broadcast %get3A_44 : vector<1x256xf32> to vector<512x256xf32>
    %mul3A_46 = arith.mulf %dot_general3A_20, %mul3A_45 : vector<512x256xf32>
    %reduce_sum3A_47 = arith.constant dense<0.000000e+00> : vector<512xf32>
    %reduce_sum3A_48 = vector.multi_reduction <add>, %mul3A_46, %reduce_sum3A_47 [1] : vector<512x256xf32> to vector<512xf32>
    %broadcast_in_dim3A_49 = vector.shape_cast %reduce_sum3A_48 : vector<512xf32> to vector<512x1xf32>
    %swap3A_50 = arith.constant 0 : index
    %swap3A_51 = arith.constant 0 : index
    %swap3A_52 = vector.load %arg9[%swap3A_50, %swap3A_51] : memref<512x1xf32, #tpu.memory_space<vmem>>, vector<512x1xf32>
    tpu.vector_store %arg9[%swap3A_50, %swap3A_51], %broadcast_in_dim3A_49 {strides = array<i32>} : memref<512x1xf32, #tpu.memory_space<vmem>>, vector<512x1xf32>,
    return
  }
  func.func @transform_0(%arg0: i32) -> (i32, i32, i32) {
    %c0_i32 = arith.constant 0 : i32
    %c0_i32_0 = arith.constant 0 : i32
    %c0_i32_1 = arith.constant 0 : i32
    return %c0_i32, %arg0, %c0_i32_0 : i32, i32, i32
  }
  func.func @transform_1(%arg0: i32) -> (i32, i32) {
    %c0_i32 = arith.constant 0 : i32
    %c0_i32_0 = arith.constant 0 : i32
    return %arg0, %c0_i32 : i32, i32
  }
  func.func @transform_2(%arg0: i32) -> (i32, i32) {
    %c0_i32 = arith.constant 0 : i32
    %c0_i32_0 = arith.constant 0 : i32
    %c0_i32_1 = arith.constant 0 : i32
    return %c0_i32, %c0_i32_0 : i32, i32
  }
  func.func @transform_3(%arg0: i32) -> (i32, i32) {
    %c0_i32 = arith.constant 0 : i32
    %c0_i32_0 = arith.constant 0 : i32
    %c0_i32_1 = arith.constant 0 : i32
    return %c0_i32, %c0_i32_0 : i32, i32
  }
  func.func @transform_4(%arg0: i32) -> (i32, i32) {
    %c0_i32 = arith.constant 0 : i32
    %c0_i32_0 = arith.constant 0 : i32
    %c0_i32_1 = arith.constant 0 : i32
    return %c0_i32, %c0_i32_0 : i32, i32
  }
  func.func @transform_5(%arg0: i32) -> (i32, i32) {
    %c0_i32 = arith.constant 0 : i32
    %c0_i32_0 = arith.constant 0 : i32
    %c0_i32_1 = arith.constant 0 : i32
    return %c0_i32, %c0_i32_0 : i32, i32
  }
  func.func @transform_6(%arg0: i32) -> (i32, i32, i32) {
    %c0_i32 = arith.constant 0 : i32
    %c0_i32_0 = arith.constant 0 : i32
    %c0_i32_1 = arith.constant 0 : i32
    return %c0_i32, %arg0, %c0_i32_0 : i32, i32, i32
  }
  func.func @transform_7(%arg0: i32) -> (i32, i32) {
    %c0_i32 = arith.constant 0 : i32
    %c0_i32_0 = arith.constant 0 : i32
    return %arg0, %c0_i32 : i32, i32
  }
  func.func @transform_8(%arg0: i32) -> (i32, i32) {
    %c0_i32 = arith.constant 0 : i32
    %c0_i32_0 = arith.constant 0 : i32
    return %arg0, %c0_i32 : i32, i32
  }
}

module attributes {stable_mosaic.version = 14 : i64} {
  func.func @body(%arg0: i32, %arg1: memref<2x512x128xf32, #tpu.memory_space<vmem>>, %arg2: memref<512x1xf32, #tpu.memory_space<vmem>>, %arg3: memref<1x256xf32, #tpu.memory_space<vmem>>, %arg4: memref<256x64xf32, #tpu.memory_space<vmem>>, %arg5: memref<1x64xf32, #tpu.memory_space<vmem>>, %arg6: memref<512x64xf32, #tpu.memory_space<vmem>>) attributes {dimension_semantics = [#tpu.dimension_semantics<arbitrary>], iteration_bounds = array<i64: 20>, scalar_prefetch = 0 : i64, scratch_operands = 0 : i64, tpu.core_type = #tpu.core_type<tc>, window_params = [{transform_indices = @transform_0, window_bounds = array<i64: 2, 512, 128>}, {transform_indices = @transform_1, window_bounds = array<i64: 512, 1>}, {pipeline_mode = #tpu.pipeline_mode<synchronous>, transform_indices = @transform_2, window_bounds = array<i64: 1, 256>}, {pipeline_mode = #tpu.pipeline_mode<synchronous>, transform_indices = @transform_3, window_bounds = array<i64: 256, 64>}, {pipeline_mode = #tpu.pipeline_mode<synchronous>, transform_indices = @transform_4, window_bounds = array<i64: 1, 64>}, {transform_indices = @transform_5, window_bounds = array<i64: 512, 64>}]} {
    %get3A = arith.constant 0 : index
    %get3A_0 = arith.constant 0 : index
    %get3A_1 = vector.load %arg2[%get3A, %get3A_0] : memref<512x1xf32, #tpu.memory_space<vmem>>, vector<512x1xf32>
    %add3A = arith.constant 1.000000e-16 : f32
    %add3A_2 = vector.broadcast %add3A : f32 to vector<512x1xf32>
    %add3A_3 = arith.addf %get3A_1, %add3A_2 : vector<512x1xf32>
    %get3A_4 = arith.constant 0 : index
    %get3A_5 = arith.constant 0 : index
    %get3A_6 = arith.constant 0 : index
    %get3A_7 = vector.load %arg1[%get3A_4, %get3A_5, %get3A_6] : memref<2x512x128xf32, #tpu.memory_space<vmem>>, vector<1x512x128xf32>
    %get3A_8 = vector.shape_cast %get3A_7 : vector<1x512x128xf32> to vector<512x128xf32>
    %get3A_9 = arith.constant 1 : index
    %get3A_10 = arith.constant 0 : index
    %get3A_11 = arith.constant 0 : index
    %get3A_12 = vector.load %arg1[%get3A_9, %get3A_10, %get3A_11] : memref<2x512x128xf32, #tpu.memory_space<vmem>>, vector<1x512x128xf32>
    %get3A_13 = vector.shape_cast %get3A_12 : vector<1x512x128xf32> to vector<512x128xf32>
    %concatenate3A = tpu.concatenate %get3A_8, %get3A_13 in 1 : vector<512x128xf32>, vector<512x128xf32> -> vector<512x256xf32>
    %div3A = vector.broadcast %add3A_3 : vector<512x1xf32> to vector<512x256xf32>
    %div3A_14 = arith.divf %concatenate3A, %div3A : vector<512x256xf32>
    %get3A_15 = arith.constant 0 : index
    %get3A_16 = arith.constant 0 : index
    %get3A_17 = vector.load %arg3[%get3A_15, %get3A_16] : memref<1x256xf32, #tpu.memory_space<vmem>>, vector<1x256xf32>
    %add3A_18 = vector.broadcast %get3A_17 : vector<1x256xf32> to vector<512x256xf32>
    %add3A_19 = arith.addf %div3A_14, %add3A_18 : vector<512x256xf32>
    %max3A = arith.constant 0.000000e+00 : f32
    %max3A_20 = vector.broadcast %max3A : f32 to vector<512x256xf32>
    %max3A_21 = arith.maximumf %add3A_19, %max3A_20 : vector<512x256xf32>
    %get3A_22 = arith.constant 0 : index
    %get3A_23 = arith.constant 0 : index
    %get3A_24 = vector.load %arg4[%get3A_22, %get3A_23] : memref<256x64xf32, #tpu.memory_space<vmem>>, vector<256x64xf32>
    %dot_general3A = arith.constant dense<0.000000e+00> : vector<512x64xf32>
    %dot_general3A_25 = tpu.matmul %max3A_21, %get3A_24, %dot_general3A {dimension_numbers = #tpu.dot_dimension_numbers<[1], [0], [0], [1], [0, 0, 1, 1], [], []>, precision = #tpu.contract_precision<fp32>, transpose_lhs_hint = false} : vector<512x256xf32>, vector<256x64xf32>, vector<512x64xf32> -> vector<512x64xf32>
    %get3A_26 = arith.constant 0 : index
    %get3A_27 = arith.constant 0 : index
    %get3A_28 = vector.load %arg5[%get3A_26, %get3A_27] : memref<1x64xf32, #tpu.memory_space<vmem>>, vector<1x64xf32>
    %add3A_29 = vector.broadcast %get3A_28 : vector<1x64xf32> to vector<512x64xf32>
    %add3A_30 = arith.addf %dot_general3A_25, %add3A_29 : vector<512x64xf32>
    %swap3A = arith.constant 0 : index
    %swap3A_31 = arith.constant 0 : index
    %swap3A_32 = vector.load %arg6[%swap3A, %swap3A_31] : memref<512x64xf32, #tpu.memory_space<vmem>>, vector<512x64xf32>
    tpu.vector_store %arg6[%swap3A, %swap3A_31], %add3A_30 {strides = array<i32>} : memref<512x64xf32, #tpu.memory_space<vmem>>, vector<512x64xf32>,
    return
  }
  func.func @transform_0(%arg0: i32) -> (i32, i32, i32) {
    %c0_i32 = arith.constant 0 : i32
    %c0_i32_0 = arith.constant 0 : i32
    %c0_i32_1 = arith.constant 0 : i32
    return %c0_i32, %arg0, %c0_i32_0 : i32, i32, i32
  }
  func.func @transform_1(%arg0: i32) -> (i32, i32) {
    %c0_i32 = arith.constant 0 : i32
    %c0_i32_0 = arith.constant 0 : i32
    return %arg0, %c0_i32 : i32, i32
  }
  func.func @transform_2(%arg0: i32) -> (i32, i32) {
    %c0_i32 = arith.constant 0 : i32
    %c0_i32_0 = arith.constant 0 : i32
    %c0_i32_1 = arith.constant 0 : i32
    return %c0_i32, %c0_i32_0 : i32, i32
  }
  func.func @transform_3(%arg0: i32) -> (i32, i32) {
    %c0_i32 = arith.constant 0 : i32
    %c0_i32_0 = arith.constant 0 : i32
    %c0_i32_1 = arith.constant 0 : i32
    return %c0_i32, %c0_i32_0 : i32, i32
  }
  func.func @transform_4(%arg0: i32) -> (i32, i32) {
    %c0_i32 = arith.constant 0 : i32
    %c0_i32_0 = arith.constant 0 : i32
    %c0_i32_1 = arith.constant 0 : i32
    return %c0_i32, %c0_i32_0 : i32, i32
  }
  func.func @transform_5(%arg0: i32) -> (i32, i32) {
    %c0_i32 = arith.constant 0 : i32
    %c0_i32_0 = arith.constant 0 : i32
    return %arg0, %c0_i32 : i32, i32
  }
}

</mosaic_0001>

<sc_bundles>
// kernel: kernel.11.cloned.1.call-start
scs
__scs_entry_jumppad:
0x0: {  	(pc) =	sbr.rel $0x88, $3  }
0x1: {  	(tag) =	ssettag $0x0;
	lr =	simm.s32 $0x1  }
0x2: {  	[smem:$0x3F93] =	sst lr;
	_ =	strace $0xD0000000  }
0x3: {  	_ = 	snop  }
0x4: {  	_ = 	snop  }
0x5: {  	_ = 	snop  }
0x6: {  	_ = 	snop  }
0x7: {  	_ = 	snop  }
__scs_overlays_trampoline_lowered:
0x8: {  	[smem:$0x3FA2] =	sst s0  }
0x9: {  	[smem:$0x3FA3] =	sst s1  }
0xa: {  	[smem:$0x3FA4] =	sst s2  }
0xb: {  	[smem:$0x3FA5] =	sst s3  }
0xc: {  	[smem:$0x3FA6] =	sst s4  }
0xd: {  	[smem:$0x3FA7] =	sst s5  }
0xe: {  	[smem:$0x3FA8] =	sst s6  }
0xf: {  	[smem:$0x3FA9] =	sst s7  }
0x10: {  	[smem:$0x3FAA] =	sst s8  }
0x11: {  	[smem:$0x3FAB] =	sst s9;
	s0 =	simm.s32 @!p0 $0x0  }
0x12: {  	s1 =	sld [smem:$0x3F91];
	s0 =	simm.s32 @p0 $0x1  }
0x13: {  	[smem:$0x3FAC] =	sst s0;
	s0 =	simm.s32 @!p1 $0x0  }
0x14: {  	s2 =	sld [smem:$0x3F90];
	s0 =	simm.s32 @p1 $0x1  }
0x15: {  	[smem:$0x3FAD] =	sst s0;
	s0 =	simm.s32 @!p2 $0x0  }
0x16: {  	s3 =	sld [smem:$0x3FDB];
	s0 =	simm.s32 @p2 $0x1  }
0x17: {  	s4 =	simm.s32 $0x1BF5;
	[smem:$0x3FAF] =	sst s0  }
0x18: {  	s0 =	sld [smem:$0x3F92];
	_ =	swait.ge [sflag:s4], $0x0  }
0x19: {  	s7 =	sld [smem:$0x3F93]  }
0x1a: {  	s8 =	sadd.s32 $0xFFFFE003, lr  }
0x1b: {  	s9 =	sadd.s32 $0xFFFFFEF7, lr;
	s5 =	simm.s32 $0xFFFFFFFF;
	p2 =	slt.u32 s8, $0xFFFFF086  }
0x1c: {  	p1 =	slt.u32 s9, $0xF7A;
	s5 =	simm.s32 @!p2 $0x0  }
0x1d: {  	s5 =	simm.s32 @p1 $0x1;
	p0 =	seq.s32 s7, s2  }
0x1e: {  	s7 =	smul.u32 @!p0 $0xF7A, s2;
	p2 =	seq.s32 @!p0 s5, $0x0  }
0x1f: {  	s9 =	smul.u32 $0xF7A, s1;
	s8 =	simm.s32 @!p0 $0x1BF5;
	p2 =	por !p2, p0  }
0x20: {  	[sflag:s8] =	ssyncset.s32 @!p0 $0xFFFFF086;
	s6 =	sadd.s32 @!p0 s3, s7;
	s7 =	simm.s32 @!p0 $0x108  }
0x21: {  	s3 =	sadd.s32 s3, s9;
	s6 =	sadd.s32 @!p0 $0x88, s6;
	s7 =	simm.s32 @p2 $0x1082  }
0x22: {  	[simem:s7], [sflag:s8] =	dma.local @!p0 [hbm:s6], $0xF7A  }
0x23: {  	s9 =	sor.u32 $0xD0000000, s2;
	s6 =	simm.s32 $0x108;
	_ =	swait.ge @!p0 [sflag:s8], $0x0  }
0x24: {  	s3 =	sadd.s32 $0x88, s3;
	s6 =	simm.s32 @!p1 $0x1082;
	[sflag:s4] =	ssyncset.s32 $0xFFFFF086  }
0x25: {  	[simem:s6], [sflag:s4] =	dma.local [hbm:s3], $0xF7A  }
0x26: {  	[smem:$0x3F93] =	sst s1;
	(tag) =	ssettag s2;
	_ =	strace s9  }
0x27: {  	s1 =	sld [smem:$0x3FA3]  }
0x28: {  	s2 =	sld [smem:$0x3FA4]  }
0x29: {  	s4 =	sld [smem:$0x3FA6]  }
0x2a: {  	p0 =	seq.s32 s5, $0x0;
	s5 =	sld [smem:$0x3FA7]  }
0x2b: {  	s6 =	sld [smem:$0x3FA8]  }
0x2c: {  	s7 =	sld [smem:$0x3FA9]  }
0x2d: {  	s3 =	simm.s32 $0x108;
	s8 =	sld [smem:$0x3FAA]  }
0x2e: {  	s3 =	simm.s32 @!p0 $0x1082;
	s9 =	sld [smem:$0x3FAB]  }
0x2f: {  	lr =	sadd.s32 s0, s3;
	s0 =	sld [smem:$0x3FA2]  }
0x30: {  	s3 =	sld [smem:$0x3FA5]  }
0x31: {  	[smem:$0x3FAE] =	sst s10  }
0x32: {  	s10 =	sld [smem:$0x3FAC];
	_ =	sdelay $0x3  }
0x33: {  	p0 =	seq.s32 s10, $0x1;
	s10 =	sld [smem:$0x3FAE];
	_ =	sdelay $0x3  }
0x34: {  	[smem:$0x3FAE] =	sst s10  }
0x35: {  	s10 =	sld [smem:$0x3FAD];
	_ =	sdelay $0x3  }
0x36: {  	p1 =	seq.s32 s10, $0x1;
	s10 =	sld [smem:$0x3FAE];
	_ =	sdelay $0x3  }
0x37: {  	[smem:$0x3FAE] =	sst s10  }
0x38: {  	s10 =	sld [smem:$0x3FAF]  }
0x39: {  	_ = 	snop;
	(pc) =	sbr.ind lr, $3  }
0x3a: {  	_ = 	snop  }
0x3b: {  	_ = 	snop  }
0x3c: {  	p2 =	seq.s32 s10, $0x1;
	s10 =	sld [smem:$0x3FAE]  }
0x3d: {  	_ =	shalt  }
0x3e: {  	_ =	shalt  }
0x3f: {  	_ =	shalt  }
0x40: {  	_ =	shalt  }
0x41: {  	_ =	shalt  }
0x42: {  	_ =	shalt  }
0x43: {  	_ =	shalt  }
0x44: {  	_ =	shalt  }
0x45: {  	_ =	shalt  }
0x46: {  	_ =	shalt  }
0x47: {  	_ =	shalt  }
0x48: {  	_ =	shalt  }
0x49: {  	_ =	shalt  }
0x4a: {  	_ =	shalt  }
0x4b: {  	_ =	shalt  }
0x4c: {  	_ =	shalt  }
0x4d: {  	_ =	shalt  }
0x4e: {  	_ =	shalt  }
0x4f: {  	_ =	shalt  }
0x50: {  	_ =	shalt  }
0x51: {  	_ =	shalt  }
0x52: {  	_ =	shalt  }
0x53: {  	_ =	shalt  }
0x54: {  	_ =	shalt  }
0x55: {  	_ =	shalt  }
0x56: {  	_ =	shalt  }
0x57: {  	_ =	shalt  }
0x58: {  	_ =	shalt  }
0x59: {  	_ =	shalt  }
0x5a: {  	_ =	shalt  }
0x5b: {  	_ =	shalt  }
0x5c: {  	_ =	shalt  }
0x5d: {  	_ =	shalt  }
0x5e: {  	_ =	shalt  }
0x5f: {  	_ =	shalt  }
0x60: {  	_ =	shalt  }
0x61: {  	_ =	shalt  }
0x62: {  	_ =	shalt  }
0x63: {  	_ =	shalt  }
0x64: {  	_ =	shalt  }
0x65: {  	_ =	shalt  }
0x66: {  	_ =	shalt  }
0x67: {  	_ =	shalt  }
0x68: {  	_ =	shalt  }
0x69: {  	_ =	shalt  }
0x6a: {  	_ =	shalt  }
0x6b: {  	_ =	shalt  }
0x6c: {  	_ =	shalt  }
0x6d: {  	_ =	shalt  }
0x6e: {  	_ =	shalt  }
0x6f: {  	_ =	shalt  }
0x70: {  	_ =	shalt  }
0x71: {  	_ =	shalt  }
0x72: {  	_ =	shalt  }
0x73: {  	_ =	shalt  }
0x74: {  	_ =	shalt  }
0x75: {  	_ =	shalt  }
0x76: {  	_ =	shalt  }
0x77: {  	_ =	shalt  }
0x78: {  	_ =	shalt  }
0x79: {  	_ =	shalt  }
0x7a: {  	_ =	shalt  }
0x7b: {  	_ =	shalt  }
0x7c: {  	_ =	shalt  }
0x7d: {  	_ =	shalt  }
0x7e: {  	_ =	shalt  }
0x7f: {  	_ =	shalt  }
0x80: {  	_ =	shalt  }
0x81: {  	_ =	shalt  }
0x82: {  	_ =	shalt  }
0x83: {  	_ =	shalt  }
0x84: {  	_ =	shalt  }
0x85: {  	_ =	shalt  }
0x86: {  	_ =	shalt  }
0x87: {  	_ =	shalt  }
.Lfunc_end0:
.L_simem_size_0:
called_computation_lowered:
.L_overlay_start_0:
0x88: {  	s2 =	sld [smem:$0x3FD9]  }
0x89: {  	s3 =	sld [smem:$0x3FFE];
	_ =	sdelay $0x1  }
0x8a: {  	s1 =	srdreg.scid  }
0x8b: {  	s0 =	sand.u32 $0x1, s1  }
0x8c: {  	s17 =	sshll.u32 s0, $0xA;
	s2 =	sadd.s32 s3, s2  }
0x8d: {  	s2 =	sadd.s32 s2, s17  }
0x8e: {  	[smem:$0x3FBA] =	sst s2  }
0x8f: {  	_ = 	snop  }
0x90: {  	s2 =	sld [smem:$0x3FD0];
	(tm) =	ssettm $0x1  }
0x91: {  	s18 =	sld [smem:$0x3FFB];
	_ =	sdelay $0x3  }
0x92: {  	_ =	strace s18  }
0x93: {  	s3 =	sld [smem:$0x3FFC];
	_ =	sdelay $0x3  }
0x94: {  	_ =	strace s3  }
0x95: {  	s3 =	sld [smem:$0x3FFD];
	_ =	sdelay $0x3  }
0x96: {  	_ =	strace s3  }
0x97: {  	_ =	strace $0x8FFFFFFF  }
0x98: {  	s19 =	sld [smem:$0x3FDB];
	_ =	sdelay $0x1  }
0x99: {  	s4 =	simm.s32 $_scs_section_size  }
0x9a: {  	s5 =	simm.s32 $_size__tile_overlayer_lowered;
	s6 =	simm.s32 $_tile_overlayer_lowered  }
0x9b: {  	s22 =	simm.s32 $0x1BFF;
	s21 =	sshll.u32 s6, $0x1;
	s3 =	sadd.s32 s4, s19  }
0x9c: {  	s7 =	simm.s32 $0x0;
	s20 =	sshll.u32 s5, $0x1;
	s5 =	sadd.s32 s21, s3  }
0x9d: {  	[timem:s7], [sflag:s22] =	dma.local [hbm:s5], s20  }
0x9e: {  	_ =	swait.ge [sflag:s22], s20  }
0x9f: {  	s4 =	ssub.s32 $0x0, s20;
	[sflag:s22] =	ssyncset.done $0x0  }
0xa0: {  	[sflag:s22] =	ssyncadd.s32 s4;
	_ =	sdelay $0x1  }
0xa1: {  	s23 =	simm.s32 $0x1B8B  }
0xa2: {  	_ =	swait.ge [sflag:s23], $0x1  }
0xa3: {  	[sflag:s23] =	ssyncset.done $0x0  }
0xa4: {  	s25 =	simm.s32 $0x1B8E;
	s24 =	sld [smem:$0x3FFE];
	[sflag:s23] =	ssyncadd.s32 $0xFFFFFFFF  }
0xa5: {  	s26 =	simm.s32 $execute0_lowered;
	[smem:$0x3FD2] =	sst s25  }
0xa6: {  	s5 =	sshll.u32 s26, $0x1;
	_ =	strace $0x80000046;
	[dreg:$0x1] =	wrdreg $0xFFFFFFFF  }
0xa7: {  	s28 =	simm.s32 $_size_execute0_lowered;
	s3 =	sadd.s32 s3, s5;
	[dreg:$0x0] =	wrdreg $0x0  }
0xa8: {  	s5 =	sshll.u32 s28, $0x1;
	[dreg:$0x2] =	wrdreg s3  }
0xa9: {  	[dreg:$0x3] =	wrdreg s5  }
0xaa: {  	[dreg:$0x4] =	wrdreg $0xC0  }
0xab: {  	_ =	task [dreg:s7], $0x5FFFF  }
0xac: {  	[dreg:$0x1] =	wrdreg $0xFFFFFFFF  }
0xad: {  	[dreg:$0x0] =	wrdreg $0x60  }
0xae: {  	[dreg:$0x2] =	wrdreg s2  }
0xaf: {  	[dreg:$0x3] =	wrdreg s24  }
0xb0: {  	[dreg:$0x4] =	wrdreg $0xAF800  }
0xb1: {  	[dreg:$0x5] =	wrdreg $0x9  }
0xb2: {  	_ =	task.clear_ibuf [dreg:s7], $0x6FFFF;
	_ =	strace $0x90000046  }
0xb3: {  	s29 =	simm.s32 $0x9;
	_ =	strace $0x80000048  }
0xb4: {  	_ =	swait.ge [sflag:s29], $0x1  }
0xb5: {  	[sflag:s29] =	ssyncadd.s32 $0xFFFFFFFF  }
0xb6: {  	_ =	strace $0x90000048  }
0xb7: {  	_ =	sfence  }
0xb8: {  	s30 =	sld [smem:$0x0];
	_ =	sdelay $0x2  }
0xb9: {  	s31 =	sshll.u32 s1, $0xD;
	s1 =	sshrl.u32 s1, $0x2  }
0xba: {  	s3 =	sand.u32 $0x4000, s31;
	s1 =	sadd.s32 s1, s30  }
0xbb: {  	s0 =	sor.u32 s3, s0;
	s1 =	sshll.u32 s1, $0x11  }
0xbc: {  	s0 =	sor.u32 s1, s0  }
0xbd: {  	s0 =	sadd.s32 $0x8F2B, s0  }
0xbe: {  	[sflag:s0] =	ssyncadd.remote.s32 $0x1  }
0xbf: {  	_ =	sfence.sel $0xFFFF  }
0xc0: {  	[dreg:$0x0] =	wrdreg $0xFFFFFFFF;
	(pc) =	sbr.abs _section_cstart, $3  }
0xc1: {  	[dreg:$0x1] =	wrdreg $0xFFFFFFFF  }
0xc2: {  	_ =	task.clear_ibuf [dreg:s7], $0x2FFFF;
	_ =	strace $0x9FFFFFFF  }
0xc3: {  	(tm) =	ssettm $0x7FFFFFFF  }
tec
execute0_lowered:
.L_overlay_start_1:
0x0: {  	(tag) =	ssettag $0x1  }
0x1: {  	s1 =	rddreg [dreg:$0x0]  }
0x2: {  	s6 =	rddreg [dreg:$0x1];
	s2 =	srdreg.scid  }
0x3: {  	s0 =	stileid.u32;
	s3 =	rddreg [dreg:$0x2];
	s4 =	simm.s32 $0x0  }
0x4: {  	s13 =	simm.s32 $0x5000;
	s14 =	simm.s32 $0x6500;
	s15 =	simm.s32 $0x8F00  }
0x5: {  	s16 =	simm.s32 $0x40;
	s17 =	simm.s32 $0xAF00;
	s18 =	simm.s32 $0x7A00  }
0x6: {  	s22 =	simm.s32 $0x0;
	s5 =	sand.u32 $0x1, s2;
	s2 =	rddreg [dreg:$0x3]  }
0x7: {  	s7 =	sshll.u32 s0, $0x1;
	[smem:$0x7FF] =	sst s4;
	s31 =	sshll.u32 s0, $0xB  }
0x8: {  	s20 =	sshll.u32 s0, $0x8;
	p0 =	sgt.u32 s0, $0x9;
	s7 =	sor.u32 s5, s7  }
0x9: {  	_ =	strace $0x80000047;
	s8 =	smul.u32 $0xA00, s5;
	s9 =	ssub.s32 $0x2, s5  }
0xa: {  	v0 =	vlaneseq.u32;
	s5 =	sadd.s32 $0x52600, s6;
	s7 =	smul.u32 $0x2A0, s7;
	s30 =	sshrl.u32 s9, $0x1  }
0xb: {  	v0 =	vmul.u32 $0x80, v0;
	s11 =	sadd.s32 s8, s6;
	s12 =	ssub.s32 s9, s30;
	s8 =	sadd.s32 s31, s3  }
0xc: {  	s10 =	sadd.s32 s7, s6;
	s19 =	sadd.s32 $0x62800, s11;
	s11 =	simm.s32 $0x1  }
0xd: {  	v1 =	vimm.f32 $0.0e+00;
	v3 =	vimm.f32 $1.000000000e+00;
	v2 =	vor.u32 $0x1, v0;
	s21 =	sshrl.u32 @!p0 s8, $0x3;
	s6 =	sadd.s32 $0x52C00, s10;
	s7 =	sadd.s32 $0x58000, s10  }
0xe: {  	v4 =	vor.u32 $0x800, v0;
	v5 =	vor.u32 $0x801, v0;
	v6 =	vor.u32 $0x1000, v0;
	s9 =	sadd.s32 $0x5D400, s10;
	s19 =	sadd.s32 @!p0 s20, s19;
	s20 =	sshll.u32 @!p0 s0, $0x6  }
0xf: {  	v7 =	vor.u32 $0x1001, v0;
	v8 =	vor.u32 $0x1800, v0;
	v9 =	vor.u32 $0x1801, v0;
	s10 =	smax.u32 s12, $0x1;
	s12 =	simm.s32 $0x2800;
	s20 =	sor.u32 @!p0 $0x1C01, s20  }
.LBB2_1:
0x10: {  	[tilespmem:s4], [sflag:$0x1] =	stream.linear.gather [hbm4b:s1+s4], $0x2800, $0x38;
	[tilespmem:$0xB480] =	vst v63  }
0x11: {  	_ =	swait.ge [sflag:s11], $0x2800  }
0x12: {  	[sflag:s11] =	ssyncset.done $0x0  }
0x13: {  	[sflag:s11] =	ssyncadd.s32 $0xFFFFD800  }
0x14: {  	[tilespmem:s12], [sflag:$0x1] =	stream.linear.gather [hbm4b:s5+s4], $0x2800, $0x38;
	[tilespmem:$0xB480] =	vst v63  }
0x15: {  	_ =	swait.ge [sflag:s11], $0x2800  }
0x16: {  	[sflag:s11] =	ssyncset.done $0x0  }
0x17: {  	[sflag:s11] =	ssyncadd.s32 $0xFFFFD800  }
0x18: {  	[tilespmem:s13], [sflag:$0x1] =	stream.linear.gather [hbm4b:s6+s4], $0x1500, $0x38;
	[tilespmem:$0xB480] =	vst v63  }
0x19: {  	_ =	swait.ge [sflag:s11], $0x1500  }
0x1a: {  	[sflag:s11] =	ssyncset.done $0x0  }
0x1b: {  	[sflag:s11] =	ssyncadd.s32 $0xFFFFEB00  }
0x1c: {  	[tilespmem:s14], [sflag:$0x1] =	stream.linear.gather [hbm4b:s7+s4], $0x1500, $0x38;
	[tilespmem:$0xB480] =	vst v63  }
0x1d: {  	_ =	swait.ge [sflag:s11], $0x1500  }
0x1e: {  	[sflag:s11] =	ssyncset.done $0x0  }
0x1f: {  	s23 =	simm.s32 $0x0;
	s24 =	simm.s32 $0x200;
	[sflag:s11] =	ssyncadd.s32 $0xFFFFEB00  }
.LBB2_2:
0x20: {  	p1 =	sne.s32 s24, $0x7E00;
	[tilespmem:s23+$0x8F70] =	vst v1  }
0x21: {  	[tilespmem:s23+$0x8F00] =	vst v1  }
0x22: {  	[tilespmem:s23+$0x8F10] =	vst v1  }
.Ltmp0:
0x23: {  	[tilespmem:s23+$0x8F20] =	vst v1;
	(pc) =	sbr.rel @p1 .LBB2_2-.Ltmp0, $4  }
0x24: {  	[tilespmem:s23+$0x8F30] =	vst v1  }
0x25: {  	[tilespmem:s23+$0x8F40] =	vst v1  }
0x26: {  	[tilespmem:s23+$0x8F50] =	vst v1  }
0x27: {  	[tilespmem:s23+$0x8F60] =	vst v1;
	s23 =	sshra.s32 s24, $0x2;
	s24 =	sadd.s32 $0x200, s24  }
0x28: {  	[tilespmem:s23+$0x8F70] =	vst v1  }
0x29: {  	[tilespmem:s23+$0x8F00] =	vst v1  }
0x2a: {  	[tilespmem:s23+$0x8F10] =	vst v1  }
0x2b: {  	[tilespmem:s23+$0x8F20] =	vst v1  }
0x2c: {  	[tilespmem:s23+$0x8F30] =	vst v1  }
0x2d: {  	[tilespmem:s23+$0x8F40] =	vst v1  }
0x2e: {  	[tilespmem:s23+$0x8F50] =	vst v1  }
0x2f: {  	[tilespmem:s23+$0x8F60] =	vst v1;
	s23 =	simm.s32 @!p0 $0x8F00  }
0x30: {  	[spmem:s8] =	stream.linear.scatter @!p0 [tilespmem:s23], [sflag:$0x1], $0x800, $0x38;
	[tilespmem:$0xB480] =	vst v63  }
0x31: {  	s23 =	simm.s32 @!p0 $0x1  }
0x32: {  	_ =	swait.ge @!p0 [sflag:s23], $0x800  }
0x33: {  	[sflag:s23] =	ssyncset.done @!p0 $0x0  }
0x34: {  	[sflag:s23] =	ssyncadd.s32 @!p0 $0xFFFFF800  }
0x35: {  	s23 =	simm.s32 $0x0;
	[bflag:$0x0] =	sbarrier.arrive $0xFFFF  }
.LBB2_4:
0x36: {  	s24 =	sshra.s32 s23, $0x2  }
0x37: {  	v10 =	vld [tilespmem:s24+$0x5000]  }
0x38: {  	v11 =	vld [tilespmem:s24+$0x6500];
	_ =	sdelay $0x6  }
0x39: {  	v10 =	vld.idx.msk [tilespmem:v10+s4+$0x0], $0xffff  }
0x3a: {  	v12 =	vld.idx.msk [tilespmem:v11+s12+$0x0], $0xffff;
	_ =	sdelay $0x4  }
0x3b: {  	v10 =	vadd.f32 v12, v10;
	_ =	sdelay $0x1  }
0x3c: {  	v12 =	vmul.f32 $2.000000030e-01, v10  }
0x3d: {  	vm0 =	vlt.f32 v10, $0.0e+00  }
0x3e: {  	v10 =	vsel vm0, v12, v10  }
0x3f: {  	v10 =	vmul.f32 $1.442695020e+00, v10;
	_ =	sdelay $0x1  }
0x40: {  	(erf) = vpow2.f32 v10;
	_ =	sdelay $0x3  }
0x41: {  	v10 =	vshll.u32 v11, $0x1  }
0x42: {  	v10 =	vand.u32 $0x7E, v10  }
0x43: {  	v57 =	vor.u32 v0, v10  }
0x44: {  	v10 =	vor.u32 v2, v10;
	_ =	sdelay $0x1  }
0x45: {  	v13 =	vpop (erf)  }
0x46: {  	[tilespmem:s24+$0x7A00] =	vst v13  }
0x47: {  	[tilespmem:v57+s15+$0x0] =	vst.idx.msk $0xffff, v13  }
0x48: {  	[tilespmem:v10+s15+$0x0] =	vst.idx.msk $0xffff, v3;
	v10 =	vshrl.u32 v11, $0x6  }
0x49: {  	[tilespmem:$0xAF00] =	vst v10  }
0x4a: {  	v10 =	vld [tilespmem:s24+$0x5010]  }
0x4b: {  	v11 =	vld [tilespmem:s24+$0x6510];
	_ =	sdelay $0x6  }
0x4c: {  	v10 =	vld.idx.msk [tilespmem:v10+s4+$0x0], $0xffff  }
0x4d: {  	v12 =	vld.idx.msk [tilespmem:v11+s12+$0x0], $0xffff;
	_ =	sdelay $0x4  }
0x4e: {  	v10 =	vadd.f32 v12, v10;
	_ =	sdelay $0x1  }
0x4f: {  	v12 =	vmul.f32 $2.000000030e-01, v10  }
0x50: {  	vm13 =	vlt.f32 v10, $0.0e+00  }
0x51: {  	v10 =	vsel vm13, v12, v10  }
0x52: {  	v10 =	vmul.f32 $1.442695020e+00, v10;
	_ =	sdelay $0x1  }
0x53: {  	(erf) = vpow2.f32 v10;
	_ =	sdelay $0x3  }
0x54: {  	v10 =	vshll.u32 v11, $0x1  }
0x55: {  	v10 =	vand.u32 $0x7E, v10  }
0x56: {  	v58 =	vor.u32 v4, v10  }
0x57: {  	v10 =	vor.u32 v5, v10;
	_ =	sdelay $0x1  }
0x58: {  	v59 =	vpop (erf)  }
0x59: {  	[tilespmem:s24+$0x7A10] =	vst v59  }
0x5a: {  	[tilespmem:v58+s15+$0x0] =	vst.idx.msk $0xffff, v59  }
0x5b: {  	[tilespmem:v10+s15+$0x0] =	vst.idx.msk $0xffff, v3;
	v10 =	vshrl.u32 v11, $0x6  }
0x5c: {  	[tilespmem:$0xAF10] =	vst v10  }
0x5d: {  	v10 =	vld [tilespmem:s24+$0x5020]  }
0x5e: {  	v11 =	vld [tilespmem:s24+$0x6520];
	_ =	sdelay $0x6  }
0x5f: {  	v10 =	vld.idx.msk [tilespmem:v10+s4+$0x0], $0xffff  }
0x60: {  	v12 =	vld.idx.msk [tilespmem:v11+s12+$0x0], $0xffff;
	_ =	sdelay $0x4  }
0x61: {  	v10 =	vadd.f32 v12, v10;
	_ =	sdelay $0x1  }
0x62: {  	v12 =	vmul.f32 $2.000000030e-01, v10  }
0x63: {  	vm14 =	vlt.f32 v10, $0.0e+00  }
0x64: {  	v10 =	vsel vm14, v12, v10  }
0x65: {  	v10 =	vmul.f32 $1.442695020e+00, v10;
	_ =	sdelay $0x1  }
0x66: {  	(erf) = vpow2.f32 v10;
	_ =	sdelay $0x3  }
0x67: {  	v10 =	vshll.u32 v11, $0x1  }
0x68: {  	v10 =	vand.u32 $0x7E, v10  }
0x69: {  	v60 =	vor.u32 v6, v10  }
0x6a: {  	v10 =	vor.u32 v7, v10;
	_ =	sdelay $0x1  }
0x6b: {  	v61 =	vpop (erf)  }
0x6c: {  	[tilespmem:s24+$0x7A20] =	vst v61  }
0x6d: {  	[tilespmem:v60+s15+$0x0] =	vst.idx.msk $0xffff, v61  }
0x6e: {  	[tilespmem:v10+s15+$0x0] =	vst.idx.msk $0xffff, v3;
	v10 =	vshrl.u32 v11, $0x6  }
0x6f: {  	[tilespmem:$0xAF20] =	vst v10  }
0x70: {  	v10 =	vld [tilespmem:s24+$0x5030]  }
0x71: {  	v11 =	vld [tilespmem:s24+$0x6530];
	_ =	sdelay $0x6  }
0x72: {  	v10 =	vld.idx.msk [tilespmem:v10+s4+$0x0], $0xffff  }
0x73: {  	v12 =	vld.idx.msk [tilespmem:v11+s12+$0x0], $0xffff;
	_ =	sdelay $0x4  }
0x74: {  	v10 =	vadd.f32 v12, v10;
	_ =	sdelay $0x1  }
0x75: {  	v12 =	vmul.f32 $2.000000030e-01, v10  }
0x76: {  	vm15 =	vlt.f32 v10, $0.0e+00  }
0x77: {  	v10 =	vsel vm15, v12, v10  }
0x78: {  	v10 =	vmul.f32 $1.442695020e+00, v10;
	_ =	sdelay $0x1  }
0x79: {  	(erf) = vpow2.f32 v10;
	_ =	sdelay $0x3  }
0x7a: {  	v10 =	vshll.u32 v11, $0x1  }
0x7b: {  	v10 =	vand.u32 $0x7E, v10  }
0x7c: {  	v62 =	vor.u32 v8, v10  }
0x7d: {  	v10 =	vor.u32 v9, v10;
	_ =	sdelay $0x1  }
0x7e: {  	v63 =	vpop (erf)  }
0x7f: {  	[tilespmem:s24+$0x7A30] =	vst v63  }
0x80: {  	[tilespmem:v62+s15+$0x0] =	vst.idx.msk $0xffff, v63  }
0x81: {  	[tilespmem:v10+s15+$0x0] =	vst.idx.msk $0xffff, v3;
	v10 =	vshrl.u32 v11, $0x6  }
0x82: {  	[tilespmem:$0xAF30] =	vst v10  }
0x83: {  	[spmem:s3] =	stream.indirect.scatter.add.f32 [tilespmem:s15], [sflag:$0x1], $0x80, s17, s16, $0xb8;
	[tilespmem:$0xB480] =	vst v63  }
0x84: {  	_ =	swait.ge [sflag:s11], $0x2000  }
0x85: {  	[sflag:s11] =	ssyncset.done $0x0  }
0x86: {  	[sflag:s11] =	ssyncadd.s32 $0xFFFFE000  }
0x87: {  	v10 =	vld [tilespmem:s24+$0x6500];
	_ =	sdelay $0x4  }
0x88: {  	v10 =	vshll.u32 v10, $0x1  }
0x89: {  	v10 =	vand.u32 $0x7E, v10  }
0x8a: {  	v11 =	vor.u32 v0, v10  }
0x8b: {  	v10 =	vor.u32 v2, v10;
	_ =	sdelay $0x3  }
0x8c: {  	[tilespmem:v11+s15+$0x0] =	vst.idx.msk $0xffff, v1  }
0x8d: {  	[tilespmem:v10+s15+$0x0] =	vst.idx.msk $0xffff, v1  }
0x8e: {  	v10 =	vld [tilespmem:s24+$0x6510];
	_ =	sdelay $0x4  }
0x8f: {  	v10 =	vshll.u32 v10, $0x1  }
0x90: {  	v10 =	vand.u32 $0x7E, v10  }
0x91: {  	v11 =	vor.u32 v4, v10  }
0x92: {  	v10 =	vor.u32 v5, v10;
	_ =	sdelay $0x3  }
0x93: {  	[tilespmem:v11+s15+$0x0] =	vst.idx.msk $0xffff, v1  }
0x94: {  	[tilespmem:v10+s15+$0x0] =	vst.idx.msk $0xffff, v1  }
0x95: {  	v10 =	vld [tilespmem:s24+$0x6520];
	_ =	sdelay $0x4  }
0x96: {  	v10 =	vshll.u32 v10, $0x1  }
0x97: {  	v10 =	vand.u32 $0x7E, v10  }
0x98: {  	v11 =	vor.u32 v6, v10  }
0x99: {  	v10 =	vor.u32 v7, v10;
	_ =	sdelay $0x3  }
0x9a: {  	[tilespmem:v11+s15+$0x0] =	vst.idx.msk $0xffff, v1  }
0x9b: {  	[tilespmem:v10+s15+$0x0] =	vst.idx.msk $0xffff, v1  }
0x9c: {  	v10 =	vld [tilespmem:s24+$0x6530];
	_ =	sdelay $0x4  }
0x9d: {  	v10 =	vshll.u32 v10, $0x1  }
0x9e: {  	v10 =	vand.u32 $0x7E, v10  }
0x9f: {  	v11 =	vor.u32 v8, v10  }
0xa0: {  	p1 =	sne.s32 s23, $0x5300;
	v10 =	vor.u32 v9, v10  }
.Ltmp1:
0xa1: {  	_ = 	snop;
	(pc) =	sbr.rel @p1 .LBB2_4-.Ltmp1, $3  }
0xa2: {  	_ =	sdelay $0x1  }
0xa3: {  	[tilespmem:v11+s15+$0x0] =	vst.idx.msk $0xffff, v1  }
0xa4: {  	s23 =	sadd.s32 $0x100, s23;
	[tilespmem:v10+s15+$0x0] =	vst.idx.msk $0xffff, v1  }
0xa5: {  	[hbm4b:s9+s4] =	stream.linear.scatter [tilespmem:s18], [sflag:$0x1], $0x1500, $0x38;
	[tilespmem:$0xB480] =	vst v63  }
0xa6: {  	_ =	swait.ge [sflag:s11], $0x1500  }
0xa7: {  	s22 =	sadd.s32 $0x1, s22;
	[sflag:s11] =	ssyncset.done $0x0  }
0xa8: {  	p1 =	sne.s32 s22, s10;
	[sflag:s11] =	ssyncadd.s32 $0xFFFFEB00  }
.Ltmp2:
0xa9: {  	s23 =	simm.s32 @!p0 $0x1;
	[bflag:$0x0] =	sbarrier.arrive $0xFFFF;
	(pc) =	sbr.rel @p1 .LBB2_1-.Ltmp2, $4  }
0xaa: {  	[hbm:s19], [sflag:s20] =	dma.local @!p0 [spmem:s21], $0x100  }
0xab: {  	_ =	swait.ge @!p0 [sflag:s23], $0x100  }
0xac: {  	[sflag:s23] =	ssyncset.done @!p0 $0x0  }
0xad: {  	[sflag:s23] =	ssyncadd.s32 @!p0 $0xFFFFFF00  }
0xae: {  	_ =	sfence.sel $0x180000  }
0xaf: {  	[bflag:$0x0] =	sbarrier.arrive $0xFFFF  }
0xb0: {  	p0 =	sne.s32 s0, $0x0;
	_ =	strace $0x90000047  }
0xb1: {  	s0 =	sadd.s32 @!p0 $0x100000, s2;
	[bflag:$0x2] =	sbarrier.arrive $0xFFFF  }
0xb2: {  	[sflag:s0] =	ssyncadd.tile.s32 @!p0 $0x1;
	_ =	shalt  }
.Lfunc_end2:
_tile_overlayer_lowered:
.L_overlay_start_2:
0xb3: {  	(tag) =	ssettag $0x2  }
0xb4: {  	s0 =	rddreg [dreg:$0x0];
	s2 =	stileid.u32  }
0xb5: {  	s1 =	rddreg [dreg:$0x1];
	p0 =	sne.s32 s2, $0x0  }
0xb6: {  	s3 =	rddreg [dreg:$0x2];
	[bflag:$0x3] =	sbarrier.arrive $0xFFFF;
	s2 =	simm.s32 @!p0 $0x1C01  }
0xb7: {  	[timem:s3], [sflag:s2] =	dma.local @!p0 [hbm:s0], s1  }
0xb8: {  	s0 =	simm.s32 @!p0 $0x1  }
0xb9: {  	_ =	swait.ge @!p0 [sflag:s0], s1  }
0xba: {  	s1 =	ssub.s32 @!p0 $0x0, s1;
	[sflag:s0] =	ssyncset.done @!p0 $0x0  }
0xbb: {  	[sflag:s0] =	ssyncadd.s32 @!p0 s1  }
0xbc: {  	[bflag:$0x3] =	sbarrier.arrive $0xFFFF  }
0xbd: {  	_ =	shalt  }

// kernel: kernel.14.cloned.1.call-start
scs
__scs_entry_jumppad:
0x0: {  	(pc) =	sbr.rel $0x88, $3  }
0x1: {  	(tag) =	ssettag $0x0;
	lr =	simm.s32 $0x1  }
0x2: {  	[smem:$0x3F93] =	sst lr;
	_ =	strace $0xD0000000  }
0x3: {  	_ = 	snop  }
0x4: {  	_ = 	snop  }
0x5: {  	_ = 	snop  }
0x6: {  	_ = 	snop  }
0x7: {  	_ = 	snop  }
__scs_overlays_trampoline_lowered:
0x8: {  	[smem:$0x3FA2] =	sst s0  }
0x9: {  	[smem:$0x3FA3] =	sst s1  }
0xa: {  	[smem:$0x3FA4] =	sst s2  }
0xb: {  	[smem:$0x3FA5] =	sst s3  }
0xc: {  	[smem:$0x3FA6] =	sst s4  }
0xd: {  	[smem:$0x3FA7] =	sst s5  }
0xe: {  	[smem:$0x3FA8] =	sst s6  }
0xf: {  	[smem:$0x3FA9] =	sst s7  }
0x10: {  	[smem:$0x3FAA] =	sst s8  }
0x11: {  	[smem:$0x3FAB] =	sst s9;
	s0 =	simm.s32 @!p0 $0x0  }
0x12: {  	s1 =	sld [smem:$0x3F91];
	s0 =	simm.s32 @p0 $0x1  }
0x13: {  	[smem:$0x3FAC] =	sst s0;
	s0 =	simm.s32 @!p1 $0x0  }
0x14: {  	s2 =	sld [smem:$0x3F90];
	s0 =	simm.s32 @p1 $0x1  }
0x15: {  	[smem:$0x3FAD] =	sst s0;
	s0 =	simm.s32 @!p2 $0x0  }
0x16: {  	s3 =	sld [smem:$0x3FDB];
	s0 =	simm.s32 @p2 $0x1  }
0x17: {  	s4 =	simm.s32 $0x1BF5;
	[smem:$0x3FAF] =	sst s0  }
0x18: {  	s0 =	sld [smem:$0x3F92];
	_ =	swait.ge [sflag:s4], $0x0  }
0x19: {  	s7 =	sld [smem:$0x3F93]  }
0x1a: {  	s8 =	sadd.s32 $0xFFFFE003, lr  }
0x1b: {  	s9 =	sadd.s32 $0xFFFFFEF7, lr;
	s5 =	simm.s32 $0xFFFFFFFF;
	p2 =	slt.u32 s8, $0xFFFFF086  }
0x1c: {  	p1 =	slt.u32 s9, $0xF7A;
	s5 =	simm.s32 @!p2 $0x0  }
0x1d: {  	s5 =	simm.s32 @p1 $0x1;
	p0 =	seq.s32 s7, s2  }
0x1e: {  	s7 =	smul.u32 @!p0 $0xF7A, s2;
	p2 =	seq.s32 @!p0 s5, $0x0  }
0x1f: {  	s9 =	smul.u32 $0xF7A, s1;
	s8 =	simm.s32 @!p0 $0x1BF5;
	p2 =	por !p2, p0  }
0x20: {  	[sflag:s8] =	ssyncset.s32 @!p0 $0xFFFFF086;
	s6 =	sadd.s32 @!p0 s3, s7;
	s7 =	simm.s32 @!p0 $0x108  }
0x21: {  	s3 =	sadd.s32 s3, s9;
	s6 =	sadd.s32 @!p0 $0x88, s6;
	s7 =	simm.s32 @p2 $0x1082  }
0x22: {  	[simem:s7], [sflag:s8] =	dma.local @!p0 [hbm:s6], $0xF7A  }
0x23: {  	s9 =	sor.u32 $0xD0000000, s2;
	s6 =	simm.s32 $0x108;
	_ =	swait.ge @!p0 [sflag:s8], $0x0  }
0x24: {  	s3 =	sadd.s32 $0x88, s3;
	s6 =	simm.s32 @!p1 $0x1082;
	[sflag:s4] =	ssyncset.s32 $0xFFFFF086  }
0x25: {  	[simem:s6], [sflag:s4] =	dma.local [hbm:s3], $0xF7A  }
0x26: {  	[smem:$0x3F93] =	sst s1;
	(tag) =	ssettag s2;
	_ =	strace s9  }
0x27: {  	s1 =	sld [smem:$0x3FA3]  }
0x28: {  	s2 =	sld [smem:$0x3FA4]  }
0x29: {  	s4 =	sld [smem:$0x3FA6]  }
0x2a: {  	p0 =	seq.s32 s5, $0x0;
	s5 =	sld [smem:$0x3FA7]  }
0x2b: {  	s6 =	sld [smem:$0x3FA8]  }
0x2c: {  	s7 =	sld [smem:$0x3FA9]  }
0x2d: {  	s3 =	simm.s32 $0x108;
	s8 =	sld [smem:$0x3FAA]  }
0x2e: {  	s3 =	simm.s32 @!p0 $0x1082;
	s9 =	sld [smem:$0x3FAB]  }
0x2f: {  	lr =	sadd.s32 s0, s3;
	s0 =	sld [smem:$0x3FA2]  }
0x30: {  	s3 =	sld [smem:$0x3FA5]  }
0x31: {  	[smem:$0x3FAE] =	sst s10  }
0x32: {  	s10 =	sld [smem:$0x3FAC];
	_ =	sdelay $0x3  }
0x33: {  	p0 =	seq.s32 s10, $0x1;
	s10 =	sld [smem:$0x3FAE];
	_ =	sdelay $0x3  }
0x34: {  	[smem:$0x3FAE] =	sst s10  }
0x35: {  	s10 =	sld [smem:$0x3FAD];
	_ =	sdelay $0x3  }
0x36: {  	p1 =	seq.s32 s10, $0x1;
	s10 =	sld [smem:$0x3FAE];
	_ =	sdelay $0x3  }
0x37: {  	[smem:$0x3FAE] =	sst s10  }
0x38: {  	s10 =	sld [smem:$0x3FAF]  }
0x39: {  	_ = 	snop;
	(pc) =	sbr.ind lr, $3  }
0x3a: {  	_ = 	snop  }
0x3b: {  	_ = 	snop  }
0x3c: {  	p2 =	seq.s32 s10, $0x1;
	s10 =	sld [smem:$0x3FAE]  }
0x3d: {  	_ =	shalt  }
0x3e: {  	_ =	shalt  }
0x3f: {  	_ =	shalt  }
0x40: {  	_ =	shalt  }
0x41: {  	_ =	shalt  }
0x42: {  	_ =	shalt  }
0x43: {  	_ =	shalt  }
0x44: {  	_ =	shalt  }
0x45: {  	_ =	shalt  }
0x46: {  	_ =	shalt  }
0x47: {  	_ =	shalt  }
0x48: {  	_ =	shalt  }
0x49: {  	_ =	shalt  }
0x4a: {  	_ =	shalt  }
0x4b: {  	_ =	shalt  }
0x4c: {  	_ =	shalt  }
0x4d: {  	_ =	shalt  }
0x4e: {  	_ =	shalt  }
0x4f: {  	_ =	shalt  }
0x50: {  	_ =	shalt  }
0x51: {  	_ =	shalt  }
0x52: {  	_ =	shalt  }
0x53: {  	_ =	shalt  }
0x54: {  	_ =	shalt  }
0x55: {  	_ =	shalt  }
0x56: {  	_ =	shalt  }
0x57: {  	_ =	shalt  }
0x58: {  	_ =	shalt  }
0x59: {  	_ =	shalt  }
0x5a: {  	_ =	shalt  }
0x5b: {  	_ =	shalt  }
0x5c: {  	_ =	shalt  }
0x5d: {  	_ =	shalt  }
0x5e: {  	_ =	shalt  }
0x5f: {  	_ =	shalt  }
0x60: {  	_ =	shalt  }
0x61: {  	_ =	shalt  }
0x62: {  	_ =	shalt  }
0x63: {  	_ =	shalt  }
0x64: {  	_ =	shalt  }
0x65: {  	_ =	shalt  }
0x66: {  	_ =	shalt  }
0x67: {  	_ =	shalt  }
0x68: {  	_ =	shalt  }
0x69: {  	_ =	shalt  }
0x6a: {  	_ =	shalt  }
0x6b: {  	_ =	shalt  }
0x6c: {  	_ =	shalt  }
0x6d: {  	_ =	shalt  }
0x6e: {  	_ =	shalt  }
0x6f: {  	_ =	shalt  }
0x70: {  	_ =	shalt  }
0x71: {  	_ =	shalt  }
0x72: {  	_ =	shalt  }
0x73: {  	_ =	shalt  }
0x74: {  	_ =	shalt  }
0x75: {  	_ =	shalt  }
0x76: {  	_ =	shalt  }
0x77: {  	_ =	shalt  }
0x78: {  	_ =	shalt  }
0x79: {  	_ =	shalt  }
0x7a: {  	_ =	shalt  }
0x7b: {  	_ =	shalt  }
0x7c: {  	_ =	shalt  }
0x7d: {  	_ =	shalt  }
0x7e: {  	_ =	shalt  }
0x7f: {  	_ =	shalt  }
0x80: {  	_ =	shalt  }
0x81: {  	_ =	shalt  }
0x82: {  	_ =	shalt  }
0x83: {  	_ =	shalt  }
0x84: {  	_ =	shalt  }
0x85: {  	_ =	shalt  }
0x86: {  	_ =	shalt  }
0x87: {  	_ =	shalt  }
.Lfunc_end0:
.L_simem_size_0:
called_computation.1_lowered:
.L_overlay_start_0:
0x88: {  	s2 =	sld [smem:$0x3FD9]  }
0x89: {  	s3 =	sld [smem:$0x3FFE];
	_ =	sdelay $0x1  }
0x8a: {  	s1 =	srdreg.scid  }
0x8b: {  	s0 =	sand.u32 $0x1, s1  }
0x8c: {  	s17 =	sshll.u32 s0, $0xA;
	s2 =	sadd.s32 s3, s2  }
0x8d: {  	s2 =	sadd.s32 s2, s17  }
0x8e: {  	[smem:$0x3FBA] =	sst s2  }
0x8f: {  	_ = 	snop  }
0x90: {  	s2 =	sld [smem:$0x3FD0];
	(tm) =	ssettm $0x1  }
0x91: {  	s18 =	sld [smem:$0x3FFB];
	_ =	sdelay $0x3  }
0x92: {  	_ =	strace s18  }
0x93: {  	s3 =	sld [smem:$0x3FFC];
	_ =	sdelay $0x3  }
0x94: {  	_ =	strace s3  }
0x95: {  	s3 =	sld [smem:$0x3FFD];
	_ =	sdelay $0x3  }
0x96: {  	_ =	strace s3  }
0x97: {  	_ =	strace $0x8FFFFFFF  }
0x98: {  	s19 =	sld [smem:$0x3FDB];
	_ =	sdelay $0x1  }
0x99: {  	s4 =	simm.s32 $_scs_section_size  }
0x9a: {  	s5 =	simm.s32 $_size__tile_overlayer_lowered;
	s6 =	simm.s32 $_tile_overlayer_lowered  }
0x9b: {  	s22 =	simm.s32 $0x1BFF;
	s21 =	sshll.u32 s6, $0x1;
	s3 =	sadd.s32 s4, s19  }
0x9c: {  	s7 =	simm.s32 $0x0;
	s20 =	sshll.u32 s5, $0x1;
	s5 =	sadd.s32 s21, s3  }
0x9d: {  	[timem:s7], [sflag:s22] =	dma.local [hbm:s5], s20  }
0x9e: {  	_ =	swait.ge [sflag:s22], s20  }
0x9f: {  	s4 =	ssub.s32 $0x0, s20;
	[sflag:s22] =	ssyncset.done $0x0  }
0xa0: {  	[sflag:s22] =	ssyncadd.s32 s4;
	_ =	sdelay $0x1  }
0xa1: {  	s23 =	simm.s32 $0x1B8B  }
0xa2: {  	_ =	swait.ge [sflag:s23], $0x1  }
0xa3: {  	[sflag:s23] =	ssyncset.done $0x0  }
0xa4: {  	s25 =	simm.s32 $0x1B8E;
	s24 =	sld [smem:$0x3FFE];
	[sflag:s23] =	ssyncadd.s32 $0xFFFFFFFF  }
0xa5: {  	s26 =	simm.s32 $execute0_lowered;
	[smem:$0x3FD2] =	sst s25  }
0xa6: {  	s5 =	sshll.u32 s26, $0x1;
	_ =	strace $0x80000049;
	[dreg:$0x1] =	wrdreg $0xFFFFFFFF  }
0xa7: {  	s28 =	simm.s32 $_size_execute0_lowered;
	s3 =	sadd.s32 s3, s5;
	[dreg:$0x0] =	wrdreg $0x0  }
0xa8: {  	s5 =	sshll.u32 s28, $0x1;
	[dreg:$0x2] =	wrdreg s3  }
0xa9: {  	[dreg:$0x3] =	wrdreg s5  }
0xaa: {  	[dreg:$0x4] =	wrdreg $0xC0  }
0xab: {  	_ =	task [dreg:s7], $0x5FFFF  }
0xac: {  	[dreg:$0x1] =	wrdreg $0xFFFFFFFF  }
0xad: {  	[dreg:$0x0] =	wrdreg $0x60  }
0xae: {  	[dreg:$0x2] =	wrdreg s24  }
0xaf: {  	[dreg:$0x3] =	wrdreg s2  }
0xb0: {  	[dreg:$0x4] =	wrdreg $0x21800  }
0xb1: {  	[dreg:$0x5] =	wrdreg $0x9  }
0xb2: {  	_ =	task.clear_ibuf [dreg:s7], $0x6FFFF;
	_ =	strace $0x90000049  }
0xb3: {  	s29 =	simm.s32 $0x9;
	_ =	strace $0x8000004B  }
0xb4: {  	_ =	swait.ge [sflag:s29], $0x1  }
0xb5: {  	[sflag:s29] =	ssyncadd.s32 $0xFFFFFFFF  }
0xb6: {  	_ =	strace $0x9000004B  }
0xb7: {  	_ =	sfence  }
0xb8: {  	s30 =	sld [smem:$0x0];
	_ =	sdelay $0x2  }
0xb9: {  	s31 =	sshll.u32 s1, $0xD;
	s1 =	sshrl.u32 s1, $0x2  }
0xba: {  	s3 =	sand.u32 $0x4000, s31;
	s1 =	sadd.s32 s1, s30  }
0xbb: {  	s0 =	sor.u32 s3, s0;
	s1 =	sshll.u32 s1, $0x11  }
0xbc: {  	s0 =	sor.u32 s1, s0  }
0xbd: {  	s0 =	sadd.s32 $0x8F2B, s0  }
0xbe: {  	[sflag:s0] =	ssyncadd.remote.s32 $0x1  }
0xbf: {  	_ =	sfence.sel $0xFFFF  }
0xc0: {  	[dreg:$0x0] =	wrdreg $0xFFFFFFFF;
	(pc) =	sbr.abs _section_cstart, $3  }
0xc1: {  	[dreg:$0x1] =	wrdreg $0xFFFFFFFF  }
0xc2: {  	_ =	task.clear_ibuf [dreg:s7], $0x2FFFF;
	_ =	strace $0x9FFFFFFF  }
0xc3: {  	(tm) =	ssettm $0x7FFFFFFF  }
tec
execute0_lowered:
.L_overlay_start_1:
0x0: {  	(tag) =	ssettag $0x1  }
0x1: {  	s5 =	rddreg [dreg:$0x0]  }
0x2: {  	s8 =	rddreg [dreg:$0x1]  }
0x3: {  	s2 =	rddreg [dreg:$0x2];
	s1 =	stileid.u32  }
0x4: {  	s4 =	srdreg.scid;
	s3 =	simm.s32 $0x0;
	s19 =	simm.s32 $0x180  }
0x5: {  	s20 =	simm.s32 $0x2;
	s21 =	simm.s32 $0x80;
	s9 =	smul.u32 $0xA80, s1  }
0x6: {  	s22 =	simm.s32 $0x100;
	s6 =	sand.u32 $0x1, s4;
	s11 =	smul.u32 $0x50000, s1  }
0x7: {  	[smem:$0x7FF] =	sst s3;
	s4 =	sadd.s32 $0x2600, s5;
	s25 =	smul.u32 $0x2800, s1  }
0x8: {  	s7 =	smul.u32 $0x28000, s6;
	_ =	strace $0x8000004A;
	s10 =	ssub.s32 $0x2, s6  }
0x9: {  	s23 =	smul.u32 $0x2800, s6;
	s12 =	sadd.s32 s9, s5;
	s13 =	sshrl.u32 s10, $0x1  }
0xa: {  	s31 =	sshrl.u32 s11, $0x2;
	s8 =	sadd.s32 s8, s9;
	s14 =	sadd.s32 s7, s5  }
0xb: {  	s10 =	ssub.s32 s10, s13;
	s5 =	sadd.s32 s31, s2;
	s6 =	sadd.s32 $0x63C00, s12  }
0xc: {  	s7 =	sadd.s32 $0x6E400, s12;
	v0 =	vmov s23;
	s23 =	simm.s32 $0x40;
	s24 =	sadd.s32 $0x78C00, s14  }
0xd: {  	s9 =	smax.u32 s10, $0x1;
	s10 =	sadd.s32 $0x2000, s5;
	s11 =	sadd.s32 $0x4000, s5  }
0xe: {  	s12 =	sadd.s32 $0x6000, s5;
	s13 =	sadd.s32 $0x8000, s5;
	s14 =	sadd.s32 $0xA000, s5  }
0xf: {  	s15 =	sadd.s32 $0xC000, s5;
	s16 =	sadd.s32 $0xE000, s5;
	s17 =	sadd.s32 $0x10000, s5  }
0x10: {  	v1 =	vimm.f32 $0.0e+00;
	s18 =	sadd.s32 $0x12000, s5;
	s24 =	sadd.s32 s25, s24;
	s25 =	simm.s32 $0x1  }
.LBB2_1:
0x11: {  	s26 =	simm.s32 $0x0;
	s28 =	simm.s32 $0x200  }
.LBB2_2:
0x12: {  	p0 =	sne.s32 s28, $0x7E00;
	[tilespmem:s26+$0x1F0] =	vst v1  }
0x13: {  	[tilespmem:s26+$0x180] =	vst v1  }
0x14: {  	[tilespmem:s26+$0x190] =	vst v1  }
.Ltmp0:
0x15: {  	[tilespmem:s26+$0x1A0] =	vst v1;
	(pc) =	sbr.rel @p0 .LBB2_2-.Ltmp0, $4  }
0x16: {  	[tilespmem:s26+$0x1B0] =	vst v1  }
0x17: {  	[tilespmem:s26+$0x1C0] =	vst v1  }
0x18: {  	[tilespmem:s26+$0x1D0] =	vst v1  }
0x19: {  	[tilespmem:s26+$0x1E0] =	vst v1;
	s26 =	sshra.s32 s28, $0x2;
	s28 =	sadd.s32 $0x200, s28  }
0x1a: {  	[tilespmem:s26+$0x1F0] =	vst v1  }
0x1b: {  	[tilespmem:s26+$0x180] =	vst v1  }
0x1c: {  	[tilespmem:s26+$0x190] =	vst v1  }
0x1d: {  	[tilespmem:s26+$0x1A0] =	vst v1  }
0x1e: {  	[tilespmem:s26+$0x1B0] =	vst v1  }
0x1f: {  	[tilespmem:s26+$0x1C0] =	vst v1  }
0x20: {  	[tilespmem:s26+$0x1D0] =	vst v1  }
0x21: {  	[tilespmem:s26+$0x1E0] =	vst v1  }
0x22: {  	[spmem:s5] =	stream.linear.scatter [tilespmem:s19], [sflag:$0x2], $0x2000, $0x38;
	[tilespmem:$0x16180] =	vst v63  }
0x23: {  	_ =	swait.ge [sflag:s20], $0x2000  }
0x24: {  	[sflag:s20] =	ssyncset.done $0x0  }
0x25: {  	[sflag:s20] =	ssyncadd.s32 $0xFFFFE000  }
0x26: {  	[spmem:s10] =	stream.linear.scatter [tilespmem:s19], [sflag:$0x2], $0x2000, $0x38;
	[tilespmem:$0x16180] =	vst v63  }
0x27: {  	_ =	swait.ge [sflag:s20], $0x2000  }
0x28: {  	[sflag:s20] =	ssyncset.done $0x0  }
0x29: {  	[sflag:s20] =	ssyncadd.s32 $0xFFFFE000  }
0x2a: {  	[spmem:s11] =	stream.linear.scatter [tilespmem:s19], [sflag:$0x2], $0x2000, $0x38;
	[tilespmem:$0x16180] =	vst v63  }
0x2b: {  	_ =	swait.ge [sflag:s20], $0x2000  }
0x2c: {  	[sflag:s20] =	ssyncset.done $0x0  }
0x2d: {  	[sflag:s20] =	ssyncadd.s32 $0xFFFFE000  }
0x2e: {  	[spmem:s12] =	stream.linear.scatter [tilespmem:s19], [sflag:$0x2], $0x2000, $0x38;
	[tilespmem:$0x16180] =	vst v63  }
0x2f: {  	_ =	swait.ge [sflag:s20], $0x2000  }
0x30: {  	[sflag:s20] =	ssyncset.done $0x0  }
0x31: {  	[sflag:s20] =	ssyncadd.s32 $0xFFFFE000  }
0x32: {  	[spmem:s13] =	stream.linear.scatter [tilespmem:s19], [sflag:$0x2], $0x2000, $0x38;
	[tilespmem:$0x16180] =	vst v63  }
0x33: {  	_ =	swait.ge [sflag:s20], $0x2000  }
0x34: {  	[sflag:s20] =	ssyncset.done $0x0  }
0x35: {  	[sflag:s20] =	ssyncadd.s32 $0xFFFFE000  }
0x36: {  	[spmem:s14] =	stream.linear.scatter [tilespmem:s19], [sflag:$0x2], $0x2000, $0x38;
	[tilespmem:$0x16180] =	vst v63  }
0x37: {  	_ =	swait.ge [sflag:s20], $0x2000  }
0x38: {  	[sflag:s20] =	ssyncset.done $0x0  }
0x39: {  	[sflag:s20] =	ssyncadd.s32 $0xFFFFE000  }
0x3a: {  	[spmem:s15] =	stream.linear.scatter [tilespmem:s19], [sflag:$0x2], $0x2000, $0x38;
	[tilespmem:$0x16180] =	vst v63  }
0x3b: {  	_ =	swait.ge [sflag:s20], $0x2000  }
0x3c: {  	[sflag:s20] =	ssyncset.done $0x0  }
0x3d: {  	[sflag:s20] =	ssyncadd.s32 $0xFFFFE000  }
0x3e: {  	[spmem:s16] =	stream.linear.scatter [tilespmem:s19], [sflag:$0x2], $0x2000, $0x38;
	[tilespmem:$0x16180] =	vst v63  }
0x3f: {  	_ =	swait.ge [sflag:s20], $0x2000  }
0x40: {  	[sflag:s20] =	ssyncset.done $0x0  }
0x41: {  	[sflag:s20] =	ssyncadd.s32 $0xFFFFE000  }
0x42: {  	[spmem:s17] =	stream.linear.scatter [tilespmem:s19], [sflag:$0x2], $0x2000, $0x38;
	[tilespmem:$0x16180] =	vst v63  }
0x43: {  	_ =	swait.ge [sflag:s20], $0x2000  }
0x44: {  	[sflag:s20] =	ssyncset.done $0x0  }
0x45: {  	[sflag:s20] =	ssyncadd.s32 $0xFFFFE000  }
0x46: {  	[spmem:s18] =	stream.linear.scatter [tilespmem:s19], [sflag:$0x2], $0x2000, $0x38;
	[tilespmem:$0x16180] =	vst v63  }
0x47: {  	_ =	swait.ge [sflag:s20], $0x2000  }
0x48: {  	[sflag:s20] =	ssyncset.done $0x0  }
0x49: {  	[sflag:s20] =	ssyncadd.s32 $0xFFFFE000  }
0x4a: {  	s26 =	simm.s32 $0x0;
	s28 =	simm.s32 $0x0;
	[bflag:$0x0] =	sbarrier.arrive $0xFFFF  }
.LBB2_4:
0x4b: {  	s29 =	sshll.u32 s28, $0x4  }
0x4c: {  	s30 =	sadd.s32 s29, s6  }
0x4d: {  	[tilespmem:s26], [sflag:$0x2] =	stream.linear.gather [hbm4b:s30+s26], $0x80, $0x38;
	[tilespmem:$0x16180] =	vst v63  }
0x4e: {  	_ =	swait.ge [sflag:s20], $0x80  }
0x4f: {  	[sflag:s20] =	ssyncset.done $0x0  }
0x50: {  	s30 =	sadd.s32 s29, s7;
	[sflag:s20] =	ssyncadd.s32 $0xFFFFFF80  }
0x51: {  	[tilespmem:s21], [sflag:$0x2] =	stream.linear.gather [hbm4b:s30+s26], $0x80, $0x38;
	[tilespmem:$0x16180] =	vst v63  }
0x52: {  	_ =	swait.ge [sflag:s20], $0x80  }
0x53: {  	[sflag:s20] =	ssyncset.done $0x0  }
0x54: {  	s29 =	sadd.s32 s29, s8;
	[sflag:s20] =	ssyncadd.s32 $0xFFFFFF80  }
0x55: {  	[tilespmem:s22], [sflag:$0x2] =	stream.linear.gather [hbm4b:s29+s26], $0x80, $0x38;
	[tilespmem:$0x16180] =	vst v63  }
0x56: {  	_ =	swait.ge [sflag:s20], $0x80  }
0x57: {  	[sflag:s20] =	ssyncset.done $0x0  }
0x58: {  	[sflag:s20] =	ssyncadd.s32 $0xFFFFFF80  }
0x59: {  	v2 =	vld [tilespmem:$0x0]  }
0x5a: {  	v3 =	vld [tilespmem:$0x10]  }
0x5b: {  	v4 =	vld [tilespmem:$0x20]  }
0x5c: {  	v5 =	vld [tilespmem:$0x30];
	_ =	sdelay $0x1  }
0x5d: {  	v2 =	vadd.s32 v0, v2  }
0x5e: {  	[tilespmem:$0x0] =	vst v2;
	v2 =	vadd.s32 v0, v3  }
0x5f: {  	[tilespmem:$0x10] =	vst v2;
	v2 =	vadd.s32 v0, v4  }
0x60: {  	[tilespmem:$0x20] =	vst v2;
	v2 =	vadd.s32 v0, v5  }
0x61: {  	[tilespmem:$0x30] =	vst v2  }
0x62: {  	[tilespmem:s19], [sflag:$0x1] =	stream.indirect.gather [hbm4b:s4+s23], $0x80, s26, s23, $0xb8;
	[tilespmem:$0x16180] =	vst v63  }
0x63: {  	_ =	swait.ge [sflag:s25], $0x2000  }
0x64: {  	v2 =	vmov s26;
	[sflag:s25] =	ssyncset.done $0x0  }
0x65: {  	s29 =	simm.s32 $0x1C0;
	[sflag:s25] =	ssyncadd.s32 $0xFFFFE000  }
0x66: {  	v6 =	vld [tilespmem:s29+$0x30]  }
0x67: {  	v9 =	vld [tilespmem:s29+$0x10]  }
0x68: {  	v7 =	vld [tilespmem:s29+$0xFFFFFFC0]  }
0x69: {  	v3 =	vld.idx.msk [tilespmem:v2+s22+$0x0], $0xffff  }
0x6a: {  	v11 =	vld [tilespmem:s29+$0xFFFFFFE0]  }
0x6b: {  	v2 =	vld [tilespmem:s29+$0xFFFFFFF0]  }
0x6c: {  	v4 =	vld [tilespmem:s29+$0x20]  }
0x6d: {  	v5 =	vld [tilespmem:s29+$0xFFFFFFD0]  }
0x6e: {  	v10 =	vmul.f32 v6, v3;
	v6 =	vld [tilespmem:s29+$0x0]  }
0x6f: {  	v8 =	vmul.f32 v7, v3  }
0x70: {  	s31 =	simm.s32 $0x1C0;
	s30 =	simm.s32 $0x1;
	v7 =	vmul.f32 v11, v3;
	v9 =	vmul.f32 v9, v3  }
.LBB2_5:
0x71: {  	p0 =	sne.s32 s30, $0x3F  }
0x72: {  	v5 =	vmul.f32 v5, v3;
	v4 =	vmul.f32 v4, v3;
	[tilespmem:s29+$0x30] =	vst v10;
	s31 =	sadd.s32 $0x80, s31;
	s0 =	smov.u32 s30;
	s30 =	sadd.s32 $0x1, s30  }
0x73: {  	[tilespmem:s29+$0xFFFFFFC0] =	vst v8;
	v8 =	vmul.f32 v2, v3;
	v3 =	vmul.f32 v6, v3  }
0x74: {  	[tilespmem:s29+$0x10] =	vst v9  }
0x75: {  	v6 =	vmov s0;
	[tilespmem:s29+$0xFFFFFFE0] =	vst v7  }
0x76: {  	v2 =	vld [tilespmem:s31+$0xFFFFFFF0];
	[tilespmem:s29+$0xFFFFFFF0] =	vst v8  }
0x77: {  	v7 =	vld [tilespmem:s31+$0x30];
	[tilespmem:s29+$0x0] =	vst v3  }
0x78: {  	v9 =	vld [tilespmem:s31+$0x10];
	[tilespmem:s29+$0x20] =	vst v4  }
0x79: {  	v8 =	vld [tilespmem:s31+$0xFFFFFFC0];
	[tilespmem:s29+$0xFFFFFFD0] =	vst v5;
	s29 =	smov.u32 s31  }
0x7a: {  	v3 =	vld.idx.msk [tilespmem:v6+s22+$0x0], $0xffff  }
0x7b: {  	v11 =	vld [tilespmem:s31+$0xFFFFFFE0]  }
0x7c: {  	v4 =	vld [tilespmem:s31+$0x20]  }
.Ltmp1:
0x7d: {  	v5 =	vld [tilespmem:s31+$0xFFFFFFD0];
	(pc) =	sbr.rel @p0 .LBB2_5-.Ltmp1, $3  }
0x7e: {  	v6 =	vld [tilespmem:s31+$0x0];
	_ =	sdelay $0x1  }
0x7f: {  	v8 =	vmul.f32 v8, v3;
	v10 =	vmul.f32 v7, v3  }
0x80: {  	v9 =	vmul.f32 v9, v3;
	v7 =	vmul.f32 v11, v3  }
0x81: {  	[tilespmem:s29+$0x30] =	vst v10  }
0x82: {  	[tilespmem:s29+$0xFFFFFFC0] =	vst v8  }
0x83: {  	v2 =	vmul.f32 v2, v3;
	[tilespmem:s29+$0x10] =	vst v9  }
0x84: {  	v4 =	vmul.f32 v4, v3;
	[tilespmem:s29+$0xFFFFFFE0] =	vst v7  }
0x85: {  	v6 =	vmul.f32 v6, v3;
	[tilespmem:s29+$0xFFFFFFF0] =	vst v2  }
0x86: {  	s28 =	sadd.s32 $0x1, s28;
	v2 =	vmul.f32 v5, v3;
	[tilespmem:s29+$0x20] =	vst v4  }
0x87: {  	p0 =	sne.s32 s28, $0xA8;
	[tilespmem:s29+$0x0] =	vst v6  }
.Ltmp2:
0x88: {  	[tilespmem:s29+$0xFFFFFFD0] =	vst v2;
	(pc) =	sbr.rel @p0 .LBB2_4-.Ltmp2, $4  }
0x89: {  	[spmem:s2] =	stream.indirect.scatter.add.f32 [tilespmem:s19], [sflag:$0x2], $0x80, s21, s23, $0xb8;
	[tilespmem:$0x16180] =	vst v63  }
0x8a: {  	_ =	swait.ge [sflag:s20], $0x2000  }
0x8b: {  	[sflag:s20] =	ssyncset.done $0x0  }
0x8c: {  	[sflag:s20] =	ssyncadd.s32 $0xFFFFE000  }
0x8d: {  	s3 =	sadd.s32 $0x1, s3  }
0x8e: {  	s0 =	sshll.u32 s1, $0x6;
	[bflag:$0x0] =	sbarrier.arrive $0xFFFF;
	p0 =	sne.s32 s3, s9  }
.Ltmp3:
0x8f: {  	s26 =	sshrl.u32 s5, $0x3;
	s0 =	sor.u32 $0x1C02, s0;
	(pc) =	sbr.rel @p0 .LBB2_1-.Ltmp3, $4  }
0x90: {  	[hbm:s24], [sflag:s0] =	dma.local [spmem:s26], $0x2800  }
0x91: {  	_ =	swait.ge [sflag:s20], $0x2800  }
0x92: {  	[sflag:s20] =	ssyncset.done $0x0  }
0x93: {  	[sflag:s20] =	ssyncadd.s32 $0xFFFFD800  }
0x94: {  	_ =	sfence.sel $0x180000  }
0x95: {  	[bflag:$0x0] =	sbarrier.arrive $0xFFFF  }
0x96: {  	_ =	strace $0x9000004A  }
0x97: {  	[bflag:$0x2] =	sbarrier.arrive $0xFFFF  }
0x98: {  	p0 =	sne.s32 s1, $0x0;
	s0 =	rddreg [dreg:$0x3]  }
0x99: {  	s0 =	sadd.s32 @!p0 $0x100000, s0  }
0x9a: {  	[sflag:s0] =	ssyncadd.tile.s32 @!p0 $0x1;
	_ =	shalt  }
.Lfunc_end2:
_tile_overlayer_lowered:
.L_overlay_start_2:
0x9b: {  	(tag) =	ssettag $0x2  }
0x9c: {  	s0 =	rddreg [dreg:$0x0];
	s2 =	stileid.u32  }
0x9d: {  	s1 =	rddreg [dreg:$0x1];
	p0 =	sne.s32 s2, $0x0  }
0x9e: {  	s3 =	rddreg [dreg:$0x2];
	[bflag:$0x3] =	sbarrier.arrive $0xFFFF;
	s2 =	simm.s32 @!p0 $0x1C02  }
0x9f: {  	[timem:s3], [sflag:s2] =	dma.local @!p0 [hbm:s0], s1  }
0xa0: {  	s0 =	simm.s32 @!p0 $0x2  }
0xa1: {  	_ =	swait.ge @!p0 [sflag:s0], s1  }
0xa2: {  	s1 =	ssub.s32 @!p0 $0x0, s1;
	[sflag:s0] =	ssyncset.done @!p0 $0x0  }
0xa3: {  	[sflag:s0] =	ssyncadd.s32 @!p0 s1  }
0xa4: {  	[bflag:$0x3] =	sbarrier.arrive $0xFFFF  }
0xa5: {  	_ =	shalt  }

// kernel: kernel.17.cloned.1.call-start
scs
__scs_entry_jumppad:
0x0: {  	(pc) =	sbr.rel $0x88, $3  }
0x1: {  	(tag) =	ssettag $0x0;
	lr =	simm.s32 $0x1  }
0x2: {  	[smem:$0x3F93] =	sst lr;
	_ =	strace $0xD0000000  }
0x3: {  	_ = 	snop  }
0x4: {  	_ = 	snop  }
0x5: {  	_ = 	snop  }
0x6: {  	_ = 	snop  }
0x7: {  	_ = 	snop  }
__scs_overlays_trampoline_lowered:
0x8: {  	[smem:$0x3FA2] =	sst s0  }
0x9: {  	[smem:$0x3FA3] =	sst s1  }
0xa: {  	[smem:$0x3FA4] =	sst s2  }
0xb: {  	[smem:$0x3FA5] =	sst s3  }
0xc: {  	[smem:$0x3FA6] =	sst s4  }
0xd: {  	[smem:$0x3FA7] =	sst s5  }
0xe: {  	[smem:$0x3FA8] =	sst s6  }
0xf: {  	[smem:$0x3FA9] =	sst s7  }
0x10: {  	[smem:$0x3FAA] =	sst s8  }
0x11: {  	[smem:$0x3FAB] =	sst s9;
	s0 =	simm.s32 @!p0 $0x0  }
0x12: {  	s1 =	sld [smem:$0x3F91];
	s0 =	simm.s32 @p0 $0x1  }
0x13: {  	[smem:$0x3FAC] =	sst s0;
	s0 =	simm.s32 @!p1 $0x0  }
0x14: {  	s2 =	sld [smem:$0x3F90];
	s0 =	simm.s32 @p1 $0x1  }
0x15: {  	[smem:$0x3FAD] =	sst s0;
	s0 =	simm.s32 @!p2 $0x0  }
0x16: {  	s3 =	sld [smem:$0x3FDB];
	s0 =	simm.s32 @p2 $0x1  }
0x17: {  	s4 =	simm.s32 $0x1BF5;
	[smem:$0x3FAF] =	sst s0  }
0x18: {  	s0 =	sld [smem:$0x3F92];
	_ =	swait.ge [sflag:s4], $0x0  }
0x19: {  	s7 =	sld [smem:$0x3F93]  }
0x1a: {  	s8 =	sadd.s32 $0xFFFFE003, lr  }
0x1b: {  	s9 =	sadd.s32 $0xFFFFFEF7, lr;
	s5 =	simm.s32 $0xFFFFFFFF;
	p2 =	slt.u32 s8, $0xFFFFF086  }
0x1c: {  	p1 =	slt.u32 s9, $0xF7A;
	s5 =	simm.s32 @!p2 $0x0  }
0x1d: {  	s5 =	simm.s32 @p1 $0x1;
	p0 =	seq.s32 s7, s2  }
0x1e: {  	s7 =	smul.u32 @!p0 $0xF7A, s2;
	p2 =	seq.s32 @!p0 s5, $0x0  }
0x1f: {  	s9 =	smul.u32 $0xF7A, s1;
	s8 =	simm.s32 @!p0 $0x1BF5;
	p2 =	por !p2, p0  }
0x20: {  	[sflag:s8] =	ssyncset.s32 @!p0 $0xFFFFF086;
	s6 =	sadd.s32 @!p0 s3, s7;
	s7 =	simm.s32 @!p0 $0x108  }
0x21: {  	s3 =	sadd.s32 s3, s9;
	s6 =	sadd.s32 @!p0 $0x88, s6;
	s7 =	simm.s32 @p2 $0x1082  }
0x22: {  	[simem:s7], [sflag:s8] =	dma.local @!p0 [hbm:s6], $0xF7A  }
0x23: {  	s9 =	sor.u32 $0xD0000000, s2;
	s6 =	simm.s32 $0x108;
	_ =	swait.ge @!p0 [sflag:s8], $0x0  }
0x24: {  	s3 =	sadd.s32 $0x88, s3;
	s6 =	simm.s32 @!p1 $0x1082;
	[sflag:s4] =	ssyncset.s32 $0xFFFFF086  }
0x25: {  	[simem:s6], [sflag:s4] =	dma.local [hbm:s3], $0xF7A  }
0x26: {  	[smem:$0x3F93] =	sst s1;
	(tag) =	ssettag s2;
	_ =	strace s9  }
0x27: {  	s1 =	sld [smem:$0x3FA3]  }
0x28: {  	s2 =	sld [smem:$0x3FA4]  }
0x29: {  	s4 =	sld [smem:$0x3FA6]  }
0x2a: {  	p0 =	seq.s32 s5, $0x0;
	s5 =	sld [smem:$0x3FA7]  }
0x2b: {  	s6 =	sld [smem:$0x3FA8]  }
0x2c: {  	s7 =	sld [smem:$0x3FA9]  }
0x2d: {  	s3 =	simm.s32 $0x108;
	s8 =	sld [smem:$0x3FAA]  }
0x2e: {  	s3 =	simm.s32 @!p0 $0x1082;
	s9 =	sld [smem:$0x3FAB]  }
0x2f: {  	lr =	sadd.s32 s0, s3;
	s0 =	sld [smem:$0x3FA2]  }
0x30: {  	s3 =	sld [smem:$0x3FA5]  }
0x31: {  	[smem:$0x3FAE] =	sst s10  }
0x32: {  	s10 =	sld [smem:$0x3FAC];
	_ =	sdelay $0x3  }
0x33: {  	p0 =	seq.s32 s10, $0x1;
	s10 =	sld [smem:$0x3FAE];
	_ =	sdelay $0x3  }
0x34: {  	[smem:$0x3FAE] =	sst s10  }
0x35: {  	s10 =	sld [smem:$0x3FAD];
	_ =	sdelay $0x3  }
0x36: {  	p1 =	seq.s32 s10, $0x1;
	s10 =	sld [smem:$0x3FAE];
	_ =	sdelay $0x3  }
0x37: {  	[smem:$0x3FAE] =	sst s10  }
0x38: {  	s10 =	sld [smem:$0x3FAF]  }
0x39: {  	_ = 	snop;
	(pc) =	sbr.ind lr, $3  }
0x3a: {  	_ = 	snop  }
0x3b: {  	_ = 	snop  }
0x3c: {  	p2 =	seq.s32 s10, $0x1;
	s10 =	sld [smem:$0x3FAE]  }
0x3d: {  	_ =	shalt  }
0x3e: {  	_ =	shalt  }
0x3f: {  	_ =	shalt  }
0x40: {  	_ =	shalt  }
0x41: {  	_ =	shalt  }
0x42: {  	_ =	shalt  }
0x43: {  	_ =	shalt  }
0x44: {  	_ =	shalt  }
0x45: {  	_ =	shalt  }
0x46: {  	_ =	shalt  }
0x47: {  	_ =	shalt  }
0x48: {  	_ =	shalt  }
0x49: {  	_ =	shalt  }
0x4a: {  	_ =	shalt  }
0x4b: {  	_ =	shalt  }
0x4c: {  	_ =	shalt  }
0x4d: {  	_ =	shalt  }
0x4e: {  	_ =	shalt  }
0x4f: {  	_ =	shalt  }
0x50: {  	_ =	shalt  }
0x51: {  	_ =	shalt  }
0x52: {  	_ =	shalt  }
0x53: {  	_ =	shalt  }
0x54: {  	_ =	shalt  }
0x55: {  	_ =	shalt  }
0x56: {  	_ =	shalt  }
0x57: {  	_ =	shalt  }
0x58: {  	_ =	shalt  }
0x59: {  	_ =	shalt  }
0x5a: {  	_ =	shalt  }
0x5b: {  	_ =	shalt  }
0x5c: {  	_ =	shalt  }
0x5d: {  	_ =	shalt  }
0x5e: {  	_ =	shalt  }
0x5f: {  	_ =	shalt  }
0x60: {  	_ =	shalt  }
0x61: {  	_ =	shalt  }
0x62: {  	_ =	shalt  }
0x63: {  	_ =	shalt  }
0x64: {  	_ =	shalt  }
0x65: {  	_ =	shalt  }
0x66: {  	_ =	shalt  }
0x67: {  	_ =	shalt  }
0x68: {  	_ =	shalt  }
0x69: {  	_ =	shalt  }
0x6a: {  	_ =	shalt  }
0x6b: {  	_ =	shalt  }
0x6c: {  	_ =	shalt  }
0x6d: {  	_ =	shalt  }
0x6e: {  	_ =	shalt  }
0x6f: {  	_ =	shalt  }
0x70: {  	_ =	shalt  }
0x71: {  	_ =	shalt  }
0x72: {  	_ =	shalt  }
0x73: {  	_ =	shalt  }
0x74: {  	_ =	shalt  }
0x75: {  	_ =	shalt  }
0x76: {  	_ =	shalt  }
0x77: {  	_ =	shalt  }
0x78: {  	_ =	shalt  }
0x79: {  	_ =	shalt  }
0x7a: {  	_ =	shalt  }
0x7b: {  	_ =	shalt  }
0x7c: {  	_ =	shalt  }
0x7d: {  	_ =	shalt  }
0x7e: {  	_ =	shalt  }
0x7f: {  	_ =	shalt  }
0x80: {  	_ =	shalt  }
0x81: {  	_ =	shalt  }
0x82: {  	_ =	shalt  }
0x83: {  	_ =	shalt  }
0x84: {  	_ =	shalt  }
0x85: {  	_ =	shalt  }
0x86: {  	_ =	shalt  }
0x87: {  	_ =	shalt  }
.Lfunc_end0:
.L_simem_size_0:
called_computation.2_lowered:
.L_overlay_start_0:
0x88: {  	s2 =	sld [smem:$0x3FD9]  }
0x89: {  	s3 =	sld [smem:$0x3FFE];
	_ =	sdelay $0x1  }
0x8a: {  	s1 =	srdreg.scid  }
0x8b: {  	s0 =	sand.u32 $0x1, s1  }
0x8c: {  	s17 =	sshll.u32 s0, $0xA;
	s2 =	sadd.s32 s3, s2  }
0x8d: {  	s2 =	sadd.s32 s2, s17  }
0x8e: {  	[smem:$0x3FBA] =	sst s2  }
0x8f: {  	_ = 	snop  }
0x90: {  	s2 =	sld [smem:$0x3FD0];
	(tm) =	ssettm $0x1  }
0x91: {  	s18 =	sld [smem:$0x3FFB];
	_ =	sdelay $0x3  }
0x92: {  	_ =	strace s18  }
0x93: {  	s3 =	sld [smem:$0x3FFC];
	_ =	sdelay $0x3  }
0x94: {  	_ =	strace s3  }
0x95: {  	s3 =	sld [smem:$0x3FFD];
	_ =	sdelay $0x3  }
0x96: {  	_ =	strace s3  }
0x97: {  	_ =	strace $0x8FFFFFFF  }
0x98: {  	s19 =	sld [smem:$0x3FDB];
	_ =	sdelay $0x1  }
0x99: {  	s4 =	simm.s32 $_scs_section_size  }
0x9a: {  	s5 =	simm.s32 $_size__tile_overlayer_lowered;
	s6 =	simm.s32 $_tile_overlayer_lowered  }
0x9b: {  	s22 =	simm.s32 $0x1BFF;
	s21 =	sshll.u32 s6, $0x1;
	s3 =	sadd.s32 s4, s19  }
0x9c: {  	s7 =	simm.s32 $0x0;
	s20 =	sshll.u32 s5, $0x1;
	s5 =	sadd.s32 s21, s3  }
0x9d: {  	[timem:s7], [sflag:s22] =	dma.local [hbm:s5], s20  }
0x9e: {  	_ =	swait.ge [sflag:s22], s20  }
0x9f: {  	s4 =	ssub.s32 $0x0, s20;
	[sflag:s22] =	ssyncset.done $0x0  }
0xa0: {  	[sflag:s22] =	ssyncadd.s32 s4;
	_ =	sdelay $0x1  }
0xa1: {  	s23 =	simm.s32 $0x1B8B  }
0xa2: {  	_ =	swait.ge [sflag:s23], $0x1  }
0xa3: {  	[sflag:s23] =	ssyncset.done $0x0  }
0xa4: {  	s25 =	simm.s32 $0x1B8E;
	s24 =	sld [smem:$0x3FFE];
	[sflag:s23] =	ssyncadd.s32 $0xFFFFFFFF  }
0xa5: {  	s26 =	simm.s32 $execute0_lowered;
	[smem:$0x3FD2] =	sst s25  }
0xa6: {  	s5 =	sshll.u32 s26, $0x1;
	_ =	strace $0x8000004C;
	[dreg:$0x1] =	wrdreg $0xFFFFFFFF  }
0xa7: {  	s28 =	simm.s32 $_size_execute0_lowered;
	s3 =	sadd.s32 s3, s5;
	[dreg:$0x0] =	wrdreg $0x0  }
0xa8: {  	s5 =	sshll.u32 s28, $0x1;
	[dreg:$0x2] =	wrdreg s3  }
0xa9: {  	[dreg:$0x3] =	wrdreg s5  }
0xaa: {  	[dreg:$0x4] =	wrdreg $0xC0  }
0xab: {  	_ =	task [dreg:s7], $0x5FFFF  }
0xac: {  	[dreg:$0x1] =	wrdreg $0xFFFFFFFF  }
0xad: {  	[dreg:$0x0] =	wrdreg $0x60  }
0xae: {  	[dreg:$0x2] =	wrdreg s24  }
0xaf: {  	[dreg:$0x3] =	wrdreg s2  }
0xb0: {  	[dreg:$0x4] =	wrdreg $0x21800  }
0xb1: {  	[dreg:$0x5] =	wrdreg $0x9  }
0xb2: {  	_ =	task.clear_ibuf [dreg:s7], $0x6FFFF;
	_ =	strace $0x9000004C  }
0xb3: {  	s29 =	simm.s32 $0x9;
	_ =	strace $0x8000004E  }
0xb4: {  	_ =	swait.ge [sflag:s29], $0x1  }
0xb5: {  	[sflag:s29] =	ssyncadd.s32 $0xFFFFFFFF  }
0xb6: {  	_ =	strace $0x9000004E  }
0xb7: {  	_ =	sfence  }
0xb8: {  	s30 =	sld [smem:$0x0];
	_ =	sdelay $0x2  }
0xb9: {  	s31 =	sshll.u32 s1, $0xD;
	s1 =	sshrl.u32 s1, $0x2  }
0xba: {  	s3 =	sand.u32 $0x4000, s31;
	s1 =	sadd.s32 s1, s30  }
0xbb: {  	s0 =	sor.u32 s3, s0;
	s1 =	sshll.u32 s1, $0x11  }
0xbc: {  	s0 =	sor.u32 s1, s0  }
0xbd: {  	s0 =	sadd.s32 $0x8F2B, s0  }
0xbe: {  	[sflag:s0] =	ssyncadd.remote.s32 $0x1  }
0xbf: {  	_ =	sfence.sel $0xFFFF  }
0xc0: {  	[dreg:$0x0] =	wrdreg $0xFFFFFFFF;
	(pc) =	sbr.abs _section_cstart, $3  }
0xc1: {  	[dreg:$0x1] =	wrdreg $0xFFFFFFFF  }
0xc2: {  	_ =	task.clear_ibuf [dreg:s7], $0x2FFFF;
	_ =	strace $0x9FFFFFFF  }
0xc3: {  	(tm) =	ssettm $0x7FFFFFFF  }
tec
execute0_lowered:
.L_overlay_start_1:
0x0: {  	(tag) =	ssettag $0x1  }
0x1: {  	s5 =	rddreg [dreg:$0x0]  }
0x2: {  	s8 =	rddreg [dreg:$0x1]  }
0x3: {  	s2 =	rddreg [dreg:$0x2];
	s1 =	stileid.u32  }
0x4: {  	s4 =	srdreg.scid;
	s3 =	simm.s32 $0x0;
	s19 =	simm.s32 $0x180  }
0x5: {  	s20 =	simm.s32 $0x2;
	s21 =	simm.s32 $0x80;
	s9 =	smul.u32 $0xA80, s1  }
0x6: {  	s22 =	simm.s32 $0x100;
	s6 =	sand.u32 $0x1, s4;
	s11 =	smul.u32 $0x50000, s1  }
0x7: {  	[smem:$0x7FF] =	sst s3;
	s4 =	sadd.s32 $0x2600, s5;
	s25 =	smul.u32 $0x2800, s1  }
0x8: {  	s7 =	smul.u32 $0x28000, s6;
	_ =	strace $0x8000004D;
	s10 =	ssub.s32 $0x2, s6  }
0x9: {  	s23 =	smul.u32 $0x2800, s6;
	s12 =	sadd.s32 s9, s5;
	s13 =	sshrl.u32 s10, $0x1  }
0xa: {  	s31 =	sshrl.u32 s11, $0x2;
	s8 =	sadd.s32 s8, s9;
	s14 =	sadd.s32 s7, s5  }
0xb: {  	s10 =	ssub.s32 s10, s13;
	s5 =	sadd.s32 s31, s2;
	s6 =	sadd.s32 $0x63C00, s12  }
0xc: {  	s7 =	sadd.s32 $0x6E400, s12;
	v0 =	vmov s23;
	s23 =	simm.s32 $0x40;
	s24 =	sadd.s32 $0x78C00, s14  }
0xd: {  	s9 =	smax.u32 s10, $0x1;
	s10 =	sadd.s32 $0x2000, s5;
	s11 =	sadd.s32 $0x4000, s5  }
0xe: {  	s12 =	sadd.s32 $0x6000, s5;
	s13 =	sadd.s32 $0x8000, s5;
	s14 =	sadd.s32 $0xA000, s5  }
0xf: {  	s15 =	sadd.s32 $0xC000, s5;
	s16 =	sadd.s32 $0xE000, s5;
	s17 =	sadd.s32 $0x10000, s5  }
0x10: {  	v1 =	vimm.f32 $0.0e+00;
	s18 =	sadd.s32 $0x12000, s5;
	s24 =	sadd.s32 s25, s24;
	s25 =	simm.s32 $0x1  }
.LBB2_1:
0x11: {  	s26 =	simm.s32 $0x0;
	s28 =	simm.s32 $0x200  }
.LBB2_2:
0x12: {  	p0 =	sne.s32 s28, $0x7E00;
	[tilespmem:s26+$0x1F0] =	vst v1  }
0x13: {  	[tilespmem:s26+$0x180] =	vst v1  }
0x14: {  	[tilespmem:s26+$0x190] =	vst v1  }
.Ltmp0:
0x15: {  	[tilespmem:s26+$0x1A0] =	vst v1;
	(pc) =	sbr.rel @p0 .LBB2_2-.Ltmp0, $4  }
0x16: {  	[tilespmem:s26+$0x1B0] =	vst v1  }
0x17: {  	[tilespmem:s26+$0x1C0] =	vst v1  }
0x18: {  	[tilespmem:s26+$0x1D0] =	vst v1  }
0x19: {  	[tilespmem:s26+$0x1E0] =	vst v1;
	s26 =	sshra.s32 s28, $0x2;
	s28 =	sadd.s32 $0x200, s28  }
0x1a: {  	[tilespmem:s26+$0x1F0] =	vst v1  }
0x1b: {  	[tilespmem:s26+$0x180] =	vst v1  }
0x1c: {  	[tilespmem:s26+$0x190] =	vst v1  }
0x1d: {  	[tilespmem:s26+$0x1A0] =	vst v1  }
0x1e: {  	[tilespmem:s26+$0x1B0] =	vst v1  }
0x1f: {  	[tilespmem:s26+$0x1C0] =	vst v1  }
0x20: {  	[tilespmem:s26+$0x1D0] =	vst v1  }
0x21: {  	[tilespmem:s26+$0x1E0] =	vst v1  }
0x22: {  	[spmem:s5] =	stream.linear.scatter [tilespmem:s19], [sflag:$0x2], $0x2000, $0x38;
	[tilespmem:$0x16180] =	vst v63  }
0x23: {  	_ =	swait.ge [sflag:s20], $0x2000  }
0x24: {  	[sflag:s20] =	ssyncset.done $0x0  }
0x25: {  	[sflag:s20] =	ssyncadd.s32 $0xFFFFE000  }
0x26: {  	[spmem:s10] =	stream.linear.scatter [tilespmem:s19], [sflag:$0x2], $0x2000, $0x38;
	[tilespmem:$0x16180] =	vst v63  }
0x27: {  	_ =	swait.ge [sflag:s20], $0x2000  }
0x28: {  	[sflag:s20] =	ssyncset.done $0x0  }
0x29: {  	[sflag:s20] =	ssyncadd.s32 $0xFFFFE000  }
0x2a: {  	[spmem:s11] =	stream.linear.scatter [tilespmem:s19], [sflag:$0x2], $0x2000, $0x38;
	[tilespmem:$0x16180] =	vst v63  }
0x2b: {  	_ =	swait.ge [sflag:s20], $0x2000  }
0x2c: {  	[sflag:s20] =	ssyncset.done $0x0  }
0x2d: {  	[sflag:s20] =	ssyncadd.s32 $0xFFFFE000  }
0x2e: {  	[spmem:s12] =	stream.linear.scatter [tilespmem:s19], [sflag:$0x2], $0x2000, $0x38;
	[tilespmem:$0x16180] =	vst v63  }
0x2f: {  	_ =	swait.ge [sflag:s20], $0x2000  }
0x30: {  	[sflag:s20] =	ssyncset.done $0x0  }
0x31: {  	[sflag:s20] =	ssyncadd.s32 $0xFFFFE000  }
0x32: {  	[spmem:s13] =	stream.linear.scatter [tilespmem:s19], [sflag:$0x2], $0x2000, $0x38;
	[tilespmem:$0x16180] =	vst v63  }
0x33: {  	_ =	swait.ge [sflag:s20], $0x2000  }
0x34: {  	[sflag:s20] =	ssyncset.done $0x0  }
0x35: {  	[sflag:s20] =	ssyncadd.s32 $0xFFFFE000  }
0x36: {  	[spmem:s14] =	stream.linear.scatter [tilespmem:s19], [sflag:$0x2], $0x2000, $0x38;
	[tilespmem:$0x16180] =	vst v63  }
0x37: {  	_ =	swait.ge [sflag:s20], $0x2000  }
0x38: {  	[sflag:s20] =	ssyncset.done $0x0  }
0x39: {  	[sflag:s20] =	ssyncadd.s32 $0xFFFFE000  }
0x3a: {  	[spmem:s15] =	stream.linear.scatter [tilespmem:s19], [sflag:$0x2], $0x2000, $0x38;
	[tilespmem:$0x16180] =	vst v63  }
0x3b: {  	_ =	swait.ge [sflag:s20], $0x2000  }
0x3c: {  	[sflag:s20] =	ssyncset.done $0x0  }
0x3d: {  	[sflag:s20] =	ssyncadd.s32 $0xFFFFE000  }
0x3e: {  	[spmem:s16] =	stream.linear.scatter [tilespmem:s19], [sflag:$0x2], $0x2000, $0x38;
	[tilespmem:$0x16180] =	vst v63  }
0x3f: {  	_ =	swait.ge [sflag:s20], $0x2000  }
0x40: {  	[sflag:s20] =	ssyncset.done $0x0  }
0x41: {  	[sflag:s20] =	ssyncadd.s32 $0xFFFFE000  }
0x42: {  	[spmem:s17] =	stream.linear.scatter [tilespmem:s19], [sflag:$0x2], $0x2000, $0x38;
	[tilespmem:$0x16180] =	vst v63  }
0x43: {  	_ =	swait.ge [sflag:s20], $0x2000  }
0x44: {  	[sflag:s20] =	ssyncset.done $0x0  }
0x45: {  	[sflag:s20] =	ssyncadd.s32 $0xFFFFE000  }
0x46: {  	[spmem:s18] =	stream.linear.scatter [tilespmem:s19], [sflag:$0x2], $0x2000, $0x38;
	[tilespmem:$0x16180] =	vst v63  }
0x47: {  	_ =	swait.ge [sflag:s20], $0x2000  }
0x48: {  	[sflag:s20] =	ssyncset.done $0x0  }
0x49: {  	[sflag:s20] =	ssyncadd.s32 $0xFFFFE000  }
0x4a: {  	s26 =	simm.s32 $0x0;
	s28 =	simm.s32 $0x0;
	[bflag:$0x0] =	sbarrier.arrive $0xFFFF  }
.LBB2_4:
0x4b: {  	s29 =	sshll.u32 s28, $0x4  }
0x4c: {  	s30 =	sadd.s32 s29, s6  }
0x4d: {  	[tilespmem:s26], [sflag:$0x2] =	stream.linear.gather [hbm4b:s30+s26], $0x80, $0x38;
	[tilespmem:$0x16180] =	vst v63  }
0x4e: {  	_ =	swait.ge [sflag:s20], $0x80  }
0x4f: {  	[sflag:s20] =	ssyncset.done $0x0  }
0x50: {  	s30 =	sadd.s32 s29, s7;
	[sflag:s20] =	ssyncadd.s32 $0xFFFFFF80  }
0x51: {  	[tilespmem:s21], [sflag:$0x2] =	stream.linear.gather [hbm4b:s30+s26], $0x80, $0x38;
	[tilespmem:$0x16180] =	vst v63  }
0x52: {  	_ =	swait.ge [sflag:s20], $0x80  }
0x53: {  	[sflag:s20] =	ssyncset.done $0x0  }
0x54: {  	s29 =	sadd.s32 s29, s8;
	[sflag:s20] =	ssyncadd.s32 $0xFFFFFF80  }
0x55: {  	[tilespmem:s22], [sflag:$0x2] =	stream.linear.gather [hbm4b:s29+s26], $0x80, $0x38;
	[tilespmem:$0x16180] =	vst v63  }
0x56: {  	_ =	swait.ge [sflag:s20], $0x80  }
0x57: {  	[sflag:s20] =	ssyncset.done $0x0  }
0x58: {  	[sflag:s20] =	ssyncadd.s32 $0xFFFFFF80  }
0x59: {  	v2 =	vld [tilespmem:$0x0]  }
0x5a: {  	v3 =	vld [tilespmem:$0x10]  }
0x5b: {  	v4 =	vld [tilespmem:$0x20]  }
0x5c: {  	v5 =	vld [tilespmem:$0x30];
	_ =	sdelay $0x1  }
0x5d: {  	v2 =	vadd.s32 v0, v2  }
0x5e: {  	[tilespmem:$0x0] =	vst v2;
	v2 =	vadd.s32 v0, v3  }
0x5f: {  	[tilespmem:$0x10] =	vst v2;
	v2 =	vadd.s32 v0, v4  }
0x60: {  	[tilespmem:$0x20] =	vst v2;
	v2 =	vadd.s32 v0, v5  }
0x61: {  	[tilespmem:$0x30] =	vst v2  }
0x62: {  	[tilespmem:s19], [sflag:$0x1] =	stream.indirect.gather [hbm4b:s4+s23], $0x80, s26, s23, $0xb8;
	[tilespmem:$0x16180] =	vst v63  }
0x63: {  	_ =	swait.ge [sflag:s25], $0x2000  }
0x64: {  	v2 =	vmov s26;
	[sflag:s25] =	ssyncset.done $0x0  }
0x65: {  	s29 =	simm.s32 $0x1C0;
	[sflag:s25] =	ssyncadd.s32 $0xFFFFE000  }
0x66: {  	v6 =	vld [tilespmem:s29+$0x30]  }
0x67: {  	v9 =	vld [tilespmem:s29+$0x10]  }
0x68: {  	v7 =	vld [tilespmem:s29+$0xFFFFFFC0]  }
0x69: {  	v3 =	vld.idx.msk [tilespmem:v2+s22+$0x0], $0xffff  }
0x6a: {  	v11 =	vld [tilespmem:s29+$0xFFFFFFE0]  }
0x6b: {  	v2 =	vld [tilespmem:s29+$0xFFFFFFF0]  }
0x6c: {  	v4 =	vld [tilespmem:s29+$0x20]  }
0x6d: {  	v5 =	vld [tilespmem:s29+$0xFFFFFFD0]  }
0x6e: {  	v10 =	vmul.f32 v6, v3;
	v6 =	vld [tilespmem:s29+$0x0]  }
0x6f: {  	v8 =	vmul.f32 v7, v3  }
0x70: {  	s31 =	simm.s32 $0x1C0;
	s30 =	simm.s32 $0x1;
	v7 =	vmul.f32 v11, v3;
	v9 =	vmul.f32 v9, v3  }
.LBB2_5:
0x71: {  	p0 =	sne.s32 s30, $0x3F  }
0x72: {  	v5 =	vmul.f32 v5, v3;
	v4 =	vmul.f32 v4, v3;
	[tilespmem:s29+$0x30] =	vst v10;
	s31 =	sadd.s32 $0x80, s31;
	s0 =	smov.u32 s30;
	s30 =	sadd.s32 $0x1, s30  }
0x73: {  	[tilespmem:s29+$0xFFFFFFC0] =	vst v8;
	v8 =	vmul.f32 v2, v3;
	v3 =	vmul.f32 v6, v3  }
0x74: {  	[tilespmem:s29+$0x10] =	vst v9  }
0x75: {  	v6 =	vmov s0;
	[tilespmem:s29+$0xFFFFFFE0] =	vst v7  }
0x76: {  	v2 =	vld [tilespmem:s31+$0xFFFFFFF0];
	[tilespmem:s29+$0xFFFFFFF0] =	vst v8  }
0x77: {  	v7 =	vld [tilespmem:s31+$0x30];
	[tilespmem:s29+$0x0] =	vst v3  }
0x78: {  	v9 =	vld [tilespmem:s31+$0x10];
	[tilespmem:s29+$0x20] =	vst v4  }
0x79: {  	v8 =	vld [tilespmem:s31+$0xFFFFFFC0];
	[tilespmem:s29+$0xFFFFFFD0] =	vst v5;
	s29 =	smov.u32 s31  }
0x7a: {  	v3 =	vld.idx.msk [tilespmem:v6+s22+$0x0], $0xffff  }
0x7b: {  	v11 =	vld [tilespmem:s31+$0xFFFFFFE0]  }
0x7c: {  	v4 =	vld [tilespmem:s31+$0x20]  }
.Ltmp1:
0x7d: {  	v5 =	vld [tilespmem:s31+$0xFFFFFFD0];
	(pc) =	sbr.rel @p0 .LBB2_5-.Ltmp1, $3  }
0x7e: {  	v6 =	vld [tilespmem:s31+$0x0];
	_ =	sdelay $0x1  }
0x7f: {  	v8 =	vmul.f32 v8, v3;
	v10 =	vmul.f32 v7, v3  }
0x80: {  	v9 =	vmul.f32 v9, v3;
	v7 =	vmul.f32 v11, v3  }
0x81: {  	[tilespmem:s29+$0x30] =	vst v10  }
0x82: {  	[tilespmem:s29+$0xFFFFFFC0] =	vst v8  }
0x83: {  	v2 =	vmul.f32 v2, v3;
	[tilespmem:s29+$0x10] =	vst v9  }
0x84: {  	v4 =	vmul.f32 v4, v3;
	[tilespmem:s29+$0xFFFFFFE0] =	vst v7  }
0x85: {  	v6 =	vmul.f32 v6, v3;
	[tilespmem:s29+$0xFFFFFFF0] =	vst v2  }
0x86: {  	s28 =	sadd.s32 $0x1, s28;
	v2 =	vmul.f32 v5, v3;
	[tilespmem:s29+$0x20] =	vst v4  }
0x87: {  	p0 =	sne.s32 s28, $0xA8;
	[tilespmem:s29+$0x0] =	vst v6  }
.Ltmp2:
0x88: {  	[tilespmem:s29+$0xFFFFFFD0] =	vst v2;
	(pc) =	sbr.rel @p0 .LBB2_4-.Ltmp2, $4  }
0x89: {  	[spmem:s2] =	stream.indirect.scatter.add.f32 [tilespmem:s19], [sflag:$0x2], $0x80, s21, s23, $0xb8;
	[tilespmem:$0x16180] =	vst v63  }
0x8a: {  	_ =	swait.ge [sflag:s20], $0x2000  }
0x8b: {  	[sflag:s20] =	ssyncset.done $0x0  }
0x8c: {  	[sflag:s20] =	ssyncadd.s32 $0xFFFFE000  }
0x8d: {  	s3 =	sadd.s32 $0x1, s3  }
0x8e: {  	s0 =	sshll.u32 s1, $0x6;
	[bflag:$0x0] =	sbarrier.arrive $0xFFFF;
	p0 =	sne.s32 s3, s9  }
.Ltmp3:
0x8f: {  	s26 =	sshrl.u32 s5, $0x3;
	s0 =	sor.u32 $0x1C02, s0;
	(pc) =	sbr.rel @p0 .LBB2_1-.Ltmp3, $4  }
0x90: {  	[hbm:s24], [sflag:s0] =	dma.local [spmem:s26], $0x2800  }
0x91: {  	_ =	swait.ge [sflag:s20], $0x2800  }
0x92: {  	[sflag:s20] =	ssyncset.done $0x0  }
0x93: {  	[sflag:s20] =	ssyncadd.s32 $0xFFFFD800  }
0x94: {  	_ =	sfence.sel $0x180000  }
0x95: {  	[bflag:$0x0] =	sbarrier.arrive $0xFFFF  }
0x96: {  	_ =	strace $0x9000004D  }
0x97: {  	[bflag:$0x2] =	sbarrier.arrive $0xFFFF  }
0x98: {  	p0 =	sne.s32 s1, $0x0;
	s0 =	rddreg [dreg:$0x3]  }
0x99: {  	s0 =	sadd.s32 @!p0 $0x100000, s0  }
0x9a: {  	[sflag:s0] =	ssyncadd.tile.s32 @!p0 $0x1;
	_ =	shalt  }
.Lfunc_end2:
_tile_overlayer_lowered:
.L_overlay_start_2:
0x9b: {  	(tag) =	ssettag $0x2  }
0x9c: {  	s0 =	rddreg [dreg:$0x0];
	s2 =	stileid.u32  }
0x9d: {  	s1 =	rddreg [dreg:$0x1];
	p0 =	sne.s32 s2, $0x0  }
0x9e: {  	s3 =	rddreg [dreg:$0x2];
	[bflag:$0x3] =	sbarrier.arrive $0xFFFF;
	s2 =	simm.s32 @!p0 $0x1C02  }
0x9f: {  	[timem:s3], [sflag:s2] =	dma.local @!p0 [hbm:s0], s1  }
0xa0: {  	s0 =	simm.s32 @!p0 $0x2  }
0xa1: {  	_ =	swait.ge @!p0 [sflag:s0], s1  }
0xa2: {  	s1 =	ssub.s32 @!p0 $0x0, s1;
	[sflag:s0] =	ssyncset.done @!p0 $0x0  }
0xa3: {  	[sflag:s0] =	ssyncadd.s32 @!p0 s1  }
0xa4: {  	[bflag:$0x3] =	sbarrier.arrive $0xFFFF  }
0xa5: {  	_ =	shalt  }

// kernel: kernel.20.cloned.1.call-start
scs
__scs_entry_jumppad:
0x0: {  	(pc) =	sbr.rel $0x88, $3  }
0x1: {  	(tag) =	ssettag $0x0;
	lr =	simm.s32 $0x1  }
0x2: {  	[smem:$0x3F93] =	sst lr;
	_ =	strace $0xD0000000  }
0x3: {  	_ = 	snop  }
0x4: {  	_ = 	snop  }
0x5: {  	_ = 	snop  }
0x6: {  	_ = 	snop  }
0x7: {  	_ = 	snop  }
__scs_overlays_trampoline_lowered:
0x8: {  	[smem:$0x3FA2] =	sst s0  }
0x9: {  	[smem:$0x3FA3] =	sst s1  }
0xa: {  	[smem:$0x3FA4] =	sst s2  }
0xb: {  	[smem:$0x3FA5] =	sst s3  }
0xc: {  	[smem:$0x3FA6] =	sst s4  }
0xd: {  	[smem:$0x3FA7] =	sst s5  }
0xe: {  	[smem:$0x3FA8] =	sst s6  }
0xf: {  	[smem:$0x3FA9] =	sst s7  }
0x10: {  	[smem:$0x3FAA] =	sst s8  }
0x11: {  	[smem:$0x3FAB] =	sst s9;
	s0 =	simm.s32 @!p0 $0x0  }
0x12: {  	s1 =	sld [smem:$0x3F91];
	s0 =	simm.s32 @p0 $0x1  }
0x13: {  	[smem:$0x3FAC] =	sst s0;
	s0 =	simm.s32 @!p1 $0x0  }
0x14: {  	s2 =	sld [smem:$0x3F90];
	s0 =	simm.s32 @p1 $0x1  }
0x15: {  	[smem:$0x3FAD] =	sst s0;
	s0 =	simm.s32 @!p2 $0x0  }
0x16: {  	s3 =	sld [smem:$0x3FDB];
	s0 =	simm.s32 @p2 $0x1  }
0x17: {  	s4 =	simm.s32 $0x1BF5;
	[smem:$0x3FAF] =	sst s0  }
0x18: {  	s0 =	sld [smem:$0x3F92];
	_ =	swait.ge [sflag:s4], $0x0  }
0x19: {  	s7 =	sld [smem:$0x3F93]  }
0x1a: {  	s8 =	sadd.s32 $0xFFFFE003, lr  }
0x1b: {  	s9 =	sadd.s32 $0xFFFFFEF7, lr;
	s5 =	simm.s32 $0xFFFFFFFF;
	p2 =	slt.u32 s8, $0xFFFFF086  }
0x1c: {  	p1 =	slt.u32 s9, $0xF7A;
	s5 =	simm.s32 @!p2 $0x0  }
0x1d: {  	s5 =	simm.s32 @p1 $0x1;
	p0 =	seq.s32 s7, s2  }
0x1e: {  	s7 =	smul.u32 @!p0 $0xF7A, s2;
	p2 =	seq.s32 @!p0 s5, $0x0  }
0x1f: {  	s9 =	smul.u32 $0xF7A, s1;
	s8 =	simm.s32 @!p0 $0x1BF5;
	p2 =	por !p2, p0  }
0x20: {  	[sflag:s8] =	ssyncset.s32 @!p0 $0xFFFFF086;
	s6 =	sadd.s32 @!p0 s3, s7;
	s7 =	simm.s32 @!p0 $0x108  }
0x21: {  	s3 =	sadd.s32 s3, s9;
	s6 =	sadd.s32 @!p0 $0x88, s6;
	s7 =	simm.s32 @p2 $0x1082  }
0x22: {  	[simem:s7], [sflag:s8] =	dma.local @!p0 [hbm:s6], $0xF7A  }
0x23: {  	s9 =	sor.u32 $0xD0000000, s2;
	s6 =	simm.s32 $0x108;
	_ =	swait.ge @!p0 [sflag:s8], $0x0  }
0x24: {  	s3 =	sadd.s32 $0x88, s3;
	s6 =	simm.s32 @!p1 $0x1082;
	[sflag:s4] =	ssyncset.s32 $0xFFFFF086  }
0x25: {  	[simem:s6], [sflag:s4] =	dma.local [hbm:s3], $0xF7A  }
0x26: {  	[smem:$0x3F93] =	sst s1;
	(tag) =	ssettag s2;
	_ =	strace s9  }
0x27: {  	s1 =	sld [smem:$0x3FA3]  }
0x28: {  	s2 =	sld [smem:$0x3FA4]  }
0x29: {  	s4 =	sld [smem:$0x3FA6]  }
0x2a: {  	p0 =	seq.s32 s5, $0x0;
	s5 =	sld [smem:$0x3FA7]  }
0x2b: {  	s6 =	sld [smem:$0x3FA8]  }
0x2c: {  	s7 =	sld [smem:$0x3FA9]  }
0x2d: {  	s3 =	simm.s32 $0x108;
	s8 =	sld [smem:$0x3FAA]  }
0x2e: {  	s3 =	simm.s32 @!p0 $0x1082;
	s9 =	sld [smem:$0x3FAB]  }
0x2f: {  	lr =	sadd.s32 s0, s3;
	s0 =	sld [smem:$0x3FA2]  }
0x30: {  	s3 =	sld [smem:$0x3FA5]  }
0x31: {  	[smem:$0x3FAE] =	sst s10  }
0x32: {  	s10 =	sld [smem:$0x3FAC];
	_ =	sdelay $0x3  }
0x33: {  	p0 =	seq.s32 s10, $0x1;
	s10 =	sld [smem:$0x3FAE];
	_ =	sdelay $0x3  }
0x34: {  	[smem:$0x3FAE] =	sst s10  }
0x35: {  	s10 =	sld [smem:$0x3FAD];
	_ =	sdelay $0x3  }
0x36: {  	p1 =	seq.s32 s10, $0x1;
	s10 =	sld [smem:$0x3FAE];
	_ =	sdelay $0x3  }
0x37: {  	[smem:$0x3FAE] =	sst s10  }
0x38: {  	s10 =	sld [smem:$0x3FAF]  }
0x39: {  	_ = 	snop;
	(pc) =	sbr.ind lr, $3  }
0x3a: {  	_ = 	snop  }
0x3b: {  	_ = 	snop  }
0x3c: {  	p2 =	seq.s32 s10, $0x1;
	s10 =	sld [smem:$0x3FAE]  }
0x3d: {  	_ =	shalt  }
0x3e: {  	_ =	shalt  }
0x3f: {  	_ =	shalt  }
0x40: {  	_ =	shalt  }
0x41: {  	_ =	shalt  }
0x42: {  	_ =	shalt  }
0x43: {  	_ =	shalt  }
0x44: {  	_ =	shalt  }
0x45: {  	_ =	shalt  }
0x46: {  	_ =	shalt  }
0x47: {  	_ =	shalt  }
0x48: {  	_ =	shalt  }
0x49: {  	_ =	shalt  }
0x4a: {  	_ =	shalt  }
0x4b: {  	_ =	shalt  }
0x4c: {  	_ =	shalt  }
0x4d: {  	_ =	shalt  }
0x4e: {  	_ =	shalt  }
0x4f: {  	_ =	shalt  }
0x50: {  	_ =	shalt  }
0x51: {  	_ =	shalt  }
0x52: {  	_ =	shalt  }
0x53: {  	_ =	shalt  }
0x54: {  	_ =	shalt  }
0x55: {  	_ =	shalt  }
0x56: {  	_ =	shalt  }
0x57: {  	_ =	shalt  }
0x58: {  	_ =	shalt  }
0x59: {  	_ =	shalt  }
0x5a: {  	_ =	shalt  }
0x5b: {  	_ =	shalt  }
0x5c: {  	_ =	shalt  }
0x5d: {  	_ =	shalt  }
0x5e: {  	_ =	shalt  }
0x5f: {  	_ =	shalt  }
0x60: {  	_ =	shalt  }
0x61: {  	_ =	shalt  }
0x62: {  	_ =	shalt  }
0x63: {  	_ =	shalt  }
0x64: {  	_ =	shalt  }
0x65: {  	_ =	shalt  }
0x66: {  	_ =	shalt  }
0x67: {  	_ =	shalt  }
0x68: {  	_ =	shalt  }
0x69: {  	_ =	shalt  }
0x6a: {  	_ =	shalt  }
0x6b: {  	_ =	shalt  }
0x6c: {  	_ =	shalt  }
0x6d: {  	_ =	shalt  }
0x6e: {  	_ =	shalt  }
0x6f: {  	_ =	shalt  }
0x70: {  	_ =	shalt  }
0x71: {  	_ =	shalt  }
0x72: {  	_ =	shalt  }
0x73: {  	_ =	shalt  }
0x74: {  	_ =	shalt  }
0x75: {  	_ =	shalt  }
0x76: {  	_ =	shalt  }
0x77: {  	_ =	shalt  }
0x78: {  	_ =	shalt  }
0x79: {  	_ =	shalt  }
0x7a: {  	_ =	shalt  }
0x7b: {  	_ =	shalt  }
0x7c: {  	_ =	shalt  }
0x7d: {  	_ =	shalt  }
0x7e: {  	_ =	shalt  }
0x7f: {  	_ =	shalt  }
0x80: {  	_ =	shalt  }
0x81: {  	_ =	shalt  }
0x82: {  	_ =	shalt  }
0x83: {  	_ =	shalt  }
0x84: {  	_ =	shalt  }
0x85: {  	_ =	shalt  }
0x86: {  	_ =	shalt  }
0x87: {  	_ =	shalt  }
.Lfunc_end0:
.L_simem_size_0:
called_computation.3_lowered:
.L_overlay_start_0:
0x88: {  	s2 =	sld [smem:$0x3FD9]  }
0x89: {  	s3 =	sld [smem:$0x3FFE];
	_ =	sdelay $0x1  }
0x8a: {  	s1 =	srdreg.scid  }
0x8b: {  	s0 =	sand.u32 $0x1, s1  }
0x8c: {  	s17 =	sshll.u32 s0, $0xA;
	s2 =	sadd.s32 s3, s2  }
0x8d: {  	s2 =	sadd.s32 s2, s17  }
0x8e: {  	[smem:$0x3FBA] =	sst s2  }
0x8f: {  	_ = 	snop  }
0x90: {  	s2 =	sld [smem:$0x3FD0];
	(tm) =	ssettm $0x1  }
0x91: {  	s18 =	sld [smem:$0x3FFB];
	_ =	sdelay $0x3  }
0x92: {  	_ =	strace s18  }
0x93: {  	s3 =	sld [smem:$0x3FFC];
	_ =	sdelay $0x3  }
0x94: {  	_ =	strace s3  }
0x95: {  	s3 =	sld [smem:$0x3FFD];
	_ =	sdelay $0x3  }
0x96: {  	_ =	strace s3  }
0x97: {  	_ =	strace $0x8FFFFFFF  }
0x98: {  	s19 =	sld [smem:$0x3FDB];
	_ =	sdelay $0x1  }
0x99: {  	s4 =	simm.s32 $_scs_section_size  }
0x9a: {  	s5 =	simm.s32 $_size__tile_overlayer_lowered;
	s6 =	simm.s32 $_tile_overlayer_lowered  }
0x9b: {  	s22 =	simm.s32 $0x1BFF;
	s21 =	sshll.u32 s6, $0x1;
	s3 =	sadd.s32 s4, s19  }
0x9c: {  	s7 =	simm.s32 $0x0;
	s20 =	sshll.u32 s5, $0x1;
	s5 =	sadd.s32 s21, s3  }
0x9d: {  	[timem:s7], [sflag:s22] =	dma.local [hbm:s5], s20  }
0x9e: {  	_ =	swait.ge [sflag:s22], s20  }
0x9f: {  	s4 =	ssub.s32 $0x0, s20;
	[sflag:s22] =	ssyncset.done $0x0  }
0xa0: {  	[sflag:s22] =	ssyncadd.s32 s4;
	_ =	sdelay $0x1  }
0xa1: {  	s23 =	simm.s32 $0x1B8B  }
0xa2: {  	_ =	swait.ge [sflag:s23], $0x1  }
0xa3: {  	[sflag:s23] =	ssyncset.done $0x0  }
0xa4: {  	s25 =	simm.s32 $0x1B8E;
	s24 =	sld [smem:$0x3FFE];
	[sflag:s23] =	ssyncadd.s32 $0xFFFFFFFF  }
0xa5: {  	s26 =	simm.s32 $execute0_lowered;
	[smem:$0x3FD2] =	sst s25  }
0xa6: {  	s5 =	sshll.u32 s26, $0x1;
	_ =	strace $0x8000004F;
	[dreg:$0x1] =	wrdreg $0xFFFFFFFF  }
0xa7: {  	s28 =	simm.s32 $_size_execute0_lowered;
	s3 =	sadd.s32 s3, s5;
	[dreg:$0x0] =	wrdreg $0x0  }
0xa8: {  	s5 =	sshll.u32 s28, $0x1;
	[dreg:$0x2] =	wrdreg s3  }
0xa9: {  	[dreg:$0x3] =	wrdreg s5  }
0xaa: {  	[dreg:$0x4] =	wrdreg $0xC0  }
0xab: {  	_ =	task [dreg:s7], $0x5FFFF  }
0xac: {  	[dreg:$0x1] =	wrdreg $0xFFFFFFFF  }
0xad: {  	[dreg:$0x0] =	wrdreg $0x60  }
0xae: {  	[dreg:$0x2] =	wrdreg s2  }
0xaf: {  	[dreg:$0x3] =	wrdreg s24  }
0xb0: {  	[dreg:$0x4] =	wrdreg $0xAF800  }
0xb1: {  	[dreg:$0x5] =	wrdreg $0x9  }
0xb2: {  	_ =	task.clear_ibuf [dreg:s7], $0x6FFFF;
	_ =	strace $0x9000004F  }
0xb3: {  	s29 =	simm.s32 $0x9;
	_ =	strace $0x80000051  }
0xb4: {  	_ =	swait.ge [sflag:s29], $0x1  }
0xb5: {  	[sflag:s29] =	ssyncadd.s32 $0xFFFFFFFF  }
0xb6: {  	_ =	strace $0x90000051  }
0xb7: {  	_ =	sfence  }
0xb8: {  	s30 =	sld [smem:$0x0];
	_ =	sdelay $0x2  }
0xb9: {  	s31 =	sshll.u32 s1, $0xD;
	s1 =	sshrl.u32 s1, $0x2  }
0xba: {  	s3 =	sand.u32 $0x4000, s31;
	s1 =	sadd.s32 s1, s30  }
0xbb: {  	s0 =	sor.u32 s3, s0;
	s1 =	sshll.u32 s1, $0x11  }
0xbc: {  	s0 =	sor.u32 s1, s0  }
0xbd: {  	s0 =	sadd.s32 $0x8F2B, s0  }
0xbe: {  	[sflag:s0] =	ssyncadd.remote.s32 $0x1  }
0xbf: {  	_ =	sfence.sel $0xFFFF  }
0xc0: {  	[dreg:$0x0] =	wrdreg $0xFFFFFFFF;
	(pc) =	sbr.abs _section_cstart, $3  }
0xc1: {  	[dreg:$0x1] =	wrdreg $0xFFFFFFFF  }
0xc2: {  	_ =	task.clear_ibuf [dreg:s7], $0x2FFFF;
	_ =	strace $0x9FFFFFFF  }
0xc3: {  	(tm) =	ssettm $0x7FFFFFFF  }
tec
execute0_lowered:
.L_overlay_start_1:
0x0: {  	(tag) =	ssettag $0x1  }
0x1: {  	s1 =	rddreg [dreg:$0x0]  }
0x2: {  	s6 =	rddreg [dreg:$0x1];
	s2 =	srdreg.scid  }
0x3: {  	s0 =	stileid.u32;
	s3 =	rddreg [dreg:$0x2];
	s4 =	simm.s32 $0x0  }
0x4: {  	s13 =	simm.s32 $0x5000;
	s14 =	simm.s32 $0x6500;
	s15 =	simm.s32 $0x8F00  }
0x5: {  	s16 =	simm.s32 $0x40;
	s17 =	simm.s32 $0xAF00;
	s18 =	simm.s32 $0x7A00  }
0x6: {  	s22 =	simm.s32 $0x0;
	s5 =	sand.u32 $0x1, s2;
	s2 =	rddreg [dreg:$0x3]  }
0x7: {  	s7 =	sshll.u32 s0, $0x1;
	[smem:$0x7FF] =	sst s4;
	s31 =	sshll.u32 s0, $0xB  }
0x8: {  	s20 =	sshll.u32 s0, $0x8;
	p0 =	sgt.u32 s0, $0x9;
	s7 =	sor.u32 s5, s7  }
0x9: {  	_ =	strace $0x80000050;
	s8 =	smul.u32 $0xA00, s5;
	s9 =	ssub.s32 $0x2, s5  }
0xa: {  	v0 =	vlaneseq.u32;
	s5 =	sadd.s32 $0x52600, s6;
	s7 =	smul.u32 $0x2A0, s7;
	s30 =	sshrl.u32 s9, $0x1  }
0xb: {  	v0 =	vmul.u32 $0x80, v0;
	s11 =	sadd.s32 s8, s6;
	s12 =	ssub.s32 s9, s30;
	s8 =	sadd.s32 s31, s3  }
0xc: {  	s10 =	sadd.s32 s7, s6;
	s19 =	sadd.s32 $0x62800, s11;
	s11 =	simm.s32 $0x1  }
0xd: {  	v1 =	vimm.f32 $0.0e+00;
	v3 =	vimm.f32 $1.000000000e+00;
	v2 =	vor.u32 $0x1, v0;
	s21 =	sshrl.u32 @!p0 s8, $0x3;
	s6 =	sadd.s32 $0x52C00, s10;
	s7 =	sadd.s32 $0x58000, s10  }
0xe: {  	v4 =	vor.u32 $0x800, v0;
	v5 =	vor.u32 $0x801, v0;
	v6 =	vor.u32 $0x1000, v0;
	s9 =	sadd.s32 $0x5D400, s10;
	s19 =	sadd.s32 @!p0 s20, s19;
	s20 =	sshll.u32 @!p0 s0, $0x6  }
0xf: {  	v7 =	vor.u32 $0x1001, v0;
	v8 =	vor.u32 $0x1800, v0;
	v9 =	vor.u32 $0x1801, v0;
	s10 =	smax.u32 s12, $0x1;
	s12 =	simm.s32 $0x2800;
	s20 =	sor.u32 @!p0 $0x1C01, s20  }
.LBB2_1:
0x10: {  	[tilespmem:s4], [sflag:$0x1] =	stream.linear.gather [hbm4b:s1+s4], $0x2800, $0x38;
	[tilespmem:$0xB480] =	vst v63  }
0x11: {  	_ =	swait.ge [sflag:s11], $0x2800  }
0x12: {  	[sflag:s11] =	ssyncset.done $0x0  }
0x13: {  	[sflag:s11] =	ssyncadd.s32 $0xFFFFD800  }
0x14: {  	[tilespmem:s12], [sflag:$0x1] =	stream.linear.gather [hbm4b:s5+s4], $0x2800, $0x38;
	[tilespmem:$0xB480] =	vst v63  }
0x15: {  	_ =	swait.ge [sflag:s11], $0x2800  }
0x16: {  	[sflag:s11] =	ssyncset.done $0x0  }
0x17: {  	[sflag:s11] =	ssyncadd.s32 $0xFFFFD800  }
0x18: {  	[tilespmem:s13], [sflag:$0x1] =	stream.linear.gather [hbm4b:s6+s4], $0x1500, $0x38;
	[tilespmem:$0xB480] =	vst v63  }
0x19: {  	_ =	swait.ge [sflag:s11], $0x1500  }
0x1a: {  	[sflag:s11] =	ssyncset.done $0x0  }
0x1b: {  	[sflag:s11] =	ssyncadd.s32 $0xFFFFEB00  }
0x1c: {  	[tilespmem:s14], [sflag:$0x1] =	stream.linear.gather [hbm4b:s7+s4], $0x1500, $0x38;
	[tilespmem:$0xB480] =	vst v63  }
0x1d: {  	_ =	swait.ge [sflag:s11], $0x1500  }
0x1e: {  	[sflag:s11] =	ssyncset.done $0x0  }
0x1f: {  	s23 =	simm.s32 $0x0;
	s24 =	simm.s32 $0x200;
	[sflag:s11] =	ssyncadd.s32 $0xFFFFEB00  }
.LBB2_2:
0x20: {  	p1 =	sne.s32 s24, $0x7E00;
	[tilespmem:s23+$0x8F70] =	vst v1  }
0x21: {  	[tilespmem:s23+$0x8F00] =	vst v1  }
0x22: {  	[tilespmem:s23+$0x8F10] =	vst v1  }
.Ltmp0:
0x23: {  	[tilespmem:s23+$0x8F20] =	vst v1;
	(pc) =	sbr.rel @p1 .LBB2_2-.Ltmp0, $4  }
0x24: {  	[tilespmem:s23+$0x8F30] =	vst v1  }
0x25: {  	[tilespmem:s23+$0x8F40] =	vst v1  }
0x26: {  	[tilespmem:s23+$0x8F50] =	vst v1  }
0x27: {  	[tilespmem:s23+$0x8F60] =	vst v1;
	s23 =	sshra.s32 s24, $0x2;
	s24 =	sadd.s32 $0x200, s24  }
0x28: {  	[tilespmem:s23+$0x8F70] =	vst v1  }
0x29: {  	[tilespmem:s23+$0x8F00] =	vst v1  }
0x2a: {  	[tilespmem:s23+$0x8F10] =	vst v1  }
0x2b: {  	[tilespmem:s23+$0x8F20] =	vst v1  }
0x2c: {  	[tilespmem:s23+$0x8F30] =	vst v1  }
0x2d: {  	[tilespmem:s23+$0x8F40] =	vst v1  }
0x2e: {  	[tilespmem:s23+$0x8F50] =	vst v1  }
0x2f: {  	[tilespmem:s23+$0x8F60] =	vst v1;
	s23 =	simm.s32 @!p0 $0x8F00  }
0x30: {  	[spmem:s8] =	stream.linear.scatter @!p0 [tilespmem:s23], [sflag:$0x1], $0x800, $0x38;
	[tilespmem:$0xB480] =	vst v63  }
0x31: {  	s23 =	simm.s32 @!p0 $0x1  }
0x32: {  	_ =	swait.ge @!p0 [sflag:s23], $0x800  }
0x33: {  	[sflag:s23] =	ssyncset.done @!p0 $0x0  }
0x34: {  	[sflag:s23] =	ssyncadd.s32 @!p0 $0xFFFFF800  }
0x35: {  	s23 =	simm.s32 $0x0;
	[bflag:$0x0] =	sbarrier.arrive $0xFFFF  }
.LBB2_4:
0x36: {  	s24 =	sshra.s32 s23, $0x2  }
0x37: {  	v10 =	vld [tilespmem:s24+$0x5000]  }
0x38: {  	v11 =	vld [tilespmem:s24+$0x6500];
	_ =	sdelay $0x6  }
0x39: {  	v10 =	vld.idx.msk [tilespmem:v10+s4+$0x0], $0xffff  }
0x3a: {  	v12 =	vld.idx.msk [tilespmem:v11+s12+$0x0], $0xffff;
	_ =	sdelay $0x4  }
0x3b: {  	v10 =	vadd.f32 v12, v10;
	_ =	sdelay $0x1  }
0x3c: {  	v12 =	vmul.f32 $2.000000030e-01, v10  }
0x3d: {  	vm0 =	vlt.f32 v10, $0.0e+00  }
0x3e: {  	v10 =	vsel vm0, v12, v10  }
0x3f: {  	v10 =	vmul.f32 $1.442695020e+00, v10;
	_ =	sdelay $0x1  }
0x40: {  	(erf) = vpow2.f32 v10;
	_ =	sdelay $0x3  }
0x41: {  	v10 =	vshll.u32 v11, $0x1  }
0x42: {  	v10 =	vand.u32 $0x7E, v10  }
0x43: {  	v57 =	vor.u32 v0, v10  }
0x44: {  	v10 =	vor.u32 v2, v10;
	_ =	sdelay $0x1  }
0x45: {  	v13 =	vpop (erf)  }
0x46: {  	[tilespmem:s24+$0x7A00] =	vst v13  }
0x47: {  	[tilespmem:v57+s15+$0x0] =	vst.idx.msk $0xffff, v13  }
0x48: {  	[tilespmem:v10+s15+$0x0] =	vst.idx.msk $0xffff, v3;
	v10 =	vshrl.u32 v11, $0x6  }
0x49: {  	[tilespmem:$0xAF00] =	vst v10  }
0x4a: {  	v10 =	vld [tilespmem:s24+$0x5010]  }
0x4b: {  	v11 =	vld [tilespmem:s24+$0x6510];
	_ =	sdelay $0x6  }
0x4c: {  	v10 =	vld.idx.msk [tilespmem:v10+s4+$0x0], $0xffff  }
0x4d: {  	v12 =	vld.idx.msk [tilespmem:v11+s12+$0x0], $0xffff;
	_ =	sdelay $0x4  }
0x4e: {  	v10 =	vadd.f32 v12, v10;
	_ =	sdelay $0x1  }
0x4f: {  	v12 =	vmul.f32 $2.000000030e-01, v10  }
0x50: {  	vm13 =	vlt.f32 v10, $0.0e+00  }
0x51: {  	v10 =	vsel vm13, v12, v10  }
0x52: {  	v10 =	vmul.f32 $1.442695020e+00, v10;
	_ =	sdelay $0x1  }
0x53: {  	(erf) = vpow2.f32 v10;
	_ =	sdelay $0x3  }
0x54: {  	v10 =	vshll.u32 v11, $0x1  }
0x55: {  	v10 =	vand.u32 $0x7E, v10  }
0x56: {  	v58 =	vor.u32 v4, v10  }
0x57: {  	v10 =	vor.u32 v5, v10;
	_ =	sdelay $0x1  }
0x58: {  	v59 =	vpop (erf)  }
0x59: {  	[tilespmem:s24+$0x7A10] =	vst v59  }
0x5a: {  	[tilespmem:v58+s15+$0x0] =	vst.idx.msk $0xffff, v59  }
0x5b: {  	[tilespmem:v10+s15+$0x0] =	vst.idx.msk $0xffff, v3;
	v10 =	vshrl.u32 v11, $0x6  }
0x5c: {  	[tilespmem:$0xAF10] =	vst v10  }
0x5d: {  	v10 =	vld [tilespmem:s24+$0x5020]  }
0x5e: {  	v11 =	vld [tilespmem:s24+$0x6520];
	_ =	sdelay $0x6  }
0x5f: {  	v10 =	vld.idx.msk [tilespmem:v10+s4+$0x0], $0xffff  }
0x60: {  	v12 =	vld.idx.msk [tilespmem:v11+s12+$0x0], $0xffff;
	_ =	sdelay $0x4  }
0x61: {  	v10 =	vadd.f32 v12, v10;
	_ =	sdelay $0x1  }
0x62: {  	v12 =	vmul.f32 $2.000000030e-01, v10  }
0x63: {  	vm14 =	vlt.f32 v10, $0.0e+00  }
0x64: {  	v10 =	vsel vm14, v12, v10  }
0x65: {  	v10 =	vmul.f32 $1.442695020e+00, v10;
	_ =	sdelay $0x1  }
0x66: {  	(erf) = vpow2.f32 v10;
	_ =	sdelay $0x3  }
0x67: {  	v10 =	vshll.u32 v11, $0x1  }
0x68: {  	v10 =	vand.u32 $0x7E, v10  }
0x69: {  	v60 =	vor.u32 v6, v10  }
0x6a: {  	v10 =	vor.u32 v7, v10;
	_ =	sdelay $0x1  }
0x6b: {  	v61 =	vpop (erf)  }
0x6c: {  	[tilespmem:s24+$0x7A20] =	vst v61  }
0x6d: {  	[tilespmem:v60+s15+$0x0] =	vst.idx.msk $0xffff, v61  }
0x6e: {  	[tilespmem:v10+s15+$0x0] =	vst.idx.msk $0xffff, v3;
	v10 =	vshrl.u32 v11, $0x6  }
0x6f: {  	[tilespmem:$0xAF20] =	vst v10  }
0x70: {  	v10 =	vld [tilespmem:s24+$0x5030]  }
0x71: {  	v11 =	vld [tilespmem:s24+$0x6530];
	_ =	sdelay $0x6  }
0x72: {  	v10 =	vld.idx.msk [tilespmem:v10+s4+$0x0], $0xffff  }
0x73: {  	v12 =	vld.idx.msk [tilespmem:v11+s12+$0x0], $0xffff;
	_ =	sdelay $0x4  }
0x74: {  	v10 =	vadd.f32 v12, v10;
	_ =	sdelay $0x1  }
0x75: {  	v12 =	vmul.f32 $2.000000030e-01, v10  }
0x76: {  	vm15 =	vlt.f32 v10, $0.0e+00  }
0x77: {  	v10 =	vsel vm15, v12, v10  }
0x78: {  	v10 =	vmul.f32 $1.442695020e+00, v10;
	_ =	sdelay $0x1  }
0x79: {  	(erf) = vpow2.f32 v10;
	_ =	sdelay $0x3  }
0x7a: {  	v10 =	vshll.u32 v11, $0x1  }
0x7b: {  	v10 =	vand.u32 $0x7E, v10  }
0x7c: {  	v62 =	vor.u32 v8, v10  }
0x7d: {  	v10 =	vor.u32 v9, v10;
	_ =	sdelay $0x1  }
0x7e: {  	v63 =	vpop (erf)  }
0x7f: {  	[tilespmem:s24+$0x7A30] =	vst v63  }
0x80: {  	[tilespmem:v62+s15+$0x0] =	vst.idx.msk $0xffff, v63  }
0x81: {  	[tilespmem:v10+s15+$0x0] =	vst.idx.msk $0xffff, v3;
	v10 =	vshrl.u32 v11, $0x6  }
0x82: {  	[tilespmem:$0xAF30] =	vst v10  }
0x83: {  	[spmem:s3] =	stream.indirect.scatter.add.f32 [tilespmem:s15], [sflag:$0x1], $0x80, s17, s16, $0xb8;
	[tilespmem:$0xB480] =	vst v63  }
0x84: {  	_ =	swait.ge [sflag:s11], $0x2000  }
0x85: {  	[sflag:s11] =	ssyncset.done $0x0  }
0x86: {  	[sflag:s11] =	ssyncadd.s32 $0xFFFFE000  }
0x87: {  	v10 =	vld [tilespmem:s24+$0x6500];
	_ =	sdelay $0x4  }
0x88: {  	v10 =	vshll.u32 v10, $0x1  }
0x89: {  	v10 =	vand.u32 $0x7E, v10  }
0x8a: {  	v11 =	vor.u32 v0, v10  }
0x8b: {  	v10 =	vor.u32 v2, v10;
	_ =	sdelay $0x3  }
0x8c: {  	[tilespmem:v11+s15+$0x0] =	vst.idx.msk $0xffff, v1  }
0x8d: {  	[tilespmem:v10+s15+$0x0] =	vst.idx.msk $0xffff, v1  }
0x8e: {  	v10 =	vld [tilespmem:s24+$0x6510];
	_ =	sdelay $0x4  }
0x8f: {  	v10 =	vshll.u32 v10, $0x1  }
0x90: {  	v10 =	vand.u32 $0x7E, v10  }
0x91: {  	v11 =	vor.u32 v4, v10  }
0x92: {  	v10 =	vor.u32 v5, v10;
	_ =	sdelay $0x3  }
0x93: {  	[tilespmem:v11+s15+$0x0] =	vst.idx.msk $0xffff, v1  }
0x94: {  	[tilespmem:v10+s15+$0x0] =	vst.idx.msk $0xffff, v1  }
0x95: {  	v10 =	vld [tilespmem:s24+$0x6520];
	_ =	sdelay $0x4  }
0x96: {  	v10 =	vshll.u32 v10, $0x1  }
0x97: {  	v10 =	vand.u32 $0x7E, v10  }
0x98: {  	v11 =	vor.u32 v6, v10  }
0x99: {  	v10 =	vor.u32 v7, v10;
	_ =	sdelay $0x3  }
0x9a: {  	[tilespmem:v11+s15+$0x0] =	vst.idx.msk $0xffff, v1  }
0x9b: {  	[tilespmem:v10+s15+$0x0] =	vst.idx.msk $0xffff, v1  }
0x9c: {  	v10 =	vld [tilespmem:s24+$0x6530];
	_ =	sdelay $0x4  }
0x9d: {  	v10 =	vshll.u32 v10, $0x1  }
0x9e: {  	v10 =	vand.u32 $0x7E, v10  }
0x9f: {  	v11 =	vor.u32 v8, v10  }
0xa0: {  	p1 =	sne.s32 s23, $0x5300;
	v10 =	vor.u32 v9, v10  }
.Ltmp1:
0xa1: {  	_ = 	snop;
	(pc) =	sbr.rel @p1 .LBB2_4-.Ltmp1, $3  }
0xa2: {  	_ =	sdelay $0x1  }
0xa3: {  	[tilespmem:v11+s15+$0x0] =	vst.idx.msk $0xffff, v1  }
0xa4: {  	s23 =	sadd.s32 $0x100, s23;
	[tilespmem:v10+s15+$0x0] =	vst.idx.msk $0xffff, v1  }
0xa5: {  	[hbm4b:s9+s4] =	stream.linear.scatter [tilespmem:s18], [sflag:$0x1], $0x1500, $0x38;
	[tilespmem:$0xB480] =	vst v63  }
0xa6: {  	_ =	swait.ge [sflag:s11], $0x1500  }
0xa7: {  	s22 =	sadd.s32 $0x1, s22;
	[sflag:s11] =	ssyncset.done $0x0  }
0xa8: {  	p1 =	sne.s32 s22, s10;
	[sflag:s11] =	ssyncadd.s32 $0xFFFFEB00  }
.Ltmp2:
0xa9: {  	s23 =	simm.s32 @!p0 $0x1;
	[bflag:$0x0] =	sbarrier.arrive $0xFFFF;
	(pc) =	sbr.rel @p1 .LBB2_1-.Ltmp2, $4  }
0xaa: {  	[hbm:s19], [sflag:s20] =	dma.local @!p0 [spmem:s21], $0x100  }
0xab: {  	_ =	swait.ge @!p0 [sflag:s23], $0x100  }
0xac: {  	[sflag:s23] =	ssyncset.done @!p0 $0x0  }
0xad: {  	[sflag:s23] =	ssyncadd.s32 @!p0 $0xFFFFFF00  }
0xae: {  	_ =	sfence.sel $0x180000  }
0xaf: {  	[bflag:$0x0] =	sbarrier.arrive $0xFFFF  }
0xb0: {  	p0 =	sne.s32 s0, $0x0;
	_ =	strace $0x90000050  }
0xb1: {  	s0 =	sadd.s32 @!p0 $0x100000, s2;
	[bflag:$0x2] =	sbarrier.arrive $0xFFFF  }
0xb2: {  	[sflag:s0] =	ssyncadd.tile.s32 @!p0 $0x1;
	_ =	shalt  }
.Lfunc_end2:
_tile_overlayer_lowered:
.L_overlay_start_2:
0xb3: {  	(tag) =	ssettag $0x2  }
0xb4: {  	s0 =	rddreg [dreg:$0x0];
	s2 =	stileid.u32  }
0xb5: {  	s1 =	rddreg [dreg:$0x1];
	p0 =	sne.s32 s2, $0x0  }
0xb6: {  	s3 =	rddreg [dreg:$0x2];
	[bflag:$0x3] =	sbarrier.arrive $0xFFFF;
	s2 =	simm.s32 @!p0 $0x1C01  }
0xb7: {  	[timem:s3], [sflag:s2] =	dma.local @!p0 [hbm:s0], s1  }
0xb8: {  	s0 =	simm.s32 @!p0 $0x1  }
0xb9: {  	_ =	swait.ge @!p0 [sflag:s0], s1  }
0xba: {  	s1 =	ssub.s32 @!p0 $0x0, s1;
	[sflag:s0] =	ssyncset.done @!p0 $0x0  }
0xbb: {  	[sflag:s0] =	ssyncadd.s32 @!p0 s1  }
0xbc: {  	[bflag:$0x3] =	sbarrier.arrive $0xFFFF  }
0xbd: {  	_ =	shalt  }

// kernel: kernel.23.cloned.1.call-start
scs
__scs_entry_jumppad:
0x0: {  	(pc) =	sbr.rel $0x88, $3  }
0x1: {  	(tag) =	ssettag $0x0;
	lr =	simm.s32 $0x1  }
0x2: {  	[smem:$0x3F93] =	sst lr;
	_ =	strace $0xD0000000  }
0x3: {  	_ = 	snop  }
0x4: {  	_ = 	snop  }
0x5: {  	_ = 	snop  }
0x6: {  	_ = 	snop  }
0x7: {  	_ = 	snop  }
__scs_overlays_trampoline_lowered:
0x8: {  	[smem:$0x3FA2] =	sst s0  }
0x9: {  	[smem:$0x3FA3] =	sst s1  }
0xa: {  	[smem:$0x3FA4] =	sst s2  }
0xb: {  	[smem:$0x3FA5] =	sst s3  }
0xc: {  	[smem:$0x3FA6] =	sst s4  }
0xd: {  	[smem:$0x3FA7] =	sst s5  }
0xe: {  	[smem:$0x3FA8] =	sst s6  }
0xf: {  	[smem:$0x3FA9] =	sst s7  }
0x10: {  	[smem:$0x3FAA] =	sst s8  }
0x11: {  	[smem:$0x3FAB] =	sst s9;
	s0 =	simm.s32 @!p0 $0x0  }
0x12: {  	s1 =	sld [smem:$0x3F91];
	s0 =	simm.s32 @p0 $0x1  }
0x13: {  	[smem:$0x3FAC] =	sst s0;
	s0 =	simm.s32 @!p1 $0x0  }
0x14: {  	s2 =	sld [smem:$0x3F90];
	s0 =	simm.s32 @p1 $0x1  }
0x15: {  	[smem:$0x3FAD] =	sst s0;
	s0 =	simm.s32 @!p2 $0x0  }
0x16: {  	s3 =	sld [smem:$0x3FDB];
	s0 =	simm.s32 @p2 $0x1  }
0x17: {  	s4 =	simm.s32 $0x1BF5;
	[smem:$0x3FAF] =	sst s0  }
0x18: {  	s0 =	sld [smem:$0x3F92];
	_ =	swait.ge [sflag:s4], $0x0  }
0x19: {  	s7 =	sld [smem:$0x3F93]  }
0x1a: {  	s8 =	sadd.s32 $0xFFFFE003, lr  }
0x1b: {  	s9 =	sadd.s32 $0xFFFFFEF7, lr;
	s5 =	simm.s32 $0xFFFFFFFF;
	p2 =	slt.u32 s8, $0xFFFFF086  }
0x1c: {  	p1 =	slt.u32 s9, $0xF7A;
	s5 =	simm.s32 @!p2 $0x0  }
0x1d: {  	s5 =	simm.s32 @p1 $0x1;
	p0 =	seq.s32 s7, s2  }
0x1e: {  	s7 =	smul.u32 @!p0 $0xF7A, s2;
	p2 =	seq.s32 @!p0 s5, $0x0  }
0x1f: {  	s9 =	smul.u32 $0xF7A, s1;
	s8 =	simm.s32 @!p0 $0x1BF5;
	p2 =	por !p2, p0  }
0x20: {  	[sflag:s8] =	ssyncset.s32 @!p0 $0xFFFFF086;
	s6 =	sadd.s32 @!p0 s3, s7;
	s7 =	simm.s32 @!p0 $0x108  }
0x21: {  	s3 =	sadd.s32 s3, s9;
	s6 =	sadd.s32 @!p0 $0x88, s6;
	s7 =	simm.s32 @p2 $0x1082  }
0x22: {  	[simem:s7], [sflag:s8] =	dma.local @!p0 [hbm:s6], $0xF7A  }
0x23: {  	s9 =	sor.u32 $0xD0000000, s2;
	s6 =	simm.s32 $0x108;
	_ =	swait.ge @!p0 [sflag:s8], $0x0  }
0x24: {  	s3 =	sadd.s32 $0x88, s3;
	s6 =	simm.s32 @!p1 $0x1082;
	[sflag:s4] =	ssyncset.s32 $0xFFFFF086  }
0x25: {  	[simem:s6], [sflag:s4] =	dma.local [hbm:s3], $0xF7A  }
0x26: {  	[smem:$0x3F93] =	sst s1;
	(tag) =	ssettag s2;
	_ =	strace s9  }
0x27: {  	s1 =	sld [smem:$0x3FA3]  }
0x28: {  	s2 =	sld [smem:$0x3FA4]  }
0x29: {  	s4 =	sld [smem:$0x3FA6]  }
0x2a: {  	p0 =	seq.s32 s5, $0x0;
	s5 =	sld [smem:$0x3FA7]  }
0x2b: {  	s6 =	sld [smem:$0x3FA8]  }
0x2c: {  	s7 =	sld [smem:$0x3FA9]  }
0x2d: {  	s3 =	simm.s32 $0x108;
	s8 =	sld [smem:$0x3FAA]  }
0x2e: {  	s3 =	simm.s32 @!p0 $0x1082;
	s9 =	sld [smem:$0x3FAB]  }
0x2f: {  	lr =	sadd.s32 s0, s3;
	s0 =	sld [smem:$0x3FA2]  }
0x30: {  	s3 =	sld [smem:$0x3FA5]  }
0x31: {  	[smem:$0x3FAE] =	sst s10  }
0x32: {  	s10 =	sld [smem:$0x3FAC];
	_ =	sdelay $0x3  }
0x33: {  	p0 =	seq.s32 s10, $0x1;
	s10 =	sld [smem:$0x3FAE];
	_ =	sdelay $0x3  }
0x34: {  	[smem:$0x3FAE] =	sst s10  }
0x35: {  	s10 =	sld [smem:$0x3FAD];
	_ =	sdelay $0x3  }
0x36: {  	p1 =	seq.s32 s10, $0x1;
	s10 =	sld [smem:$0x3FAE];
	_ =	sdelay $0x3  }
0x37: {  	[smem:$0x3FAE] =	sst s10  }
0x38: {  	s10 =	sld [smem:$0x3FAF]  }
0x39: {  	_ = 	snop;
	(pc) =	sbr.ind lr, $3  }
0x3a: {  	_ = 	snop  }
0x3b: {  	_ = 	snop  }
0x3c: {  	p2 =	seq.s32 s10, $0x1;
	s10 =	sld [smem:$0x3FAE]  }
0x3d: {  	_ =	shalt  }
0x3e: {  	_ =	shalt  }
0x3f: {  	_ =	shalt  }
0x40: {  	_ =	shalt  }
0x41: {  	_ =	shalt  }
0x42: {  	_ =	shalt  }
0x43: {  	_ =	shalt  }
0x44: {  	_ =	shalt  }
0x45: {  	_ =	shalt  }
0x46: {  	_ =	shalt  }
0x47: {  	_ =	shalt  }
0x48: {  	_ =	shalt  }
0x49: {  	_ =	shalt  }
0x4a: {  	_ =	shalt  }
0x4b: {  	_ =	shalt  }
0x4c: {  	_ =	shalt  }
0x4d: {  	_ =	shalt  }
0x4e: {  	_ =	shalt  }
0x4f: {  	_ =	shalt  }
0x50: {  	_ =	shalt  }
0x51: {  	_ =	shalt  }
0x52: {  	_ =	shalt  }
0x53: {  	_ =	shalt  }
0x54: {  	_ =	shalt  }
0x55: {  	_ =	shalt  }
0x56: {  	_ =	shalt  }
0x57: {  	_ =	shalt  }
0x58: {  	_ =	shalt  }
0x59: {  	_ =	shalt  }
0x5a: {  	_ =	shalt  }
0x5b: {  	_ =	shalt  }
0x5c: {  	_ =	shalt  }
0x5d: {  	_ =	shalt  }
0x5e: {  	_ =	shalt  }
0x5f: {  	_ =	shalt  }
0x60: {  	_ =	shalt  }
0x61: {  	_ =	shalt  }
0x62: {  	_ =	shalt  }
0x63: {  	_ =	shalt  }
0x64: {  	_ =	shalt  }
0x65: {  	_ =	shalt  }
0x66: {  	_ =	shalt  }
0x67: {  	_ =	shalt  }
0x68: {  	_ =	shalt  }
0x69: {  	_ =	shalt  }
0x6a: {  	_ =	shalt  }
0x6b: {  	_ =	shalt  }
0x6c: {  	_ =	shalt  }
0x6d: {  	_ =	shalt  }
0x6e: {  	_ =	shalt  }
0x6f: {  	_ =	shalt  }
0x70: {  	_ =	shalt  }
0x71: {  	_ =	shalt  }
0x72: {  	_ =	shalt  }
0x73: {  	_ =	shalt  }
0x74: {  	_ =	shalt  }
0x75: {  	_ =	shalt  }
0x76: {  	_ =	shalt  }
0x77: {  	_ =	shalt  }
0x78: {  	_ =	shalt  }
0x79: {  	_ =	shalt  }
0x7a: {  	_ =	shalt  }
0x7b: {  	_ =	shalt  }
0x7c: {  	_ =	shalt  }
0x7d: {  	_ =	shalt  }
0x7e: {  	_ =	shalt  }
0x7f: {  	_ =	shalt  }
0x80: {  	_ =	shalt  }
0x81: {  	_ =	shalt  }
0x82: {  	_ =	shalt  }
0x83: {  	_ =	shalt  }
0x84: {  	_ =	shalt  }
0x85: {  	_ =	shalt  }
0x86: {  	_ =	shalt  }
0x87: {  	_ =	shalt  }
.Lfunc_end0:
.L_simem_size_0:
called_computation.4_lowered:
.L_overlay_start_0:
0x88: {  	s2 =	sld [smem:$0x3FD9]  }
0x89: {  	s3 =	sld [smem:$0x3FFE];
	_ =	sdelay $0x1  }
0x8a: {  	s1 =	srdreg.scid  }
0x8b: {  	s0 =	sand.u32 $0x1, s1  }
0x8c: {  	s17 =	sshll.u32 s0, $0xA;
	s2 =	sadd.s32 s3, s2  }
0x8d: {  	s2 =	sadd.s32 s2, s17  }
0x8e: {  	[smem:$0x3FBA] =	sst s2  }
0x8f: {  	_ = 	snop  }
0x90: {  	s2 =	sld [smem:$0x3FD0];
	(tm) =	ssettm $0x1  }
0x91: {  	s18 =	sld [smem:$0x3FFB];
	_ =	sdelay $0x3  }
0x92: {  	_ =	strace s18  }
0x93: {  	s3 =	sld [smem:$0x3FFC];
	_ =	sdelay $0x3  }
0x94: {  	_ =	strace s3  }
0x95: {  	s3 =	sld [smem:$0x3FFD];
	_ =	sdelay $0x3  }
0x96: {  	_ =	strace s3  }
0x97: {  	_ =	strace $0x8FFFFFFF  }
0x98: {  	s19 =	sld [smem:$0x3FDB];
	_ =	sdelay $0x1  }
0x99: {  	s4 =	simm.s32 $_scs_section_size  }
0x9a: {  	s5 =	simm.s32 $_size__tile_overlayer_lowered;
	s6 =	simm.s32 $_tile_overlayer_lowered  }
0x9b: {  	s22 =	simm.s32 $0x1BFF;
	s21 =	sshll.u32 s6, $0x1;
	s3 =	sadd.s32 s4, s19  }
0x9c: {  	s7 =	simm.s32 $0x0;
	s20 =	sshll.u32 s5, $0x1;
	s5 =	sadd.s32 s21, s3  }
0x9d: {  	[timem:s7], [sflag:s22] =	dma.local [hbm:s5], s20  }
0x9e: {  	_ =	swait.ge [sflag:s22], s20  }
0x9f: {  	s4 =	ssub.s32 $0x0, s20;
	[sflag:s22] =	ssyncset.done $0x0  }
0xa0: {  	[sflag:s22] =	ssyncadd.s32 s4;
	_ =	sdelay $0x1  }
0xa1: {  	s23 =	simm.s32 $0x1B8B  }
0xa2: {  	_ =	swait.ge [sflag:s23], $0x1  }
0xa3: {  	[sflag:s23] =	ssyncset.done $0x0  }
0xa4: {  	s25 =	simm.s32 $0x1B8E;
	s24 =	sld [smem:$0x3FFE];
	[sflag:s23] =	ssyncadd.s32 $0xFFFFFFFF  }
0xa5: {  	s26 =	simm.s32 $execute0_lowered;
	[smem:$0x3FD2] =	sst s25  }
0xa6: {  	s5 =	sshll.u32 s26, $0x1;
	_ =	strace $0x80000052;
	[dreg:$0x1] =	wrdreg $0xFFFFFFFF  }
0xa7: {  	s28 =	simm.s32 $_size_execute0_lowered;
	s3 =	sadd.s32 s3, s5;
	[dreg:$0x0] =	wrdreg $0x0  }
0xa8: {  	s5 =	sshll.u32 s28, $0x1;
	[dreg:$0x2] =	wrdreg s3  }
0xa9: {  	[dreg:$0x3] =	wrdreg s5  }
0xaa: {  	[dreg:$0x4] =	wrdreg $0xC0  }
0xab: {  	_ =	task [dreg:s7], $0x5FFFF  }
0xac: {  	[dreg:$0x1] =	wrdreg $0xFFFFFFFF  }
0xad: {  	[dreg:$0x0] =	wrdreg $0x60  }
0xae: {  	[dreg:$0x2] =	wrdreg s24  }
0xaf: {  	[dreg:$0x3] =	wrdreg s2  }
0xb0: {  	[dreg:$0x4] =	wrdreg $0x21800  }
0xb1: {  	[dreg:$0x5] =	wrdreg $0x9  }
0xb2: {  	_ =	task.clear_ibuf [dreg:s7], $0x6FFFF;
	_ =	strace $0x90000052  }
0xb3: {  	s29 =	simm.s32 $0x9;
	_ =	strace $0x80000054  }
0xb4: {  	_ =	swait.ge [sflag:s29], $0x1  }
0xb5: {  	[sflag:s29] =	ssyncadd.s32 $0xFFFFFFFF  }
0xb6: {  	_ =	strace $0x90000054  }
0xb7: {  	_ =	sfence  }
0xb8: {  	s30 =	sld [smem:$0x0];
	_ =	sdelay $0x2  }
0xb9: {  	s31 =	sshll.u32 s1, $0xD;
	s1 =	sshrl.u32 s1, $0x2  }
0xba: {  	s3 =	sand.u32 $0x4000, s31;
	s1 =	sadd.s32 s1, s30  }
0xbb: {  	s0 =	sor.u32 s3, s0;
	s1 =	sshll.u32 s1, $0x11  }
0xbc: {  	s0 =	sor.u32 s1, s0  }
0xbd: {  	s0 =	sadd.s32 $0x8F2B, s0  }
0xbe: {  	[sflag:s0] =	ssyncadd.remote.s32 $0x1  }
0xbf: {  	_ =	sfence.sel $0xFFFF  }
0xc0: {  	[dreg:$0x0] =	wrdreg $0xFFFFFFFF;
	(pc) =	sbr.abs _section_cstart, $3  }
0xc1: {  	[dreg:$0x1] =	wrdreg $0xFFFFFFFF  }
0xc2: {  	_ =	task.clear_ibuf [dreg:s7], $0x2FFFF;
	_ =	strace $0x9FFFFFFF  }
0xc3: {  	(tm) =	ssettm $0x7FFFFFFF  }
tec
execute0_lowered:
.L_overlay_start_1:
0x0: {  	(tag) =	ssettag $0x1  }
0x1: {  	s5 =	rddreg [dreg:$0x0]  }
0x2: {  	s8 =	rddreg [dreg:$0x1]  }
0x3: {  	s2 =	rddreg [dreg:$0x2];
	s1 =	stileid.u32  }
0x4: {  	s4 =	srdreg.scid;
	s3 =	simm.s32 $0x0;
	s19 =	simm.s32 $0x180  }
0x5: {  	s20 =	simm.s32 $0x2;
	s21 =	simm.s32 $0x80;
	s9 =	smul.u32 $0xA80, s1  }
0x6: {  	s22 =	simm.s32 $0x100;
	s6 =	sand.u32 $0x1, s4;
	s11 =	smul.u32 $0x50000, s1  }
0x7: {  	[smem:$0x7FF] =	sst s3;
	s4 =	sadd.s32 $0x2600, s5;
	s25 =	smul.u32 $0x2800, s1  }
0x8: {  	s7 =	smul.u32 $0x28000, s6;
	_ =	strace $0x80000053;
	s10 =	ssub.s32 $0x2, s6  }
0x9: {  	s23 =	smul.u32 $0x2800, s6;
	s12 =	sadd.s32 s9, s5;
	s13 =	sshrl.u32 s10, $0x1  }
0xa: {  	s31 =	sshrl.u32 s11, $0x2;
	s8 =	sadd.s32 s8, s9;
	s14 =	sadd.s32 s7, s5  }
0xb: {  	s10 =	ssub.s32 s10, s13;
	s5 =	sadd.s32 s31, s2;
	s6 =	sadd.s32 $0x63C00, s12  }
0xc: {  	s7 =	sadd.s32 $0x6E400, s12;
	v0 =	vmov s23;
	s23 =	simm.s32 $0x40;
	s24 =	sadd.s32 $0x78C00, s14  }
0xd: {  	s9 =	smax.u32 s10, $0x1;
	s10 =	sadd.s32 $0x2000, s5;
	s11 =	sadd.s32 $0x4000, s5  }
0xe: {  	s12 =	sadd.s32 $0x6000, s5;
	s13 =	sadd.s32 $0x8000, s5;
	s14 =	sadd.s32 $0xA000, s5  }
0xf: {  	s15 =	sadd.s32 $0xC000, s5;
	s16 =	sadd.s32 $0xE000, s5;
	s17 =	sadd.s32 $0x10000, s5  }
0x10: {  	v1 =	vimm.f32 $0.0e+00;
	s18 =	sadd.s32 $0x12000, s5;
	s24 =	sadd.s32 s25, s24;
	s25 =	simm.s32 $0x1  }
.LBB2_1:
0x11: {  	s26 =	simm.s32 $0x0;
	s28 =	simm.s32 $0x200  }
.LBB2_2:
0x12: {  	p0 =	sne.s32 s28, $0x7E00;
	[tilespmem:s26+$0x1F0] =	vst v1  }
0x13: {  	[tilespmem:s26+$0x180] =	vst v1  }
0x14: {  	[tilespmem:s26+$0x190] =	vst v1  }
.Ltmp0:
0x15: {  	[tilespmem:s26+$0x1A0] =	vst v1;
	(pc) =	sbr.rel @p0 .LBB2_2-.Ltmp0, $4  }
0x16: {  	[tilespmem:s26+$0x1B0] =	vst v1  }
0x17: {  	[tilespmem:s26+$0x1C0] =	vst v1  }
0x18: {  	[tilespmem:s26+$0x1D0] =	vst v1  }
0x19: {  	[tilespmem:s26+$0x1E0] =	vst v1;
	s26 =	sshra.s32 s28, $0x2;
	s28 =	sadd.s32 $0x200, s28  }
0x1a: {  	[tilespmem:s26+$0x1F0] =	vst v1  }
0x1b: {  	[tilespmem:s26+$0x180] =	vst v1  }
0x1c: {  	[tilespmem:s26+$0x190] =	vst v1  }
0x1d: {  	[tilespmem:s26+$0x1A0] =	vst v1  }
0x1e: {  	[tilespmem:s26+$0x1B0] =	vst v1  }
0x1f: {  	[tilespmem:s26+$0x1C0] =	vst v1  }
0x20: {  	[tilespmem:s26+$0x1D0] =	vst v1  }
0x21: {  	[tilespmem:s26+$0x1E0] =	vst v1  }
0x22: {  	[spmem:s5] =	stream.linear.scatter [tilespmem:s19], [sflag:$0x2], $0x2000, $0x38;
	[tilespmem:$0x16180] =	vst v63  }
0x23: {  	_ =	swait.ge [sflag:s20], $0x2000  }
0x24: {  	[sflag:s20] =	ssyncset.done $0x0  }
0x25: {  	[sflag:s20] =	ssyncadd.s32 $0xFFFFE000  }
0x26: {  	[spmem:s10] =	stream.linear.scatter [tilespmem:s19], [sflag:$0x2], $0x2000, $0x38;
	[tilespmem:$0x16180] =	vst v63  }
0x27: {  	_ =	swait.ge [sflag:s20], $0x2000  }
0x28: {  	[sflag:s20] =	ssyncset.done $0x0  }
0x29: {  	[sflag:s20] =	ssyncadd.s32 $0xFFFFE000  }
0x2a: {  	[spmem:s11] =	stream.linear.scatter [tilespmem:s19], [sflag:$0x2], $0x2000, $0x38;
	[tilespmem:$0x16180] =	vst v63  }
0x2b: {  	_ =	swait.ge [sflag:s20], $0x2000  }
0x2c: {  	[sflag:s20] =	ssyncset.done $0x0  }
0x2d: {  	[sflag:s20] =	ssyncadd.s32 $0xFFFFE000  }
0x2e: {  	[spmem:s12] =	stream.linear.scatter [tilespmem:s19], [sflag:$0x2], $0x2000, $0x38;
	[tilespmem:$0x16180] =	vst v63  }
0x2f: {  	_ =	swait.ge [sflag:s20], $0x2000  }
0x30: {  	[sflag:s20] =	ssyncset.done $0x0  }
0x31: {  	[sflag:s20] =	ssyncadd.s32 $0xFFFFE000  }
0x32: {  	[spmem:s13] =	stream.linear.scatter [tilespmem:s19], [sflag:$0x2], $0x2000, $0x38;
	[tilespmem:$0x16180] =	vst v63  }
0x33: {  	_ =	swait.ge [sflag:s20], $0x2000  }
0x34: {  	[sflag:s20] =	ssyncset.done $0x0  }
0x35: {  	[sflag:s20] =	ssyncadd.s32 $0xFFFFE000  }
0x36: {  	[spmem:s14] =	stream.linear.scatter [tilespmem:s19], [sflag:$0x2], $0x2000, $0x38;
	[tilespmem:$0x16180] =	vst v63  }
0x37: {  	_ =	swait.ge [sflag:s20], $0x2000  }
0x38: {  	[sflag:s20] =	ssyncset.done $0x0  }
0x39: {  	[sflag:s20] =	ssyncadd.s32 $0xFFFFE000  }
0x3a: {  	[spmem:s15] =	stream.linear.scatter [tilespmem:s19], [sflag:$0x2], $0x2000, $0x38;
	[tilespmem:$0x16180] =	vst v63  }
0x3b: {  	_ =	swait.ge [sflag:s20], $0x2000  }
0x3c: {  	[sflag:s20] =	ssyncset.done $0x0  }
0x3d: {  	[sflag:s20] =	ssyncadd.s32 $0xFFFFE000  }
0x3e: {  	[spmem:s16] =	stream.linear.scatter [tilespmem:s19], [sflag:$0x2], $0x2000, $0x38;
	[tilespmem:$0x16180] =	vst v63  }
0x3f: {  	_ =	swait.ge [sflag:s20], $0x2000  }
0x40: {  	[sflag:s20] =	ssyncset.done $0x0  }
0x41: {  	[sflag:s20] =	ssyncadd.s32 $0xFFFFE000  }
0x42: {  	[spmem:s17] =	stream.linear.scatter [tilespmem:s19], [sflag:$0x2], $0x2000, $0x38;
	[tilespmem:$0x16180] =	vst v63  }
0x43: {  	_ =	swait.ge [sflag:s20], $0x2000  }
0x44: {  	[sflag:s20] =	ssyncset.done $0x0  }
0x45: {  	[sflag:s20] =	ssyncadd.s32 $0xFFFFE000  }
0x46: {  	[spmem:s18] =	stream.linear.scatter [tilespmem:s19], [sflag:$0x2], $0x2000, $0x38;
	[tilespmem:$0x16180] =	vst v63  }
0x47: {  	_ =	swait.ge [sflag:s20], $0x2000  }
0x48: {  	[sflag:s20] =	ssyncset.done $0x0  }
0x49: {  	[sflag:s20] =	ssyncadd.s32 $0xFFFFE000  }
0x4a: {  	s26 =	simm.s32 $0x0;
	s28 =	simm.s32 $0x0;
	[bflag:$0x0] =	sbarrier.arrive $0xFFFF  }
.LBB2_4:
0x4b: {  	s29 =	sshll.u32 s28, $0x4  }
0x4c: {  	s30 =	sadd.s32 s29, s6  }
0x4d: {  	[tilespmem:s26], [sflag:$0x2] =	stream.linear.gather [hbm4b:s30+s26], $0x80, $0x38;
	[tilespmem:$0x16180] =	vst v63  }
0x4e: {  	_ =	swait.ge [sflag:s20], $0x80  }
0x4f: {  	[sflag:s20] =	ssyncset.done $0x0  }
0x50: {  	s30 =	sadd.s32 s29, s7;
	[sflag:s20] =	ssyncadd.s32 $0xFFFFFF80  }
0x51: {  	[tilespmem:s21], [sflag:$0x2] =	stream.linear.gather [hbm4b:s30+s26], $0x80, $0x38;
	[tilespmem:$0x16180] =	vst v63  }
0x52: {  	_ =	swait.ge [sflag:s20], $0x80  }
0x53: {  	[sflag:s20] =	ssyncset.done $0x0  }
0x54: {  	s29 =	sadd.s32 s29, s8;
	[sflag:s20] =	ssyncadd.s32 $0xFFFFFF80  }
0x55: {  	[tilespmem:s22], [sflag:$0x2] =	stream.linear.gather [hbm4b:s29+s26], $0x80, $0x38;
	[tilespmem:$0x16180] =	vst v63  }
0x56: {  	_ =	swait.ge [sflag:s20], $0x80  }
0x57: {  	[sflag:s20] =	ssyncset.done $0x0  }
0x58: {  	[sflag:s20] =	ssyncadd.s32 $0xFFFFFF80  }
0x59: {  	v2 =	vld [tilespmem:$0x0]  }
0x5a: {  	v3 =	vld [tilespmem:$0x10]  }
0x5b: {  	v4 =	vld [tilespmem:$0x20]  }
0x5c: {  	v5 =	vld [tilespmem:$0x30];
	_ =	sdelay $0x1  }
0x5d: {  	v2 =	vadd.s32 v0, v2  }
0x5e: {  	[tilespmem:$0x0] =	vst v2;
	v2 =	vadd.s32 v0, v3  }
0x5f: {  	[tilespmem:$0x10] =	vst v2;
	v2 =	vadd.s32 v0, v4  }
0x60: {  	[tilespmem:$0x20] =	vst v2;
	v2 =	vadd.s32 v0, v5  }
0x61: {  	[tilespmem:$0x30] =	vst v2  }
0x62: {  	[tilespmem:s19], [sflag:$0x1] =	stream.indirect.gather [hbm4b:s4+s23], $0x80, s26, s23, $0xb8;
	[tilespmem:$0x16180] =	vst v63  }
0x63: {  	_ =	swait.ge [sflag:s25], $0x2000  }
0x64: {  	v2 =	vmov s26;
	[sflag:s25] =	ssyncset.done $0x0  }
0x65: {  	s29 =	simm.s32 $0x1C0;
	[sflag:s25] =	ssyncadd.s32 $0xFFFFE000  }
0x66: {  	v6 =	vld [tilespmem:s29+$0x30]  }
0x67: {  	v9 =	vld [tilespmem:s29+$0x10]  }
0x68: {  	v7 =	vld [tilespmem:s29+$0xFFFFFFC0]  }
0x69: {  	v3 =	vld.idx.msk [tilespmem:v2+s22+$0x0], $0xffff  }
0x6a: {  	v11 =	vld [tilespmem:s29+$0xFFFFFFE0]  }
0x6b: {  	v2 =	vld [tilespmem:s29+$0xFFFFFFF0]  }
0x6c: {  	v4 =	vld [tilespmem:s29+$0x20]  }
0x6d: {  	v5 =	vld [tilespmem:s29+$0xFFFFFFD0]  }
0x6e: {  	v10 =	vmul.f32 v6, v3;
	v6 =	vld [tilespmem:s29+$0x0]  }
0x6f: {  	v8 =	vmul.f32 v7, v3  }
0x70: {  	s31 =	simm.s32 $0x1C0;
	s30 =	simm.s32 $0x1;
	v7 =	vmul.f32 v11, v3;
	v9 =	vmul.f32 v9, v3  }
.LBB2_5:
0x71: {  	p0 =	sne.s32 s30, $0x3F  }
0x72: {  	v5 =	vmul.f32 v5, v3;
	v4 =	vmul.f32 v4, v3;
	[tilespmem:s29+$0x30] =	vst v10;
	s31 =	sadd.s32 $0x80, s31;
	s0 =	smov.u32 s30;
	s30 =	sadd.s32 $0x1, s30  }
0x73: {  	[tilespmem:s29+$0xFFFFFFC0] =	vst v8;
	v8 =	vmul.f32 v2, v3;
	v3 =	vmul.f32 v6, v3  }
0x74: {  	[tilespmem:s29+$0x10] =	vst v9  }
0x75: {  	v6 =	vmov s0;
	[tilespmem:s29+$0xFFFFFFE0] =	vst v7  }
0x76: {  	v2 =	vld [tilespmem:s31+$0xFFFFFFF0];
	[tilespmem:s29+$0xFFFFFFF0] =	vst v8  }
0x77: {  	v7 =	vld [tilespmem:s31+$0x30];
	[tilespmem:s29+$0x0] =	vst v3  }
0x78: {  	v9 =	vld [tilespmem:s31+$0x10];
	[tilespmem:s29+$0x20] =	vst v4  }
0x79: {  	v8 =	vld [tilespmem:s31+$0xFFFFFFC0];
	[tilespmem:s29+$0xFFFFFFD0] =	vst v5;
	s29 =	smov.u32 s31  }
0x7a: {  	v3 =	vld.idx.msk [tilespmem:v6+s22+$0x0], $0xffff  }
0x7b: {  	v11 =	vld [tilespmem:s31+$0xFFFFFFE0]  }
0x7c: {  	v4 =	vld [tilespmem:s31+$0x20]  }
.Ltmp1:
0x7d: {  	v5 =	vld [tilespmem:s31+$0xFFFFFFD0];
	(pc) =	sbr.rel @p0 .LBB2_5-.Ltmp1, $3  }
0x7e: {  	v6 =	vld [tilespmem:s31+$0x0];
	_ =	sdelay $0x1  }
0x7f: {  	v8 =	vmul.f32 v8, v3;
	v10 =	vmul.f32 v7, v3  }
0x80: {  	v9 =	vmul.f32 v9, v3;
	v7 =	vmul.f32 v11, v3  }
0x81: {  	[tilespmem:s29+$0x30] =	vst v10  }
0x82: {  	[tilespmem:s29+$0xFFFFFFC0] =	vst v8  }
0x83: {  	v2 =	vmul.f32 v2, v3;
	[tilespmem:s29+$0x10] =	vst v9  }
0x84: {  	v4 =	vmul.f32 v4, v3;
	[tilespmem:s29+$0xFFFFFFE0] =	vst v7  }
0x85: {  	v6 =	vmul.f32 v6, v3;
	[tilespmem:s29+$0xFFFFFFF0] =	vst v2  }
0x86: {  	s28 =	sadd.s32 $0x1, s28;
	v2 =	vmul.f32 v5, v3;
	[tilespmem:s29+$0x20] =	vst v4  }
0x87: {  	p0 =	sne.s32 s28, $0xA8;
	[tilespmem:s29+$0x0] =	vst v6  }
.Ltmp2:
0x88: {  	[tilespmem:s29+$0xFFFFFFD0] =	vst v2;
	(pc) =	sbr.rel @p0 .LBB2_4-.Ltmp2, $4  }
0x89: {  	[spmem:s2] =	stream.indirect.scatter.add.f32 [tilespmem:s19], [sflag:$0x2], $0x80, s21, s23, $0xb8;
	[tilespmem:$0x16180] =	vst v63  }
0x8a: {  	_ =	swait.ge [sflag:s20], $0x2000  }
0x8b: {  	[sflag:s20] =	ssyncset.done $0x0  }
0x8c: {  	[sflag:s20] =	ssyncadd.s32 $0xFFFFE000  }
0x8d: {  	s3 =	sadd.s32 $0x1, s3  }
0x8e: {  	s0 =	sshll.u32 s1, $0x6;
	[bflag:$0x0] =	sbarrier.arrive $0xFFFF;
	p0 =	sne.s32 s3, s9  }
.Ltmp3:
0x8f: {  	s26 =	sshrl.u32 s5, $0x3;
	s0 =	sor.u32 $0x1C02, s0;
	(pc) =	sbr.rel @p0 .LBB2_1-.Ltmp3, $4  }
0x90: {  	[hbm:s24], [sflag:s0] =	dma.local [spmem:s26], $0x2800  }
0x91: {  	_ =	swait.ge [sflag:s20], $0x2800  }
0x92: {  	[sflag:s20] =	ssyncset.done $0x0  }
0x93: {  	[sflag:s20] =	ssyncadd.s32 $0xFFFFD800  }
0x94: {  	_ =	sfence.sel $0x180000  }
0x95: {  	[bflag:$0x0] =	sbarrier.arrive $0xFFFF  }
0x96: {  	_ =	strace $0x90000053  }
0x97: {  	[bflag:$0x2] =	sbarrier.arrive $0xFFFF  }
0x98: {  	p0 =	sne.s32 s1, $0x0;
	s0 =	rddreg [dreg:$0x3]  }
0x99: {  	s0 =	sadd.s32 @!p0 $0x100000, s0  }
0x9a: {  	[sflag:s0] =	ssyncadd.tile.s32 @!p0 $0x1;
	_ =	shalt  }
.Lfunc_end2:
_tile_overlayer_lowered:
.L_overlay_start_2:
0x9b: {  	(tag) =	ssettag $0x2  }
0x9c: {  	s0 =	rddreg [dreg:$0x0];
	s2 =	stileid.u32  }
0x9d: {  	s1 =	rddreg [dreg:$0x1];
	p0 =	sne.s32 s2, $0x0  }
0x9e: {  	s3 =	rddreg [dreg:$0x2];
	[bflag:$0x3] =	sbarrier.arrive $0xFFFF;
	s2 =	simm.s32 @!p0 $0x1C02  }
0x9f: {  	[timem:s3], [sflag:s2] =	dma.local @!p0 [hbm:s0], s1  }
0xa0: {  	s0 =	simm.s32 @!p0 $0x2  }
0xa1: {  	_ =	swait.ge @!p0 [sflag:s0], s1  }
0xa2: {  	s1 =	ssub.s32 @!p0 $0x0, s1;
	[sflag:s0] =	ssyncset.done @!p0 $0x0  }
0xa3: {  	[sflag:s0] =	ssyncadd.s32 @!p0 s1  }
0xa4: {  	[bflag:$0x3] =	sbarrier.arrive $0xFFFF  }
0xa5: {  	_ =	shalt  }

</sc_bundles>
